<compile_context>
chip_gen: v7x
topology: tpu7x:2x2x1
jax: 0.10.2.dev20260603
libtpu: 0.0.44.dev20260713+nightly
codegen_flags: <defaults>
</compile_context>

<pallas_src>
import functools

import jax
import jax.numpy as jnp
import numpy as np
from jax import lax
from jax.experimental import pallas as pl
from jax.experimental.pallas import tpu as pltpu
from jax.experimental.pallas import tpu_sc as plsc

N = 10000
E = 320000
D = 128

NC = 2
NS = 16
NW = NC * NS
C = 128
NCHUNK = 80
EPW = NCHUNK * C
E_PAD = NW * EPW
NPAD = N + 128
IB = 16
NGRP = NCHUNK // IB
SLAB = 624
TAIL = N - SLAB * (NS - 1)


def _slab_copy(sid, mk_src, mk_dst):
    @pl.when(sid != NS - 1)
    def _():
        base = pl.multiple_of(sid * SLAB, 8)
        pltpu.sync_copy(mk_src(base, SLAB), mk_dst(base, SLAB))

    @pl.when(sid == NS - 1)
    def _():
        base = SLAB * (NS - 1)
        pltpu.sync_copy(mk_src(base, TAIL), mk_dst(base, TAIL))


def _sc_body(h_hbm, edges_hbm, acc_out, src_v, dst_v, rows0_v,
             rows1_v, sem0, sem1, ssem0, ssem1, acc_sp):
    cid = lax.axis_index("c")
    sid = lax.axis_index("s")
    wid = cid * NS + sid
    rows = (rows0_v, rows1_v)
    sems = (sem0, sem1)
    ssems = (ssem0, ssem1)

    _slab_copy(sid, lambda o, s: h_hbm.at[pl.ds(o, s)],
               lambda o, s: acc_sp.at[pl.ds(o, s)])
    plsc.subcore_barrier()

    idx_base = pl.multiple_of(wid * NCHUNK, 8)

    def group(g, carry):
        gb = pl.multiple_of(idx_base + g * IB, 8)
        pltpu.sync_copy(edges_hbm.at[0, pl.ds(gb, IB)], src_v)
        pltpu.sync_copy(edges_hbm.at[1, pl.ds(gb, IB)], dst_v)
        pend_g = pltpu.async_copy(h_hbm.at[src_v.at[0]], rows[0], sems[0])
        pend_s = [None, None]
        for j in range(IB):
            b = j % 2
            if pend_s[1 - b] is not None:
                pend_s[1 - b].wait()
            if j + 1 < IB:
                nxt = pltpu.async_copy(h_hbm.at[src_v.at[j + 1]],
                                       rows[1 - b], sems[1 - b])
            pend_g.wait()
            pend_s[b] = pltpu.async_copy(rows[b], acc_sp.at[dst_v.at[j]],
                                         ssems[b], add=True)
            if j + 1 < IB:
                pend_g = nxt
        pend_s[(IB - 1) % 2].wait()
        return carry

    lax.fori_loop(0, NGRP, group, 0)
    plsc.subcore_barrier()

    _slab_copy(sid, lambda o, s: acc_sp.at[pl.ds(o, s)],
               lambda o, s: acc_out.at[cid, pl.ds(o, s)])


def _deg_body(edges_hbm, cnt_out, dst_v, ones_v, zb_v, deg_sp):
    cid = lax.axis_index("c")
    sid = lax.axis_index("s")
    wid = cid * NS + sid

    one = jnp.ones((16,), jnp.float32)
    zero = jnp.zeros((16,), jnp.float32)

    def fill(j, carry):
        for k in range(8):
            ones_v[j, pl.ds(k * 16, 16)] = one
            zb_v[j, pl.ds(k * 16, 16)] = zero
        return carry

    lax.fori_loop(0, C, fill, 0)

    @pl.when(sid != NS - 1)
    def _():
        base = pl.multiple_of(sid * SLAB, 8)
        for p in range(4):
            pltpu.sync_copy(zb_v, deg_sp.at[pl.ds(base + p * C, C)])
        pltpu.sync_copy(zb_v.at[pl.ds(0, SLAB - 4 * C)],
                        deg_sp.at[pl.ds(base + 4 * C, SLAB - 4 * C)])

    @pl.when(sid == NS - 1)
    def _():
        base = SLAB * (NS - 1)
        for p in range(5):
            pltpu.sync_copy(zb_v, deg_sp.at[pl.ds(base + p * C, C)])
    plsc.subcore_barrier()

    idx_base = pl.multiple_of(wid * NCHUNK, 8)

    def group(g, carry):
        gb = pl.multiple_of(idx_base + g * IB, 8)
        pltpu.sync_copy(edges_hbm.at[1, pl.ds(gb, IB)], dst_v)
        for j in range(IB):
            pltpu.sync_copy(ones_v, deg_sp.at[dst_v.at[j]], add=True)
        return carry

    lax.fori_loop(0, NGRP, group, 0)
    plsc.subcore_barrier()

    _slab_copy(sid, lambda o, s: deg_sp.at[pl.ds(o, s)],
               lambda o, s: cnt_out.at[cid, pl.ds(o, s)])


@functools.lru_cache(maxsize=None)
def _build_sc():
    mesh = plsc.VectorSubcoreMesh(core_axis_name="c", subcore_axis_name="s",
                                  num_cores=NC, num_subcores=NS)
    return pl.kernel(
        _sc_body,
        out_type=jax.ShapeDtypeStruct((NC, N, D), jnp.float32),
        mesh=mesh,
        scratch_types=[
            pltpu.VMEM((IB, C), jnp.int32),
            pltpu.VMEM((IB, C), jnp.int32),
            pltpu.VMEM((C, D), jnp.float32),
            pltpu.VMEM((C, D), jnp.float32),
            pltpu.SemaphoreType.DMA,
            pltpu.SemaphoreType.DMA,
            pltpu.SemaphoreType.DMA,
            pltpu.SemaphoreType.DMA,
            pltpu.VMEM_SHARED((NPAD, D), jnp.float32),
        ])


@functools.lru_cache(maxsize=None)
def _build_deg():
    mesh = plsc.VectorSubcoreMesh(core_axis_name="c", subcore_axis_name="s",
                                  num_cores=NC, num_subcores=NS)
    return pl.kernel(
        _deg_body,
        out_type=jax.ShapeDtypeStruct((NC, N, D), jnp.float32),
        mesh=mesh,
        scratch_types=[
            pltpu.VMEM((IB, C), jnp.int32),
            pltpu.VMEM((C, D), jnp.float32),
            pltpu.VMEM((C, D), jnp.float32),
            pltpu.VMEM_SHARED((NPAD, D), jnp.float32),
        ])


def _tc_body(h_ref, a_ref, c_ref, ws_ref, wn_ref,
             b_ref, g_ref, bb_ref, o_ref):
    h = h_ref[...]
    s = a_ref[0] + a_ref[1] - h
    deg = c_ref[0] + c_ref[1] + 1.0
    mean = s / deg
    z = (jnp.dot(h, ws_ref[...], preferred_element_type=jnp.float32)
         + jnp.dot(mean, wn_ref[...], preferred_element_type=jnp.float32)
         + b_ref[...])
    mu = jnp.mean(z, axis=1, keepdims=True)
    d = z - mu
    var = jnp.mean(d * d, axis=1, keepdims=True)
    y = d * lax.rsqrt(var + 1e-5) * g_ref[...] + bb_ref[...]
    o_ref[...] = jnp.where(y > 0, y, jnp.exp(y) - 1.0)


BLK = 2000


def _tc_layer(h, acc, cnt, ws, wn, b, g, bb):
    grid = (N // BLK,)
    row_spec = pl.BlockSpec((BLK, D), lambda i: (i, 0))
    pair_spec = pl.BlockSpec((NC, BLK, D), lambda i: (0, i, 0))
    w_spec = pl.BlockSpec((D, D), lambda i: (0, 0))
    v_spec = pl.BlockSpec((1, D), lambda i: (0, 0))
    return pl.pallas_call(
        _tc_body,
        grid=grid,
        in_specs=[row_spec, pair_spec, pair_spec,
                  w_spec, w_spec, v_spec, v_spec, v_spec],
        out_specs=row_spec,
        out_shape=jax.ShapeDtypeStruct((N, D), jnp.float32),
    )(h, acc, cnt, ws, wn, b.reshape(1, D), g.reshape(1, D),
      bb.reshape(1, D))


def kernel(features, edge_index, W_self1, W_neigh1, b1, ln_g1, ln_b1,
           W_self2, W_neigh2, b2, ln_g2, ln_b2):
    pad = E_PAD - E
    ar = np.arange(pad, dtype=np.int32)
    pads = jnp.asarray(np.stack([ar % N, N + (ar % (NPAD - N))]))
    edges = jnp.concatenate([edge_index, pads], axis=1).reshape(
        2, NW * NCHUNK, C)
    cnt = _build_deg()(edges)
    acc1 = _build_sc()(features, edges)
    h1 = _tc_layer(features, acc1, cnt, W_self1, W_neigh1, b1, ln_g1, ln_b1)
    acc2 = _build_sc()(h1, edges)
    h2 = _tc_layer(h1, acc2, cnt, W_self2, W_neigh2, b2, ln_g2, ln_b2)
    return h2

# --- scband reference (transcript-rebuilt; emitter-appended) ---
"""Pipeline reference for scband-simple-sage-9208409883074 (READ-ONLY COPY).

The authoritative reference and input builder live on the scoring server;
editing this copy changes nothing except your own understanding.
"""

import jax, jax.numpy as jnp
import numpy as np

N = 10000
E = 320000
D_IN = 128
D_HID = 128
D_OUT = 128


def setup_inputs(seed: int = 0) -> dict:
    key = jax.random.key(seed)
    ks = jax.random.split(key, 14)
    x = jax.random.normal(ks[0], (N, D_IN), dtype=jnp.float32)
    edge_index = jax.random.randint(ks[1], (2, E), 0, N, dtype=jnp.int32)
    s_in = 1.0 / np.sqrt(D_IN)
    s_hid = 1.0 / np.sqrt(D_HID)
    W_self1 = jax.random.normal(ks[2], (D_IN, D_HID), dtype=jnp.float32) * s_in
    W_neigh1 = jax.random.normal(ks[3], (D_IN, D_HID), dtype=jnp.float32) * s_in
    b1 = jnp.zeros((D_HID,), dtype=jnp.float32)
    ln_g1 = jnp.ones((D_HID,), dtype=jnp.float32)
    ln_b1 = jnp.zeros((D_HID,), dtype=jnp.float32)
    W_self2 = jax.random.normal(ks[4], (D_HID, D_OUT), dtype=jnp.float32) * s_hid
    W_neigh2 = jax.random.normal(ks[5], (D_HID, D_OUT), dtype=jnp.float32) * s_hid
    b2 = jnp.zeros((D_OUT,), dtype=jnp.float32)
    ln_g2 = jnp.ones((D_OUT,), dtype=jnp.float32)
    ln_b2 = jnp.zeros((D_OUT,), dtype=jnp.float32)
    return {
        'features': x,
        'edge_index': edge_index,
        'W_self1': W_self1, 'W_neigh1': W_neigh1, 'b1': b1, 'ln_g1': ln_g1, 'ln_b1': ln_b1,
        'W_self2': W_self2, 'W_neigh2': W_neigh2, 'b2': b2, 'ln_g2': ln_g2, 'ln_b2': ln_b2,
    }


def _layer_norm(h, g, b, eps=1e-5):
    mu = jnp.mean(h, axis=-1, keepdims=True)
    var = jnp.mean((h - mu) ** 2, axis=-1, keepdims=True)
    return (h - mu) / jnp.sqrt(var + eps) * g + b


def _sage_mean(h, src, dst, n, W_self, W_neigh, b):
    # DGL SAGEConv(aggregator_type='mean'): fc_self(h) + fc_neigh(mean of in-neighbors)
    msg = jnp.take(h, src, axis=0)
    summed = jax.ops.segment_sum(msg, dst, num_segments=n)
    deg = jax.ops.segment_sum(jnp.ones((src.shape[0], 1), h.dtype), dst, num_segments=n)
    mean_neigh = summed / deg  # deg >= 1 because self-loops are added
    return h @ W_self + mean_neigh @ W_neigh + b


def reference(features, edge_index, W_self1, W_neigh1, b1, ln_g1, ln_b1,
              W_self2, W_neigh2, b2, ln_g2, ln_b2):
    n = features.shape[0]
    # add_self_loop
    loops = jnp.arange(n, dtype=edge_index.dtype)
    src = jnp.concatenate([edge_index[0], loops])
    dst = jnp.concatenate([edge_index[1], loops])
    h = features
    h = _sage_mean(h, src, dst, n, W_self1, W_neigh1, b1)
    h = _layer_norm(h, ln_g1, ln_b1)
    h = jax.nn.elu(h)
    h = _sage_mean(h, src, dst, n, W_self2, W_neigh2, b2)
    h = _layer_norm(h, ln_g2, ln_b2)
    h = jax.nn.elu(h)
    # module stores h back into the graph's ndata['feat'] and returns the batched graph;
    # the updated node features are the essential output.
    return h

if __name__ == "__main__":
    import jax
    _d = setup_inputs()
    print(jax.jit(kernel)(*tuple(_d.values())))

</pallas_src>

<mosaic_0001>
#map = affine_map<(d0, d1) -> (0, 0)>
#map1 = affine_map<(d0, d1) -> (0, 0, 0)>
module attributes {stable_mosaic.version = 14 : i64} {
  func.func @_sc_body(%arg0: i32, %arg1: i32, %arg2: memref<10000x128xf32, #tpu.memory_space<hbm>>, %arg3: memref<2x2560x128xi32, #tpu.memory_space<hbm>>, %arg4: memref<2x10000x128xf32, #tpu.memory_space<hbm>>, %arg5: memref<16x128xi32, #tpu.memory_space<vmem>>, %arg6: memref<16x128xi32, #tpu.memory_space<vmem>>, %arg7: memref<128x128xf32, #tpu.memory_space<vmem>>, %arg8: memref<128x128xf32, #tpu.memory_space<vmem>>, %arg9: memref<!tpu.dma_semaphore, #tpu.memory_space<semaphore_mem>>, %arg10: memref<!tpu.dma_semaphore, #tpu.memory_space<semaphore_mem>>, %arg11: memref<!tpu.dma_semaphore, #tpu.memory_space<semaphore_mem>>, %arg12: memref<!tpu.dma_semaphore, #tpu.memory_space<semaphore_mem>>, %arg13: memref<10128x128xf32, #tpu.memory_space<vmem_shared>>) attributes {dimension_semantics = [#tpu.dimension_semantics<core_parallel>, #tpu.dimension_semantics<subcore_parallel>], iteration_bounds = array<i64: 2, 16>, scalar_prefetch = 0 : i64, scratch_operands = 9 : i64, tpu.core_type = #tpu.core_type<sc_vector_subcore>, window_params = [{transform_indices = #map}, {transform_indices = #map1}, {transform_indices = #map1}]} {
    %mul3A = arith.constant 16 : i32
    %mul3A_0 = arith.muli %arg0, %mul3A : i32
    %add3A = arith.addi %mul3A_0, %arg1 : i32
    %ne3A = arith.constant 15 : i32
    %ne3A_1 = arith.cmpi ne, %arg1, %ne3A : i32
    %convert_element_type3A = arith.extui %ne3A_1 : i1 to i32
    %cond3A = arith.constant 0 : i32
    %cond3A_2 = arith.cmpi ne, %convert_element_type3A, %cond3A : i32
    scf.if %cond3A_2 {
      %mul3A_25 = arith.constant 624 : i32
      %mul3A_26 = arith.muli %arg1, %mul3A_25 : i32
      %multiple_of3A_27 = tpu.assume_multiple %mul3A_26, 8 : i32
      "tpu.region"() ({
        %run_scoped3A = tpu.sem_alloc : memref<!tpu.dma_semaphore, #tpu.memory_space<semaphore_mem>>
        %dma_start3A = arith.constant 0 : i32
        %dma_start3A_28 = tpu.memref_slice %arg13[%multiple_of3A_27, %dma_start3A] : memref<10128x128xf32, #tpu.memory_space<vmem_shared>> -> memref<624x128xf32, #tpu.memory_space<vmem_shared>>
        %dma_start3A_29 = arith.constant 0 : i32
        %dma_start3A_30 = tpu.memref_slice %arg2[%multiple_of3A_27, %dma_start3A_29] : memref<10000x128xf32, #tpu.memory_space<hbm>> -> memref<624x128xf32, #tpu.memory_space<hbm>>
        tpu.enqueue_dma source(%dma_start3A_30 : memref<624x128xf32, #tpu.memory_space<hbm>>) target(%dma_start3A_28 : memref<624x128xf32, #tpu.memory_space<vmem_shared>>) target_semaphore(%run_scoped3A : memref<!tpu.dma_semaphore, #tpu.memory_space<semaphore_mem>>)
        %dma_wait3A = arith.constant 0 : i32
        %dma_wait3A_31 = tpu.memref_slice %arg13[%multiple_of3A_27, %dma_wait3A] : memref<10128x128xf32, #tpu.memory_space<vmem_shared>> -> memref<624x128xf32, #tpu.memory_space<vmem_shared>>
        %dma_wait3A_32 = arith.constant 0 : i32
        %dma_wait3A_33 = tpu.memref_slice %arg2[%multiple_of3A_27, %dma_wait3A_32] : memref<10000x128xf32, #tpu.memory_space<hbm>> -> memref<624x128xf32, #tpu.memory_space<hbm>>
        tpu.wait_dma2 semaphore(%run_scoped3A : memref<!tpu.dma_semaphore, #tpu.memory_space<semaphore_mem>>) src(%dma_wait3A_33 : memref<624x128xf32, #tpu.memory_space<hbm>>) dst(%dma_wait3A_31 : memref<624x128xf32, #tpu.memory_space<vmem_shared>>)
        tpu.yield
      }) : () -> ()
    } else {
    }
    %eq3A = arith.constant 15 : i32
    %eq3A_3 = arith.cmpi eq, %arg1, %eq3A : i32
    %convert_element_type3A_4 = arith.extui %eq3A_3 : i1 to i32
    %cond3A_5 = arith.constant 0 : i32
    %cond3A_6 = arith.cmpi ne, %convert_element_type3A_4, %cond3A_5 : i32
    scf.if %cond3A_6 {
      "tpu.region"() ({
        %run_scoped3A = tpu.sem_alloc : memref<!tpu.dma_semaphore, #tpu.memory_space<semaphore_mem>>
        %dma_start3A = arith.constant 9360 : i32
        %dma_start3A_25 = arith.constant 0 : i32
        %dma_start3A_26 = tpu.memref_slice %arg13[%dma_start3A, %dma_start3A_25] : memref<10128x128xf32, #tpu.memory_space<vmem_shared>> -> memref<640x128xf32, #tpu.memory_space<vmem_shared>>
        %dma_start3A_27 = arith.constant 9360 : i32
        %dma_start3A_28 = arith.constant 0 : i32
        %dma_start3A_29 = tpu.memref_slice %arg2[%dma_start3A_27, %dma_start3A_28] : memref<10000x128xf32, #tpu.memory_space<hbm>> -> memref<640x128xf32, #tpu.memory_space<hbm>>
        tpu.enqueue_dma source(%dma_start3A_29 : memref<640x128xf32, #tpu.memory_space<hbm>>) target(%dma_start3A_26 : memref<640x128xf32, #tpu.memory_space<vmem_shared>>) target_semaphore(%run_scoped3A : memref<!tpu.dma_semaphore, #tpu.memory_space<semaphore_mem>>)
        %dma_wait3A = arith.constant 9360 : i32
        %dma_wait3A_30 = arith.constant 0 : i32
        %dma_wait3A_31 = tpu.memref_slice %arg13[%dma_wait3A, %dma_wait3A_30] : memref<10128x128xf32, #tpu.memory_space<vmem_shared>> -> memref<640x128xf32, #tpu.memory_space<vmem_shared>>
        %dma_wait3A_32 = arith.constant 9360 : i32
        %dma_wait3A_33 = arith.constant 0 : i32
        %dma_wait3A_34 = tpu.memref_slice %arg2[%dma_wait3A_32, %dma_wait3A_33] : memref<10000x128xf32, #tpu.memory_space<hbm>> -> memref<640x128xf32, #tpu.memory_space<hbm>>
        tpu.wait_dma2 semaphore(%run_scoped3A : memref<!tpu.dma_semaphore, #tpu.memory_space<semaphore_mem>>) src(%dma_wait3A_34 : memref<640x128xf32, #tpu.memory_space<hbm>>) dst(%dma_wait3A_31 : memref<640x128xf32, #tpu.memory_space<vmem_shared>>)
        tpu.yield
      }) : () -> ()
    } else {
    }
    %barrier3A = arith.constant 0 : index
    tpu.barrier barrier_id(%barrier3A)
    %mul3A_7 = arith.constant 80 : i32
    %mul3A_8 = arith.muli %add3A, %mul3A_7 : i32
    %multiple_of3A = tpu.assume_multiple %mul3A_8, 8 : i32
    %scan3A = arith.constant 0 : i32
    %scan3A_9 = arith.constant 0 : i32
    %scan3A_10 = arith.constant 5 : i32
    %scan3A_11 = arith.addi %scan3A_9, %scan3A_10 : i32
    %scan3A_12 = arith.constant 1 : i32
    scf.for %scan3A_25 = %scan3A_9 to %scan3A_11 step %scan3A_12  : i32 {
      %mul3A_26 = arith.constant 16 : i32
      %mul3A_27 = arith.muli %scan3A_25, %mul3A_26 : i32
      %add3A_28 = arith.addi %multiple_of3A, %mul3A_27 : i32
      %multiple_of3A_29 = tpu.assume_multiple %add3A_28, 8 : i32
      %run_scoped3A = arith.constant 0 : i32
      "tpu.region"() ({
        %run_scoped3A_477 = tpu.sem_alloc : memref<!tpu.dma_semaphore, #tpu.memory_space<semaphore_mem>>
        %dma_start3A_478 = arith.constant 0 : i32
        %dma_start3A_479 = tpu.memref_slice %arg3[%run_scoped3A, %multiple_of3A_29, %dma_start3A_478] : memref<2x2560x128xi32, #tpu.memory_space<hbm>> -> memref<1x16x128xi32, #tpu.memory_space<hbm>>
        %dma_start3A_480 = tpu.memref_squeeze %dma_start3A_479 : memref<1x16x128xi32, #tpu.memory_space<hbm>> -> memref<16x128xi32, #tpu.memory_space<hbm>>
        %dma_start3A_481 = arith.constant 0 : i32
        %dma_start3A_482 = tpu.memref_slice %arg3[%run_scoped3A, %multiple_of3A_29, %dma_start3A_481] : memref<2x2560x128xi32, #tpu.memory_space<hbm>> -> memref<1x16x128xi32, #tpu.memory_space<hbm>>
        %dma_start3A_483 = tpu.memref_squeeze %dma_start3A_482 : memref<1x16x128xi32, #tpu.memory_space<hbm>> -> memref<16x128xi32, #tpu.memory_space<hbm>>
        tpu.enqueue_dma source(%dma_start3A_483 : memref<16x128xi32, #tpu.memory_space<hbm>>) target(%arg5 : memref<16x128xi32, #tpu.memory_space<vmem>>) target_semaphore(%run_scoped3A_477 : memref<!tpu.dma_semaphore, #tpu.memory_space<semaphore_mem>>)
        %dma_wait3A_484 = arith.constant 0 : i32
        %dma_wait3A_485 = tpu.memref_slice %arg3[%run_scoped3A, %multiple_of3A_29, %dma_wait3A_484] : memref<2x2560x128xi32, #tpu.memory_space<hbm>> -> memref<1x16x128xi32, #tpu.memory_space<hbm>>
        %dma_wait3A_486 = tpu.memref_squeeze %dma_wait3A_485 : memref<1x16x128xi32, #tpu.memory_space<hbm>> -> memref<16x128xi32, #tpu.memory_space<hbm>>
        %dma_wait3A_487 = arith.constant 0 : i32
        %dma_wait3A_488 = tpu.memref_slice %arg3[%run_scoped3A, %multiple_of3A_29, %dma_wait3A_487] : memref<2x2560x128xi32, #tpu.memory_space<hbm>> -> memref<1x16x128xi32, #tpu.memory_space<hbm>>
        %dma_wait3A_489 = tpu.memref_squeeze %dma_wait3A_488 : memref<1x16x128xi32, #tpu.memory_space<hbm>> -> memref<16x128xi32, #tpu.memory_space<hbm>>
        tpu.wait_dma2 semaphore(%run_scoped3A_477 : memref<!tpu.dma_semaphore, #tpu.memory_space<semaphore_mem>>) src(%dma_wait3A_489 : memref<16x128xi32, #tpu.memory_space<hbm>>) dst(%arg5 : memref<16x128xi32, #tpu.memory_space<vmem>>)
        tpu.yield
      }) : () -> ()
      %run_scoped3A_30 = arith.constant 1 : i32
      "tpu.region"() ({
        %run_scoped3A_477 = tpu.sem_alloc : memref<!tpu.dma_semaphore, #tpu.memory_space<semaphore_mem>>
        %dma_start3A_478 = arith.constant 0 : i32
        %dma_start3A_479 = tpu.memref_slice %arg3[%run_scoped3A_30, %multiple_of3A_29, %dma_start3A_478] : memref<2x2560x128xi32, #tpu.memory_space<hbm>> -> memref<1x16x128xi32, #tpu.memory_space<hbm>>
        %dma_start3A_480 = tpu.memref_squeeze %dma_start3A_479 : memref<1x16x128xi32, #tpu.memory_space<hbm>> -> memref<16x128xi32, #tpu.memory_space<hbm>>
        %dma_start3A_481 = arith.constant 0 : i32
        %dma_start3A_482 = tpu.memref_slice %arg3[%run_scoped3A_30, %multiple_of3A_29, %dma_start3A_481] : memref<2x2560x128xi32, #tpu.memory_space<hbm>> -> memref<1x16x128xi32, #tpu.memory_space<hbm>>
        %dma_start3A_483 = tpu.memref_squeeze %dma_start3A_482 : memref<1x16x128xi32, #tpu.memory_space<hbm>> -> memref<16x128xi32, #tpu.memory_space<hbm>>
        tpu.enqueue_dma source(%dma_start3A_483 : memref<16x128xi32, #tpu.memory_space<hbm>>) target(%arg6 : memref<16x128xi32, #tpu.memory_space<vmem>>) target_semaphore(%run_scoped3A_477 : memref<!tpu.dma_semaphore, #tpu.memory_space<semaphore_mem>>)
        %dma_wait3A_484 = arith.constant 0 : i32
        %dma_wait3A_485 = tpu.memref_slice %arg3[%run_scoped3A_30, %multiple_of3A_29, %dma_wait3A_484] : memref<2x2560x128xi32, #tpu.memory_space<hbm>> -> memref<1x16x128xi32, #tpu.memory_space<hbm>>
        %dma_wait3A_486 = tpu.memref_squeeze %dma_wait3A_485 : memref<1x16x128xi32, #tpu.memory_space<hbm>> -> memref<16x128xi32, #tpu.memory_space<hbm>>
        %dma_wait3A_487 = arith.constant 0 : i32
        %dma_wait3A_488 = tpu.memref_slice %arg3[%run_scoped3A_30, %multiple_of3A_29, %dma_wait3A_487] : memref<2x2560x128xi32, #tpu.memory_space<hbm>> -> memref<1x16x128xi32, #tpu.memory_space<hbm>>
        %dma_wait3A_489 = tpu.memref_squeeze %dma_wait3A_488 : memref<1x16x128xi32, #tpu.memory_space<hbm>> -> memref<16x128xi32, #tpu.memory_space<hbm>>
        tpu.wait_dma2 semaphore(%run_scoped3A_477 : memref<!tpu.dma_semaphore, #tpu.memory_space<semaphore_mem>>) src(%dma_wait3A_489 : memref<16x128xi32, #tpu.memory_space<hbm>>) dst(%arg6 : memref<16x128xi32, #tpu.memory_space<vmem>>)
        tpu.yield
      }) : () -> ()
      %dma_start3A = arith.constant 0 : i32
      %dma_start3A_31 = arith.constant 0 : i32
      %dma_start3A_32 = tpu.memref_slice %arg5[%dma_start3A, %dma_start3A_31] : memref<16x128xi32, #tpu.memory_space<vmem>> -> memref<1x128xi32, #tpu.memory_space<vmem>>
      %dma_start3A_33 = tpu.memref_squeeze %dma_start3A_32 : memref<1x128xi32, #tpu.memory_space<vmem>> -> memref<128xi32, #tpu.memory_space<vmem>>
      %dma_start3A_34 = arith.constant 0 : i32
      %dma_start3A_35 = arith.constant 0 : i32
      %dma_start3A_36 = tpu.memref_slice %arg2[%dma_start3A_34, %dma_start3A_35] : memref<10000x128xf32, #tpu.memory_space<hbm>> -> memref<10000x128xf32, #tpu.memory_space<hbm>>
      tpu.enqueue_indirect_dma source(%dma_start3A_36 : memref<10000x128xf32, #tpu.memory_space<hbm>>) target(%arg7 : memref<128x128xf32, #tpu.memory_space<vmem>>) offsets(%dma_start3A_33 : memref<128xi32, #tpu.memory_space<vmem>>) semaphore(%arg9 : memref<!tpu.dma_semaphore, #tpu.memory_space<semaphore_mem>>)
      %dma_start3A_37 = arith.constant 1 : i32
      %dma_start3A_38 = arith.constant 0 : i32
      %dma_start3A_39 = tpu.memref_slice %arg5[%dma_start3A_37, %dma_start3A_38] : memref<16x128xi32, #tpu.memory_space<vmem>> -> memref<1x128xi32, #tpu.memory_space<vmem>>
      %dma_start3A_40 = tpu.memref_squeeze %dma_start3A_39 : memref<1x128xi32, #tpu.memory_space<vmem>> -> memref<128xi32, #tpu.memory_space<vmem>>
      %dma_start3A_41 = arith.constant 0 : i32
      %dma_start3A_42 = arith.constant 0 : i32
      %dma_start3A_43 = tpu.memref_slice %arg2[%dma_start3A_41, %dma_start3A_42] : memref<10000x128xf32, #tpu.memory_space<hbm>> -> memref<10000x128xf32, #tpu.memory_space<hbm>>
      tpu.enqueue_indirect_dma source(%dma_start3A_43 : memref<10000x128xf32, #tpu.memory_space<hbm>>) target(%arg8 : memref<128x128xf32, #tpu.memory_space<vmem>>) offsets(%dma_start3A_40 : memref<128xi32, #tpu.memory_space<vmem>>) semaphore(%arg10 : memref<!tpu.dma_semaphore, #tpu.memory_space<semaphore_mem>>)
      %dma_wait3A = arith.constant 0 : i32
      %dma_wait3A_44 = arith.constant 0 : i32
      %dma_wait3A_45 = tpu.memref_slice %arg5[%dma_wait3A, %dma_wait3A_44] : memref<16x128xi32, #tpu.memory_space<vmem>> -> memref<1x128xi32, #tpu.memory_space<vmem>>
      %dma_wait3A_46 = tpu.memref_squeeze %dma_wait3A_45 : memref<1x128xi32, #tpu.memory_space<vmem>> -> memref<128xi32, #tpu.memory_space<vmem>>
      %dma_wait3A_47 = arith.constant 0 : i32
      %dma_wait3A_48 = arith.constant 0 : i32
      %dma_wait3A_49 = tpu.memref_slice %arg2[%dma_wait3A_47, %dma_wait3A_48] : memref<10000x128xf32, #tpu.memory_space<hbm>> -> memref<10000x128xf32, #tpu.memory_space<hbm>>
      tpu.wait_indirect_dma semaphore(%arg9 : memref<!tpu.dma_semaphore, #tpu.memory_space<semaphore_mem>>) src(%dma_wait3A_49 : memref<10000x128xf32, #tpu.memory_space<hbm>>) dst(%arg7 : memref<128x128xf32, #tpu.memory_space<vmem>>)
      %dma_start3A_50 = arith.constant 0 : i32
      %dma_start3A_51 = arith.constant 0 : i32
      %dma_start3A_52 = tpu.memref_slice %arg6[%dma_start3A_50, %dma_start3A_51] : memref<16x128xi32, #tpu.memory_space<vmem>> -> memref<1x128xi32, #tpu.memory_space<vmem>>
      %dma_start3A_53 = tpu.memref_squeeze %dma_start3A_52 : memref<1x128xi32, #tpu.memory_space<vmem>> -> memref<128xi32, #tpu.memory_space<vmem>>
      %dma_start3A_54 = arith.constant 0 : i32
      %dma_start3A_55 = arith.constant 0 : i32
      %dma_start3A_56 = tpu.memref_slice %arg13[%dma_start3A_54, %dma_start3A_55] : memref<10128x128xf32, #tpu.memory_space<vmem_shared>> -> memref<10128x128xf32, #tpu.memory_space<vmem_shared>>
      tpu.enqueue_indirect_dma source(%arg7 : memref<128x128xf32, #tpu.memory_space<vmem>>) target(%dma_start3A_56 : memref<10128x128xf32, #tpu.memory_space<vmem_shared>>) offsets(%dma_start3A_53 : memref<128xi32, #tpu.memory_space<vmem>>) semaphore(%arg11 : memref<!tpu.dma_semaphore, #tpu.memory_space<semaphore_mem>>) {add = true}
      %dma_wait3A_57 = arith.constant 0 : i32
      %dma_wait3A_58 = arith.constant 0 : i32
      %dma_wait3A_59 = tpu.memref_slice %arg6[%dma_wait3A_57, %dma_wait3A_58] : memref<16x128xi32, #tpu.memory_space<vmem>> -> memref<1x128xi32, #tpu.memory_space<vmem>>
      %dma_wait3A_60 = tpu.memref_squeeze %dma_wait3A_59 : memref<1x128xi32, #tpu.memory_space<vmem>> -> memref<128xi32, #tpu.memory_space<vmem>>
      %dma_wait3A_61 = arith.constant 0 : i32
      %dma_wait3A_62 = arith.constant 0 : i32
      %dma_wait3A_63 = tpu.memref_slice %arg13[%dma_wait3A_61, %dma_wait3A_62] : memref<10128x128xf32, #tpu.memory_space<vmem_shared>> -> memref<10128x128xf32, #tpu.memory_space<vmem_shared>>
      tpu.wait_indirect_dma semaphore(%arg11 : memref<!tpu.dma_semaphore, #tpu.memory_space<semaphore_mem>>) src(%arg7 : memref<128x128xf32, #tpu.memory_space<vmem>>) dst(%dma_wait3A_63 : memref<10128x128xf32, #tpu.memory_space<vmem_shared>>)
      %dma_start3A_64 = arith.constant 2 : i32
      %dma_start3A_65 = arith.constant 0 : i32
      %dma_start3A_66 = tpu.memref_slice %arg5[%dma_start3A_64, %dma_start3A_65] : memref<16x128xi32, #tpu.memory_space<vmem>> -> memref<1x128xi32, #tpu.memory_space<vmem>>
      %dma_start3A_67 = tpu.memref_squeeze %dma_start3A_66 : memref<1x128xi32, #tpu.memory_space<vmem>> -> memref<128xi32, #tpu.memory_space<vmem>>
      %dma_start3A_68 = arith.constant 0 : i32
      %dma_start3A_69 = arith.constant 0 : i32
      %dma_start3A_70 = tpu.memref_slice %arg2[%dma_start3A_68, %dma_start3A_69] : memref<10000x128xf32, #tpu.memory_space<hbm>> -> memref<10000x128xf32, #tpu.memory_space<hbm>>
      tpu.enqueue_indirect_dma source(%dma_start3A_70 : memref<10000x128xf32, #tpu.memory_space<hbm>>) target(%arg7 : memref<128x128xf32, #tpu.memory_space<vmem>>) offsets(%dma_start3A_67 : memref<128xi32, #tpu.memory_space<vmem>>) semaphore(%arg9 : memref<!tpu.dma_semaphore, #tpu.memory_space<semaphore_mem>>)
      %dma_wait3A_71 = arith.constant 1 : i32
      %dma_wait3A_72 = arith.constant 0 : i32
      %dma_wait3A_73 = tpu.memref_slice %arg5[%dma_wait3A_71, %dma_wait3A_72] : memref<16x128xi32, #tpu.memory_space<vmem>> -> memref<1x128xi32, #tpu.memory_space<vmem>>
      %dma_wait3A_74 = tpu.memref_squeeze %dma_wait3A_73 : memref<1x128xi32, #tpu.memory_space<vmem>> -> memref<128xi32, #tpu.memory_space<vmem>>
      %dma_wait3A_75 = arith.constant 0 : i32
      %dma_wait3A_76 = arith.constant 0 : i32
      %dma_wait3A_77 = tpu.memref_slice %arg2[%dma_wait3A_75, %dma_wait3A_76] : memref<10000x128xf32, #tpu.memory_space<hbm>> -> memref<10000x128xf32, #tpu.memory_space<hbm>>
      tpu.wait_indirect_dma semaphore(%arg10 : memref<!tpu.dma_semaphore, #tpu.memory_space<semaphore_mem>>) src(%dma_wait3A_77 : memref<10000x128xf32, #tpu.memory_space<hbm>>) dst(%arg8 : memref<128x128xf32, #tpu.memory_space<vmem>>)
      %dma_start3A_78 = arith.constant 1 : i32
      %dma_start3A_79 = arith.constant 0 : i32
      %dma_start3A_80 = tpu.memref_slice %arg6[%dma_start3A_78, %dma_start3A_79] : memref<16x128xi32, #tpu.memory_space<vmem>> -> memref<1x128xi32, #tpu.memory_space<vmem>>
      %dma_start3A_81 = tpu.memref_squeeze %dma_start3A_80 : memref<1x128xi32, #tpu.memory_space<vmem>> -> memref<128xi32, #tpu.memory_space<vmem>>
      %dma_start3A_82 = arith.constant 0 : i32
      %dma_start3A_83 = arith.constant 0 : i32
      %dma_start3A_84 = tpu.memref_slice %arg13[%dma_start3A_82, %dma_start3A_83] : memref<10128x128xf32, #tpu.memory_space<vmem_shared>> -> memref<10128x128xf32, #tpu.memory_space<vmem_shared>>
      tpu.enqueue_indirect_dma source(%arg8 : memref<128x128xf32, #tpu.memory_space<vmem>>) target(%dma_start3A_84 : memref<10128x128xf32, #tpu.memory_space<vmem_shared>>) offsets(%dma_start3A_81 : memref<128xi32, #tpu.memory_space<vmem>>) semaphore(%arg12 : memref<!tpu.dma_semaphore, #tpu.memory_space<semaphore_mem>>) {add = true}
      %dma_wait3A_85 = arith.constant 1 : i32
      %dma_wait3A_86 = arith.constant 0 : i32
      %dma_wait3A_87 = tpu.memref_slice %arg6[%dma_wait3A_85, %dma_wait3A_86] : memref<16x128xi32, #tpu.memory_space<vmem>> -> memref<1x128xi32, #tpu.memory_space<vmem>>
      %dma_wait3A_88 = tpu.memref_squeeze %dma_wait3A_87 : memref<1x128xi32, #tpu.memory_space<vmem>> -> memref<128xi32, #tpu.memory_space<vmem>>
      %dma_wait3A_89 = arith.constant 0 : i32
      %dma_wait3A_90 = arith.constant 0 : i32
      %dma_wait3A_91 = tpu.memref_slice %arg13[%dma_wait3A_89, %dma_wait3A_90] : memref<10128x128xf32, #tpu.memory_space<vmem_shared>> -> memref<10128x128xf32, #tpu.memory_space<vmem_shared>>
      tpu.wait_indirect_dma semaphore(%arg12 : memref<!tpu.dma_semaphore, #tpu.memory_space<semaphore_mem>>) src(%arg8 : memref<128x128xf32, #tpu.memory_space<vmem>>) dst(%dma_wait3A_91 : memref<10128x128xf32, #tpu.memory_space<vmem_shared>>)
      %dma_start3A_92 = arith.constant 3 : i32
      %dma_start3A_93 = arith.constant 0 : i32
      %dma_start3A_94 = tpu.memref_slice %arg5[%dma_start3A_92, %dma_start3A_93] : memref<16x128xi32, #tpu.memory_space<vmem>> -> memref<1x128xi32, #tpu.memory_space<vmem>>
      %dma_start3A_95 = tpu.memref_squeeze %dma_start3A_94 : memref<1x128xi32, #tpu.memory_space<vmem>> -> memref<128xi32, #tpu.memory_space<vmem>>
      %dma_start3A_96 = arith.constant 0 : i32
      %dma_start3A_97 = arith.constant 0 : i32
      %dma_start3A_98 = tpu.memref_slice %arg2[%dma_start3A_96, %dma_start3A_97] : memref<10000x128xf32, #tpu.memory_space<hbm>> -> memref<10000x128xf32, #tpu.memory_space<hbm>>
      tpu.enqueue_indirect_dma source(%dma_start3A_98 : memref<10000x128xf32, #tpu.memory_space<hbm>>) target(%arg8 : memref<128x128xf32, #tpu.memory_space<vmem>>) offsets(%dma_start3A_95 : memref<128xi32, #tpu.memory_space<vmem>>) semaphore(%arg10 : memref<!tpu.dma_semaphore, #tpu.memory_space<semaphore_mem>>)
      %dma_wait3A_99 = arith.constant 2 : i32
      %dma_wait3A_100 = arith.constant 0 : i32
      %dma_wait3A_101 = tpu.memref_slice %arg5[%dma_wait3A_99, %dma_wait3A_100] : memref<16x128xi32, #tpu.memory_space<vmem>> -> memref<1x128xi32, #tpu.memory_space<vmem>>
      %dma_wait3A_102 = tpu.memref_squeeze %dma_wait3A_101 : memref<1x128xi32, #tpu.memory_space<vmem>> -> memref<128xi32, #tpu.memory_space<vmem>>
      %dma_wait3A_103 = arith.constant 0 : i32
      %dma_wait3A_104 = arith.constant 0 : i32
      %dma_wait3A_105 = tpu.memref_slice %arg2[%dma_wait3A_103, %dma_wait3A_104] : memref<10000x128xf32, #tpu.memory_space<hbm>> -> memref<10000x128xf32, #tpu.memory_space<hbm>>
      tpu.wait_indirect_dma semaphore(%arg9 : memref<!tpu.dma_semaphore, #tpu.memory_space<semaphore_mem>>) src(%dma_wait3A_105 : memref<10000x128xf32, #tpu.memory_space<hbm>>) dst(%arg7 : memref<128x128xf32, #tpu.memory_space<vmem>>)
      %dma_start3A_106 = arith.constant 2 : i32
      %dma_start3A_107 = arith.constant 0 : i32
      %dma_start3A_108 = tpu.memref_slice %arg6[%dma_start3A_106, %dma_start3A_107] : memref<16x128xi32, #tpu.memory_space<vmem>> -> memref<1x128xi32, #tpu.memory_space<vmem>>
      %dma_start3A_109 = tpu.memref_squeeze %dma_start3A_108 : memref<1x128xi32, #tpu.memory_space<vmem>> -> memref<128xi32, #tpu.memory_space<vmem>>
      %dma_start3A_110 = arith.constant 0 : i32
      %dma_start3A_111 = arith.constant 0 : i32
      %dma_start3A_112 = tpu.memref_slice %arg13[%dma_start3A_110, %dma_start3A_111] : memref<10128x128xf32, #tpu.memory_space<vmem_shared>> -> memref<10128x128xf32, #tpu.memory_space<vmem_shared>>
      tpu.enqueue_indirect_dma source(%arg7 : memref<128x128xf32, #tpu.memory_space<vmem>>) target(%dma_start3A_112 : memref<10128x128xf32, #tpu.memory_space<vmem_shared>>) offsets(%dma_start3A_109 : memref<128xi32, #tpu.memory_space<vmem>>) semaphore(%arg11 : memref<!tpu.dma_semaphore, #tpu.memory_space<semaphore_mem>>) {add = true}
      %dma_wait3A_113 = arith.constant 2 : i32
      %dma_wait3A_114 = arith.constant 0 : i32
      %dma_wait3A_115 = tpu.memref_slice %arg6[%dma_wait3A_113, %dma_wait3A_114] : memref<16x128xi32, #tpu.memory_space<vmem>> -> memref<1x128xi32, #tpu.memory_space<vmem>>
      %dma_wait3A_116 = tpu.memref_squeeze %dma_wait3A_115 : memref<1x128xi32, #tpu.memory_space<vmem>> -> memref<128xi32, #tpu.memory_space<vmem>>
      %dma_wait3A_117 = arith.constant 0 : i32
      %dma_wait3A_118 = arith.constant 0 : i32
      %dma_wait3A_119 = tpu.memref_slice %arg13[%dma_wait3A_117, %dma_wait3A_118] : memref<10128x128xf32, #tpu.memory_space<vmem_shared>> -> memref<10128x128xf32, #tpu.memory_space<vmem_shared>>
      tpu.wait_indirect_dma semaphore(%arg11 : memref<!tpu.dma_semaphore, #tpu.memory_space<semaphore_mem>>) src(%arg7 : memref<128x128xf32, #tpu.memory_space<vmem>>) dst(%dma_wait3A_119 : memref<10128x128xf32, #tpu.memory_space<vmem_shared>>)
      %dma_start3A_120 = arith.constant 4 : i32
      %dma_start3A_121 = arith.constant 0 : i32
      %dma_start3A_122 = tpu.memref_slice %arg5[%dma_start3A_120, %dma_start3A_121] : memref<16x128xi32, #tpu.memory_space<vmem>> -> memref<1x128xi32, #tpu.memory_space<vmem>>
      %dma_start3A_123 = tpu.memref_squeeze %dma_start3A_122 : memref<1x128xi32, #tpu.memory_space<vmem>> -> memref<128xi32, #tpu.memory_space<vmem>>
      %dma_start3A_124 = arith.constant 0 : i32
      %dma_start3A_125 = arith.constant 0 : i32
      %dma_start3A_126 = tpu.memref_slice %arg2[%dma_start3A_124, %dma_start3A_125] : memref<10000x128xf32, #tpu.memory_space<hbm>> -> memref<10000x128xf32, #tpu.memory_space<hbm>>
      tpu.enqueue_indirect_dma source(%dma_start3A_126 : memref<10000x128xf32, #tpu.memory_space<hbm>>) target(%arg7 : memref<128x128xf32, #tpu.memory_space<vmem>>) offsets(%dma_start3A_123 : memref<128xi32, #tpu.memory_space<vmem>>) semaphore(%arg9 : memref<!tpu.dma_semaphore, #tpu.memory_space<semaphore_mem>>)
      %dma_wait3A_127 = arith.constant 3 : i32
      %dma_wait3A_128 = arith.constant 0 : i32
      %dma_wait3A_129 = tpu.memref_slice %arg5[%dma_wait3A_127, %dma_wait3A_128] : memref<16x128xi32, #tpu.memory_space<vmem>> -> memref<1x128xi32, #tpu.memory_space<vmem>>
      %dma_wait3A_130 = tpu.memref_squeeze %dma_wait3A_129 : memref<1x128xi32, #tpu.memory_space<vmem>> -> memref<128xi32, #tpu.memory_space<vmem>>
      %dma_wait3A_131 = arith.constant 0 : i32
      %dma_wait3A_132 = arith.constant 0 : i32
      %dma_wait3A_133 = tpu.memref_slice %arg2[%dma_wait3A_131, %dma_wait3A_132] : memref<10000x128xf32, #tpu.memory_space<hbm>> -> memref<10000x128xf32, #tpu.memory_space<hbm>>
      tpu.wait_indirect_dma semaphore(%arg10 : memref<!tpu.dma_semaphore, #tpu.memory_space<semaphore_mem>>) src(%dma_wait3A_133 : memref<10000x128xf32, #tpu.memory_space<hbm>>) dst(%arg8 : memref<128x128xf32, #tpu.memory_space<vmem>>)
      %dma_start3A_134 = arith.constant 3 : i32
      %dma_start3A_135 = arith.constant 0 : i32
      %dma_start3A_136 = tpu.memref_slice %arg6[%dma_start3A_134, %dma_start3A_135] : memref<16x128xi32, #tpu.memory_space<vmem>> -> memref<1x128xi32, #tpu.memory_space<vmem>>
      %dma_start3A_137 = tpu.memref_squeeze %dma_start3A_136 : memref<1x128xi32, #tpu.memory_space<vmem>> -> memref<128xi32, #tpu.memory_space<vmem>>
      %dma_start3A_138 = arith.constant 0 : i32
      %dma_start3A_139 = arith.constant 0 : i32
      %dma_start3A_140 = tpu.memref_slice %arg13[%dma_start3A_138, %dma_start3A_139] : memref<10128x128xf32, #tpu.memory_space<vmem_shared>> -> memref<10128x128xf32, #tpu.memory_space<vmem_shared>>
      tpu.enqueue_indirect_dma source(%arg8 : memref<128x128xf32, #tpu.memory_space<vmem>>) target(%dma_start3A_140 : memref<10128x128xf32, #tpu.memory_space<vmem_shared>>) offsets(%dma_start3A_137 : memref<128xi32, #tpu.memory_space<vmem>>) semaphore(%arg12 : memref<!tpu.dma_semaphore, #tpu.memory_space<semaphore_mem>>) {add = true}
      %dma_wait3A_141 = arith.constant 3 : i32
      %dma_wait3A_142 = arith.constant 0 : i32
      %dma_wait3A_143 = tpu.memref_slice %arg6[%dma_wait3A_141, %dma_wait3A_142] : memref<16x128xi32, #tpu.memory_space<vmem>> -> memref<1x128xi32, #tpu.memory_space<vmem>>
      %dma_wait3A_144 = tpu.memref_squeeze %dma_wait3A_143 : memref<1x128xi32, #tpu.memory_space<vmem>> -> memref<128xi32, #tpu.memory_space<vmem>>
      %dma_wait3A_145 = arith.constant 0 : i32
      %dma_wait3A_146 = arith.constant 0 : i32
      %dma_wait3A_147 = tpu.memref_slice %arg13[%dma_wait3A_145, %dma_wait3A_146] : memref<10128x128xf32, #tpu.memory_space<vmem_shared>> -> memref<10128x128xf32, #tpu.memory_space<vmem_shared>>
      tpu.wait_indirect_dma semaphore(%arg12 : memref<!tpu.dma_semaphore, #tpu.memory_space<semaphore_mem>>) src(%arg8 : memref<128x128xf32, #tpu.memory_space<vmem>>) dst(%dma_wait3A_147 : memref<10128x128xf32, #tpu.memory_space<vmem_shared>>)
      %dma_start3A_148 = arith.constant 5 : i32
      %dma_start3A_149 = arith.constant 0 : i32
      %dma_start3A_150 = tpu.memref_slice %arg5[%dma_start3A_148, %dma_start3A_149] : memref<16x128xi32, #tpu.memory_space<vmem>> -> memref<1x128xi32, #tpu.memory_space<vmem>>
      %dma_start3A_151 = tpu.memref_squeeze %dma_start3A_150 : memref<1x128xi32, #tpu.memory_space<vmem>> -> memref<128xi32, #tpu.memory_space<vmem>>
      %dma_start3A_152 = arith.constant 0 : i32
      %dma_start3A_153 = arith.constant 0 : i32
      %dma_start3A_154 = tpu.memref_slice %arg2[%dma_start3A_152, %dma_start3A_153] : memref<10000x128xf32, #tpu.memory_space<hbm>> -> memref<10000x128xf32, #tpu.memory_space<hbm>>
      tpu.enqueue_indirect_dma source(%dma_start3A_154 : memref<10000x128xf32, #tpu.memory_space<hbm>>) target(%arg8 : memref<128x128xf32, #tpu.memory_space<vmem>>) offsets(%dma_start3A_151 : memref<128xi32, #tpu.memory_space<vmem>>) semaphore(%arg10 : memref<!tpu.dma_semaphore, #tpu.memory_space<semaphore_mem>>)
      %dma_wait3A_155 = arith.constant 4 : i32
      %dma_wait3A_156 = arith.constant 0 : i32
      %dma_wait3A_157 = tpu.memref_slice %arg5[%dma_wait3A_155, %dma_wait3A_156] : memref<16x128xi32, #tpu.memory_space<vmem>> -> memref<1x128xi32, #tpu.memory_space<vmem>>
      %dma_wait3A_158 = tpu.memref_squeeze %dma_wait3A_157 : memref<1x128xi32, #tpu.memory_space<vmem>> -> memref<128xi32, #tpu.memory_space<vmem>>
      %dma_wait3A_159 = arith.constant 0 : i32
      %dma_wait3A_160 = arith.constant 0 : i32
      %dma_wait3A_161 = tpu.memref_slice %arg2[%dma_wait3A_159, %dma_wait3A_160] : memref<10000x128xf32, #tpu.memory_space<hbm>> -> memref<10000x128xf32, #tpu.memory_space<hbm>>
      tpu.wait_indirect_dma semaphore(%arg9 : memref<!tpu.dma_semaphore, #tpu.memory_space<semaphore_mem>>) src(%dma_wait3A_161 : memref<10000x128xf32, #tpu.memory_space<hbm>>) dst(%arg7 : memref<128x128xf32, #tpu.memory_space<vmem>>)
      %dma_start3A_162 = arith.constant 4 : i32
      %dma_start3A_163 = arith.constant 0 : i32
      %dma_start3A_164 = tpu.memref_slice %arg6[%dma_start3A_162, %dma_start3A_163] : memref<16x128xi32, #tpu.memory_space<vmem>> -> memref<1x128xi32, #tpu.memory_space<vmem>>
      %dma_start3A_165 = tpu.memref_squeeze %dma_start3A_164 : memref<1x128xi32, #tpu.memory_space<vmem>> -> memref<128xi32, #tpu.memory_space<vmem>>
      %dma_start3A_166 = arith.constant 0 : i32
      %dma_start3A_167 = arith.constant 0 : i32
      %dma_start3A_168 = tpu.memref_slice %arg13[%dma_start3A_166, %dma_start3A_167] : memref<10128x128xf32, #tpu.memory_space<vmem_shared>> -> memref<10128x128xf32, #tpu.memory_space<vmem_shared>>
      tpu.enqueue_indirect_dma source(%arg7 : memref<128x128xf32, #tpu.memory_space<vmem>>) target(%dma_start3A_168 : memref<10128x128xf32, #tpu.memory_space<vmem_shared>>) offsets(%dma_start3A_165 : memref<128xi32, #tpu.memory_space<vmem>>) semaphore(%arg11 : memref<!tpu.dma_semaphore, #tpu.memory_space<semaphore_mem>>) {add = true}
      %dma_wait3A_169 = arith.constant 4 : i32
      %dma_wait3A_170 = arith.constant 0 : i32
      %dma_wait3A_171 = tpu.memref_slice %arg6[%dma_wait3A_169, %dma_wait3A_170] : memref<16x128xi32, #tpu.memory_space<vmem>> -> memref<1x128xi32, #tpu.memory_space<vmem>>
      %dma_wait3A_172 = tpu.memref_squeeze %dma_wait3A_171 : memref<1x128xi32, #tpu.memory_space<vmem>> -> memref<128xi32, #tpu.memory_space<vmem>>
      %dma_wait3A_173 = arith.constant 0 : i32
      %dma_wait3A_174 = arith.constant 0 : i32
      %dma_wait3A_175 = tpu.memref_slice %arg13[%dma_wait3A_173, %dma_wait3A_174] : memref<10128x128xf32, #tpu.memory_space<vmem_shared>> -> memref<10128x128xf32, #tpu.memory_space<vmem_shared>>
      tpu.wait_indirect_dma semaphore(%arg11 : memref<!tpu.dma_semaphore, #tpu.memory_space<semaphore_mem>>) src(%arg7 : memref<128x128xf32, #tpu.memory_space<vmem>>) dst(%dma_wait3A_175 : memref<10128x128xf32, #tpu.memory_space<vmem_shared>>)
      %dma_start3A_176 = arith.constant 6 : i32
      %dma_start3A_177 = arith.constant 0 : i32
      %dma_start3A_178 = tpu.memref_slice %arg5[%dma_start3A_176, %dma_start3A_177] : memref<16x128xi32, #tpu.memory_space<vmem>> -> memref<1x128xi32, #tpu.memory_space<vmem>>
      %dma_start3A_179 = tpu.memref_squeeze %dma_start3A_178 : memref<1x128xi32, #tpu.memory_space<vmem>> -> memref<128xi32, #tpu.memory_space<vmem>>
      %dma_start3A_180 = arith.constant 0 : i32
      %dma_start3A_181 = arith.constant 0 : i32
      %dma_start3A_182 = tpu.memref_slice %arg2[%dma_start3A_180, %dma_start3A_181] : memref<10000x128xf32, #tpu.memory_space<hbm>> -> memref<10000x128xf32, #tpu.memory_space<hbm>>
      tpu.enqueue_indirect_dma source(%dma_start3A_182 : memref<10000x128xf32, #tpu.memory_space<hbm>>) target(%arg7 : memref<128x128xf32, #tpu.memory_space<vmem>>) offsets(%dma_start3A_179 : memref<128xi32, #tpu.memory_space<vmem>>) semaphore(%arg9 : memref<!tpu.dma_semaphore, #tpu.memory_space<semaphore_mem>>)
      %dma_wait3A_183 = arith.constant 5 : i32
      %dma_wait3A_184 = arith.constant 0 : i32
      %dma_wait3A_185 = tpu.memref_slice %arg5[%dma_wait3A_183, %dma_wait3A_184] : memref<16x128xi32, #tpu.memory_space<vmem>> -> memref<1x128xi32, #tpu.memory_space<vmem>>
      %dma_wait3A_186 = tpu.memref_squeeze %dma_wait3A_185 : memref<1x128xi32, #tpu.memory_space<vmem>> -> memref<128xi32, #tpu.memory_space<vmem>>
      %dma_wait3A_187 = arith.constant 0 : i32
      %dma_wait3A_188 = arith.constant 0 : i32
      %dma_wait3A_189 = tpu.memref_slice %arg2[%dma_wait3A_187, %dma_wait3A_188] : memref<10000x128xf32, #tpu.memory_space<hbm>> -> memref<10000x128xf32, #tpu.memory_space<hbm>>
      tpu.wait_indirect_dma semaphore(%arg10 : memref<!tpu.dma_semaphore, #tpu.memory_space<semaphore_mem>>) src(%dma_wait3A_189 : memref<10000x128xf32, #tpu.memory_space<hbm>>) dst(%arg8 : memref<128x128xf32, #tpu.memory_space<vmem>>)
      %dma_start3A_190 = arith.constant 5 : i32
      %dma_start3A_191 = arith.constant 0 : i32
      %dma_start3A_192 = tpu.memref_slice %arg6[%dma_start3A_190, %dma_start3A_191] : memref<16x128xi32, #tpu.memory_space<vmem>> -> memref<1x128xi32, #tpu.memory_space<vmem>>
      %dma_start3A_193 = tpu.memref_squeeze %dma_start3A_192 : memref<1x128xi32, #tpu.memory_space<vmem>> -> memref<128xi32, #tpu.memory_space<vmem>>
      %dma_start3A_194 = arith.constant 0 : i32
      %dma_start3A_195 = arith.constant 0 : i32
      %dma_start3A_196 = tpu.memref_slice %arg13[%dma_start3A_194, %dma_start3A_195] : memref<10128x128xf32, #tpu.memory_space<vmem_shared>> -> memref<10128x128xf32, #tpu.memory_space<vmem_shared>>
      tpu.enqueue_indirect_dma source(%arg8 : memref<128x128xf32, #tpu.memory_space<vmem>>) target(%dma_start3A_196 : memref<10128x128xf32, #tpu.memory_space<vmem_shared>>) offsets(%dma_start3A_193 : memref<128xi32, #tpu.memory_space<vmem>>) semaphore(%arg12 : memref<!tpu.dma_semaphore, #tpu.memory_space<semaphore_mem>>) {add = true}
      %dma_wait3A_197 = arith.constant 5 : i32
      %dma_wait3A_198 = arith.constant 0 : i32
      %dma_wait3A_199 = tpu.memref_slice %arg6[%dma_wait3A_197, %dma_wait3A_198] : memref<16x128xi32, #tpu.memory_space<vmem>> -> memref<1x128xi32, #tpu.memory_space<vmem>>
      %dma_wait3A_200 = tpu.memref_squeeze %dma_wait3A_199 : memref<1x128xi32, #tpu.memory_space<vmem>> -> memref<128xi32, #tpu.memory_space<vmem>>
      %dma_wait3A_201 = arith.constant 0 : i32
      %dma_wait3A_202 = arith.constant 0 : i32
      %dma_wait3A_203 = tpu.memref_slice %arg13[%dma_wait3A_201, %dma_wait3A_202] : memref<10128x128xf32, #tpu.memory_space<vmem_shared>> -> memref<10128x128xf32, #tpu.memory_space<vmem_shared>>
      tpu.wait_indirect_dma semaphore(%arg12 : memref<!tpu.dma_semaphore, #tpu.memory_space<semaphore_mem>>) src(%arg8 : memref<128x128xf32, #tpu.memory_space<vmem>>) dst(%dma_wait3A_203 : memref<10128x128xf32, #tpu.memory_space<vmem_shared>>)
      %dma_start3A_204 = arith.constant 7 : i32
      %dma_start3A_205 = arith.constant 0 : i32
      %dma_start3A_206 = tpu.memref_slice %arg5[%dma_start3A_204, %dma_start3A_205] : memref<16x128xi32, #tpu.memory_space<vmem>> -> memref<1x128xi32, #tpu.memory_space<vmem>>
      %dma_start3A_207 = tpu.memref_squeeze %dma_start3A_206 : memref<1x128xi32, #tpu.memory_space<vmem>> -> memref<128xi32, #tpu.memory_space<vmem>>
      %dma_start3A_208 = arith.constant 0 : i32
      %dma_start3A_209 = arith.constant 0 : i32
      %dma_start3A_210 = tpu.memref_slice %arg2[%dma_start3A_208, %dma_start3A_209] : memref<10000x128xf32, #tpu.memory_space<hbm>> -> memref<10000x128xf32, #tpu.memory_space<hbm>>
      tpu.enqueue_indirect_dma source(%dma_start3A_210 : memref<10000x128xf32, #tpu.memory_space<hbm>>) target(%arg8 : memref<128x128xf32, #tpu.memory_space<vmem>>) offsets(%dma_start3A_207 : memref<128xi32, #tpu.memory_space<vmem>>) semaphore(%arg10 : memref<!tpu.dma_semaphore, #tpu.memory_space<semaphore_mem>>)
      %dma_wait3A_211 = arith.constant 6 : i32
      %dma_wait3A_212 = arith.constant 0 : i32
      %dma_wait3A_213 = tpu.memref_slice %arg5[%dma_wait3A_211, %dma_wait3A_212] : memref<16x128xi32, #tpu.memory_space<vmem>> -> memref<1x128xi32, #tpu.memory_space<vmem>>
      %dma_wait3A_214 = tpu.memref_squeeze %dma_wait3A_213 : memref<1x128xi32, #tpu.memory_space<vmem>> -> memref<128xi32, #tpu.memory_space<vmem>>
      %dma_wait3A_215 = arith.constant 0 : i32
      %dma_wait3A_216 = arith.constant 0 : i32
      %dma_wait3A_217 = tpu.memref_slice %arg2[%dma_wait3A_215, %dma_wait3A_216] : memref<10000x128xf32, #tpu.memory_space<hbm>> -> memref<10000x128xf32, #tpu.memory_space<hbm>>
      tpu.wait_indirect_dma semaphore(%arg9 : memref<!tpu.dma_semaphore, #tpu.memory_space<semaphore_mem>>) src(%dma_wait3A_217 : memref<10000x128xf32, #tpu.memory_space<hbm>>) dst(%arg7 : memref<128x128xf32, #tpu.memory_space<vmem>>)
      %dma_start3A_218 = arith.constant 6 : i32
      %dma_start3A_219 = arith.constant 0 : i32
      %dma_start3A_220 = tpu.memref_slice %arg6[%dma_start3A_218, %dma_start3A_219] : memref<16x128xi32, #tpu.memory_space<vmem>> -> memref<1x128xi32, #tpu.memory_space<vmem>>
      %dma_start3A_221 = tpu.memref_squeeze %dma_start3A_220 : memref<1x128xi32, #tpu.memory_space<vmem>> -> memref<128xi32, #tpu.memory_space<vmem>>
      %dma_start3A_222 = arith.constant 0 : i32
      %dma_start3A_223 = arith.constant 0 : i32
      %dma_start3A_224 = tpu.memref_slice %arg13[%dma_start3A_222, %dma_start3A_223] : memref<10128x128xf32, #tpu.memory_space<vmem_shared>> -> memref<10128x128xf32, #tpu.memory_space<vmem_shared>>
      tpu.enqueue_indirect_dma source(%arg7 : memref<128x128xf32, #tpu.memory_space<vmem>>) target(%dma_start3A_224 : memref<10128x128xf32, #tpu.memory_space<vmem_shared>>) offsets(%dma_start3A_221 : memref<128xi32, #tpu.memory_space<vmem>>) semaphore(%arg11 : memref<!tpu.dma_semaphore, #tpu.memory_space<semaphore_mem>>) {add = true}
      %dma_wait3A_225 = arith.constant 6 : i32
      %dma_wait3A_226 = arith.constant 0 : i32
      %dma_wait3A_227 = tpu.memref_slice %arg6[%dma_wait3A_225, %dma_wait3A_226] : memref<16x128xi32, #tpu.memory_space<vmem>> -> memref<1x128xi32, #tpu.memory_space<vmem>>
      %dma_wait3A_228 = tpu.memref_squeeze %dma_wait3A_227 : memref<1x128xi32, #tpu.memory_space<vmem>> -> memref<128xi32, #tpu.memory_space<vmem>>
      %dma_wait3A_229 = arith.constant 0 : i32
      %dma_wait3A_230 = arith.constant 0 : i32
      %dma_wait3A_231 = tpu.memref_slice %arg13[%dma_wait3A_229, %dma_wait3A_230] : memref<10128x128xf32, #tpu.memory_space<vmem_shared>> -> memref<10128x128xf32, #tpu.memory_space<vmem_shared>>
      tpu.wait_indirect_dma semaphore(%arg11 : memref<!tpu.dma_semaphore, #tpu.memory_space<semaphore_mem>>) src(%arg7 : memref<128x128xf32, #tpu.memory_space<vmem>>) dst(%dma_wait3A_231 : memref<10128x128xf32, #tpu.memory_space<vmem_shared>>)
      %dma_start3A_232 = arith.constant 8 : i32
      %dma_start3A_233 = arith.constant 0 : i32
      %dma_start3A_234 = tpu.memref_slice %arg5[%dma_start3A_232, %dma_start3A_233] : memref<16x128xi32, #tpu.memory_space<vmem>> -> memref<1x128xi32, #tpu.memory_space<vmem>>
      %dma_start3A_235 = tpu.memref_squeeze %dma_start3A_234 : memref<1x128xi32, #tpu.memory_space<vmem>> -> memref<128xi32, #tpu.memory_space<vmem>>
      %dma_start3A_236 = arith.constant 0 : i32
      %dma_start3A_237 = arith.constant 0 : i32
      %dma_start3A_238 = tpu.memref_slice %arg2[%dma_start3A_236, %dma_start3A_237] : memref<10000x128xf32, #tpu.memory_space<hbm>> -> memref<10000x128xf32, #tpu.memory_space<hbm>>
      tpu.enqueue_indirect_dma source(%dma_start3A_238 : memref<10000x128xf32, #tpu.memory_space<hbm>>) target(%arg7 : memref<128x128xf32, #tpu.memory_space<vmem>>) offsets(%dma_start3A_235 : memref<128xi32, #tpu.memory_space<vmem>>) semaphore(%arg9 : memref<!tpu.dma_semaphore, #tpu.memory_space<semaphore_mem>>)
      %dma_wait3A_239 = arith.constant 7 : i32
      %dma_wait3A_240 = arith.constant 0 : i32
      %dma_wait3A_241 = tpu.memref_slice %arg5[%dma_wait3A_239, %dma_wait3A_240] : memref<16x128xi32, #tpu.memory_space<vmem>> -> memref<1x128xi32, #tpu.memory_space<vmem>>
      %dma_wait3A_242 = tpu.memref_squeeze %dma_wait3A_241 : memref<1x128xi32, #tpu.memory_space<vmem>> -> memref<128xi32, #tpu.memory_space<vmem>>
      %dma_wait3A_243 = arith.constant 0 : i32
      %dma_wait3A_244 = arith.constant 0 : i32
      %dma_wait3A_245 = tpu.memref_slice %arg2[%dma_wait3A_243, %dma_wait3A_244] : memref<10000x128xf32, #tpu.memory_space<hbm>> -> memref<10000x128xf32, #tpu.memory_space<hbm>>
      tpu.wait_indirect_dma semaphore(%arg10 : memref<!tpu.dma_semaphore, #tpu.memory_space<semaphore_mem>>) src(%dma_wait3A_245 : memref<10000x128xf32, #tpu.memory_space<hbm>>) dst(%arg8 : memref<128x128xf32, #tpu.memory_space<vmem>>)
      %dma_start3A_246 = arith.constant 7 : i32
      %dma_start3A_247 = arith.constant 0 : i32
      %dma_start3A_248 = tpu.memref_slice %arg6[%dma_start3A_246, %dma_start3A_247] : memref<16x128xi32, #tpu.memory_space<vmem>> -> memref<1x128xi32, #tpu.memory_space<vmem>>
      %dma_start3A_249 = tpu.memref_squeeze %dma_start3A_248 : memref<1x128xi32, #tpu.memory_space<vmem>> -> memref<128xi32, #tpu.memory_space<vmem>>
      %dma_start3A_250 = arith.constant 0 : i32
      %dma_start3A_251 = arith.constant 0 : i32
      %dma_start3A_252 = tpu.memref_slice %arg13[%dma_start3A_250, %dma_start3A_251] : memref<10128x128xf32, #tpu.memory_space<vmem_shared>> -> memref<10128x128xf32, #tpu.memory_space<vmem_shared>>
      tpu.enqueue_indirect_dma source(%arg8 : memref<128x128xf32, #tpu.memory_space<vmem>>) target(%dma_start3A_252 : memref<10128x128xf32, #tpu.memory_space<vmem_shared>>) offsets(%dma_start3A_249 : memref<128xi32, #tpu.memory_space<vmem>>) semaphore(%arg12 : memref<!tpu.dma_semaphore, #tpu.memory_space<semaphore_mem>>) {add = true}
      %dma_wait3A_253 = arith.constant 7 : i32
      %dma_wait3A_254 = arith.constant 0 : i32
      %dma_wait3A_255 = tpu.memref_slice %arg6[%dma_wait3A_253, %dma_wait3A_254] : memref<16x128xi32, #tpu.memory_space<vmem>> -> memref<1x128xi32, #tpu.memory_space<vmem>>
      %dma_wait3A_256 = tpu.memref_squeeze %dma_wait3A_255 : memref<1x128xi32, #tpu.memory_space<vmem>> -> memref<128xi32, #tpu.memory_space<vmem>>
      %dma_wait3A_257 = arith.constant 0 : i32
      %dma_wait3A_258 = arith.constant 0 : i32
      %dma_wait3A_259 = tpu.memref_slice %arg13[%dma_wait3A_257, %dma_wait3A_258] : memref<10128x128xf32, #tpu.memory_space<vmem_shared>> -> memref<10128x128xf32, #tpu.memory_space<vmem_shared>>
      tpu.wait_indirect_dma semaphore(%arg12 : memref<!tpu.dma_semaphore, #tpu.memory_space<semaphore_mem>>) src(%arg8 : memref<128x128xf32, #tpu.memory_space<vmem>>) dst(%dma_wait3A_259 : memref<10128x128xf32, #tpu.memory_space<vmem_shared>>)
      %dma_start3A_260 = arith.constant 9 : i32
      %dma_start3A_261 = arith.constant 0 : i32
      %dma_start3A_262 = tpu.memref_slice %arg5[%dma_start3A_260, %dma_start3A_261] : memref<16x128xi32, #tpu.memory_space<vmem>> -> memref<1x128xi32, #tpu.memory_space<vmem>>
      %dma_start3A_263 = tpu.memref_squeeze %dma_start3A_262 : memref<1x128xi32, #tpu.memory_space<vmem>> -> memref<128xi32, #tpu.memory_space<vmem>>
      %dma_start3A_264 = arith.constant 0 : i32
      %dma_start3A_265 = arith.constant 0 : i32
      %dma_start3A_266 = tpu.memref_slice %arg2[%dma_start3A_264, %dma_start3A_265] : memref<10000x128xf32, #tpu.memory_space<hbm>> -> memref<10000x128xf32, #tpu.memory_space<hbm>>
      tpu.enqueue_indirect_dma source(%dma_start3A_266 : memref<10000x128xf32, #tpu.memory_space<hbm>>) target(%arg8 : memref<128x128xf32, #tpu.memory_space<vmem>>) offsets(%dma_start3A_263 : memref<128xi32, #tpu.memory_space<vmem>>) semaphore(%arg10 : memref<!tpu.dma_semaphore, #tpu.memory_space<semaphore_mem>>)
      %dma_wait3A_267 = arith.constant 8 : i32
      %dma_wait3A_268 = arith.constant 0 : i32
      %dma_wait3A_269 = tpu.memref_slice %arg5[%dma_wait3A_267, %dma_wait3A_268] : memref<16x128xi32, #tpu.memory_space<vmem>> -> memref<1x128xi32, #tpu.memory_space<vmem>>
      %dma_wait3A_270 = tpu.memref_squeeze %dma_wait3A_269 : memref<1x128xi32, #tpu.memory_space<vmem>> -> memref<128xi32, #tpu.memory_space<vmem>>
      %dma_wait3A_271 = arith.constant 0 : i32
      %dma_wait3A_272 = arith.constant 0 : i32
      %dma_wait3A_273 = tpu.memref_slice %arg2[%dma_wait3A_271, %dma_wait3A_272] : memref<10000x128xf32, #tpu.memory_space<hbm>> -> memref<10000x128xf32, #tpu.memory_space<hbm>>
      tpu.wait_indirect_dma semaphore(%arg9 : memref<!tpu.dma_semaphore, #tpu.memory_space<semaphore_mem>>) src(%dma_wait3A_273 : memref<10000x128xf32, #tpu.memory_space<hbm>>) dst(%arg7 : memref<128x128xf32, #tpu.memory_space<vmem>>)
      %dma_start3A_274 = arith.constant 8 : i32
      %dma_start3A_275 = arith.constant 0 : i32
      %dma_start3A_276 = tpu.memref_slice %arg6[%dma_start3A_274, %dma_start3A_275] : memref<16x128xi32, #tpu.memory_space<vmem>> -> memref<1x128xi32, #tpu.memory_space<vmem>>
      %dma_start3A_277 = tpu.memref_squeeze %dma_start3A_276 : memref<1x128xi32, #tpu.memory_space<vmem>> -> memref<128xi32, #tpu.memory_space<vmem>>
      %dma_start3A_278 = arith.constant 0 : i32
      %dma_start3A_279 = arith.constant 0 : i32
      %dma_start3A_280 = tpu.memref_slice %arg13[%dma_start3A_278, %dma_start3A_279] : memref<10128x128xf32, #tpu.memory_space<vmem_shared>> -> memref<10128x128xf32, #tpu.memory_space<vmem_shared>>
      tpu.enqueue_indirect_dma source(%arg7 : memref<128x128xf32, #tpu.memory_space<vmem>>) target(%dma_start3A_280 : memref<10128x128xf32, #tpu.memory_space<vmem_shared>>) offsets(%dma_start3A_277 : memref<128xi32, #tpu.memory_space<vmem>>) semaphore(%arg11 : memref<!tpu.dma_semaphore, #tpu.memory_space<semaphore_mem>>) {add = true}
      %dma_wait3A_281 = arith.constant 8 : i32
      %dma_wait3A_282 = arith.constant 0 : i32
      %dma_wait3A_283 = tpu.memref_slice %arg6[%dma_wait3A_281, %dma_wait3A_282] : memref<16x128xi32, #tpu.memory_space<vmem>> -> memref<1x128xi32, #tpu.memory_space<vmem>>
      %dma_wait3A_284 = tpu.memref_squeeze %dma_wait3A_283 : memref<1x128xi32, #tpu.memory_space<vmem>> -> memref<128xi32, #tpu.memory_space<vmem>>
      %dma_wait3A_285 = arith.constant 0 : i32
      %dma_wait3A_286 = arith.constant 0 : i32
      %dma_wait3A_287 = tpu.memref_slice %arg13[%dma_wait3A_285, %dma_wait3A_286] : memref<10128x128xf32, #tpu.memory_space<vmem_shared>> -> memref<10128x128xf32, #tpu.memory_space<vmem_shared>>
      tpu.wait_indirect_dma semaphore(%arg11 : memref<!tpu.dma_semaphore, #tpu.memory_space<semaphore_mem>>) src(%arg7 : memref<128x128xf32, #tpu.memory_space<vmem>>) dst(%dma_wait3A_287 : memref<10128x128xf32, #tpu.memory_space<vmem_shared>>)
      %dma_start3A_288 = arith.constant 10 : i32
      %dma_start3A_289 = arith.constant 0 : i32
      %dma_start3A_290 = tpu.memref_slice %arg5[%dma_start3A_288, %dma_start3A_289] : memref<16x128xi32, #tpu.memory_space<vmem>> -> memref<1x128xi32, #tpu.memory_space<vmem>>
      %dma_start3A_291 = tpu.memref_squeeze %dma_start3A_290 : memref<1x128xi32, #tpu.memory_space<vmem>> -> memref<128xi32, #tpu.memory_space<vmem>>
      %dma_start3A_292 = arith.constant 0 : i32
      %dma_start3A_293 = arith.constant 0 : i32
      %dma_start3A_294 = tpu.memref_slice %arg2[%dma_start3A_292, %dma_start3A_293] : memref<10000x128xf32, #tpu.memory_space<hbm>> -> memref<10000x128xf32, #tpu.memory_space<hbm>>
      tpu.enqueue_indirect_dma source(%dma_start3A_294 : memref<10000x128xf32, #tpu.memory_space<hbm>>) target(%arg7 : memref<128x128xf32, #tpu.memory_space<vmem>>) offsets(%dma_start3A_291 : memref<128xi32, #tpu.memory_space<vmem>>) semaphore(%arg9 : memref<!tpu.dma_semaphore, #tpu.memory_space<semaphore_mem>>)
      %dma_wait3A_295 = arith.constant 9 : i32
      %dma_wait3A_296 = arith.constant 0 : i32
      %dma_wait3A_297 = tpu.memref_slice %arg5[%dma_wait3A_295, %dma_wait3A_296] : memref<16x128xi32, #tpu.memory_space<vmem>> -> memref<1x128xi32, #tpu.memory_space<vmem>>
      %dma_wait3A_298 = tpu.memref_squeeze %dma_wait3A_297 : memref<1x128xi32, #tpu.memory_space<vmem>> -> memref<128xi32, #tpu.memory_space<vmem>>
      %dma_wait3A_299 = arith.constant 0 : i32
      %dma_wait3A_300 = arith.constant 0 : i32
      %dma_wait3A_301 = tpu.memref_slice %arg2[%dma_wait3A_299, %dma_wait3A_300] : memref<10000x128xf32, #tpu.memory_space<hbm>> -> memref<10000x128xf32, #tpu.memory_space<hbm>>
      tpu.wait_indirect_dma semaphore(%arg10 : memref<!tpu.dma_semaphore, #tpu.memory_space<semaphore_mem>>) src(%dma_wait3A_301 : memref<10000x128xf32, #tpu.memory_space<hbm>>) dst(%arg8 : memref<128x128xf32, #tpu.memory_space<vmem>>)
      %dma_start3A_302 = arith.constant 9 : i32
      %dma_start3A_303 = arith.constant 0 : i32
      %dma_start3A_304 = tpu.memref_slice %arg6[%dma_start3A_302, %dma_start3A_303] : memref<16x128xi32, #tpu.memory_space<vmem>> -> memref<1x128xi32, #tpu.memory_space<vmem>>
      %dma_start3A_305 = tpu.memref_squeeze %dma_start3A_304 : memref<1x128xi32, #tpu.memory_space<vmem>> -> memref<128xi32, #tpu.memory_space<vmem>>
      %dma_start3A_306 = arith.constant 0 : i32
      %dma_start3A_307 = arith.constant 0 : i32
      %dma_start3A_308 = tpu.memref_slice %arg13[%dma_start3A_306, %dma_start3A_307] : memref<10128x128xf32, #tpu.memory_space<vmem_shared>> -> memref<10128x128xf32, #tpu.memory_space<vmem_shared>>
      tpu.enqueue_indirect_dma source(%arg8 : memref<128x128xf32, #tpu.memory_space<vmem>>) target(%dma_start3A_308 : memref<10128x128xf32, #tpu.memory_space<vmem_shared>>) offsets(%dma_start3A_305 : memref<128xi32, #tpu.memory_space<vmem>>) semaphore(%arg12 : memref<!tpu.dma_semaphore, #tpu.memory_space<semaphore_mem>>) {add = true}
      %dma_wait3A_309 = arith.constant 9 : i32
      %dma_wait3A_310 = arith.constant 0 : i32
      %dma_wait3A_311 = tpu.memref_slice %arg6[%dma_wait3A_309, %dma_wait3A_310] : memref<16x128xi32, #tpu.memory_space<vmem>> -> memref<1x128xi32, #tpu.memory_space<vmem>>
      %dma_wait3A_312 = tpu.memref_squeeze %dma_wait3A_311 : memref<1x128xi32, #tpu.memory_space<vmem>> -> memref<128xi32, #tpu.memory_space<vmem>>
      %dma_wait3A_313 = arith.constant 0 : i32
      %dma_wait3A_314 = arith.constant 0 : i32
      %dma_wait3A_315 = tpu.memref_slice %arg13[%dma_wait3A_313, %dma_wait3A_314] : memref<10128x128xf32, #tpu.memory_space<vmem_shared>> -> memref<10128x128xf32, #tpu.memory_space<vmem_shared>>
      tpu.wait_indirect_dma semaphore(%arg12 : memref<!tpu.dma_semaphore, #tpu.memory_space<semaphore_mem>>) src(%arg8 : memref<128x128xf32, #tpu.memory_space<vmem>>) dst(%dma_wait3A_315 : memref<10128x128xf32, #tpu.memory_space<vmem_shared>>)
      %dma_start3A_316 = arith.constant 11 : i32
      %dma_start3A_317 = arith.constant 0 : i32
      %dma_start3A_318 = tpu.memref_slice %arg5[%dma_start3A_316, %dma_start3A_317] : memref<16x128xi32, #tpu.memory_space<vmem>> -> memref<1x128xi32, #tpu.memory_space<vmem>>
      %dma_start3A_319 = tpu.memref_squeeze %dma_start3A_318 : memref<1x128xi32, #tpu.memory_space<vmem>> -> memref<128xi32, #tpu.memory_space<vmem>>
      %dma_start3A_320 = arith.constant 0 : i32
      %dma_start3A_321 = arith.constant 0 : i32
      %dma_start3A_322 = tpu.memref_slice %arg2[%dma_start3A_320, %dma_start3A_321] : memref<10000x128xf32, #tpu.memory_space<hbm>> -> memref<10000x128xf32, #tpu.memory_space<hbm>>
      tpu.enqueue_indirect_dma source(%dma_start3A_322 : memref<10000x128xf32, #tpu.memory_space<hbm>>) target(%arg8 : memref<128x128xf32, #tpu.memory_space<vmem>>) offsets(%dma_start3A_319 : memref<128xi32, #tpu.memory_space<vmem>>) semaphore(%arg10 : memref<!tpu.dma_semaphore, #tpu.memory_space<semaphore_mem>>)
      %dma_wait3A_323 = arith.constant 10 : i32
      %dma_wait3A_324 = arith.constant 0 : i32
      %dma_wait3A_325 = tpu.memref_slice %arg5[%dma_wait3A_323, %dma_wait3A_324] : memref<16x128xi32, #tpu.memory_space<vmem>> -> memref<1x128xi32, #tpu.memory_space<vmem>>
      %dma_wait3A_326 = tpu.memref_squeeze %dma_wait3A_325 : memref<1x128xi32, #tpu.memory_space<vmem>> -> memref<128xi32, #tpu.memory_space<vmem>>
      %dma_wait3A_327 = arith.constant 0 : i32
      %dma_wait3A_328 = arith.constant 0 : i32
      %dma_wait3A_329 = tpu.memref_slice %arg2[%dma_wait3A_327, %dma_wait3A_328] : memref<10000x128xf32, #tpu.memory_space<hbm>> -> memref<10000x128xf32, #tpu.memory_space<hbm>>
      tpu.wait_indirect_dma semaphore(%arg9 : memref<!tpu.dma_semaphore, #tpu.memory_space<semaphore_mem>>) src(%dma_wait3A_329 : memref<10000x128xf32, #tpu.memory_space<hbm>>) dst(%arg7 : memref<128x128xf32, #tpu.memory_space<vmem>>)
      %dma_start3A_330 = arith.constant 10 : i32
      %dma_start3A_331 = arith.constant 0 : i32
      %dma_start3A_332 = tpu.memref_slice %arg6[%dma_start3A_330, %dma_start3A_331] : memref<16x128xi32, #tpu.memory_space<vmem>> -> memref<1x128xi32, #tpu.memory_space<vmem>>
      %dma_start3A_333 = tpu.memref_squeeze %dma_start3A_332 : memref<1x128xi32, #tpu.memory_space<vmem>> -> memref<128xi32, #tpu.memory_space<vmem>>
      %dma_start3A_334 = arith.constant 0 : i32
      %dma_start3A_335 = arith.constant 0 : i32
      %dma_start3A_336 = tpu.memref_slice %arg13[%dma_start3A_334, %dma_start3A_335] : memref<10128x128xf32, #tpu.memory_space<vmem_shared>> -> memref<10128x128xf32, #tpu.memory_space<vmem_shared>>
      tpu.enqueue_indirect_dma source(%arg7 : memref<128x128xf32, #tpu.memory_space<vmem>>) target(%dma_start3A_336 : memref<10128x128xf32, #tpu.memory_space<vmem_shared>>) offsets(%dma_start3A_333 : memref<128xi32, #tpu.memory_space<vmem>>) semaphore(%arg11 : memref<!tpu.dma_semaphore, #tpu.memory_space<semaphore_mem>>) {add = true}
      %dma_wait3A_337 = arith.constant 10 : i32
      %dma_wait3A_338 = arith.constant 0 : i32
      %dma_wait3A_339 = tpu.memref_slice %arg6[%dma_wait3A_337, %dma_wait3A_338] : memref<16x128xi32, #tpu.memory_space<vmem>> -> memref<1x128xi32, #tpu.memory_space<vmem>>
      %dma_wait3A_340 = tpu.memref_squeeze %dma_wait3A_339 : memref<1x128xi32, #tpu.memory_space<vmem>> -> memref<128xi32, #tpu.memory_space<vmem>>
      %dma_wait3A_341 = arith.constant 0 : i32
      %dma_wait3A_342 = arith.constant 0 : i32
      %dma_wait3A_343 = tpu.memref_slice %arg13[%dma_wait3A_341, %dma_wait3A_342] : memref<10128x128xf32, #tpu.memory_space<vmem_shared>> -> memref<10128x128xf32, #tpu.memory_space<vmem_shared>>
      tpu.wait_indirect_dma semaphore(%arg11 : memref<!tpu.dma_semaphore, #tpu.memory_space<semaphore_mem>>) src(%arg7 : memref<128x128xf32, #tpu.memory_space<vmem>>) dst(%dma_wait3A_343 : memref<10128x128xf32, #tpu.memory_space<vmem_shared>>)
      %dma_start3A_344 = arith.constant 12 : i32
      %dma_start3A_345 = arith.constant 0 : i32
      %dma_start3A_346 = tpu.memref_slice %arg5[%dma_start3A_344, %dma_start3A_345] : memref<16x128xi32, #tpu.memory_space<vmem>> -> memref<1x128xi32, #tpu.memory_space<vmem>>
      %dma_start3A_347 = tpu.memref_squeeze %dma_start3A_346 : memref<1x128xi32, #tpu.memory_space<vmem>> -> memref<128xi32, #tpu.memory_space<vmem>>
      %dma_start3A_348 = arith.constant 0 : i32
      %dma_start3A_349 = arith.constant 0 : i32
      %dma_start3A_350 = tpu.memref_slice %arg2[%dma_start3A_348, %dma_start3A_349] : memref<10000x128xf32, #tpu.memory_space<hbm>> -> memref<10000x128xf32, #tpu.memory_space<hbm>>
      tpu.enqueue_indirect_dma source(%dma_start3A_350 : memref<10000x128xf32, #tpu.memory_space<hbm>>) target(%arg7 : memref<128x128xf32, #tpu.memory_space<vmem>>) offsets(%dma_start3A_347 : memref<128xi32, #tpu.memory_space<vmem>>) semaphore(%arg9 : memref<!tpu.dma_semaphore, #tpu.memory_space<semaphore_mem>>)
      %dma_wait3A_351 = arith.constant 11 : i32
      %dma_wait3A_352 = arith.constant 0 : i32
      %dma_wait3A_353 = tpu.memref_slice %arg5[%dma_wait3A_351, %dma_wait3A_352] : memref<16x128xi32, #tpu.memory_space<vmem>> -> memref<1x128xi32, #tpu.memory_space<vmem>>
      %dma_wait3A_354 = tpu.memref_squeeze %dma_wait3A_353 : memref<1x128xi32, #tpu.memory_space<vmem>> -> memref<128xi32, #tpu.memory_space<vmem>>
      %dma_wait3A_355 = arith.constant 0 : i32
      %dma_wait3A_356 = arith.constant 0 : i32
      %dma_wait3A_357 = tpu.memref_slice %arg2[%dma_wait3A_355, %dma_wait3A_356] : memref<10000x128xf32, #tpu.memory_space<hbm>> -> memref<10000x128xf32, #tpu.memory_space<hbm>>
      tpu.wait_indirect_dma semaphore(%arg10 : memref<!tpu.dma_semaphore, #tpu.memory_space<semaphore_mem>>) src(%dma_wait3A_357 : memref<10000x128xf32, #tpu.memory_space<hbm>>) dst(%arg8 : memref<128x128xf32, #tpu.memory_space<vmem>>)
      %dma_start3A_358 = arith.constant 11 : i32
      %dma_start3A_359 = arith.constant 0 : i32
      %dma_start3A_360 = tpu.memref_slice %arg6[%dma_start3A_358, %dma_start3A_359] : memref<16x128xi32, #tpu.memory_space<vmem>> -> memref<1x128xi32, #tpu.memory_space<vmem>>
      %dma_start3A_361 = tpu.memref_squeeze %dma_start3A_360 : memref<1x128xi32, #tpu.memory_space<vmem>> -> memref<128xi32, #tpu.memory_space<vmem>>
      %dma_start3A_362 = arith.constant 0 : i32
      %dma_start3A_363 = arith.constant 0 : i32
      %dma_start3A_364 = tpu.memref_slice %arg13[%dma_start3A_362, %dma_start3A_363] : memref<10128x128xf32, #tpu.memory_space<vmem_shared>> -> memref<10128x128xf32, #tpu.memory_space<vmem_shared>>
      tpu.enqueue_indirect_dma source(%arg8 : memref<128x128xf32, #tpu.memory_space<vmem>>) target(%dma_start3A_364 : memref<10128x128xf32, #tpu.memory_space<vmem_shared>>) offsets(%dma_start3A_361 : memref<128xi32, #tpu.memory_space<vmem>>) semaphore(%arg12 : memref<!tpu.dma_semaphore, #tpu.memory_space<semaphore_mem>>) {add = true}
      %dma_wait3A_365 = arith.constant 11 : i32
      %dma_wait3A_366 = arith.constant 0 : i32
      %dma_wait3A_367 = tpu.memref_slice %arg6[%dma_wait3A_365, %dma_wait3A_366] : memref<16x128xi32, #tpu.memory_space<vmem>> -> memref<1x128xi32, #tpu.memory_space<vmem>>
      %dma_wait3A_368 = tpu.memref_squeeze %dma_wait3A_367 : memref<1x128xi32, #tpu.memory_space<vmem>> -> memref<128xi32, #tpu.memory_space<vmem>>
      %dma_wait3A_369 = arith.constant 0 : i32
      %dma_wait3A_370 = arith.constant 0 : i32
      %dma_wait3A_371 = tpu.memref_slice %arg13[%dma_wait3A_369, %dma_wait3A_370] : memref<10128x128xf32, #tpu.memory_space<vmem_shared>> -> memref<10128x128xf32, #tpu.memory_space<vmem_shared>>
      tpu.wait_indirect_dma semaphore(%arg12 : memref<!tpu.dma_semaphore, #tpu.memory_space<semaphore_mem>>) src(%arg8 : memref<128x128xf32, #tpu.memory_space<vmem>>) dst(%dma_wait3A_371 : memref<10128x128xf32, #tpu.memory_space<vmem_shared>>)
      %dma_start3A_372 = arith.constant 13 : i32
      %dma_start3A_373 = arith.constant 0 : i32
      %dma_start3A_374 = tpu.memref_slice %arg5[%dma_start3A_372, %dma_start3A_373] : memref<16x128xi32, #tpu.memory_space<vmem>> -> memref<1x128xi32, #tpu.memory_space<vmem>>
      %dma_start3A_375 = tpu.memref_squeeze %dma_start3A_374 : memref<1x128xi32, #tpu.memory_space<vmem>> -> memref<128xi32, #tpu.memory_space<vmem>>
      %dma_start3A_376 = arith.constant 0 : i32
      %dma_start3A_377 = arith.constant 0 : i32
      %dma_start3A_378 = tpu.memref_slice %arg2[%dma_start3A_376, %dma_start3A_377] : memref<10000x128xf32, #tpu.memory_space<hbm>> -> memref<10000x128xf32, #tpu.memory_space<hbm>>
      tpu.enqueue_indirect_dma source(%dma_start3A_378 : memref<10000x128xf32, #tpu.memory_space<hbm>>) target(%arg8 : memref<128x128xf32, #tpu.memory_space<vmem>>) offsets(%dma_start3A_375 : memref<128xi32, #tpu.memory_space<vmem>>) semaphore(%arg10 : memref<!tpu.dma_semaphore, #tpu.memory_space<semaphore_mem>>)
      %dma_wait3A_379 = arith.constant 12 : i32
      %dma_wait3A_380 = arith.constant 0 : i32
      %dma_wait3A_381 = tpu.memref_slice %arg5[%dma_wait3A_379, %dma_wait3A_380] : memref<16x128xi32, #tpu.memory_space<vmem>> -> memref<1x128xi32, #tpu.memory_space<vmem>>
      %dma_wait3A_382 = tpu.memref_squeeze %dma_wait3A_381 : memref<1x128xi32, #tpu.memory_space<vmem>> -> memref<128xi32, #tpu.memory_space<vmem>>
      %dma_wait3A_383 = arith.constant 0 : i32
      %dma_wait3A_384 = arith.constant 0 : i32
      %dma_wait3A_385 = tpu.memref_slice %arg2[%dma_wait3A_383, %dma_wait3A_384] : memref<10000x128xf32, #tpu.memory_space<hbm>> -> memref<10000x128xf32, #tpu.memory_space<hbm>>
      tpu.wait_indirect_dma semaphore(%arg9 : memref<!tpu.dma_semaphore, #tpu.memory_space<semaphore_mem>>) src(%dma_wait3A_385 : memref<10000x128xf32, #tpu.memory_space<hbm>>) dst(%arg7 : memref<128x128xf32, #tpu.memory_space<vmem>>)
      %dma_start3A_386 = arith.constant 12 : i32
      %dma_start3A_387 = arith.constant 0 : i32
      %dma_start3A_388 = tpu.memref_slice %arg6[%dma_start3A_386, %dma_start3A_387] : memref<16x128xi32, #tpu.memory_space<vmem>> -> memref<1x128xi32, #tpu.memory_space<vmem>>
      %dma_start3A_389 = tpu.memref_squeeze %dma_start3A_388 : memref<1x128xi32, #tpu.memory_space<vmem>> -> memref<128xi32, #tpu.memory_space<vmem>>
      %dma_start3A_390 = arith.constant 0 : i32
      %dma_start3A_391 = arith.constant 0 : i32
      %dma_start3A_392 = tpu.memref_slice %arg13[%dma_start3A_390, %dma_start3A_391] : memref<10128x128xf32, #tpu.memory_space<vmem_shared>> -> memref<10128x128xf32, #tpu.memory_space<vmem_shared>>
      tpu.enqueue_indirect_dma source(%arg7 : memref<128x128xf32, #tpu.memory_space<vmem>>) target(%dma_start3A_392 : memref<10128x128xf32, #tpu.memory_space<vmem_shared>>) offsets(%dma_start3A_389 : memref<128xi32, #tpu.memory_space<vmem>>) semaphore(%arg11 : memref<!tpu.dma_semaphore, #tpu.memory_space<semaphore_mem>>) {add = true}
      %dma_wait3A_393 = arith.constant 12 : i32
      %dma_wait3A_394 = arith.constant 0 : i32
      %dma_wait3A_395 = tpu.memref_slice %arg6[%dma_wait3A_393, %dma_wait3A_394] : memref<16x128xi32, #tpu.memory_space<vmem>> -> memref<1x128xi32, #tpu.memory_space<vmem>>
      %dma_wait3A_396 = tpu.memref_squeeze %dma_wait3A_395 : memref<1x128xi32, #tpu.memory_space<vmem>> -> memref<128xi32, #tpu.memory_space<vmem>>
      %dma_wait3A_397 = arith.constant 0 : i32
      %dma_wait3A_398 = arith.constant 0 : i32
      %dma_wait3A_399 = tpu.memref_slice %arg13[%dma_wait3A_397, %dma_wait3A_398] : memref<10128x128xf32, #tpu.memory_space<vmem_shared>> -> memref<10128x128xf32, #tpu.memory_space<vmem_shared>>
      tpu.wait_indirect_dma semaphore(%arg11 : memref<!tpu.dma_semaphore, #tpu.memory_space<semaphore_mem>>) src(%arg7 : memref<128x128xf32, #tpu.memory_space<vmem>>) dst(%dma_wait3A_399 : memref<10128x128xf32, #tpu.memory_space<vmem_shared>>)
      %dma_start3A_400 = arith.constant 14 : i32
      %dma_start3A_401 = arith.constant 0 : i32
      %dma_start3A_402 = tpu.memref_slice %arg5[%dma_start3A_400, %dma_start3A_401] : memref<16x128xi32, #tpu.memory_space<vmem>> -> memref<1x128xi32, #tpu.memory_space<vmem>>
      %dma_start3A_403 = tpu.memref_squeeze %dma_start3A_402 : memref<1x128xi32, #tpu.memory_space<vmem>> -> memref<128xi32, #tpu.memory_space<vmem>>
      %dma_start3A_404 = arith.constant 0 : i32
      %dma_start3A_405 = arith.constant 0 : i32
      %dma_start3A_406 = tpu.memref_slice %arg2[%dma_start3A_404, %dma_start3A_405] : memref<10000x128xf32, #tpu.memory_space<hbm>> -> memref<10000x128xf32, #tpu.memory_space<hbm>>
      tpu.enqueue_indirect_dma source(%dma_start3A_406 : memref<10000x128xf32, #tpu.memory_space<hbm>>) target(%arg7 : memref<128x128xf32, #tpu.memory_space<vmem>>) offsets(%dma_start3A_403 : memref<128xi32, #tpu.memory_space<vmem>>) semaphore(%arg9 : memref<!tpu.dma_semaphore, #tpu.memory_space<semaphore_mem>>)
      %dma_wait3A_407 = arith.constant 13 : i32
      %dma_wait3A_408 = arith.constant 0 : i32
      %dma_wait3A_409 = tpu.memref_slice %arg5[%dma_wait3A_407, %dma_wait3A_408] : memref<16x128xi32, #tpu.memory_space<vmem>> -> memref<1x128xi32, #tpu.memory_space<vmem>>
      %dma_wait3A_410 = tpu.memref_squeeze %dma_wait3A_409 : memref<1x128xi32, #tpu.memory_space<vmem>> -> memref<128xi32, #tpu.memory_space<vmem>>
      %dma_wait3A_411 = arith.constant 0 : i32
      %dma_wait3A_412 = arith.constant 0 : i32
      %dma_wait3A_413 = tpu.memref_slice %arg2[%dma_wait3A_411, %dma_wait3A_412] : memref<10000x128xf32, #tpu.memory_space<hbm>> -> memref<10000x128xf32, #tpu.memory_space<hbm>>
      tpu.wait_indirect_dma semaphore(%arg10 : memref<!tpu.dma_semaphore, #tpu.memory_space<semaphore_mem>>) src(%dma_wait3A_413 : memref<10000x128xf32, #tpu.memory_space<hbm>>) dst(%arg8 : memref<128x128xf32, #tpu.memory_space<vmem>>)
      %dma_start3A_414 = arith.constant 13 : i32
      %dma_start3A_415 = arith.constant 0 : i32
      %dma_start3A_416 = tpu.memref_slice %arg6[%dma_start3A_414, %dma_start3A_415] : memref<16x128xi32, #tpu.memory_space<vmem>> -> memref<1x128xi32, #tpu.memory_space<vmem>>
      %dma_start3A_417 = tpu.memref_squeeze %dma_start3A_416 : memref<1x128xi32, #tpu.memory_space<vmem>> -> memref<128xi32, #tpu.memory_space<vmem>>
      %dma_start3A_418 = arith.constant 0 : i32
      %dma_start3A_419 = arith.constant 0 : i32
      %dma_start3A_420 = tpu.memref_slice %arg13[%dma_start3A_418, %dma_start3A_419] : memref<10128x128xf32, #tpu.memory_space<vmem_shared>> -> memref<10128x128xf32, #tpu.memory_space<vmem_shared>>
      tpu.enqueue_indirect_dma source(%arg8 : memref<128x128xf32, #tpu.memory_space<vmem>>) target(%dma_start3A_420 : memref<10128x128xf32, #tpu.memory_space<vmem_shared>>) offsets(%dma_start3A_417 : memref<128xi32, #tpu.memory_space<vmem>>) semaphore(%arg12 : memref<!tpu.dma_semaphore, #tpu.memory_space<semaphore_mem>>) {add = true}
      %dma_wait3A_421 = arith.constant 13 : i32
      %dma_wait3A_422 = arith.constant 0 : i32
      %dma_wait3A_423 = tpu.memref_slice %arg6[%dma_wait3A_421, %dma_wait3A_422] : memref<16x128xi32, #tpu.memory_space<vmem>> -> memref<1x128xi32, #tpu.memory_space<vmem>>
      %dma_wait3A_424 = tpu.memref_squeeze %dma_wait3A_423 : memref<1x128xi32, #tpu.memory_space<vmem>> -> memref<128xi32, #tpu.memory_space<vmem>>
      %dma_wait3A_425 = arith.constant 0 : i32
      %dma_wait3A_426 = arith.constant 0 : i32
      %dma_wait3A_427 = tpu.memref_slice %arg13[%dma_wait3A_425, %dma_wait3A_426] : memref<10128x128xf32, #tpu.memory_space<vmem_shared>> -> memref<10128x128xf32, #tpu.memory_space<vmem_shared>>
      tpu.wait_indirect_dma semaphore(%arg12 : memref<!tpu.dma_semaphore, #tpu.memory_space<semaphore_mem>>) src(%arg8 : memref<128x128xf32, #tpu.memory_space<vmem>>) dst(%dma_wait3A_427 : memref<10128x128xf32, #tpu.memory_space<vmem_shared>>)
      %dma_start3A_428 = arith.constant 15 : i32
      %dma_start3A_429 = arith.constant 0 : i32
      %dma_start3A_430 = tpu.memref_slice %arg5[%dma_start3A_428, %dma_start3A_429] : memref<16x128xi32, #tpu.memory_space<vmem>> -> memref<1x128xi32, #tpu.memory_space<vmem>>
      %dma_start3A_431 = tpu.memref_squeeze %dma_start3A_430 : memref<1x128xi32, #tpu.memory_space<vmem>> -> memref<128xi32, #tpu.memory_space<vmem>>
      %dma_start3A_432 = arith.constant 0 : i32
      %dma_start3A_433 = arith.constant 0 : i32
      %dma_start3A_434 = tpu.memref_slice %arg2[%dma_start3A_432, %dma_start3A_433] : memref<10000x128xf32, #tpu.memory_space<hbm>> -> memref<10000x128xf32, #tpu.memory_space<hbm>>
      tpu.enqueue_indirect_dma source(%dma_start3A_434 : memref<10000x128xf32, #tpu.memory_space<hbm>>) target(%arg8 : memref<128x128xf32, #tpu.memory_space<vmem>>) offsets(%dma_start3A_431 : memref<128xi32, #tpu.memory_space<vmem>>) semaphore(%arg10 : memref<!tpu.dma_semaphore, #tpu.memory_space<semaphore_mem>>)
      %dma_wait3A_435 = arith.constant 14 : i32
      %dma_wait3A_436 = arith.constant 0 : i32
      %dma_wait3A_437 = tpu.memref_slice %arg5[%dma_wait3A_435, %dma_wait3A_436] : memref<16x128xi32, #tpu.memory_space<vmem>> -> memref<1x128xi32, #tpu.memory_space<vmem>>
      %dma_wait3A_438 = tpu.memref_squeeze %dma_wait3A_437 : memref<1x128xi32, #tpu.memory_space<vmem>> -> memref<128xi32, #tpu.memory_space<vmem>>
      %dma_wait3A_439 = arith.constant 0 : i32
      %dma_wait3A_440 = arith.constant 0 : i32
      %dma_wait3A_441 = tpu.memref_slice %arg2[%dma_wait3A_439, %dma_wait3A_440] : memref<10000x128xf32, #tpu.memory_space<hbm>> -> memref<10000x128xf32, #tpu.memory_space<hbm>>
      tpu.wait_indirect_dma semaphore(%arg9 : memref<!tpu.dma_semaphore, #tpu.memory_space<semaphore_mem>>) src(%dma_wait3A_441 : memref<10000x128xf32, #tpu.memory_space<hbm>>) dst(%arg7 : memref<128x128xf32, #tpu.memory_space<vmem>>)
      %dma_start3A_442 = arith.constant 14 : i32
      %dma_start3A_443 = arith.constant 0 : i32
      %dma_start3A_444 = tpu.memref_slice %arg6[%dma_start3A_442, %dma_start3A_443] : memref<16x128xi32, #tpu.memory_space<vmem>> -> memref<1x128xi32, #tpu.memory_space<vmem>>
      %dma_start3A_445 = tpu.memref_squeeze %dma_start3A_444 : memref<1x128xi32, #tpu.memory_space<vmem>> -> memref<128xi32, #tpu.memory_space<vmem>>
      %dma_start3A_446 = arith.constant 0 : i32
      %dma_start3A_447 = arith.constant 0 : i32
      %dma_start3A_448 = tpu.memref_slice %arg13[%dma_start3A_446, %dma_start3A_447] : memref<10128x128xf32, #tpu.memory_space<vmem_shared>> -> memref<10128x128xf32, #tpu.memory_space<vmem_shared>>
      tpu.enqueue_indirect_dma source(%arg7 : memref<128x128xf32, #tpu.memory_space<vmem>>) target(%dma_start3A_448 : memref<10128x128xf32, #tpu.memory_space<vmem_shared>>) offsets(%dma_start3A_445 : memref<128xi32, #tpu.memory_space<vmem>>) semaphore(%arg11 : memref<!tpu.dma_semaphore, #tpu.memory_space<semaphore_mem>>) {add = true}
      %dma_wait3A_449 = arith.constant 14 : i32
      %dma_wait3A_450 = arith.constant 0 : i32
      %dma_wait3A_451 = tpu.memref_slice %arg6[%dma_wait3A_449, %dma_wait3A_450] : memref<16x128xi32, #tpu.memory_space<vmem>> -> memref<1x128xi32, #tpu.memory_space<vmem>>
      %dma_wait3A_452 = tpu.memref_squeeze %dma_wait3A_451 : memref<1x128xi32, #tpu.memory_space<vmem>> -> memref<128xi32, #tpu.memory_space<vmem>>
      %dma_wait3A_453 = arith.constant 0 : i32
      %dma_wait3A_454 = arith.constant 0 : i32
      %dma_wait3A_455 = tpu.memref_slice %arg13[%dma_wait3A_453, %dma_wait3A_454] : memref<10128x128xf32, #tpu.memory_space<vmem_shared>> -> memref<10128x128xf32, #tpu.memory_space<vmem_shared>>
      tpu.wait_indirect_dma semaphore(%arg11 : memref<!tpu.dma_semaphore, #tpu.memory_space<semaphore_mem>>) src(%arg7 : memref<128x128xf32, #tpu.memory_space<vmem>>) dst(%dma_wait3A_455 : memref<10128x128xf32, #tpu.memory_space<vmem_shared>>)
      %dma_wait3A_456 = arith.constant 15 : i32
      %dma_wait3A_457 = arith.constant 0 : i32
      %dma_wait3A_458 = tpu.memref_slice %arg5[%dma_wait3A_456, %dma_wait3A_457] : memref<16x128xi32, #tpu.memory_space<vmem>> -> memref<1x128xi32, #tpu.memory_space<vmem>>
      %dma_wait3A_459 = tpu.memref_squeeze %dma_wait3A_458 : memref<1x128xi32, #tpu.memory_space<vmem>> -> memref<128xi32, #tpu.memory_space<vmem>>
      %dma_wait3A_460 = arith.constant 0 : i32
      %dma_wait3A_461 = arith.constant 0 : i32
      %dma_wait3A_462 = tpu.memref_slice %arg2[%dma_wait3A_460, %dma_wait3A_461] : memref<10000x128xf32, #tpu.memory_space<hbm>> -> memref<10000x128xf32, #tpu.memory_space<hbm>>
      tpu.wait_indirect_dma semaphore(%arg10 : memref<!tpu.dma_semaphore, #tpu.memory_space<semaphore_mem>>) src(%dma_wait3A_462 : memref<10000x128xf32, #tpu.memory_space<hbm>>) dst(%arg8 : memref<128x128xf32, #tpu.memory_space<vmem>>)
      %dma_start3A_463 = arith.constant 15 : i32
      %dma_start3A_464 = arith.constant 0 : i32
      %dma_start3A_465 = tpu.memref_slice %arg6[%dma_start3A_463, %dma_start3A_464] : memref<16x128xi32, #tpu.memory_space<vmem>> -> memref<1x128xi32, #tpu.memory_space<vmem>>
      %dma_start3A_466 = tpu.memref_squeeze %dma_start3A_465 : memref<1x128xi32, #tpu.memory_space<vmem>> -> memref<128xi32, #tpu.memory_space<vmem>>
      %dma_start3A_467 = arith.constant 0 : i32
      %dma_start3A_468 = arith.constant 0 : i32
      %dma_start3A_469 = tpu.memref_slice %arg13[%dma_start3A_467, %dma_start3A_468] : memref<10128x128xf32, #tpu.memory_space<vmem_shared>> -> memref<10128x128xf32, #tpu.memory_space<vmem_shared>>
      tpu.enqueue_indirect_dma source(%arg8 : memref<128x128xf32, #tpu.memory_space<vmem>>) target(%dma_start3A_469 : memref<10128x128xf32, #tpu.memory_space<vmem_shared>>) offsets(%dma_start3A_466 : memref<128xi32, #tpu.memory_space<vmem>>) semaphore(%arg12 : memref<!tpu.dma_semaphore, #tpu.memory_space<semaphore_mem>>) {add = true}
      %dma_wait3A_470 = arith.constant 15 : i32
      %dma_wait3A_471 = arith.constant 0 : i32
      %dma_wait3A_472 = tpu.memref_slice %arg6[%dma_wait3A_470, %dma_wait3A_471] : memref<16x128xi32, #tpu.memory_space<vmem>> -> memref<1x128xi32, #tpu.memory_space<vmem>>
      %dma_wait3A_473 = tpu.memref_squeeze %dma_wait3A_472 : memref<1x128xi32, #tpu.memory_space<vmem>> -> memref<128xi32, #tpu.memory_space<vmem>>
      %dma_wait3A_474 = arith.constant 0 : i32
      %dma_wait3A_475 = arith.constant 0 : i32
      %dma_wait3A_476 = tpu.memref_slice %arg13[%dma_wait3A_474, %dma_wait3A_475] : memref<10128x128xf32, #tpu.memory_space<vmem_shared>> -> memref<10128x128xf32, #tpu.memory_space<vmem_shared>>
      tpu.wait_indirect_dma semaphore(%arg12 : memref<!tpu.dma_semaphore, #tpu.memory_space<semaphore_mem>>) src(%arg8 : memref<128x128xf32, #tpu.memory_space<vmem>>) dst(%dma_wait3A_476 : memref<10128x128xf32, #tpu.memory_space<vmem_shared>>)
    }
    %scan3A_13 = arith.constant 5 : i32
    %barrier3A_14 = arith.constant 0 : index
    tpu.barrier barrier_id(%barrier3A_14)
    %ne3A_15 = arith.constant 15 : i32
    %ne3A_16 = arith.cmpi ne, %arg1, %ne3A_15 : i32
    %convert_element_type3A_17 = arith.extui %ne3A_16 : i1 to i32
    %cond3A_18 = arith.constant 0 : i32
    %cond3A_19 = arith.cmpi ne, %convert_element_type3A_17, %cond3A_18 : i32
    scf.if %cond3A_19 {
      %mul3A_25 = arith.constant 624 : i32
      %mul3A_26 = arith.muli %arg1, %mul3A_25 : i32
      %multiple_of3A_27 = tpu.assume_multiple %mul3A_26, 8 : i32
      "tpu.region"() ({
        %run_scoped3A = tpu.sem_alloc : memref<!tpu.dma_semaphore, #tpu.memory_space<semaphore_mem>>
        %dma_start3A = arith.constant 0 : i32
        %dma_start3A_28 = tpu.memref_slice %arg4[%arg0, %multiple_of3A_27, %dma_start3A] : memref<2x10000x128xf32, #tpu.memory_space<hbm>> -> memref<1x624x128xf32, #tpu.memory_space<hbm>>
        %dma_start3A_29 = tpu.memref_squeeze %dma_start3A_28 : memref<1x624x128xf32, #tpu.memory_space<hbm>> -> memref<624x128xf32, #tpu.memory_space<hbm>>
        %dma_start3A_30 = arith.constant 0 : i32
        %dma_start3A_31 = tpu.memref_slice %arg13[%multiple_of3A_27, %dma_start3A_30] : memref<10128x128xf32, #tpu.memory_space<vmem_shared>> -> memref<624x128xf32, #tpu.memory_space<vmem_shared>>
        tpu.enqueue_dma source(%dma_start3A_31 : memref<624x128xf32, #tpu.memory_space<vmem_shared>>) target(%dma_start3A_29 : memref<624x128xf32, #tpu.memory_space<hbm>>) target_semaphore(%run_scoped3A : memref<!tpu.dma_semaphore, #tpu.memory_space<semaphore_mem>>)
        %dma_wait3A = arith.constant 0 : i32
        %dma_wait3A_32 = tpu.memref_slice %arg4[%arg0, %multiple_of3A_27, %dma_wait3A] : memref<2x10000x128xf32, #tpu.memory_space<hbm>> -> memref<1x624x128xf32, #tpu.memory_space<hbm>>
        %dma_wait3A_33 = tpu.memref_squeeze %dma_wait3A_32 : memref<1x624x128xf32, #tpu.memory_space<hbm>> -> memref<624x128xf32, #tpu.memory_space<hbm>>
        %dma_wait3A_34 = arith.constant 0 : i32
        %dma_wait3A_35 = tpu.memref_slice %arg13[%multiple_of3A_27, %dma_wait3A_34] : memref<10128x128xf32, #tpu.memory_space<vmem_shared>> -> memref<624x128xf32, #tpu.memory_space<vmem_shared>>
        tpu.wait_dma2 semaphore(%run_scoped3A : memref<!tpu.dma_semaphore, #tpu.memory_space<semaphore_mem>>) src(%dma_wait3A_35 : memref<624x128xf32, #tpu.memory_space<vmem_shared>>) dst(%dma_wait3A_33 : memref<624x128xf32, #tpu.memory_space<hbm>>)
        tpu.yield
      }) : () -> ()
    } else {
    }
    %eq3A_20 = arith.constant 15 : i32
    %eq3A_21 = arith.cmpi eq, %arg1, %eq3A_20 : i32
    %convert_element_type3A_22 = arith.extui %eq3A_21 : i1 to i32
    %cond3A_23 = arith.constant 0 : i32
    %cond3A_24 = arith.cmpi ne, %convert_element_type3A_22, %cond3A_23 : i32
    scf.if %cond3A_24 {
      "tpu.region"() ({
        %run_scoped3A = tpu.sem_alloc : memref<!tpu.dma_semaphore, #tpu.memory_space<semaphore_mem>>
        %dma_start3A = arith.constant 9360 : i32
        %dma_start3A_25 = arith.constant 0 : i32
        %dma_start3A_26 = tpu.memref_slice %arg4[%arg0, %dma_start3A, %dma_start3A_25] : memref<2x10000x128xf32, #tpu.memory_space<hbm>> -> memref<1x640x128xf32, #tpu.memory_space<hbm>>
        %dma_start3A_27 = tpu.memref_squeeze %dma_start3A_26 : memref<1x640x128xf32, #tpu.memory_space<hbm>> -> memref<640x128xf32, #tpu.memory_space<hbm>>
        %dma_start3A_28 = arith.constant 9360 : i32
        %dma_start3A_29 = arith.constant 0 : i32
        %dma_start3A_30 = tpu.memref_slice %arg13[%dma_start3A_28, %dma_start3A_29] : memref<10128x128xf32, #tpu.memory_space<vmem_shared>> -> memref<640x128xf32, #tpu.memory_space<vmem_shared>>
        tpu.enqueue_dma source(%dma_start3A_30 : memref<640x128xf32, #tpu.memory_space<vmem_shared>>) target(%dma_start3A_27 : memref<640x128xf32, #tpu.memory_space<hbm>>) target_semaphore(%run_scoped3A : memref<!tpu.dma_semaphore, #tpu.memory_space<semaphore_mem>>)
        %dma_wait3A = arith.constant 9360 : i32
        %dma_wait3A_31 = arith.constant 0 : i32
        %dma_wait3A_32 = tpu.memref_slice %arg4[%arg0, %dma_wait3A, %dma_wait3A_31] : memref<2x10000x128xf32, #tpu.memory_space<hbm>> -> memref<1x640x128xf32, #tpu.memory_space<hbm>>
        %dma_wait3A_33 = tpu.memref_squeeze %dma_wait3A_32 : memref<1x640x128xf32, #tpu.memory_space<hbm>> -> memref<640x128xf32, #tpu.memory_space<hbm>>
        %dma_wait3A_34 = arith.constant 9360 : i32
        %dma_wait3A_35 = arith.constant 0 : i32
        %dma_wait3A_36 = tpu.memref_slice %arg13[%dma_wait3A_34, %dma_wait3A_35] : memref<10128x128xf32, #tpu.memory_space<vmem_shared>> -> memref<640x128xf32, #tpu.memory_space<vmem_shared>>
        tpu.wait_dma2 semaphore(%run_scoped3A : memref<!tpu.dma_semaphore, #tpu.memory_space<semaphore_mem>>) src(%dma_wait3A_36 : memref<640x128xf32, #tpu.memory_space<vmem_shared>>) dst(%dma_wait3A_33 : memref<640x128xf32, #tpu.memory_space<hbm>>)
        tpu.yield
      }) : () -> ()
    } else {
    }
    return
  }
}

#map = affine_map<(d0, d1) -> (0, 0, 0)>
module attributes {stable_mosaic.version = 14 : i64} {
  func.func @_deg_body(%arg0: i32, %arg1: i32, %arg2: memref<2x2560x128xi32, #tpu.memory_space<hbm>>, %arg3: memref<2x10000x128xf32, #tpu.memory_space<hbm>>, %arg4: memref<16x128xi32, #tpu.memory_space<vmem>>, %arg5: memref<128x128xf32, #tpu.memory_space<vmem>>, %arg6: memref<128x128xf32, #tpu.memory_space<vmem>>, %arg7: memref<10128x128xf32, #tpu.memory_space<vmem_shared>>) attributes {dimension_semantics = [#tpu.dimension_semantics<core_parallel>, #tpu.dimension_semantics<subcore_parallel>], iteration_bounds = array<i64: 2, 16>, scalar_prefetch = 0 : i64, scratch_operands = 4 : i64, tpu.core_type = #tpu.core_type<sc_vector_subcore>, window_params = [{transform_indices = #map}, {transform_indices = #map}]} {
    %mul3A = arith.constant 16 : i32
    %mul3A_0 = arith.muli %arg0, %mul3A : i32
    %add3A = arith.addi %mul3A_0, %arg1 : i32
    %broadcast_in_dim3A = arith.constant 1.000000e+00 : f32
    %broadcast_in_dim3A_1 = vector.broadcast %broadcast_in_dim3A : f32 to vector<16xf32>
    %broadcast_in_dim3A_2 = arith.constant 0.000000e+00 : f32
    %broadcast_in_dim3A_3 = vector.broadcast %broadcast_in_dim3A_2 : f32 to vector<16xf32>
    %scan3A = arith.constant 0 : i32
    %scan3A_4 = arith.constant 0 : i32
    %scan3A_5 = arith.constant 128 : i32
    %scan3A_6 = arith.addi %scan3A_4, %scan3A_5 : i32
    %scan3A_7 = arith.constant 1 : i32
    scf.for %scan3A_34 = %scan3A_4 to %scan3A_6 step %scan3A_7  : i32 {
      %swap3A = arith.index_cast %scan3A_34 : i32 to index
      %swap3A_35 = arith.constant 0 : index
      %swap3A_36 = tpu.vector_load %arg5[%swap3A, %swap3A_35] {strides = array<i32>} : memref<128x128xf32, #tpu.memory_space<vmem>>, vector<1x16xf32>,
      %swap3A_37 = vector.shape_cast %swap3A_36 : vector<1x16xf32> to vector<16xf32>
      %swap3A_38 = vector.shape_cast %broadcast_in_dim3A_1 : vector<16xf32> to vector<1x16xf32>
      tpu.vector_store %arg5[%swap3A, %swap3A_35], %swap3A_38 {strides = array<i32>} : memref<128x128xf32, #tpu.memory_space<vmem>>, vector<1x16xf32>,
      %swap3A_39 = arith.index_cast %scan3A_34 : i32 to index
      %swap3A_40 = arith.constant 0 : index
      %swap3A_41 = tpu.vector_load %arg6[%swap3A_39, %swap3A_40] {strides = array<i32>} : memref<128x128xf32, #tpu.memory_space<vmem>>, vector<1x16xf32>,
      %swap3A_42 = vector.shape_cast %swap3A_41 : vector<1x16xf32> to vector<16xf32>
      %swap3A_43 = vector.shape_cast %broadcast_in_dim3A_3 : vector<16xf32> to vector<1x16xf32>
      tpu.vector_store %arg6[%swap3A_39, %swap3A_40], %swap3A_43 {strides = array<i32>} : memref<128x128xf32, #tpu.memory_space<vmem>>, vector<1x16xf32>,
      %swap3A_44 = arith.index_cast %scan3A_34 : i32 to index
      %swap3A_45 = arith.constant 16 : index
      %swap3A_46 = tpu.vector_load %arg5[%swap3A_44, %swap3A_45] {strides = array<i32>} : memref<128x128xf32, #tpu.memory_space<vmem>>, vector<1x16xf32>,
      %swap3A_47 = vector.shape_cast %swap3A_46 : vector<1x16xf32> to vector<16xf32>
      %swap3A_48 = vector.shape_cast %broadcast_in_dim3A_1 : vector<16xf32> to vector<1x16xf32>
      tpu.vector_store %arg5[%swap3A_44, %swap3A_45], %swap3A_48 {strides = array<i32>} : memref<128x128xf32, #tpu.memory_space<vmem>>, vector<1x16xf32>,
      %swap3A_49 = arith.index_cast %scan3A_34 : i32 to index
      %swap3A_50 = arith.constant 16 : index
      %swap3A_51 = tpu.vector_load %arg6[%swap3A_49, %swap3A_50] {strides = array<i32>} : memref<128x128xf32, #tpu.memory_space<vmem>>, vector<1x16xf32>,
      %swap3A_52 = vector.shape_cast %swap3A_51 : vector<1x16xf32> to vector<16xf32>
      %swap3A_53 = vector.shape_cast %broadcast_in_dim3A_3 : vector<16xf32> to vector<1x16xf32>
      tpu.vector_store %arg6[%swap3A_49, %swap3A_50], %swap3A_53 {strides = array<i32>} : memref<128x128xf32, #tpu.memory_space<vmem>>, vector<1x16xf32>,
      %swap3A_54 = arith.index_cast %scan3A_34 : i32 to index
      %swap3A_55 = arith.constant 32 : index
      %swap3A_56 = tpu.vector_load %arg5[%swap3A_54, %swap3A_55] {strides = array<i32>} : memref<128x128xf32, #tpu.memory_space<vmem>>, vector<1x16xf32>,
      %swap3A_57 = vector.shape_cast %swap3A_56 : vector<1x16xf32> to vector<16xf32>
      %swap3A_58 = vector.shape_cast %broadcast_in_dim3A_1 : vector<16xf32> to vector<1x16xf32>
      tpu.vector_store %arg5[%swap3A_54, %swap3A_55], %swap3A_58 {strides = array<i32>} : memref<128x128xf32, #tpu.memory_space<vmem>>, vector<1x16xf32>,
      %swap3A_59 = arith.index_cast %scan3A_34 : i32 to index
      %swap3A_60 = arith.constant 32 : index
      %swap3A_61 = tpu.vector_load %arg6[%swap3A_59, %swap3A_60] {strides = array<i32>} : memref<128x128xf32, #tpu.memory_space<vmem>>, vector<1x16xf32>,
      %swap3A_62 = vector.shape_cast %swap3A_61 : vector<1x16xf32> to vector<16xf32>
      %swap3A_63 = vector.shape_cast %broadcast_in_dim3A_3 : vector<16xf32> to vector<1x16xf32>
      tpu.vector_store %arg6[%swap3A_59, %swap3A_60], %swap3A_63 {strides = array<i32>} : memref<128x128xf32, #tpu.memory_space<vmem>>, vector<1x16xf32>,
      %swap3A_64 = arith.index_cast %scan3A_34 : i32 to index
      %swap3A_65 = arith.constant 48 : index
      %swap3A_66 = tpu.vector_load %arg5[%swap3A_64, %swap3A_65] {strides = array<i32>} : memref<128x128xf32, #tpu.memory_space<vmem>>, vector<1x16xf32>,
      %swap3A_67 = vector.shape_cast %swap3A_66 : vector<1x16xf32> to vector<16xf32>
      %swap3A_68 = vector.shape_cast %broadcast_in_dim3A_1 : vector<16xf32> to vector<1x16xf32>
      tpu.vector_store %arg5[%swap3A_64, %swap3A_65], %swap3A_68 {strides = array<i32>} : memref<128x128xf32, #tpu.memory_space<vmem>>, vector<1x16xf32>,
      %swap3A_69 = arith.index_cast %scan3A_34 : i32 to index
      %swap3A_70 = arith.constant 48 : index
      %swap3A_71 = tpu.vector_load %arg6[%swap3A_69, %swap3A_70] {strides = array<i32>} : memref<128x128xf32, #tpu.memory_space<vmem>>, vector<1x16xf32>,
      %swap3A_72 = vector.shape_cast %swap3A_71 : vector<1x16xf32> to vector<16xf32>
      %swap3A_73 = vector.shape_cast %broadcast_in_dim3A_3 : vector<16xf32> to vector<1x16xf32>
      tpu.vector_store %arg6[%swap3A_69, %swap3A_70], %swap3A_73 {strides = array<i32>} : memref<128x128xf32, #tpu.memory_space<vmem>>, vector<1x16xf32>,
      %swap3A_74 = arith.index_cast %scan3A_34 : i32 to index
      %swap3A_75 = arith.constant 64 : index
      %swap3A_76 = tpu.vector_load %arg5[%swap3A_74, %swap3A_75] {strides = array<i32>} : memref<128x128xf32, #tpu.memory_space<vmem>>, vector<1x16xf32>,
      %swap3A_77 = vector.shape_cast %swap3A_76 : vector<1x16xf32> to vector<16xf32>
      %swap3A_78 = vector.shape_cast %broadcast_in_dim3A_1 : vector<16xf32> to vector<1x16xf32>
      tpu.vector_store %arg5[%swap3A_74, %swap3A_75], %swap3A_78 {strides = array<i32>} : memref<128x128xf32, #tpu.memory_space<vmem>>, vector<1x16xf32>,
      %swap3A_79 = arith.index_cast %scan3A_34 : i32 to index
      %swap3A_80 = arith.constant 64 : index
      %swap3A_81 = tpu.vector_load %arg6[%swap3A_79, %swap3A_80] {strides = array<i32>} : memref<128x128xf32, #tpu.memory_space<vmem>>, vector<1x16xf32>,
      %swap3A_82 = vector.shape_cast %swap3A_81 : vector<1x16xf32> to vector<16xf32>
      %swap3A_83 = vector.shape_cast %broadcast_in_dim3A_3 : vector<16xf32> to vector<1x16xf32>
      tpu.vector_store %arg6[%swap3A_79, %swap3A_80], %swap3A_83 {strides = array<i32>} : memref<128x128xf32, #tpu.memory_space<vmem>>, vector<1x16xf32>,
      %swap3A_84 = arith.index_cast %scan3A_34 : i32 to index
      %swap3A_85 = arith.constant 80 : index
      %swap3A_86 = tpu.vector_load %arg5[%swap3A_84, %swap3A_85] {strides = array<i32>} : memref<128x128xf32, #tpu.memory_space<vmem>>, vector<1x16xf32>,
      %swap3A_87 = vector.shape_cast %swap3A_86 : vector<1x16xf32> to vector<16xf32>
      %swap3A_88 = vector.shape_cast %broadcast_in_dim3A_1 : vector<16xf32> to vector<1x16xf32>
      tpu.vector_store %arg5[%swap3A_84, %swap3A_85], %swap3A_88 {strides = array<i32>} : memref<128x128xf32, #tpu.memory_space<vmem>>, vector<1x16xf32>,
      %swap3A_89 = arith.index_cast %scan3A_34 : i32 to index
      %swap3A_90 = arith.constant 80 : index
      %swap3A_91 = tpu.vector_load %arg6[%swap3A_89, %swap3A_90] {strides = array<i32>} : memref<128x128xf32, #tpu.memory_space<vmem>>, vector<1x16xf32>,
      %swap3A_92 = vector.shape_cast %swap3A_91 : vector<1x16xf32> to vector<16xf32>
      %swap3A_93 = vector.shape_cast %broadcast_in_dim3A_3 : vector<16xf32> to vector<1x16xf32>
      tpu.vector_store %arg6[%swap3A_89, %swap3A_90], %swap3A_93 {strides = array<i32>} : memref<128x128xf32, #tpu.memory_space<vmem>>, vector<1x16xf32>,
      %swap3A_94 = arith.index_cast %scan3A_34 : i32 to index
      %swap3A_95 = arith.constant 96 : index
      %swap3A_96 = tpu.vector_load %arg5[%swap3A_94, %swap3A_95] {strides = array<i32>} : memref<128x128xf32, #tpu.memory_space<vmem>>, vector<1x16xf32>,
      %swap3A_97 = vector.shape_cast %swap3A_96 : vector<1x16xf32> to vector<16xf32>
      %swap3A_98 = vector.shape_cast %broadcast_in_dim3A_1 : vector<16xf32> to vector<1x16xf32>
      tpu.vector_store %arg5[%swap3A_94, %swap3A_95], %swap3A_98 {strides = array<i32>} : memref<128x128xf32, #tpu.memory_space<vmem>>, vector<1x16xf32>,
      %swap3A_99 = arith.index_cast %scan3A_34 : i32 to index
      %swap3A_100 = arith.constant 96 : index
      %swap3A_101 = tpu.vector_load %arg6[%swap3A_99, %swap3A_100] {strides = array<i32>} : memref<128x128xf32, #tpu.memory_space<vmem>>, vector<1x16xf32>,
      %swap3A_102 = vector.shape_cast %swap3A_101 : vector<1x16xf32> to vector<16xf32>
      %swap3A_103 = vector.shape_cast %broadcast_in_dim3A_3 : vector<16xf32> to vector<1x16xf32>
      tpu.vector_store %arg6[%swap3A_99, %swap3A_100], %swap3A_103 {strides = array<i32>} : memref<128x128xf32, #tpu.memory_space<vmem>>, vector<1x16xf32>,
      %swap3A_104 = arith.index_cast %scan3A_34 : i32 to index
      %swap3A_105 = arith.constant 112 : index
      %swap3A_106 = tpu.vector_load %arg5[%swap3A_104, %swap3A_105] {strides = array<i32>} : memref<128x128xf32, #tpu.memory_space<vmem>>, vector<1x16xf32>,
      %swap3A_107 = vector.shape_cast %swap3A_106 : vector<1x16xf32> to vector<16xf32>
      %swap3A_108 = vector.shape_cast %broadcast_in_dim3A_1 : vector<16xf32> to vector<1x16xf32>
      tpu.vector_store %arg5[%swap3A_104, %swap3A_105], %swap3A_108 {strides = array<i32>} : memref<128x128xf32, #tpu.memory_space<vmem>>, vector<1x16xf32>,
      %swap3A_109 = arith.index_cast %scan3A_34 : i32 to index
      %swap3A_110 = arith.constant 112 : index
      %swap3A_111 = tpu.vector_load %arg6[%swap3A_109, %swap3A_110] {strides = array<i32>} : memref<128x128xf32, #tpu.memory_space<vmem>>, vector<1x16xf32>,
      %swap3A_112 = vector.shape_cast %swap3A_111 : vector<1x16xf32> to vector<16xf32>
      %swap3A_113 = vector.shape_cast %broadcast_in_dim3A_3 : vector<16xf32> to vector<1x16xf32>
      tpu.vector_store %arg6[%swap3A_109, %swap3A_110], %swap3A_113 {strides = array<i32>} : memref<128x128xf32, #tpu.memory_space<vmem>>, vector<1x16xf32>,
    }
    %scan3A_8 = arith.constant 128 : i32
    %ne3A = arith.constant 15 : i32
    %ne3A_9 = arith.cmpi ne, %arg1, %ne3A : i32
    %convert_element_type3A = arith.extui %ne3A_9 : i1 to i32
    %cond3A = arith.constant 0 : i32
    %cond3A_10 = arith.cmpi ne, %convert_element_type3A, %cond3A : i32
    scf.if %cond3A_10 {
      %mul3A_34 = arith.constant 624 : i32
      %mul3A_35 = arith.muli %arg1, %mul3A_34 : i32
      %multiple_of3A_36 = tpu.assume_multiple %mul3A_35, 8 : i32
      %add3A_37 = arith.constant 0 : i32
      %add3A_38 = arith.addi %multiple_of3A_36, %add3A_37 : i32
      "tpu.region"() ({
        %run_scoped3A = tpu.sem_alloc : memref<!tpu.dma_semaphore, #tpu.memory_space<semaphore_mem>>
        %dma_start3A = arith.constant 0 : i32
        %dma_start3A_47 = tpu.memref_slice %arg7[%add3A_38, %dma_start3A] : memref<10128x128xf32, #tpu.memory_space<vmem_shared>> -> memref<128x128xf32, #tpu.memory_space<vmem_shared>>
        %dma_start3A_48 = arith.constant 0 : i32
        %dma_start3A_49 = tpu.memref_slice %arg7[%add3A_38, %dma_start3A_48] : memref<10128x128xf32, #tpu.memory_space<vmem_shared>> -> memref<128x128xf32, #tpu.memory_space<vmem_shared>>
        tpu.enqueue_dma source(%arg6 : memref<128x128xf32, #tpu.memory_space<vmem>>) target(%dma_start3A_49 : memref<128x128xf32, #tpu.memory_space<vmem_shared>>) target_semaphore(%run_scoped3A : memref<!tpu.dma_semaphore, #tpu.memory_space<semaphore_mem>>)
        %dma_wait3A = arith.constant 0 : i32
        %dma_wait3A_50 = tpu.memref_slice %arg7[%add3A_38, %dma_wait3A] : memref<10128x128xf32, #tpu.memory_space<vmem_shared>> -> memref<128x128xf32, #tpu.memory_space<vmem_shared>>
        %dma_wait3A_51 = arith.constant 0 : i32
        %dma_wait3A_52 = tpu.memref_slice %arg7[%add3A_38, %dma_wait3A_51] : memref<10128x128xf32, #tpu.memory_space<vmem_shared>> -> memref<128x128xf32, #tpu.memory_space<vmem_shared>>
        tpu.wait_dma2 semaphore(%run_scoped3A : memref<!tpu.dma_semaphore, #tpu.memory_space<semaphore_mem>>) src(%arg6 : memref<128x128xf32, #tpu.memory_space<vmem>>) dst(%dma_wait3A_52 : memref<128x128xf32, #tpu.memory_space<vmem_shared>>)
        tpu.yield
      }) : () -> ()
      %add3A_39 = arith.constant 128 : i32
      %add3A_40 = arith.addi %multiple_of3A_36, %add3A_39 : i32
      "tpu.region"() ({
        %run_scoped3A = tpu.sem_alloc : memref<!tpu.dma_semaphore, #tpu.memory_space<semaphore_mem>>
        %dma_start3A = arith.constant 0 : i32
        %dma_start3A_47 = tpu.memref_slice %arg7[%add3A_40, %dma_start3A] : memref<10128x128xf32, #tpu.memory_space<vmem_shared>> -> memref<128x128xf32, #tpu.memory_space<vmem_shared>>
        %dma_start3A_48 = arith.constant 0 : i32
        %dma_start3A_49 = tpu.memref_slice %arg7[%add3A_40, %dma_start3A_48] : memref<10128x128xf32, #tpu.memory_space<vmem_shared>> -> memref<128x128xf32, #tpu.memory_space<vmem_shared>>
        tpu.enqueue_dma source(%arg6 : memref<128x128xf32, #tpu.memory_space<vmem>>) target(%dma_start3A_49 : memref<128x128xf32, #tpu.memory_space<vmem_shared>>) target_semaphore(%run_scoped3A : memref<!tpu.dma_semaphore, #tpu.memory_space<semaphore_mem>>)
        %dma_wait3A = arith.constant 0 : i32
        %dma_wait3A_50 = tpu.memref_slice %arg7[%add3A_40, %dma_wait3A] : memref<10128x128xf32, #tpu.memory_space<vmem_shared>> -> memref<128x128xf32, #tpu.memory_space<vmem_shared>>
        %dma_wait3A_51 = arith.constant 0 : i32
        %dma_wait3A_52 = tpu.memref_slice %arg7[%add3A_40, %dma_wait3A_51] : memref<10128x128xf32, #tpu.memory_space<vmem_shared>> -> memref<128x128xf32, #tpu.memory_space<vmem_shared>>
        tpu.wait_dma2 semaphore(%run_scoped3A : memref<!tpu.dma_semaphore, #tpu.memory_space<semaphore_mem>>) src(%arg6 : memref<128x128xf32, #tpu.memory_space<vmem>>) dst(%dma_wait3A_52 : memref<128x128xf32, #tpu.memory_space<vmem_shared>>)
        tpu.yield
      }) : () -> ()
      %add3A_41 = arith.constant 256 : i32
      %add3A_42 = arith.addi %multiple_of3A_36, %add3A_41 : i32
      "tpu.region"() ({
        %run_scoped3A = tpu.sem_alloc : memref<!tpu.dma_semaphore, #tpu.memory_space<semaphore_mem>>
        %dma_start3A = arith.constant 0 : i32
        %dma_start3A_47 = tpu.memref_slice %arg7[%add3A_42, %dma_start3A] : memref<10128x128xf32, #tpu.memory_space<vmem_shared>> -> memref<128x128xf32, #tpu.memory_space<vmem_shared>>
        %dma_start3A_48 = arith.constant 0 : i32
        %dma_start3A_49 = tpu.memref_slice %arg7[%add3A_42, %dma_start3A_48] : memref<10128x128xf32, #tpu.memory_space<vmem_shared>> -> memref<128x128xf32, #tpu.memory_space<vmem_shared>>
        tpu.enqueue_dma source(%arg6 : memref<128x128xf32, #tpu.memory_space<vmem>>) target(%dma_start3A_49 : memref<128x128xf32, #tpu.memory_space<vmem_shared>>) target_semaphore(%run_scoped3A : memref<!tpu.dma_semaphore, #tpu.memory_space<semaphore_mem>>)
        %dma_wait3A = arith.constant 0 : i32
        %dma_wait3A_50 = tpu.memref_slice %arg7[%add3A_42, %dma_wait3A] : memref<10128x128xf32, #tpu.memory_space<vmem_shared>> -> memref<128x128xf32, #tpu.memory_space<vmem_shared>>
        %dma_wait3A_51 = arith.constant 0 : i32
        %dma_wait3A_52 = tpu.memref_slice %arg7[%add3A_42, %dma_wait3A_51] : memref<10128x128xf32, #tpu.memory_space<vmem_shared>> -> memref<128x128xf32, #tpu.memory_space<vmem_shared>>
        tpu.wait_dma2 semaphore(%run_scoped3A : memref<!tpu.dma_semaphore, #tpu.memory_space<semaphore_mem>>) src(%arg6 : memref<128x128xf32, #tpu.memory_space<vmem>>) dst(%dma_wait3A_52 : memref<128x128xf32, #tpu.memory_space<vmem_shared>>)
        tpu.yield
      }) : () -> ()
      %add3A_43 = arith.constant 384 : i32
      %add3A_44 = arith.addi %multiple_of3A_36, %add3A_43 : i32
      "tpu.region"() ({
        %run_scoped3A = tpu.sem_alloc : memref<!tpu.dma_semaphore, #tpu.memory_space<semaphore_mem>>
        %dma_start3A = arith.constant 0 : i32
        %dma_start3A_47 = tpu.memref_slice %arg7[%add3A_44, %dma_start3A] : memref<10128x128xf32, #tpu.memory_space<vmem_shared>> -> memref<128x128xf32, #tpu.memory_space<vmem_shared>>
        %dma_start3A_48 = arith.constant 0 : i32
        %dma_start3A_49 = tpu.memref_slice %arg7[%add3A_44, %dma_start3A_48] : memref<10128x128xf32, #tpu.memory_space<vmem_shared>> -> memref<128x128xf32, #tpu.memory_space<vmem_shared>>
        tpu.enqueue_dma source(%arg6 : memref<128x128xf32, #tpu.memory_space<vmem>>) target(%dma_start3A_49 : memref<128x128xf32, #tpu.memory_space<vmem_shared>>) target_semaphore(%run_scoped3A : memref<!tpu.dma_semaphore, #tpu.memory_space<semaphore_mem>>)
        %dma_wait3A = arith.constant 0 : i32
        %dma_wait3A_50 = tpu.memref_slice %arg7[%add3A_44, %dma_wait3A] : memref<10128x128xf32, #tpu.memory_space<vmem_shared>> -> memref<128x128xf32, #tpu.memory_space<vmem_shared>>
        %dma_wait3A_51 = arith.constant 0 : i32
        %dma_wait3A_52 = tpu.memref_slice %arg7[%add3A_44, %dma_wait3A_51] : memref<10128x128xf32, #tpu.memory_space<vmem_shared>> -> memref<128x128xf32, #tpu.memory_space<vmem_shared>>
        tpu.wait_dma2 semaphore(%run_scoped3A : memref<!tpu.dma_semaphore, #tpu.memory_space<semaphore_mem>>) src(%arg6 : memref<128x128xf32, #tpu.memory_space<vmem>>) dst(%dma_wait3A_52 : memref<128x128xf32, #tpu.memory_space<vmem_shared>>)
        tpu.yield
      }) : () -> ()
      %add3A_45 = arith.constant 512 : i32
      %add3A_46 = arith.addi %multiple_of3A_36, %add3A_45 : i32
      "tpu.region"() ({
        %run_scoped3A = tpu.sem_alloc : memref<!tpu.dma_semaphore, #tpu.memory_space<semaphore_mem>>
        %dma_start3A = arith.constant 0 : i32
        %dma_start3A_47 = arith.constant 0 : i32
        %dma_start3A_48 = tpu.memref_slice %arg6[%dma_start3A, %dma_start3A_47] : memref<128x128xf32, #tpu.memory_space<vmem>> -> memref<112x128xf32, #tpu.memory_space<vmem>>
        %dma_start3A_49 = arith.constant 0 : i32
        %dma_start3A_50 = tpu.memref_slice %arg7[%add3A_46, %dma_start3A_49] : memref<10128x128xf32, #tpu.memory_space<vmem_shared>> -> memref<112x128xf32, #tpu.memory_space<vmem_shared>>
        %dma_start3A_51 = arith.constant 0 : i32
        %dma_start3A_52 = tpu.memref_slice %arg7[%add3A_46, %dma_start3A_51] : memref<10128x128xf32, #tpu.memory_space<vmem_shared>> -> memref<112x128xf32, #tpu.memory_space<vmem_shared>>
        %dma_start3A_53 = arith.constant 0 : i32
        %dma_start3A_54 = arith.constant 0 : i32
        %dma_start3A_55 = tpu.memref_slice %arg6[%dma_start3A_53, %dma_start3A_54] : memref<128x128xf32, #tpu.memory_space<vmem>> -> memref<112x128xf32, #tpu.memory_space<vmem>>
        tpu.enqueue_dma source(%dma_start3A_55 : memref<112x128xf32, #tpu.memory_space<vmem>>) target(%dma_start3A_52 : memref<112x128xf32, #tpu.memory_space<vmem_shared>>) target_semaphore(%run_scoped3A : memref<!tpu.dma_semaphore, #tpu.memory_space<semaphore_mem>>)
        %dma_wait3A = arith.constant 0 : i32
        %dma_wait3A_56 = arith.constant 0 : i32
        %dma_wait3A_57 = tpu.memref_slice %arg6[%dma_wait3A, %dma_wait3A_56] : memref<128x128xf32, #tpu.memory_space<vmem>> -> memref<112x128xf32, #tpu.memory_space<vmem>>
        %dma_wait3A_58 = arith.constant 0 : i32
        %dma_wait3A_59 = tpu.memref_slice %arg7[%add3A_46, %dma_wait3A_58] : memref<10128x128xf32, #tpu.memory_space<vmem_shared>> -> memref<112x128xf32, #tpu.memory_space<vmem_shared>>
        %dma_wait3A_60 = arith.constant 0 : i32
        %dma_wait3A_61 = tpu.memref_slice %arg7[%add3A_46, %dma_wait3A_60] : memref<10128x128xf32, #tpu.memory_space<vmem_shared>> -> memref<112x128xf32, #tpu.memory_space<vmem_shared>>
        %dma_wait3A_62 = arith.constant 0 : i32
        %dma_wait3A_63 = arith.constant 0 : i32
        %dma_wait3A_64 = tpu.memref_slice %arg6[%dma_wait3A_62, %dma_wait3A_63] : memref<128x128xf32, #tpu.memory_space<vmem>> -> memref<112x128xf32, #tpu.memory_space<vmem>>
        tpu.wait_dma2 semaphore(%run_scoped3A : memref<!tpu.dma_semaphore, #tpu.memory_space<semaphore_mem>>) src(%dma_wait3A_64 : memref<112x128xf32, #tpu.memory_space<vmem>>) dst(%dma_wait3A_61 : memref<112x128xf32, #tpu.memory_space<vmem_shared>>)
        tpu.yield
      }) : () -> ()
    } else {
    }
    %eq3A = arith.constant 15 : i32
    %eq3A_11 = arith.cmpi eq, %arg1, %eq3A : i32
    %convert_element_type3A_12 = arith.extui %eq3A_11 : i1 to i32
    %cond3A_13 = arith.constant 0 : i32
    %cond3A_14 = arith.cmpi ne, %convert_element_type3A_12, %cond3A_13 : i32
    scf.if %cond3A_14 {
      "tpu.region"() ({
        %run_scoped3A = tpu.sem_alloc : memref<!tpu.dma_semaphore, #tpu.memory_space<semaphore_mem>>
        %dma_start3A = arith.constant 9360 : i32
        %dma_start3A_34 = arith.constant 0 : i32
        %dma_start3A_35 = tpu.memref_slice %arg7[%dma_start3A, %dma_start3A_34] : memref<10128x128xf32, #tpu.memory_space<vmem_shared>> -> memref<128x128xf32, #tpu.memory_space<vmem_shared>>
        %dma_start3A_36 = arith.constant 9360 : i32
        %dma_start3A_37 = arith.constant 0 : i32
        %dma_start3A_38 = tpu.memref_slice %arg7[%dma_start3A_36, %dma_start3A_37] : memref<10128x128xf32, #tpu.memory_space<vmem_shared>> -> memref<128x128xf32, #tpu.memory_space<vmem_shared>>
        tpu.enqueue_dma source(%arg6 : memref<128x128xf32, #tpu.memory_space<vmem>>) target(%dma_start3A_38 : memref<128x128xf32, #tpu.memory_space<vmem_shared>>) target_semaphore(%run_scoped3A : memref<!tpu.dma_semaphore, #tpu.memory_space<semaphore_mem>>)
        %dma_wait3A = arith.constant 9360 : i32
        %dma_wait3A_39 = arith.constant 0 : i32
        %dma_wait3A_40 = tpu.memref_slice %arg7[%dma_wait3A, %dma_wait3A_39] : memref<10128x128xf32, #tpu.memory_space<vmem_shared>> -> memref<128x128xf32, #tpu.memory_space<vmem_shared>>
        %dma_wait3A_41 = arith.constant 9360 : i32
        %dma_wait3A_42 = arith.constant 0 : i32
        %dma_wait3A_43 = tpu.memref_slice %arg7[%dma_wait3A_41, %dma_wait3A_42] : memref<10128x128xf32, #tpu.memory_space<vmem_shared>> -> memref<128x128xf32, #tpu.memory_space<vmem_shared>>
        tpu.wait_dma2 semaphore(%run_scoped3A : memref<!tpu.dma_semaphore, #tpu.memory_space<semaphore_mem>>) src(%arg6 : memref<128x128xf32, #tpu.memory_space<vmem>>) dst(%dma_wait3A_43 : memref<128x128xf32, #tpu.memory_space<vmem_shared>>)
        tpu.yield
      }) : () -> ()
      "tpu.region"() ({
        %run_scoped3A = tpu.sem_alloc : memref<!tpu.dma_semaphore, #tpu.memory_space<semaphore_mem>>
        %dma_start3A = arith.constant 9488 : i32
        %dma_start3A_34 = arith.constant 0 : i32
        %dma_start3A_35 = tpu.memref_slice %arg7[%dma_start3A, %dma_start3A_34] : memref<10128x128xf32, #tpu.memory_space<vmem_shared>> -> memref<128x128xf32, #tpu.memory_space<vmem_shared>>
        %dma_start3A_36 = arith.constant 9488 : i32
        %dma_start3A_37 = arith.constant 0 : i32
        %dma_start3A_38 = tpu.memref_slice %arg7[%dma_start3A_36, %dma_start3A_37] : memref<10128x128xf32, #tpu.memory_space<vmem_shared>> -> memref<128x128xf32, #tpu.memory_space<vmem_shared>>
        tpu.enqueue_dma source(%arg6 : memref<128x128xf32, #tpu.memory_space<vmem>>) target(%dma_start3A_38 : memref<128x128xf32, #tpu.memory_space<vmem_shared>>) target_semaphore(%run_scoped3A : memref<!tpu.dma_semaphore, #tpu.memory_space<semaphore_mem>>)
        %dma_wait3A = arith.constant 9488 : i32
        %dma_wait3A_39 = arith.constant 0 : i32
        %dma_wait3A_40 = tpu.memref_slice %arg7[%dma_wait3A, %dma_wait3A_39] : memref<10128x128xf32, #tpu.memory_space<vmem_shared>> -> memref<128x128xf32, #tpu.memory_space<vmem_shared>>
        %dma_wait3A_41 = arith.constant 9488 : i32
        %dma_wait3A_42 = arith.constant 0 : i32
        %dma_wait3A_43 = tpu.memref_slice %arg7[%dma_wait3A_41, %dma_wait3A_42] : memref<10128x128xf32, #tpu.memory_space<vmem_shared>> -> memref<128x128xf32, #tpu.memory_space<vmem_shared>>
        tpu.wait_dma2 semaphore(%run_scoped3A : memref<!tpu.dma_semaphore, #tpu.memory_space<semaphore_mem>>) src(%arg6 : memref<128x128xf32, #tpu.memory_space<vmem>>) dst(%dma_wait3A_43 : memref<128x128xf32, #tpu.memory_space<vmem_shared>>)
        tpu.yield
      }) : () -> ()
      "tpu.region"() ({
        %run_scoped3A = tpu.sem_alloc : memref<!tpu.dma_semaphore, #tpu.memory_space<semaphore_mem>>
        %dma_start3A = arith.constant 9616 : i32
        %dma_start3A_34 = arith.constant 0 : i32
        %dma_start3A_35 = tpu.memref_slice %arg7[%dma_start3A, %dma_start3A_34] : memref<10128x128xf32, #tpu.memory_space<vmem_shared>> -> memref<128x128xf32, #tpu.memory_space<vmem_shared>>
        %dma_start3A_36 = arith.constant 9616 : i32
        %dma_start3A_37 = arith.constant 0 : i32
        %dma_start3A_38 = tpu.memref_slice %arg7[%dma_start3A_36, %dma_start3A_37] : memref<10128x128xf32, #tpu.memory_space<vmem_shared>> -> memref<128x128xf32, #tpu.memory_space<vmem_shared>>
        tpu.enqueue_dma source(%arg6 : memref<128x128xf32, #tpu.memory_space<vmem>>) target(%dma_start3A_38 : memref<128x128xf32, #tpu.memory_space<vmem_shared>>) target_semaphore(%run_scoped3A : memref<!tpu.dma_semaphore, #tpu.memory_space<semaphore_mem>>)
        %dma_wait3A = arith.constant 9616 : i32
        %dma_wait3A_39 = arith.constant 0 : i32
        %dma_wait3A_40 = tpu.memref_slice %arg7[%dma_wait3A, %dma_wait3A_39] : memref<10128x128xf32, #tpu.memory_space<vmem_shared>> -> memref<128x128xf32, #tpu.memory_space<vmem_shared>>
        %dma_wait3A_41 = arith.constant 9616 : i32
        %dma_wait3A_42 = arith.constant 0 : i32
        %dma_wait3A_43 = tpu.memref_slice %arg7[%dma_wait3A_41, %dma_wait3A_42] : memref<10128x128xf32, #tpu.memory_space<vmem_shared>> -> memref<128x128xf32, #tpu.memory_space<vmem_shared>>
        tpu.wait_dma2 semaphore(%run_scoped3A : memref<!tpu.dma_semaphore, #tpu.memory_space<semaphore_mem>>) src(%arg6 : memref<128x128xf32, #tpu.memory_space<vmem>>) dst(%dma_wait3A_43 : memref<128x128xf32, #tpu.memory_space<vmem_shared>>)
        tpu.yield
      }) : () -> ()
      "tpu.region"() ({
        %run_scoped3A = tpu.sem_alloc : memref<!tpu.dma_semaphore, #tpu.memory_space<semaphore_mem>>
        %dma_start3A = arith.constant 9744 : i32
        %dma_start3A_34 = arith.constant 0 : i32
        %dma_start3A_35 = tpu.memref_slice %arg7[%dma_start3A, %dma_start3A_34] : memref<10128x128xf32, #tpu.memory_space<vmem_shared>> -> memref<128x128xf32, #tpu.memory_space<vmem_shared>>
        %dma_start3A_36 = arith.constant 9744 : i32
        %dma_start3A_37 = arith.constant 0 : i32
        %dma_start3A_38 = tpu.memref_slice %arg7[%dma_start3A_36, %dma_start3A_37] : memref<10128x128xf32, #tpu.memory_space<vmem_shared>> -> memref<128x128xf32, #tpu.memory_space<vmem_shared>>
        tpu.enqueue_dma source(%arg6 : memref<128x128xf32, #tpu.memory_space<vmem>>) target(%dma_start3A_38 : memref<128x128xf32, #tpu.memory_space<vmem_shared>>) target_semaphore(%run_scoped3A : memref<!tpu.dma_semaphore, #tpu.memory_space<semaphore_mem>>)
        %dma_wait3A = arith.constant 9744 : i32
        %dma_wait3A_39 = arith.constant 0 : i32
        %dma_wait3A_40 = tpu.memref_slice %arg7[%dma_wait3A, %dma_wait3A_39] : memref<10128x128xf32, #tpu.memory_space<vmem_shared>> -> memref<128x128xf32, #tpu.memory_space<vmem_shared>>
        %dma_wait3A_41 = arith.constant 9744 : i32
        %dma_wait3A_42 = arith.constant 0 : i32
        %dma_wait3A_43 = tpu.memref_slice %arg7[%dma_wait3A_41, %dma_wait3A_42] : memref<10128x128xf32, #tpu.memory_space<vmem_shared>> -> memref<128x128xf32, #tpu.memory_space<vmem_shared>>
        tpu.wait_dma2 semaphore(%run_scoped3A : memref<!tpu.dma_semaphore, #tpu.memory_space<semaphore_mem>>) src(%arg6 : memref<128x128xf32, #tpu.memory_space<vmem>>) dst(%dma_wait3A_43 : memref<128x128xf32, #tpu.memory_space<vmem_shared>>)
        tpu.yield
      }) : () -> ()
      "tpu.region"() ({
        %run_scoped3A = tpu.sem_alloc : memref<!tpu.dma_semaphore, #tpu.memory_space<semaphore_mem>>
        %dma_start3A = arith.constant 9872 : i32
        %dma_start3A_34 = arith.constant 0 : i32
        %dma_start3A_35 = tpu.memref_slice %arg7[%dma_start3A, %dma_start3A_34] : memref<10128x128xf32, #tpu.memory_space<vmem_shared>> -> memref<128x128xf32, #tpu.memory_space<vmem_shared>>
        %dma_start3A_36 = arith.constant 9872 : i32
        %dma_start3A_37 = arith.constant 0 : i32
        %dma_start3A_38 = tpu.memref_slice %arg7[%dma_start3A_36, %dma_start3A_37] : memref<10128x128xf32, #tpu.memory_space<vmem_shared>> -> memref<128x128xf32, #tpu.memory_space<vmem_shared>>
        tpu.enqueue_dma source(%arg6 : memref<128x128xf32, #tpu.memory_space<vmem>>) target(%dma_start3A_38 : memref<128x128xf32, #tpu.memory_space<vmem_shared>>) target_semaphore(%run_scoped3A : memref<!tpu.dma_semaphore, #tpu.memory_space<semaphore_mem>>)
        %dma_wait3A = arith.constant 9872 : i32
        %dma_wait3A_39 = arith.constant 0 : i32
        %dma_wait3A_40 = tpu.memref_slice %arg7[%dma_wait3A, %dma_wait3A_39] : memref<10128x128xf32, #tpu.memory_space<vmem_shared>> -> memref<128x128xf32, #tpu.memory_space<vmem_shared>>
        %dma_wait3A_41 = arith.constant 9872 : i32
        %dma_wait3A_42 = arith.constant 0 : i32
        %dma_wait3A_43 = tpu.memref_slice %arg7[%dma_wait3A_41, %dma_wait3A_42] : memref<10128x128xf32, #tpu.memory_space<vmem_shared>> -> memref<128x128xf32, #tpu.memory_space<vmem_shared>>
        tpu.wait_dma2 semaphore(%run_scoped3A : memref<!tpu.dma_semaphore, #tpu.memory_space<semaphore_mem>>) src(%arg6 : memref<128x128xf32, #tpu.memory_space<vmem>>) dst(%dma_wait3A_43 : memref<128x128xf32, #tpu.memory_space<vmem_shared>>)
        tpu.yield
      }) : () -> ()
    } else {
    }
    %barrier3A = arith.constant 0 : index
    tpu.barrier barrier_id(%barrier3A)
    %mul3A_15 = arith.constant 80 : i32
    %mul3A_16 = arith.muli %add3A, %mul3A_15 : i32
    %multiple_of3A = tpu.assume_multiple %mul3A_16, 8 : i32
    %scan3A_17 = arith.constant 0 : i32
    %scan3A_18 = arith.constant 0 : i32
    %scan3A_19 = arith.constant 5 : i32
    %scan3A_20 = arith.addi %scan3A_18, %scan3A_19 : i32
    %scan3A_21 = arith.constant 1 : i32
    scf.for %scan3A_34 = %scan3A_18 to %scan3A_20 step %scan3A_21  : i32 {
      %mul3A_35 = arith.constant 16 : i32
      %mul3A_36 = arith.muli %scan3A_34, %mul3A_35 : i32
      %add3A_37 = arith.addi %multiple_of3A, %mul3A_36 : i32
      %multiple_of3A_38 = tpu.assume_multiple %add3A_37, 8 : i32
      %run_scoped3A = arith.constant 1 : i32
      "tpu.region"() ({
        %run_scoped3A_55 = tpu.sem_alloc : memref<!tpu.dma_semaphore, #tpu.memory_space<semaphore_mem>>
        %dma_start3A = arith.constant 0 : i32
        %dma_start3A_56 = tpu.memref_slice %arg2[%run_scoped3A, %multiple_of3A_38, %dma_start3A] : memref<2x2560x128xi32, #tpu.memory_space<hbm>> -> memref<1x16x128xi32, #tpu.memory_space<hbm>>
        %dma_start3A_57 = tpu.memref_squeeze %dma_start3A_56 : memref<1x16x128xi32, #tpu.memory_space<hbm>> -> memref<16x128xi32, #tpu.memory_space<hbm>>
        %dma_start3A_58 = arith.constant 0 : i32
        %dma_start3A_59 = tpu.memref_slice %arg2[%run_scoped3A, %multiple_of3A_38, %dma_start3A_58] : memref<2x2560x128xi32, #tpu.memory_space<hbm>> -> memref<1x16x128xi32, #tpu.memory_space<hbm>>
        %dma_start3A_60 = tpu.memref_squeeze %dma_start3A_59 : memref<1x16x128xi32, #tpu.memory_space<hbm>> -> memref<16x128xi32, #tpu.memory_space<hbm>>
        tpu.enqueue_dma source(%dma_start3A_60 : memref<16x128xi32, #tpu.memory_space<hbm>>) target(%arg4 : memref<16x128xi32, #tpu.memory_space<vmem>>) target_semaphore(%run_scoped3A_55 : memref<!tpu.dma_semaphore, #tpu.memory_space<semaphore_mem>>)
        %dma_wait3A = arith.constant 0 : i32
        %dma_wait3A_61 = tpu.memref_slice %arg2[%run_scoped3A, %multiple_of3A_38, %dma_wait3A] : memref<2x2560x128xi32, #tpu.memory_space<hbm>> -> memref<1x16x128xi32, #tpu.memory_space<hbm>>
        %dma_wait3A_62 = tpu.memref_squeeze %dma_wait3A_61 : memref<1x16x128xi32, #tpu.memory_space<hbm>> -> memref<16x128xi32, #tpu.memory_space<hbm>>
        %dma_wait3A_63 = arith.constant 0 : i32
        %dma_wait3A_64 = tpu.memref_slice %arg2[%run_scoped3A, %multiple_of3A_38, %dma_wait3A_63] : memref<2x2560x128xi32, #tpu.memory_space<hbm>> -> memref<1x16x128xi32, #tpu.memory_space<hbm>>
        %dma_wait3A_65 = tpu.memref_squeeze %dma_wait3A_64 : memref<1x16x128xi32, #tpu.memory_space<hbm>> -> memref<16x128xi32, #tpu.memory_space<hbm>>
        tpu.wait_dma2 semaphore(%run_scoped3A_55 : memref<!tpu.dma_semaphore, #tpu.memory_space<semaphore_mem>>) src(%dma_wait3A_65 : memref<16x128xi32, #tpu.memory_space<hbm>>) dst(%arg4 : memref<16x128xi32, #tpu.memory_space<vmem>>)
        tpu.yield
      }) : () -> ()
      %run_scoped3A_39 = arith.constant 0 : i32
      "tpu.region"() ({
        %run_scoped3A_55 = tpu.sem_alloc : memref<!tpu.dma_semaphore, #tpu.memory_space<semaphore_mem>>
        %dma_start3A = arith.constant 0 : i32
        %dma_start3A_56 = tpu.memref_slice %arg4[%run_scoped3A_39, %dma_start3A] : memref<16x128xi32, #tpu.memory_space<vmem>> -> memref<1x128xi32, #tpu.memory_space<vmem>>
        %dma_start3A_57 = tpu.memref_squeeze %dma_start3A_56 : memref<1x128xi32, #tpu.memory_space<vmem>> -> memref<128xi32, #tpu.memory_space<vmem>>
        %dma_start3A_58 = arith.constant 0 : i32
        %dma_start3A_59 = arith.constant 0 : i32
        %dma_start3A_60 = tpu.memref_slice %arg7[%dma_start3A_58, %dma_start3A_59] : memref<10128x128xf32, #tpu.memory_space<vmem_shared>> -> memref<10128x128xf32, #tpu.memory_space<vmem_shared>>
        tpu.enqueue_indirect_dma source(%arg5 : memref<128x128xf32, #tpu.memory_space<vmem>>) target(%dma_start3A_60 : memref<10128x128xf32, #tpu.memory_space<vmem_shared>>) offsets(%dma_start3A_57 : memref<128xi32, #tpu.memory_space<vmem>>) semaphore(%run_scoped3A_55 : memref<!tpu.dma_semaphore, #tpu.memory_space<semaphore_mem>>) {add = true}
        %dma_wait3A = arith.constant 0 : i32
        %dma_wait3A_61 = tpu.memref_slice %arg4[%run_scoped3A_39, %dma_wait3A] : memref<16x128xi32, #tpu.memory_space<vmem>> -> memref<1x128xi32, #tpu.memory_space<vmem>>
        %dma_wait3A_62 = tpu.memref_squeeze %dma_wait3A_61 : memref<1x128xi32, #tpu.memory_space<vmem>> -> memref<128xi32, #tpu.memory_space<vmem>>
        %dma_wait3A_63 = arith.constant 0 : i32
        %dma_wait3A_64 = arith.constant 0 : i32
        %dma_wait3A_65 = tpu.memref_slice %arg7[%dma_wait3A_63, %dma_wait3A_64] : memref<10128x128xf32, #tpu.memory_space<vmem_shared>> -> memref<10128x128xf32, #tpu.memory_space<vmem_shared>>
        tpu.wait_indirect_dma semaphore(%run_scoped3A_55 : memref<!tpu.dma_semaphore, #tpu.memory_space<semaphore_mem>>) src(%arg5 : memref<128x128xf32, #tpu.memory_space<vmem>>) dst(%dma_wait3A_65 : memref<10128x128xf32, #tpu.memory_space<vmem_shared>>)
        tpu.yield
      }) : () -> ()
      %run_scoped3A_40 = arith.constant 1 : i32
      "tpu.region"() ({
        %run_scoped3A_55 = tpu.sem_alloc : memref<!tpu.dma_semaphore, #tpu.memory_space<semaphore_mem>>
        %dma_start3A = arith.constant 0 : i32
        %dma_start3A_56 = tpu.memref_slice %arg4[%run_scoped3A_40, %dma_start3A] : memref<16x128xi32, #tpu.memory_space<vmem>> -> memref<1x128xi32, #tpu.memory_space<vmem>>
        %dma_start3A_57 = tpu.memref_squeeze %dma_start3A_56 : memref<1x128xi32, #tpu.memory_space<vmem>> -> memref<128xi32, #tpu.memory_space<vmem>>
        %dma_start3A_58 = arith.constant 0 : i32
        %dma_start3A_59 = arith.constant 0 : i32
        %dma_start3A_60 = tpu.memref_slice %arg7[%dma_start3A_58, %dma_start3A_59] : memref<10128x128xf32, #tpu.memory_space<vmem_shared>> -> memref<10128x128xf32, #tpu.memory_space<vmem_shared>>
        tpu.enqueue_indirect_dma source(%arg5 : memref<128x128xf32, #tpu.memory_space<vmem>>) target(%dma_start3A_60 : memref<10128x128xf32, #tpu.memory_space<vmem_shared>>) offsets(%dma_start3A_57 : memref<128xi32, #tpu.memory_space<vmem>>) semaphore(%run_scoped3A_55 : memref<!tpu.dma_semaphore, #tpu.memory_space<semaphore_mem>>) {add = true}
        %dma_wait3A = arith.constant 0 : i32
        %dma_wait3A_61 = tpu.memref_slice %arg4[%run_scoped3A_40, %dma_wait3A] : memref<16x128xi32, #tpu.memory_space<vmem>> -> memref<1x128xi32, #tpu.memory_space<vmem>>
        %dma_wait3A_62 = tpu.memref_squeeze %dma_wait3A_61 : memref<1x128xi32, #tpu.memory_space<vmem>> -> memref<128xi32, #tpu.memory_space<vmem>>
        %dma_wait3A_63 = arith.constant 0 : i32
        %dma_wait3A_64 = arith.constant 0 : i32
        %dma_wait3A_65 = tpu.memref_slice %arg7[%dma_wait3A_63, %dma_wait3A_64] : memref<10128x128xf32, #tpu.memory_space<vmem_shared>> -> memref<10128x128xf32, #tpu.memory_space<vmem_shared>>
        tpu.wait_indirect_dma semaphore(%run_scoped3A_55 : memref<!tpu.dma_semaphore, #tpu.memory_space<semaphore_mem>>) src(%arg5 : memref<128x128xf32, #tpu.memory_space<vmem>>) dst(%dma_wait3A_65 : memref<10128x128xf32, #tpu.memory_space<vmem_shared>>)
        tpu.yield
      }) : () -> ()
      %run_scoped3A_41 = arith.constant 2 : i32
      "tpu.region"() ({
        %run_scoped3A_55 = tpu.sem_alloc : memref<!tpu.dma_semaphore, #tpu.memory_space<semaphore_mem>>
        %dma_start3A = arith.constant 0 : i32
        %dma_start3A_56 = tpu.memref_slice %arg4[%run_scoped3A_41, %dma_start3A] : memref<16x128xi32, #tpu.memory_space<vmem>> -> memref<1x128xi32, #tpu.memory_space<vmem>>
        %dma_start3A_57 = tpu.memref_squeeze %dma_start3A_56 : memref<1x128xi32, #tpu.memory_space<vmem>> -> memref<128xi32, #tpu.memory_space<vmem>>
        %dma_start3A_58 = arith.constant 0 : i32
        %dma_start3A_59 = arith.constant 0 : i32
        %dma_start3A_60 = tpu.memref_slice %arg7[%dma_start3A_58, %dma_start3A_59] : memref<10128x128xf32, #tpu.memory_space<vmem_shared>> -> memref<10128x128xf32, #tpu.memory_space<vmem_shared>>
        tpu.enqueue_indirect_dma source(%arg5 : memref<128x128xf32, #tpu.memory_space<vmem>>) target(%dma_start3A_60 : memref<10128x128xf32, #tpu.memory_space<vmem_shared>>) offsets(%dma_start3A_57 : memref<128xi32, #tpu.memory_space<vmem>>) semaphore(%run_scoped3A_55 : memref<!tpu.dma_semaphore, #tpu.memory_space<semaphore_mem>>) {add = true}
        %dma_wait3A = arith.constant 0 : i32
        %dma_wait3A_61 = tpu.memref_slice %arg4[%run_scoped3A_41, %dma_wait3A] : memref<16x128xi32, #tpu.memory_space<vmem>> -> memref<1x128xi32, #tpu.memory_space<vmem>>
        %dma_wait3A_62 = tpu.memref_squeeze %dma_wait3A_61 : memref<1x128xi32, #tpu.memory_space<vmem>> -> memref<128xi32, #tpu.memory_space<vmem>>
        %dma_wait3A_63 = arith.constant 0 : i32
        %dma_wait3A_64 = arith.constant 0 : i32
        %dma_wait3A_65 = tpu.memref_slice %arg7[%dma_wait3A_63, %dma_wait3A_64] : memref<10128x128xf32, #tpu.memory_space<vmem_shared>> -> memref<10128x128xf32, #tpu.memory_space<vmem_shared>>
        tpu.wait_indirect_dma semaphore(%run_scoped3A_55 : memref<!tpu.dma_semaphore, #tpu.memory_space<semaphore_mem>>) src(%arg5 : memref<128x128xf32, #tpu.memory_space<vmem>>) dst(%dma_wait3A_65 : memref<10128x128xf32, #tpu.memory_space<vmem_shared>>)
        tpu.yield
      }) : () -> ()
      %run_scoped3A_42 = arith.constant 3 : i32
      "tpu.region"() ({
        %run_scoped3A_55 = tpu.sem_alloc : memref<!tpu.dma_semaphore, #tpu.memory_space<semaphore_mem>>
        %dma_start3A = arith.constant 0 : i32
        %dma_start3A_56 = tpu.memref_slice %arg4[%run_scoped3A_42, %dma_start3A] : memref<16x128xi32, #tpu.memory_space<vmem>> -> memref<1x128xi32, #tpu.memory_space<vmem>>
        %dma_start3A_57 = tpu.memref_squeeze %dma_start3A_56 : memref<1x128xi32, #tpu.memory_space<vmem>> -> memref<128xi32, #tpu.memory_space<vmem>>
        %dma_start3A_58 = arith.constant 0 : i32
        %dma_start3A_59 = arith.constant 0 : i32
        %dma_start3A_60 = tpu.memref_slice %arg7[%dma_start3A_58, %dma_start3A_59] : memref<10128x128xf32, #tpu.memory_space<vmem_shared>> -> memref<10128x128xf32, #tpu.memory_space<vmem_shared>>
        tpu.enqueue_indirect_dma source(%arg5 : memref<128x128xf32, #tpu.memory_space<vmem>>) target(%dma_start3A_60 : memref<10128x128xf32, #tpu.memory_space<vmem_shared>>) offsets(%dma_start3A_57 : memref<128xi32, #tpu.memory_space<vmem>>) semaphore(%run_scoped3A_55 : memref<!tpu.dma_semaphore, #tpu.memory_space<semaphore_mem>>) {add = true}
        %dma_wait3A = arith.constant 0 : i32
        %dma_wait3A_61 = tpu.memref_slice %arg4[%run_scoped3A_42, %dma_wait3A] : memref<16x128xi32, #tpu.memory_space<vmem>> -> memref<1x128xi32, #tpu.memory_space<vmem>>
        %dma_wait3A_62 = tpu.memref_squeeze %dma_wait3A_61 : memref<1x128xi32, #tpu.memory_space<vmem>> -> memref<128xi32, #tpu.memory_space<vmem>>
        %dma_wait3A_63 = arith.constant 0 : i32
        %dma_wait3A_64 = arith.constant 0 : i32
        %dma_wait3A_65 = tpu.memref_slice %arg7[%dma_wait3A_63, %dma_wait3A_64] : memref<10128x128xf32, #tpu.memory_space<vmem_shared>> -> memref<10128x128xf32, #tpu.memory_space<vmem_shared>>
        tpu.wait_indirect_dma semaphore(%run_scoped3A_55 : memref<!tpu.dma_semaphore, #tpu.memory_space<semaphore_mem>>) src(%arg5 : memref<128x128xf32, #tpu.memory_space<vmem>>) dst(%dma_wait3A_65 : memref<10128x128xf32, #tpu.memory_space<vmem_shared>>)
        tpu.yield
      }) : () -> ()
      %run_scoped3A_43 = arith.constant 4 : i32
      "tpu.region"() ({
        %run_scoped3A_55 = tpu.sem_alloc : memref<!tpu.dma_semaphore, #tpu.memory_space<semaphore_mem>>
        %dma_start3A = arith.constant 0 : i32
        %dma_start3A_56 = tpu.memref_slice %arg4[%run_scoped3A_43, %dma_start3A] : memref<16x128xi32, #tpu.memory_space<vmem>> -> memref<1x128xi32, #tpu.memory_space<vmem>>
        %dma_start3A_57 = tpu.memref_squeeze %dma_start3A_56 : memref<1x128xi32, #tpu.memory_space<vmem>> -> memref<128xi32, #tpu.memory_space<vmem>>
        %dma_start3A_58 = arith.constant 0 : i32
        %dma_start3A_59 = arith.constant 0 : i32
        %dma_start3A_60 = tpu.memref_slice %arg7[%dma_start3A_58, %dma_start3A_59] : memref<10128x128xf32, #tpu.memory_space<vmem_shared>> -> memref<10128x128xf32, #tpu.memory_space<vmem_shared>>
        tpu.enqueue_indirect_dma source(%arg5 : memref<128x128xf32, #tpu.memory_space<vmem>>) target(%dma_start3A_60 : memref<10128x128xf32, #tpu.memory_space<vmem_shared>>) offsets(%dma_start3A_57 : memref<128xi32, #tpu.memory_space<vmem>>) semaphore(%run_scoped3A_55 : memref<!tpu.dma_semaphore, #tpu.memory_space<semaphore_mem>>) {add = true}
        %dma_wait3A = arith.constant 0 : i32
        %dma_wait3A_61 = tpu.memref_slice %arg4[%run_scoped3A_43, %dma_wait3A] : memref<16x128xi32, #tpu.memory_space<vmem>> -> memref<1x128xi32, #tpu.memory_space<vmem>>
        %dma_wait3A_62 = tpu.memref_squeeze %dma_wait3A_61 : memref<1x128xi32, #tpu.memory_space<vmem>> -> memref<128xi32, #tpu.memory_space<vmem>>
        %dma_wait3A_63 = arith.constant 0 : i32
        %dma_wait3A_64 = arith.constant 0 : i32
        %dma_wait3A_65 = tpu.memref_slice %arg7[%dma_wait3A_63, %dma_wait3A_64] : memref<10128x128xf32, #tpu.memory_space<vmem_shared>> -> memref<10128x128xf32, #tpu.memory_space<vmem_shared>>
        tpu.wait_indirect_dma semaphore(%run_scoped3A_55 : memref<!tpu.dma_semaphore, #tpu.memory_space<semaphore_mem>>) src(%arg5 : memref<128x128xf32, #tpu.memory_space<vmem>>) dst(%dma_wait3A_65 : memref<10128x128xf32, #tpu.memory_space<vmem_shared>>)
        tpu.yield
      }) : () -> ()
      %run_scoped3A_44 = arith.constant 5 : i32
      "tpu.region"() ({
        %run_scoped3A_55 = tpu.sem_alloc : memref<!tpu.dma_semaphore, #tpu.memory_space<semaphore_mem>>
        %dma_start3A = arith.constant 0 : i32
        %dma_start3A_56 = tpu.memref_slice %arg4[%run_scoped3A_44, %dma_start3A] : memref<16x128xi32, #tpu.memory_space<vmem>> -> memref<1x128xi32, #tpu.memory_space<vmem>>
        %dma_start3A_57 = tpu.memref_squeeze %dma_start3A_56 : memref<1x128xi32, #tpu.memory_space<vmem>> -> memref<128xi32, #tpu.memory_space<vmem>>
        %dma_start3A_58 = arith.constant 0 : i32
        %dma_start3A_59 = arith.constant 0 : i32
        %dma_start3A_60 = tpu.memref_slice %arg7[%dma_start3A_58, %dma_start3A_59] : memref<10128x128xf32, #tpu.memory_space<vmem_shared>> -> memref<10128x128xf32, #tpu.memory_space<vmem_shared>>
        tpu.enqueue_indirect_dma source(%arg5 : memref<128x128xf32, #tpu.memory_space<vmem>>) target(%dma_start3A_60 : memref<10128x128xf32, #tpu.memory_space<vmem_shared>>) offsets(%dma_start3A_57 : memref<128xi32, #tpu.memory_space<vmem>>) semaphore(%run_scoped3A_55 : memref<!tpu.dma_semaphore, #tpu.memory_space<semaphore_mem>>) {add = true}
        %dma_wait3A = arith.constant 0 : i32
        %dma_wait3A_61 = tpu.memref_slice %arg4[%run_scoped3A_44, %dma_wait3A] : memref<16x128xi32, #tpu.memory_space<vmem>> -> memref<1x128xi32, #tpu.memory_space<vmem>>
        %dma_wait3A_62 = tpu.memref_squeeze %dma_wait3A_61 : memref<1x128xi32, #tpu.memory_space<vmem>> -> memref<128xi32, #tpu.memory_space<vmem>>
        %dma_wait3A_63 = arith.constant 0 : i32
        %dma_wait3A_64 = arith.constant 0 : i32
        %dma_wait3A_65 = tpu.memref_slice %arg7[%dma_wait3A_63, %dma_wait3A_64] : memref<10128x128xf32, #tpu.memory_space<vmem_shared>> -> memref<10128x128xf32, #tpu.memory_space<vmem_shared>>
        tpu.wait_indirect_dma semaphore(%run_scoped3A_55 : memref<!tpu.dma_semaphore, #tpu.memory_space<semaphore_mem>>) src(%arg5 : memref<128x128xf32, #tpu.memory_space<vmem>>) dst(%dma_wait3A_65 : memref<10128x128xf32, #tpu.memory_space<vmem_shared>>)
        tpu.yield
      }) : () -> ()
      %run_scoped3A_45 = arith.constant 6 : i32
      "tpu.region"() ({
        %run_scoped3A_55 = tpu.sem_alloc : memref<!tpu.dma_semaphore, #tpu.memory_space<semaphore_mem>>
        %dma_start3A = arith.constant 0 : i32
        %dma_start3A_56 = tpu.memref_slice %arg4[%run_scoped3A_45, %dma_start3A] : memref<16x128xi32, #tpu.memory_space<vmem>> -> memref<1x128xi32, #tpu.memory_space<vmem>>
        %dma_start3A_57 = tpu.memref_squeeze %dma_start3A_56 : memref<1x128xi32, #tpu.memory_space<vmem>> -> memref<128xi32, #tpu.memory_space<vmem>>
        %dma_start3A_58 = arith.constant 0 : i32
        %dma_start3A_59 = arith.constant 0 : i32
        %dma_start3A_60 = tpu.memref_slice %arg7[%dma_start3A_58, %dma_start3A_59] : memref<10128x128xf32, #tpu.memory_space<vmem_shared>> -> memref<10128x128xf32, #tpu.memory_space<vmem_shared>>
        tpu.enqueue_indirect_dma source(%arg5 : memref<128x128xf32, #tpu.memory_space<vmem>>) target(%dma_start3A_60 : memref<10128x128xf32, #tpu.memory_space<vmem_shared>>) offsets(%dma_start3A_57 : memref<128xi32, #tpu.memory_space<vmem>>) semaphore(%run_scoped3A_55 : memref<!tpu.dma_semaphore, #tpu.memory_space<semaphore_mem>>) {add = true}
        %dma_wait3A = arith.constant 0 : i32
        %dma_wait3A_61 = tpu.memref_slice %arg4[%run_scoped3A_45, %dma_wait3A] : memref<16x128xi32, #tpu.memory_space<vmem>> -> memref<1x128xi32, #tpu.memory_space<vmem>>
        %dma_wait3A_62 = tpu.memref_squeeze %dma_wait3A_61 : memref<1x128xi32, #tpu.memory_space<vmem>> -> memref<128xi32, #tpu.memory_space<vmem>>
        %dma_wait3A_63 = arith.constant 0 : i32
        %dma_wait3A_64 = arith.constant 0 : i32
        %dma_wait3A_65 = tpu.memref_slice %arg7[%dma_wait3A_63, %dma_wait3A_64] : memref<10128x128xf32, #tpu.memory_space<vmem_shared>> -> memref<10128x128xf32, #tpu.memory_space<vmem_shared>>
        tpu.wait_indirect_dma semaphore(%run_scoped3A_55 : memref<!tpu.dma_semaphore, #tpu.memory_space<semaphore_mem>>) src(%arg5 : memref<128x128xf32, #tpu.memory_space<vmem>>) dst(%dma_wait3A_65 : memref<10128x128xf32, #tpu.memory_space<vmem_shared>>)
        tpu.yield
      }) : () -> ()
      %run_scoped3A_46 = arith.constant 7 : i32
      "tpu.region"() ({
        %run_scoped3A_55 = tpu.sem_alloc : memref<!tpu.dma_semaphore, #tpu.memory_space<semaphore_mem>>
        %dma_start3A = arith.constant 0 : i32
        %dma_start3A_56 = tpu.memref_slice %arg4[%run_scoped3A_46, %dma_start3A] : memref<16x128xi32, #tpu.memory_space<vmem>> -> memref<1x128xi32, #tpu.memory_space<vmem>>
        %dma_start3A_57 = tpu.memref_squeeze %dma_start3A_56 : memref<1x128xi32, #tpu.memory_space<vmem>> -> memref<128xi32, #tpu.memory_space<vmem>>
        %dma_start3A_58 = arith.constant 0 : i32
        %dma_start3A_59 = arith.constant 0 : i32
        %dma_start3A_60 = tpu.memref_slice %arg7[%dma_start3A_58, %dma_start3A_59] : memref<10128x128xf32, #tpu.memory_space<vmem_shared>> -> memref<10128x128xf32, #tpu.memory_space<vmem_shared>>
        tpu.enqueue_indirect_dma source(%arg5 : memref<128x128xf32, #tpu.memory_space<vmem>>) target(%dma_start3A_60 : memref<10128x128xf32, #tpu.memory_space<vmem_shared>>) offsets(%dma_start3A_57 : memref<128xi32, #tpu.memory_space<vmem>>) semaphore(%run_scoped3A_55 : memref<!tpu.dma_semaphore, #tpu.memory_space<semaphore_mem>>) {add = true}
        %dma_wait3A = arith.constant 0 : i32
        %dma_wait3A_61 = tpu.memref_slice %arg4[%run_scoped3A_46, %dma_wait3A] : memref<16x128xi32, #tpu.memory_space<vmem>> -> memref<1x128xi32, #tpu.memory_space<vmem>>
        %dma_wait3A_62 = tpu.memref_squeeze %dma_wait3A_61 : memref<1x128xi32, #tpu.memory_space<vmem>> -> memref<128xi32, #tpu.memory_space<vmem>>
        %dma_wait3A_63 = arith.constant 0 : i32
        %dma_wait3A_64 = arith.constant 0 : i32
        %dma_wait3A_65 = tpu.memref_slice %arg7[%dma_wait3A_63, %dma_wait3A_64] : memref<10128x128xf32, #tpu.memory_space<vmem_shared>> -> memref<10128x128xf32, #tpu.memory_space<vmem_shared>>
        tpu.wait_indirect_dma semaphore(%run_scoped3A_55 : memref<!tpu.dma_semaphore, #tpu.memory_space<semaphore_mem>>) src(%arg5 : memref<128x128xf32, #tpu.memory_space<vmem>>) dst(%dma_wait3A_65 : memref<10128x128xf32, #tpu.memory_space<vmem_shared>>)
        tpu.yield
      }) : () -> ()
      %run_scoped3A_47 = arith.constant 8 : i32
      "tpu.region"() ({
        %run_scoped3A_55 = tpu.sem_alloc : memref<!tpu.dma_semaphore, #tpu.memory_space<semaphore_mem>>
        %dma_start3A = arith.constant 0 : i32
        %dma_start3A_56 = tpu.memref_slice %arg4[%run_scoped3A_47, %dma_start3A] : memref<16x128xi32, #tpu.memory_space<vmem>> -> memref<1x128xi32, #tpu.memory_space<vmem>>
        %dma_start3A_57 = tpu.memref_squeeze %dma_start3A_56 : memref<1x128xi32, #tpu.memory_space<vmem>> -> memref<128xi32, #tpu.memory_space<vmem>>
        %dma_start3A_58 = arith.constant 0 : i32
        %dma_start3A_59 = arith.constant 0 : i32
        %dma_start3A_60 = tpu.memref_slice %arg7[%dma_start3A_58, %dma_start3A_59] : memref<10128x128xf32, #tpu.memory_space<vmem_shared>> -> memref<10128x128xf32, #tpu.memory_space<vmem_shared>>
        tpu.enqueue_indirect_dma source(%arg5 : memref<128x128xf32, #tpu.memory_space<vmem>>) target(%dma_start3A_60 : memref<10128x128xf32, #tpu.memory_space<vmem_shared>>) offsets(%dma_start3A_57 : memref<128xi32, #tpu.memory_space<vmem>>) semaphore(%run_scoped3A_55 : memref<!tpu.dma_semaphore, #tpu.memory_space<semaphore_mem>>) {add = true}
        %dma_wait3A = arith.constant 0 : i32
        %dma_wait3A_61 = tpu.memref_slice %arg4[%run_scoped3A_47, %dma_wait3A] : memref<16x128xi32, #tpu.memory_space<vmem>> -> memref<1x128xi32, #tpu.memory_space<vmem>>
        %dma_wait3A_62 = tpu.memref_squeeze %dma_wait3A_61 : memref<1x128xi32, #tpu.memory_space<vmem>> -> memref<128xi32, #tpu.memory_space<vmem>>
        %dma_wait3A_63 = arith.constant 0 : i32
        %dma_wait3A_64 = arith.constant 0 : i32
        %dma_wait3A_65 = tpu.memref_slice %arg7[%dma_wait3A_63, %dma_wait3A_64] : memref<10128x128xf32, #tpu.memory_space<vmem_shared>> -> memref<10128x128xf32, #tpu.memory_space<vmem_shared>>
        tpu.wait_indirect_dma semaphore(%run_scoped3A_55 : memref<!tpu.dma_semaphore, #tpu.memory_space<semaphore_mem>>) src(%arg5 : memref<128x128xf32, #tpu.memory_space<vmem>>) dst(%dma_wait3A_65 : memref<10128x128xf32, #tpu.memory_space<vmem_shared>>)
        tpu.yield
      }) : () -> ()
      %run_scoped3A_48 = arith.constant 9 : i32
      "tpu.region"() ({
        %run_scoped3A_55 = tpu.sem_alloc : memref<!tpu.dma_semaphore, #tpu.memory_space<semaphore_mem>>
        %dma_start3A = arith.constant 0 : i32
        %dma_start3A_56 = tpu.memref_slice %arg4[%run_scoped3A_48, %dma_start3A] : memref<16x128xi32, #tpu.memory_space<vmem>> -> memref<1x128xi32, #tpu.memory_space<vmem>>
        %dma_start3A_57 = tpu.memref_squeeze %dma_start3A_56 : memref<1x128xi32, #tpu.memory_space<vmem>> -> memref<128xi32, #tpu.memory_space<vmem>>
        %dma_start3A_58 = arith.constant 0 : i32
        %dma_start3A_59 = arith.constant 0 : i32
        %dma_start3A_60 = tpu.memref_slice %arg7[%dma_start3A_58, %dma_start3A_59] : memref<10128x128xf32, #tpu.memory_space<vmem_shared>> -> memref<10128x128xf32, #tpu.memory_space<vmem_shared>>
        tpu.enqueue_indirect_dma source(%arg5 : memref<128x128xf32, #tpu.memory_space<vmem>>) target(%dma_start3A_60 : memref<10128x128xf32, #tpu.memory_space<vmem_shared>>) offsets(%dma_start3A_57 : memref<128xi32, #tpu.memory_space<vmem>>) semaphore(%run_scoped3A_55 : memref<!tpu.dma_semaphore, #tpu.memory_space<semaphore_mem>>) {add = true}
        %dma_wait3A = arith.constant 0 : i32
        %dma_wait3A_61 = tpu.memref_slice %arg4[%run_scoped3A_48, %dma_wait3A] : memref<16x128xi32, #tpu.memory_space<vmem>> -> memref<1x128xi32, #tpu.memory_space<vmem>>
        %dma_wait3A_62 = tpu.memref_squeeze %dma_wait3A_61 : memref<1x128xi32, #tpu.memory_space<vmem>> -> memref<128xi32, #tpu.memory_space<vmem>>
        %dma_wait3A_63 = arith.constant 0 : i32
        %dma_wait3A_64 = arith.constant 0 : i32
        %dma_wait3A_65 = tpu.memref_slice %arg7[%dma_wait3A_63, %dma_wait3A_64] : memref<10128x128xf32, #tpu.memory_space<vmem_shared>> -> memref<10128x128xf32, #tpu.memory_space<vmem_shared>>
        tpu.wait_indirect_dma semaphore(%run_scoped3A_55 : memref<!tpu.dma_semaphore, #tpu.memory_space<semaphore_mem>>) src(%arg5 : memref<128x128xf32, #tpu.memory_space<vmem>>) dst(%dma_wait3A_65 : memref<10128x128xf32, #tpu.memory_space<vmem_shared>>)
        tpu.yield
      }) : () -> ()
      %run_scoped3A_49 = arith.constant 10 : i32
      "tpu.region"() ({
        %run_scoped3A_55 = tpu.sem_alloc : memref<!tpu.dma_semaphore, #tpu.memory_space<semaphore_mem>>
        %dma_start3A = arith.constant 0 : i32
        %dma_start3A_56 = tpu.memref_slice %arg4[%run_scoped3A_49, %dma_start3A] : memref<16x128xi32, #tpu.memory_space<vmem>> -> memref<1x128xi32, #tpu.memory_space<vmem>>
        %dma_start3A_57 = tpu.memref_squeeze %dma_start3A_56 : memref<1x128xi32, #tpu.memory_space<vmem>> -> memref<128xi32, #tpu.memory_space<vmem>>
        %dma_start3A_58 = arith.constant 0 : i32
        %dma_start3A_59 = arith.constant 0 : i32
        %dma_start3A_60 = tpu.memref_slice %arg7[%dma_start3A_58, %dma_start3A_59] : memref<10128x128xf32, #tpu.memory_space<vmem_shared>> -> memref<10128x128xf32, #tpu.memory_space<vmem_shared>>
        tpu.enqueue_indirect_dma source(%arg5 : memref<128x128xf32, #tpu.memory_space<vmem>>) target(%dma_start3A_60 : memref<10128x128xf32, #tpu.memory_space<vmem_shared>>) offsets(%dma_start3A_57 : memref<128xi32, #tpu.memory_space<vmem>>) semaphore(%run_scoped3A_55 : memref<!tpu.dma_semaphore, #tpu.memory_space<semaphore_mem>>) {add = true}
        %dma_wait3A = arith.constant 0 : i32
        %dma_wait3A_61 = tpu.memref_slice %arg4[%run_scoped3A_49, %dma_wait3A] : memref<16x128xi32, #tpu.memory_space<vmem>> -> memref<1x128xi32, #tpu.memory_space<vmem>>
        %dma_wait3A_62 = tpu.memref_squeeze %dma_wait3A_61 : memref<1x128xi32, #tpu.memory_space<vmem>> -> memref<128xi32, #tpu.memory_space<vmem>>
        %dma_wait3A_63 = arith.constant 0 : i32
        %dma_wait3A_64 = arith.constant 0 : i32
        %dma_wait3A_65 = tpu.memref_slice %arg7[%dma_wait3A_63, %dma_wait3A_64] : memref<10128x128xf32, #tpu.memory_space<vmem_shared>> -> memref<10128x128xf32, #tpu.memory_space<vmem_shared>>
        tpu.wait_indirect_dma semaphore(%run_scoped3A_55 : memref<!tpu.dma_semaphore, #tpu.memory_space<semaphore_mem>>) src(%arg5 : memref<128x128xf32, #tpu.memory_space<vmem>>) dst(%dma_wait3A_65 : memref<10128x128xf32, #tpu.memory_space<vmem_shared>>)
        tpu.yield
      }) : () -> ()
      %run_scoped3A_50 = arith.constant 11 : i32
      "tpu.region"() ({
        %run_scoped3A_55 = tpu.sem_alloc : memref<!tpu.dma_semaphore, #tpu.memory_space<semaphore_mem>>
        %dma_start3A = arith.constant 0 : i32
        %dma_start3A_56 = tpu.memref_slice %arg4[%run_scoped3A_50, %dma_start3A] : memref<16x128xi32, #tpu.memory_space<vmem>> -> memref<1x128xi32, #tpu.memory_space<vmem>>
        %dma_start3A_57 = tpu.memref_squeeze %dma_start3A_56 : memref<1x128xi32, #tpu.memory_space<vmem>> -> memref<128xi32, #tpu.memory_space<vmem>>
        %dma_start3A_58 = arith.constant 0 : i32
        %dma_start3A_59 = arith.constant 0 : i32
        %dma_start3A_60 = tpu.memref_slice %arg7[%dma_start3A_58, %dma_start3A_59] : memref<10128x128xf32, #tpu.memory_space<vmem_shared>> -> memref<10128x128xf32, #tpu.memory_space<vmem_shared>>
        tpu.enqueue_indirect_dma source(%arg5 : memref<128x128xf32, #tpu.memory_space<vmem>>) target(%dma_start3A_60 : memref<10128x128xf32, #tpu.memory_space<vmem_shared>>) offsets(%dma_start3A_57 : memref<128xi32, #tpu.memory_space<vmem>>) semaphore(%run_scoped3A_55 : memref<!tpu.dma_semaphore, #tpu.memory_space<semaphore_mem>>) {add = true}
        %dma_wait3A = arith.constant 0 : i32
        %dma_wait3A_61 = tpu.memref_slice %arg4[%run_scoped3A_50, %dma_wait3A] : memref<16x128xi32, #tpu.memory_space<vmem>> -> memref<1x128xi32, #tpu.memory_space<vmem>>
        %dma_wait3A_62 = tpu.memref_squeeze %dma_wait3A_61 : memref<1x128xi32, #tpu.memory_space<vmem>> -> memref<128xi32, #tpu.memory_space<vmem>>
        %dma_wait3A_63 = arith.constant 0 : i32
        %dma_wait3A_64 = arith.constant 0 : i32
        %dma_wait3A_65 = tpu.memref_slice %arg7[%dma_wait3A_63, %dma_wait3A_64] : memref<10128x128xf32, #tpu.memory_space<vmem_shared>> -> memref<10128x128xf32, #tpu.memory_space<vmem_shared>>
        tpu.wait_indirect_dma semaphore(%run_scoped3A_55 : memref<!tpu.dma_semaphore, #tpu.memory_space<semaphore_mem>>) src(%arg5 : memref<128x128xf32, #tpu.memory_space<vmem>>) dst(%dma_wait3A_65 : memref<10128x128xf32, #tpu.memory_space<vmem_shared>>)
        tpu.yield
      }) : () -> ()
      %run_scoped3A_51 = arith.constant 12 : i32
      "tpu.region"() ({
        %run_scoped3A_55 = tpu.sem_alloc : memref<!tpu.dma_semaphore, #tpu.memory_space<semaphore_mem>>
        %dma_start3A = arith.constant 0 : i32
        %dma_start3A_56 = tpu.memref_slice %arg4[%run_scoped3A_51, %dma_start3A] : memref<16x128xi32, #tpu.memory_space<vmem>> -> memref<1x128xi32, #tpu.memory_space<vmem>>
        %dma_start3A_57 = tpu.memref_squeeze %dma_start3A_56 : memref<1x128xi32, #tpu.memory_space<vmem>> -> memref<128xi32, #tpu.memory_space<vmem>>
        %dma_start3A_58 = arith.constant 0 : i32
        %dma_start3A_59 = arith.constant 0 : i32
        %dma_start3A_60 = tpu.memref_slice %arg7[%dma_start3A_58, %dma_start3A_59] : memref<10128x128xf32, #tpu.memory_space<vmem_shared>> -> memref<10128x128xf32, #tpu.memory_space<vmem_shared>>
        tpu.enqueue_indirect_dma source(%arg5 : memref<128x128xf32, #tpu.memory_space<vmem>>) target(%dma_start3A_60 : memref<10128x128xf32, #tpu.memory_space<vmem_shared>>) offsets(%dma_start3A_57 : memref<128xi32, #tpu.memory_space<vmem>>) semaphore(%run_scoped3A_55 : memref<!tpu.dma_semaphore, #tpu.memory_space<semaphore_mem>>) {add = true}
        %dma_wait3A = arith.constant 0 : i32
        %dma_wait3A_61 = tpu.memref_slice %arg4[%run_scoped3A_51, %dma_wait3A] : memref<16x128xi32, #tpu.memory_space<vmem>> -> memref<1x128xi32, #tpu.memory_space<vmem>>
        %dma_wait3A_62 = tpu.memref_squeeze %dma_wait3A_61 : memref<1x128xi32, #tpu.memory_space<vmem>> -> memref<128xi32, #tpu.memory_space<vmem>>
        %dma_wait3A_63 = arith.constant 0 : i32
        %dma_wait3A_64 = arith.constant 0 : i32
        %dma_wait3A_65 = tpu.memref_slice %arg7[%dma_wait3A_63, %dma_wait3A_64] : memref<10128x128xf32, #tpu.memory_space<vmem_shared>> -> memref<10128x128xf32, #tpu.memory_space<vmem_shared>>
        tpu.wait_indirect_dma semaphore(%run_scoped3A_55 : memref<!tpu.dma_semaphore, #tpu.memory_space<semaphore_mem>>) src(%arg5 : memref<128x128xf32, #tpu.memory_space<vmem>>) dst(%dma_wait3A_65 : memref<10128x128xf32, #tpu.memory_space<vmem_shared>>)
        tpu.yield
      }) : () -> ()
      %run_scoped3A_52 = arith.constant 13 : i32
      "tpu.region"() ({
        %run_scoped3A_55 = tpu.sem_alloc : memref<!tpu.dma_semaphore, #tpu.memory_space<semaphore_mem>>
        %dma_start3A = arith.constant 0 : i32
        %dma_start3A_56 = tpu.memref_slice %arg4[%run_scoped3A_52, %dma_start3A] : memref<16x128xi32, #tpu.memory_space<vmem>> -> memref<1x128xi32, #tpu.memory_space<vmem>>
        %dma_start3A_57 = tpu.memref_squeeze %dma_start3A_56 : memref<1x128xi32, #tpu.memory_space<vmem>> -> memref<128xi32, #tpu.memory_space<vmem>>
        %dma_start3A_58 = arith.constant 0 : i32
        %dma_start3A_59 = arith.constant 0 : i32
        %dma_start3A_60 = tpu.memref_slice %arg7[%dma_start3A_58, %dma_start3A_59] : memref<10128x128xf32, #tpu.memory_space<vmem_shared>> -> memref<10128x128xf32, #tpu.memory_space<vmem_shared>>
        tpu.enqueue_indirect_dma source(%arg5 : memref<128x128xf32, #tpu.memory_space<vmem>>) target(%dma_start3A_60 : memref<10128x128xf32, #tpu.memory_space<vmem_shared>>) offsets(%dma_start3A_57 : memref<128xi32, #tpu.memory_space<vmem>>) semaphore(%run_scoped3A_55 : memref<!tpu.dma_semaphore, #tpu.memory_space<semaphore_mem>>) {add = true}
        %dma_wait3A = arith.constant 0 : i32
        %dma_wait3A_61 = tpu.memref_slice %arg4[%run_scoped3A_52, %dma_wait3A] : memref<16x128xi32, #tpu.memory_space<vmem>> -> memref<1x128xi32, #tpu.memory_space<vmem>>
        %dma_wait3A_62 = tpu.memref_squeeze %dma_wait3A_61 : memref<1x128xi32, #tpu.memory_space<vmem>> -> memref<128xi32, #tpu.memory_space<vmem>>
        %dma_wait3A_63 = arith.constant 0 : i32
        %dma_wait3A_64 = arith.constant 0 : i32
        %dma_wait3A_65 = tpu.memref_slice %arg7[%dma_wait3A_63, %dma_wait3A_64] : memref<10128x128xf32, #tpu.memory_space<vmem_shared>> -> memref<10128x128xf32, #tpu.memory_space<vmem_shared>>
        tpu.wait_indirect_dma semaphore(%run_scoped3A_55 : memref<!tpu.dma_semaphore, #tpu.memory_space<semaphore_mem>>) src(%arg5 : memref<128x128xf32, #tpu.memory_space<vmem>>) dst(%dma_wait3A_65 : memref<10128x128xf32, #tpu.memory_space<vmem_shared>>)
        tpu.yield
      }) : () -> ()
      %run_scoped3A_53 = arith.constant 14 : i32
      "tpu.region"() ({
        %run_scoped3A_55 = tpu.sem_alloc : memref<!tpu.dma_semaphore, #tpu.memory_space<semaphore_mem>>
        %dma_start3A = arith.constant 0 : i32
        %dma_start3A_56 = tpu.memref_slice %arg4[%run_scoped3A_53, %dma_start3A] : memref<16x128xi32, #tpu.memory_space<vmem>> -> memref<1x128xi32, #tpu.memory_space<vmem>>
        %dma_start3A_57 = tpu.memref_squeeze %dma_start3A_56 : memref<1x128xi32, #tpu.memory_space<vmem>> -> memref<128xi32, #tpu.memory_space<vmem>>
        %dma_start3A_58 = arith.constant 0 : i32
        %dma_start3A_59 = arith.constant 0 : i32
        %dma_start3A_60 = tpu.memref_slice %arg7[%dma_start3A_58, %dma_start3A_59] : memref<10128x128xf32, #tpu.memory_space<vmem_shared>> -> memref<10128x128xf32, #tpu.memory_space<vmem_shared>>
        tpu.enqueue_indirect_dma source(%arg5 : memref<128x128xf32, #tpu.memory_space<vmem>>) target(%dma_start3A_60 : memref<10128x128xf32, #tpu.memory_space<vmem_shared>>) offsets(%dma_start3A_57 : memref<128xi32, #tpu.memory_space<vmem>>) semaphore(%run_scoped3A_55 : memref<!tpu.dma_semaphore, #tpu.memory_space<semaphore_mem>>) {add = true}
        %dma_wait3A = arith.constant 0 : i32
        %dma_wait3A_61 = tpu.memref_slice %arg4[%run_scoped3A_53, %dma_wait3A] : memref<16x128xi32, #tpu.memory_space<vmem>> -> memref<1x128xi32, #tpu.memory_space<vmem>>
        %dma_wait3A_62 = tpu.memref_squeeze %dma_wait3A_61 : memref<1x128xi32, #tpu.memory_space<vmem>> -> memref<128xi32, #tpu.memory_space<vmem>>
        %dma_wait3A_63 = arith.constant 0 : i32
        %dma_wait3A_64 = arith.constant 0 : i32
        %dma_wait3A_65 = tpu.memref_slice %arg7[%dma_wait3A_63, %dma_wait3A_64] : memref<10128x128xf32, #tpu.memory_space<vmem_shared>> -> memref<10128x128xf32, #tpu.memory_space<vmem_shared>>
        tpu.wait_indirect_dma semaphore(%run_scoped3A_55 : memref<!tpu.dma_semaphore, #tpu.memory_space<semaphore_mem>>) src(%arg5 : memref<128x128xf32, #tpu.memory_space<vmem>>) dst(%dma_wait3A_65 : memref<10128x128xf32, #tpu.memory_space<vmem_shared>>)
        tpu.yield
      }) : () -> ()
      %run_scoped3A_54 = arith.constant 15 : i32
      "tpu.region"() ({
        %run_scoped3A_55 = tpu.sem_alloc : memref<!tpu.dma_semaphore, #tpu.memory_space<semaphore_mem>>
        %dma_start3A = arith.constant 0 : i32
        %dma_start3A_56 = tpu.memref_slice %arg4[%run_scoped3A_54, %dma_start3A] : memref<16x128xi32, #tpu.memory_space<vmem>> -> memref<1x128xi32, #tpu.memory_space<vmem>>
        %dma_start3A_57 = tpu.memref_squeeze %dma_start3A_56 : memref<1x128xi32, #tpu.memory_space<vmem>> -> memref<128xi32, #tpu.memory_space<vmem>>
        %dma_start3A_58 = arith.constant 0 : i32
        %dma_start3A_59 = arith.constant 0 : i32
        %dma_start3A_60 = tpu.memref_slice %arg7[%dma_start3A_58, %dma_start3A_59] : memref<10128x128xf32, #tpu.memory_space<vmem_shared>> -> memref<10128x128xf32, #tpu.memory_space<vmem_shared>>
        tpu.enqueue_indirect_dma source(%arg5 : memref<128x128xf32, #tpu.memory_space<vmem>>) target(%dma_start3A_60 : memref<10128x128xf32, #tpu.memory_space<vmem_shared>>) offsets(%dma_start3A_57 : memref<128xi32, #tpu.memory_space<vmem>>) semaphore(%run_scoped3A_55 : memref<!tpu.dma_semaphore, #tpu.memory_space<semaphore_mem>>) {add = true}
        %dma_wait3A = arith.constant 0 : i32
        %dma_wait3A_61 = tpu.memref_slice %arg4[%run_scoped3A_54, %dma_wait3A] : memref<16x128xi32, #tpu.memory_space<vmem>> -> memref<1x128xi32, #tpu.memory_space<vmem>>
        %dma_wait3A_62 = tpu.memref_squeeze %dma_wait3A_61 : memref<1x128xi32, #tpu.memory_space<vmem>> -> memref<128xi32, #tpu.memory_space<vmem>>
        %dma_wait3A_63 = arith.constant 0 : i32
        %dma_wait3A_64 = arith.constant 0 : i32
        %dma_wait3A_65 = tpu.memref_slice %arg7[%dma_wait3A_63, %dma_wait3A_64] : memref<10128x128xf32, #tpu.memory_space<vmem_shared>> -> memref<10128x128xf32, #tpu.memory_space<vmem_shared>>
        tpu.wait_indirect_dma semaphore(%run_scoped3A_55 : memref<!tpu.dma_semaphore, #tpu.memory_space<semaphore_mem>>) src(%arg5 : memref<128x128xf32, #tpu.memory_space<vmem>>) dst(%dma_wait3A_65 : memref<10128x128xf32, #tpu.memory_space<vmem_shared>>)
        tpu.yield
      }) : () -> ()
    }
    %scan3A_22 = arith.constant 5 : i32
    %barrier3A_23 = arith.constant 0 : index
    tpu.barrier barrier_id(%barrier3A_23)
    %ne3A_24 = arith.constant 15 : i32
    %ne3A_25 = arith.cmpi ne, %arg1, %ne3A_24 : i32
    %convert_element_type3A_26 = arith.extui %ne3A_25 : i1 to i32
    %cond3A_27 = arith.constant 0 : i32
    %cond3A_28 = arith.cmpi ne, %convert_element_type3A_26, %cond3A_27 : i32
    scf.if %cond3A_28 {
      %mul3A_34 = arith.constant 624 : i32
      %mul3A_35 = arith.muli %arg1, %mul3A_34 : i32
      %multiple_of3A_36 = tpu.assume_multiple %mul3A_35, 8 : i32
      "tpu.region"() ({
        %run_scoped3A = tpu.sem_alloc : memref<!tpu.dma_semaphore, #tpu.memory_space<semaphore_mem>>
        %dma_start3A = arith.constant 0 : i32
        %dma_start3A_37 = tpu.memref_slice %arg3[%arg0, %multiple_of3A_36, %dma_start3A] : memref<2x10000x128xf32, #tpu.memory_space<hbm>> -> memref<1x624x128xf32, #tpu.memory_space<hbm>>
        %dma_start3A_38 = tpu.memref_squeeze %dma_start3A_37 : memref<1x624x128xf32, #tpu.memory_space<hbm>> -> memref<624x128xf32, #tpu.memory_space<hbm>>
        %dma_start3A_39 = arith.constant 0 : i32
        %dma_start3A_40 = tpu.memref_slice %arg7[%multiple_of3A_36, %dma_start3A_39] : memref<10128x128xf32, #tpu.memory_space<vmem_shared>> -> memref<624x128xf32, #tpu.memory_space<vmem_shared>>
        tpu.enqueue_dma source(%dma_start3A_40 : memref<624x128xf32, #tpu.memory_space<vmem_shared>>) target(%dma_start3A_38 : memref<624x128xf32, #tpu.memory_space<hbm>>) target_semaphore(%run_scoped3A : memref<!tpu.dma_semaphore, #tpu.memory_space<semaphore_mem>>)
        %dma_wait3A = arith.constant 0 : i32
        %dma_wait3A_41 = tpu.memref_slice %arg3[%arg0, %multiple_of3A_36, %dma_wait3A] : memref<2x10000x128xf32, #tpu.memory_space<hbm>> -> memref<1x624x128xf32, #tpu.memory_space<hbm>>
        %dma_wait3A_42 = tpu.memref_squeeze %dma_wait3A_41 : memref<1x624x128xf32, #tpu.memory_space<hbm>> -> memref<624x128xf32, #tpu.memory_space<hbm>>
        %dma_wait3A_43 = arith.constant 0 : i32
        %dma_wait3A_44 = tpu.memref_slice %arg7[%multiple_of3A_36, %dma_wait3A_43] : memref<10128x128xf32, #tpu.memory_space<vmem_shared>> -> memref<624x128xf32, #tpu.memory_space<vmem_shared>>
        tpu.wait_dma2 semaphore(%run_scoped3A : memref<!tpu.dma_semaphore, #tpu.memory_space<semaphore_mem>>) src(%dma_wait3A_44 : memref<624x128xf32, #tpu.memory_space<vmem_shared>>) dst(%dma_wait3A_42 : memref<624x128xf32, #tpu.memory_space<hbm>>)
        tpu.yield
      }) : () -> ()
    } else {
    }
    %eq3A_29 = arith.constant 15 : i32
    %eq3A_30 = arith.cmpi eq, %arg1, %eq3A_29 : i32
    %convert_element_type3A_31 = arith.extui %eq3A_30 : i1 to i32
    %cond3A_32 = arith.constant 0 : i32
    %cond3A_33 = arith.cmpi ne, %convert_element_type3A_31, %cond3A_32 : i32
    scf.if %cond3A_33 {
      "tpu.region"() ({
        %run_scoped3A = tpu.sem_alloc : memref<!tpu.dma_semaphore, #tpu.memory_space<semaphore_mem>>
        %dma_start3A = arith.constant 9360 : i32
        %dma_start3A_34 = arith.constant 0 : i32
        %dma_start3A_35 = tpu.memref_slice %arg3[%arg0, %dma_start3A, %dma_start3A_34] : memref<2x10000x128xf32, #tpu.memory_space<hbm>> -> memref<1x640x128xf32, #tpu.memory_space<hbm>>
        %dma_start3A_36 = tpu.memref_squeeze %dma_start3A_35 : memref<1x640x128xf32, #tpu.memory_space<hbm>> -> memref<640x128xf32, #tpu.memory_space<hbm>>
        %dma_start3A_37 = arith.constant 9360 : i32
        %dma_start3A_38 = arith.constant 0 : i32
        %dma_start3A_39 = tpu.memref_slice %arg7[%dma_start3A_37, %dma_start3A_38] : memref<10128x128xf32, #tpu.memory_space<vmem_shared>> -> memref<640x128xf32, #tpu.memory_space<vmem_shared>>
        tpu.enqueue_dma source(%dma_start3A_39 : memref<640x128xf32, #tpu.memory_space<vmem_shared>>) target(%dma_start3A_36 : memref<640x128xf32, #tpu.memory_space<hbm>>) target_semaphore(%run_scoped3A : memref<!tpu.dma_semaphore, #tpu.memory_space<semaphore_mem>>)
        %dma_wait3A = arith.constant 9360 : i32
        %dma_wait3A_40 = arith.constant 0 : i32
        %dma_wait3A_41 = tpu.memref_slice %arg3[%arg0, %dma_wait3A, %dma_wait3A_40] : memref<2x10000x128xf32, #tpu.memory_space<hbm>> -> memref<1x640x128xf32, #tpu.memory_space<hbm>>
        %dma_wait3A_42 = tpu.memref_squeeze %dma_wait3A_41 : memref<1x640x128xf32, #tpu.memory_space<hbm>> -> memref<640x128xf32, #tpu.memory_space<hbm>>
        %dma_wait3A_43 = arith.constant 9360 : i32
        %dma_wait3A_44 = arith.constant 0 : i32
        %dma_wait3A_45 = tpu.memref_slice %arg7[%dma_wait3A_43, %dma_wait3A_44] : memref<10128x128xf32, #tpu.memory_space<vmem_shared>> -> memref<640x128xf32, #tpu.memory_space<vmem_shared>>
        tpu.wait_dma2 semaphore(%run_scoped3A : memref<!tpu.dma_semaphore, #tpu.memory_space<semaphore_mem>>) src(%dma_wait3A_45 : memref<640x128xf32, #tpu.memory_space<vmem_shared>>) dst(%dma_wait3A_42 : memref<640x128xf32, #tpu.memory_space<hbm>>)
        tpu.yield
      }) : () -> ()
    } else {
    }
    return
  }
}

#map = affine_map<(d0, d1) -> (0, 0)>
#map1 = affine_map<(d0, d1) -> (0, 0, 0)>
module attributes {stable_mosaic.version = 14 : i64} {
  func.func @_sc_body(%arg0: i32, %arg1: i32, %arg2: memref<10000x128xf32, #tpu.memory_space<hbm>>, %arg3: memref<2x2560x128xi32, #tpu.memory_space<hbm>>, %arg4: memref<2x10000x128xf32, #tpu.memory_space<hbm>>, %arg5: memref<16x128xi32, #tpu.memory_space<vmem>>, %arg6: memref<16x128xi32, #tpu.memory_space<vmem>>, %arg7: memref<128x128xf32, #tpu.memory_space<vmem>>, %arg8: memref<128x128xf32, #tpu.memory_space<vmem>>, %arg9: memref<!tpu.dma_semaphore, #tpu.memory_space<semaphore_mem>>, %arg10: memref<!tpu.dma_semaphore, #tpu.memory_space<semaphore_mem>>, %arg11: memref<!tpu.dma_semaphore, #tpu.memory_space<semaphore_mem>>, %arg12: memref<!tpu.dma_semaphore, #tpu.memory_space<semaphore_mem>>, %arg13: memref<10128x128xf32, #tpu.memory_space<vmem_shared>>) attributes {dimension_semantics = [#tpu.dimension_semantics<core_parallel>, #tpu.dimension_semantics<subcore_parallel>], iteration_bounds = array<i64: 2, 16>, scalar_prefetch = 0 : i64, scratch_operands = 9 : i64, tpu.core_type = #tpu.core_type<sc_vector_subcore>, window_params = [{transform_indices = #map}, {transform_indices = #map1}, {transform_indices = #map1}]} {
    %mul3A = arith.constant 16 : i32
    %mul3A_0 = arith.muli %arg0, %mul3A : i32
    %add3A = arith.addi %mul3A_0, %arg1 : i32
    %ne3A = arith.constant 15 : i32
    %ne3A_1 = arith.cmpi ne, %arg1, %ne3A : i32
    %convert_element_type3A = arith.extui %ne3A_1 : i1 to i32
    %cond3A = arith.constant 0 : i32
    %cond3A_2 = arith.cmpi ne, %convert_element_type3A, %cond3A : i32
    scf.if %cond3A_2 {
      %mul3A_25 = arith.constant 624 : i32
      %mul3A_26 = arith.muli %arg1, %mul3A_25 : i32
      %multiple_of3A_27 = tpu.assume_multiple %mul3A_26, 8 : i32
      "tpu.region"() ({
        %run_scoped3A = tpu.sem_alloc : memref<!tpu.dma_semaphore, #tpu.memory_space<semaphore_mem>>
        %dma_start3A = arith.constant 0 : i32
        %dma_start3A_28 = tpu.memref_slice %arg13[%multiple_of3A_27, %dma_start3A] : memref<10128x128xf32, #tpu.memory_space<vmem_shared>> -> memref<624x128xf32, #tpu.memory_space<vmem_shared>>
        %dma_start3A_29 = arith.constant 0 : i32
        %dma_start3A_30 = tpu.memref_slice %arg2[%multiple_of3A_27, %dma_start3A_29] : memref<10000x128xf32, #tpu.memory_space<hbm>> -> memref<624x128xf32, #tpu.memory_space<hbm>>
        tpu.enqueue_dma source(%dma_start3A_30 : memref<624x128xf32, #tpu.memory_space<hbm>>) target(%dma_start3A_28 : memref<624x128xf32, #tpu.memory_space<vmem_shared>>) target_semaphore(%run_scoped3A : memref<!tpu.dma_semaphore, #tpu.memory_space<semaphore_mem>>)
        %dma_wait3A = arith.constant 0 : i32
        %dma_wait3A_31 = tpu.memref_slice %arg13[%multiple_of3A_27, %dma_wait3A] : memref<10128x128xf32, #tpu.memory_space<vmem_shared>> -> memref<624x128xf32, #tpu.memory_space<vmem_shared>>
        %dma_wait3A_32 = arith.constant 0 : i32
        %dma_wait3A_33 = tpu.memref_slice %arg2[%multiple_of3A_27, %dma_wait3A_32] : memref<10000x128xf32, #tpu.memory_space<hbm>> -> memref<624x128xf32, #tpu.memory_space<hbm>>
        tpu.wait_dma2 semaphore(%run_scoped3A : memref<!tpu.dma_semaphore, #tpu.memory_space<semaphore_mem>>) src(%dma_wait3A_33 : memref<624x128xf32, #tpu.memory_space<hbm>>) dst(%dma_wait3A_31 : memref<624x128xf32, #tpu.memory_space<vmem_shared>>)
        tpu.yield
      }) : () -> ()
    } else {
    }
    %eq3A = arith.constant 15 : i32
    %eq3A_3 = arith.cmpi eq, %arg1, %eq3A : i32
    %convert_element_type3A_4 = arith.extui %eq3A_3 : i1 to i32
    %cond3A_5 = arith.constant 0 : i32
    %cond3A_6 = arith.cmpi ne, %convert_element_type3A_4, %cond3A_5 : i32
    scf.if %cond3A_6 {
      "tpu.region"() ({
        %run_scoped3A = tpu.sem_alloc : memref<!tpu.dma_semaphore, #tpu.memory_space<semaphore_mem>>
        %dma_start3A = arith.constant 9360 : i32
        %dma_start3A_25 = arith.constant 0 : i32
        %dma_start3A_26 = tpu.memref_slice %arg13[%dma_start3A, %dma_start3A_25] : memref<10128x128xf32, #tpu.memory_space<vmem_shared>> -> memref<640x128xf32, #tpu.memory_space<vmem_shared>>
        %dma_start3A_27 = arith.constant 9360 : i32
        %dma_start3A_28 = arith.constant 0 : i32
        %dma_start3A_29 = tpu.memref_slice %arg2[%dma_start3A_27, %dma_start3A_28] : memref<10000x128xf32, #tpu.memory_space<hbm>> -> memref<640x128xf32, #tpu.memory_space<hbm>>
        tpu.enqueue_dma source(%dma_start3A_29 : memref<640x128xf32, #tpu.memory_space<hbm>>) target(%dma_start3A_26 : memref<640x128xf32, #tpu.memory_space<vmem_shared>>) target_semaphore(%run_scoped3A : memref<!tpu.dma_semaphore, #tpu.memory_space<semaphore_mem>>)
        %dma_wait3A = arith.constant 9360 : i32
        %dma_wait3A_30 = arith.constant 0 : i32
        %dma_wait3A_31 = tpu.memref_slice %arg13[%dma_wait3A, %dma_wait3A_30] : memref<10128x128xf32, #tpu.memory_space<vmem_shared>> -> memref<640x128xf32, #tpu.memory_space<vmem_shared>>
        %dma_wait3A_32 = arith.constant 9360 : i32
        %dma_wait3A_33 = arith.constant 0 : i32
        %dma_wait3A_34 = tpu.memref_slice %arg2[%dma_wait3A_32, %dma_wait3A_33] : memref<10000x128xf32, #tpu.memory_space<hbm>> -> memref<640x128xf32, #tpu.memory_space<hbm>>
        tpu.wait_dma2 semaphore(%run_scoped3A : memref<!tpu.dma_semaphore, #tpu.memory_space<semaphore_mem>>) src(%dma_wait3A_34 : memref<640x128xf32, #tpu.memory_space<hbm>>) dst(%dma_wait3A_31 : memref<640x128xf32, #tpu.memory_space<vmem_shared>>)
        tpu.yield
      }) : () -> ()
    } else {
    }
    %barrier3A = arith.constant 0 : index
    tpu.barrier barrier_id(%barrier3A)
    %mul3A_7 = arith.constant 80 : i32
    %mul3A_8 = arith.muli %add3A, %mul3A_7 : i32
    %multiple_of3A = tpu.assume_multiple %mul3A_8, 8 : i32
    %scan3A = arith.constant 0 : i32
    %scan3A_9 = arith.constant 0 : i32
    %scan3A_10 = arith.constant 5 : i32
    %scan3A_11 = arith.addi %scan3A_9, %scan3A_10 : i32
    %scan3A_12 = arith.constant 1 : i32
    scf.for %scan3A_25 = %scan3A_9 to %scan3A_11 step %scan3A_12  : i32 {
      %mul3A_26 = arith.constant 16 : i32
      %mul3A_27 = arith.muli %scan3A_25, %mul3A_26 : i32
      %add3A_28 = arith.addi %multiple_of3A, %mul3A_27 : i32
      %multiple_of3A_29 = tpu.assume_multiple %add3A_28, 8 : i32
      %run_scoped3A = arith.constant 0 : i32
      "tpu.region"() ({
        %run_scoped3A_477 = tpu.sem_alloc : memref<!tpu.dma_semaphore, #tpu.memory_space<semaphore_mem>>
        %dma_start3A_478 = arith.constant 0 : i32
        %dma_start3A_479 = tpu.memref_slice %arg3[%run_scoped3A, %multiple_of3A_29, %dma_start3A_478] : memref<2x2560x128xi32, #tpu.memory_space<hbm>> -> memref<1x16x128xi32, #tpu.memory_space<hbm>>
        %dma_start3A_480 = tpu.memref_squeeze %dma_start3A_479 : memref<1x16x128xi32, #tpu.memory_space<hbm>> -> memref<16x128xi32, #tpu.memory_space<hbm>>
        %dma_start3A_481 = arith.constant 0 : i32
        %dma_start3A_482 = tpu.memref_slice %arg3[%run_scoped3A, %multiple_of3A_29, %dma_start3A_481] : memref<2x2560x128xi32, #tpu.memory_space<hbm>> -> memref<1x16x128xi32, #tpu.memory_space<hbm>>
        %dma_start3A_483 = tpu.memref_squeeze %dma_start3A_482 : memref<1x16x128xi32, #tpu.memory_space<hbm>> -> memref<16x128xi32, #tpu.memory_space<hbm>>
        tpu.enqueue_dma source(%dma_start3A_483 : memref<16x128xi32, #tpu.memory_space<hbm>>) target(%arg5 : memref<16x128xi32, #tpu.memory_space<vmem>>) target_semaphore(%run_scoped3A_477 : memref<!tpu.dma_semaphore, #tpu.memory_space<semaphore_mem>>)
        %dma_wait3A_484 = arith.constant 0 : i32
        %dma_wait3A_485 = tpu.memref_slice %arg3[%run_scoped3A, %multiple_of3A_29, %dma_wait3A_484] : memref<2x2560x128xi32, #tpu.memory_space<hbm>> -> memref<1x16x128xi32, #tpu.memory_space<hbm>>
        %dma_wait3A_486 = tpu.memref_squeeze %dma_wait3A_485 : memref<1x16x128xi32, #tpu.memory_space<hbm>> -> memref<16x128xi32, #tpu.memory_space<hbm>>
        %dma_wait3A_487 = arith.constant 0 : i32
        %dma_wait3A_488 = tpu.memref_slice %arg3[%run_scoped3A, %multiple_of3A_29, %dma_wait3A_487] : memref<2x2560x128xi32, #tpu.memory_space<hbm>> -> memref<1x16x128xi32, #tpu.memory_space<hbm>>
        %dma_wait3A_489 = tpu.memref_squeeze %dma_wait3A_488 : memref<1x16x128xi32, #tpu.memory_space<hbm>> -> memref<16x128xi32, #tpu.memory_space<hbm>>
        tpu.wait_dma2 semaphore(%run_scoped3A_477 : memref<!tpu.dma_semaphore, #tpu.memory_space<semaphore_mem>>) src(%dma_wait3A_489 : memref<16x128xi32, #tpu.memory_space<hbm>>) dst(%arg5 : memref<16x128xi32, #tpu.memory_space<vmem>>)
        tpu.yield
      }) : () -> ()
      %run_scoped3A_30 = arith.constant 1 : i32
      "tpu.region"() ({
        %run_scoped3A_477 = tpu.sem_alloc : memref<!tpu.dma_semaphore, #tpu.memory_space<semaphore_mem>>
        %dma_start3A_478 = arith.constant 0 : i32
        %dma_start3A_479 = tpu.memref_slice %arg3[%run_scoped3A_30, %multiple_of3A_29, %dma_start3A_478] : memref<2x2560x128xi32, #tpu.memory_space<hbm>> -> memref<1x16x128xi32, #tpu.memory_space<hbm>>
        %dma_start3A_480 = tpu.memref_squeeze %dma_start3A_479 : memref<1x16x128xi32, #tpu.memory_space<hbm>> -> memref<16x128xi32, #tpu.memory_space<hbm>>
        %dma_start3A_481 = arith.constant 0 : i32
        %dma_start3A_482 = tpu.memref_slice %arg3[%run_scoped3A_30, %multiple_of3A_29, %dma_start3A_481] : memref<2x2560x128xi32, #tpu.memory_space<hbm>> -> memref<1x16x128xi32, #tpu.memory_space<hbm>>
        %dma_start3A_483 = tpu.memref_squeeze %dma_start3A_482 : memref<1x16x128xi32, #tpu.memory_space<hbm>> -> memref<16x128xi32, #tpu.memory_space<hbm>>
        tpu.enqueue_dma source(%dma_start3A_483 : memref<16x128xi32, #tpu.memory_space<hbm>>) target(%arg6 : memref<16x128xi32, #tpu.memory_space<vmem>>) target_semaphore(%run_scoped3A_477 : memref<!tpu.dma_semaphore, #tpu.memory_space<semaphore_mem>>)
        %dma_wait3A_484 = arith.constant 0 : i32
        %dma_wait3A_485 = tpu.memref_slice %arg3[%run_scoped3A_30, %multiple_of3A_29, %dma_wait3A_484] : memref<2x2560x128xi32, #tpu.memory_space<hbm>> -> memref<1x16x128xi32, #tpu.memory_space<hbm>>
        %dma_wait3A_486 = tpu.memref_squeeze %dma_wait3A_485 : memref<1x16x128xi32, #tpu.memory_space<hbm>> -> memref<16x128xi32, #tpu.memory_space<hbm>>
        %dma_wait3A_487 = arith.constant 0 : i32
        %dma_wait3A_488 = tpu.memref_slice %arg3[%run_scoped3A_30, %multiple_of3A_29, %dma_wait3A_487] : memref<2x2560x128xi32, #tpu.memory_space<hbm>> -> memref<1x16x128xi32, #tpu.memory_space<hbm>>
        %dma_wait3A_489 = tpu.memref_squeeze %dma_wait3A_488 : memref<1x16x128xi32, #tpu.memory_space<hbm>> -> memref<16x128xi32, #tpu.memory_space<hbm>>
        tpu.wait_dma2 semaphore(%run_scoped3A_477 : memref<!tpu.dma_semaphore, #tpu.memory_space<semaphore_mem>>) src(%dma_wait3A_489 : memref<16x128xi32, #tpu.memory_space<hbm>>) dst(%arg6 : memref<16x128xi32, #tpu.memory_space<vmem>>)
        tpu.yield
      }) : () -> ()
      %dma_start3A = arith.constant 0 : i32
      %dma_start3A_31 = arith.constant 0 : i32
      %dma_start3A_32 = tpu.memref_slice %arg5[%dma_start3A, %dma_start3A_31] : memref<16x128xi32, #tpu.memory_space<vmem>> -> memref<1x128xi32, #tpu.memory_space<vmem>>
      %dma_start3A_33 = tpu.memref_squeeze %dma_start3A_32 : memref<1x128xi32, #tpu.memory_space<vmem>> -> memref<128xi32, #tpu.memory_space<vmem>>
      %dma_start3A_34 = arith.constant 0 : i32
      %dma_start3A_35 = arith.constant 0 : i32
      %dma_start3A_36 = tpu.memref_slice %arg2[%dma_start3A_34, %dma_start3A_35] : memref<10000x128xf32, #tpu.memory_space<hbm>> -> memref<10000x128xf32, #tpu.memory_space<hbm>>
      tpu.enqueue_indirect_dma source(%dma_start3A_36 : memref<10000x128xf32, #tpu.memory_space<hbm>>) target(%arg7 : memref<128x128xf32, #tpu.memory_space<vmem>>) offsets(%dma_start3A_33 : memref<128xi32, #tpu.memory_space<vmem>>) semaphore(%arg9 : memref<!tpu.dma_semaphore, #tpu.memory_space<semaphore_mem>>)
      %dma_start3A_37 = arith.constant 1 : i32
      %dma_start3A_38 = arith.constant 0 : i32
      %dma_start3A_39 = tpu.memref_slice %arg5[%dma_start3A_37, %dma_start3A_38] : memref<16x128xi32, #tpu.memory_space<vmem>> -> memref<1x128xi32, #tpu.memory_space<vmem>>
      %dma_start3A_40 = tpu.memref_squeeze %dma_start3A_39 : memref<1x128xi32, #tpu.memory_space<vmem>> -> memref<128xi32, #tpu.memory_space<vmem>>
      %dma_start3A_41 = arith.constant 0 : i32
      %dma_start3A_42 = arith.constant 0 : i32
      %dma_start3A_43 = tpu.memref_slice %arg2[%dma_start3A_41, %dma_start3A_42] : memref<10000x128xf32, #tpu.memory_space<hbm>> -> memref<10000x128xf32, #tpu.memory_space<hbm>>
      tpu.enqueue_indirect_dma source(%dma_start3A_43 : memref<10000x128xf32, #tpu.memory_space<hbm>>) target(%arg8 : memref<128x128xf32, #tpu.memory_space<vmem>>) offsets(%dma_start3A_40 : memref<128xi32, #tpu.memory_space<vmem>>) semaphore(%arg10 : memref<!tpu.dma_semaphore, #tpu.memory_space<semaphore_mem>>)
      %dma_wait3A = arith.constant 0 : i32
      %dma_wait3A_44 = arith.constant 0 : i32
      %dma_wait3A_45 = tpu.memref_slice %arg5[%dma_wait3A, %dma_wait3A_44] : memref<16x128xi32, #tpu.memory_space<vmem>> -> memref<1x128xi32, #tpu.memory_space<vmem>>
      %dma_wait3A_46 = tpu.memref_squeeze %dma_wait3A_45 : memref<1x128xi32, #tpu.memory_space<vmem>> -> memref<128xi32, #tpu.memory_space<vmem>>
      %dma_wait3A_47 = arith.constant 0 : i32
      %dma_wait3A_48 = arith.constant 0 : i32
      %dma_wait3A_49 = tpu.memref_slice %arg2[%dma_wait3A_47, %dma_wait3A_48] : memref<10000x128xf32, #tpu.memory_space<hbm>> -> memref<10000x128xf32, #tpu.memory_space<hbm>>
      tpu.wait_indirect_dma semaphore(%arg9 : memref<!tpu.dma_semaphore, #tpu.memory_space<semaphore_mem>>) src(%dma_wait3A_49 : memref<10000x128xf32, #tpu.memory_space<hbm>>) dst(%arg7 : memref<128x128xf32, #tpu.memory_space<vmem>>)
      %dma_start3A_50 = arith.constant 0 : i32
      %dma_start3A_51 = arith.constant 0 : i32
      %dma_start3A_52 = tpu.memref_slice %arg6[%dma_start3A_50, %dma_start3A_51] : memref<16x128xi32, #tpu.memory_space<vmem>> -> memref<1x128xi32, #tpu.memory_space<vmem>>
      %dma_start3A_53 = tpu.memref_squeeze %dma_start3A_52 : memref<1x128xi32, #tpu.memory_space<vmem>> -> memref<128xi32, #tpu.memory_space<vmem>>
      %dma_start3A_54 = arith.constant 0 : i32
      %dma_start3A_55 = arith.constant 0 : i32
      %dma_start3A_56 = tpu.memref_slice %arg13[%dma_start3A_54, %dma_start3A_55] : memref<10128x128xf32, #tpu.memory_space<vmem_shared>> -> memref<10128x128xf32, #tpu.memory_space<vmem_shared>>
      tpu.enqueue_indirect_dma source(%arg7 : memref<128x128xf32, #tpu.memory_space<vmem>>) target(%dma_start3A_56 : memref<10128x128xf32, #tpu.memory_space<vmem_shared>>) offsets(%dma_start3A_53 : memref<128xi32, #tpu.memory_space<vmem>>) semaphore(%arg11 : memref<!tpu.dma_semaphore, #tpu.memory_space<semaphore_mem>>) {add = true}
      %dma_wait3A_57 = arith.constant 0 : i32
      %dma_wait3A_58 = arith.constant 0 : i32
      %dma_wait3A_59 = tpu.memref_slice %arg6[%dma_wait3A_57, %dma_wait3A_58] : memref<16x128xi32, #tpu.memory_space<vmem>> -> memref<1x128xi32, #tpu.memory_space<vmem>>
      %dma_wait3A_60 = tpu.memref_squeeze %dma_wait3A_59 : memref<1x128xi32, #tpu.memory_space<vmem>> -> memref<128xi32, #tpu.memory_space<vmem>>
      %dma_wait3A_61 = arith.constant 0 : i32
      %dma_wait3A_62 = arith.constant 0 : i32
      %dma_wait3A_63 = tpu.memref_slice %arg13[%dma_wait3A_61, %dma_wait3A_62] : memref<10128x128xf32, #tpu.memory_space<vmem_shared>> -> memref<10128x128xf32, #tpu.memory_space<vmem_shared>>
      tpu.wait_indirect_dma semaphore(%arg11 : memref<!tpu.dma_semaphore, #tpu.memory_space<semaphore_mem>>) src(%arg7 : memref<128x128xf32, #tpu.memory_space<vmem>>) dst(%dma_wait3A_63 : memref<10128x128xf32, #tpu.memory_space<vmem_shared>>)
      %dma_start3A_64 = arith.constant 2 : i32
      %dma_start3A_65 = arith.constant 0 : i32
      %dma_start3A_66 = tpu.memref_slice %arg5[%dma_start3A_64, %dma_start3A_65] : memref<16x128xi32, #tpu.memory_space<vmem>> -> memref<1x128xi32, #tpu.memory_space<vmem>>
      %dma_start3A_67 = tpu.memref_squeeze %dma_start3A_66 : memref<1x128xi32, #tpu.memory_space<vmem>> -> memref<128xi32, #tpu.memory_space<vmem>>
      %dma_start3A_68 = arith.constant 0 : i32
      %dma_start3A_69 = arith.constant 0 : i32
      %dma_start3A_70 = tpu.memref_slice %arg2[%dma_start3A_68, %dma_start3A_69] : memref<10000x128xf32, #tpu.memory_space<hbm>> -> memref<10000x128xf32, #tpu.memory_space<hbm>>
      tpu.enqueue_indirect_dma source(%dma_start3A_70 : memref<10000x128xf32, #tpu.memory_space<hbm>>) target(%arg7 : memref<128x128xf32, #tpu.memory_space<vmem>>) offsets(%dma_start3A_67 : memref<128xi32, #tpu.memory_space<vmem>>) semaphore(%arg9 : memref<!tpu.dma_semaphore, #tpu.memory_space<semaphore_mem>>)
      %dma_wait3A_71 = arith.constant 1 : i32
      %dma_wait3A_72 = arith.constant 0 : i32
      %dma_wait3A_73 = tpu.memref_slice %arg5[%dma_wait3A_71, %dma_wait3A_72] : memref<16x128xi32, #tpu.memory_space<vmem>> -> memref<1x128xi32, #tpu.memory_space<vmem>>
      %dma_wait3A_74 = tpu.memref_squeeze %dma_wait3A_73 : memref<1x128xi32, #tpu.memory_space<vmem>> -> memref<128xi32, #tpu.memory_space<vmem>>
      %dma_wait3A_75 = arith.constant 0 : i32
      %dma_wait3A_76 = arith.constant 0 : i32
      %dma_wait3A_77 = tpu.memref_slice %arg2[%dma_wait3A_75, %dma_wait3A_76] : memref<10000x128xf32, #tpu.memory_space<hbm>> -> memref<10000x128xf32, #tpu.memory_space<hbm>>
      tpu.wait_indirect_dma semaphore(%arg10 : memref<!tpu.dma_semaphore, #tpu.memory_space<semaphore_mem>>) src(%dma_wait3A_77 : memref<10000x128xf32, #tpu.memory_space<hbm>>) dst(%arg8 : memref<128x128xf32, #tpu.memory_space<vmem>>)
      %dma_start3A_78 = arith.constant 1 : i32
      %dma_start3A_79 = arith.constant 0 : i32
      %dma_start3A_80 = tpu.memref_slice %arg6[%dma_start3A_78, %dma_start3A_79] : memref<16x128xi32, #tpu.memory_space<vmem>> -> memref<1x128xi32, #tpu.memory_space<vmem>>
      %dma_start3A_81 = tpu.memref_squeeze %dma_start3A_80 : memref<1x128xi32, #tpu.memory_space<vmem>> -> memref<128xi32, #tpu.memory_space<vmem>>
      %dma_start3A_82 = arith.constant 0 : i32
      %dma_start3A_83 = arith.constant 0 : i32
      %dma_start3A_84 = tpu.memref_slice %arg13[%dma_start3A_82, %dma_start3A_83] : memref<10128x128xf32, #tpu.memory_space<vmem_shared>> -> memref<10128x128xf32, #tpu.memory_space<vmem_shared>>
      tpu.enqueue_indirect_dma source(%arg8 : memref<128x128xf32, #tpu.memory_space<vmem>>) target(%dma_start3A_84 : memref<10128x128xf32, #tpu.memory_space<vmem_shared>>) offsets(%dma_start3A_81 : memref<128xi32, #tpu.memory_space<vmem>>) semaphore(%arg12 : memref<!tpu.dma_semaphore, #tpu.memory_space<semaphore_mem>>) {add = true}
      %dma_wait3A_85 = arith.constant 1 : i32
      %dma_wait3A_86 = arith.constant 0 : i32
      %dma_wait3A_87 = tpu.memref_slice %arg6[%dma_wait3A_85, %dma_wait3A_86] : memref<16x128xi32, #tpu.memory_space<vmem>> -> memref<1x128xi32, #tpu.memory_space<vmem>>
      %dma_wait3A_88 = tpu.memref_squeeze %dma_wait3A_87 : memref<1x128xi32, #tpu.memory_space<vmem>> -> memref<128xi32, #tpu.memory_space<vmem>>
      %dma_wait3A_89 = arith.constant 0 : i32
      %dma_wait3A_90 = arith.constant 0 : i32
      %dma_wait3A_91 = tpu.memref_slice %arg13[%dma_wait3A_89, %dma_wait3A_90] : memref<10128x128xf32, #tpu.memory_space<vmem_shared>> -> memref<10128x128xf32, #tpu.memory_space<vmem_shared>>
      tpu.wait_indirect_dma semaphore(%arg12 : memref<!tpu.dma_semaphore, #tpu.memory_space<semaphore_mem>>) src(%arg8 : memref<128x128xf32, #tpu.memory_space<vmem>>) dst(%dma_wait3A_91 : memref<10128x128xf32, #tpu.memory_space<vmem_shared>>)
      %dma_start3A_92 = arith.constant 3 : i32
      %dma_start3A_93 = arith.constant 0 : i32
      %dma_start3A_94 = tpu.memref_slice %arg5[%dma_start3A_92, %dma_start3A_93] : memref<16x128xi32, #tpu.memory_space<vmem>> -> memref<1x128xi32, #tpu.memory_space<vmem>>
      %dma_start3A_95 = tpu.memref_squeeze %dma_start3A_94 : memref<1x128xi32, #tpu.memory_space<vmem>> -> memref<128xi32, #tpu.memory_space<vmem>>
      %dma_start3A_96 = arith.constant 0 : i32
      %dma_start3A_97 = arith.constant 0 : i32
      %dma_start3A_98 = tpu.memref_slice %arg2[%dma_start3A_96, %dma_start3A_97] : memref<10000x128xf32, #tpu.memory_space<hbm>> -> memref<10000x128xf32, #tpu.memory_space<hbm>>
      tpu.enqueue_indirect_dma source(%dma_start3A_98 : memref<10000x128xf32, #tpu.memory_space<hbm>>) target(%arg8 : memref<128x128xf32, #tpu.memory_space<vmem>>) offsets(%dma_start3A_95 : memref<128xi32, #tpu.memory_space<vmem>>) semaphore(%arg10 : memref<!tpu.dma_semaphore, #tpu.memory_space<semaphore_mem>>)
      %dma_wait3A_99 = arith.constant 2 : i32
      %dma_wait3A_100 = arith.constant 0 : i32
      %dma_wait3A_101 = tpu.memref_slice %arg5[%dma_wait3A_99, %dma_wait3A_100] : memref<16x128xi32, #tpu.memory_space<vmem>> -> memref<1x128xi32, #tpu.memory_space<vmem>>
      %dma_wait3A_102 = tpu.memref_squeeze %dma_wait3A_101 : memref<1x128xi32, #tpu.memory_space<vmem>> -> memref<128xi32, #tpu.memory_space<vmem>>
      %dma_wait3A_103 = arith.constant 0 : i32
      %dma_wait3A_104 = arith.constant 0 : i32
      %dma_wait3A_105 = tpu.memref_slice %arg2[%dma_wait3A_103, %dma_wait3A_104] : memref<10000x128xf32, #tpu.memory_space<hbm>> -> memref<10000x128xf32, #tpu.memory_space<hbm>>
      tpu.wait_indirect_dma semaphore(%arg9 : memref<!tpu.dma_semaphore, #tpu.memory_space<semaphore_mem>>) src(%dma_wait3A_105 : memref<10000x128xf32, #tpu.memory_space<hbm>>) dst(%arg7 : memref<128x128xf32, #tpu.memory_space<vmem>>)
      %dma_start3A_106 = arith.constant 2 : i32
      %dma_start3A_107 = arith.constant 0 : i32
      %dma_start3A_108 = tpu.memref_slice %arg6[%dma_start3A_106, %dma_start3A_107] : memref<16x128xi32, #tpu.memory_space<vmem>> -> memref<1x128xi32, #tpu.memory_space<vmem>>
      %dma_start3A_109 = tpu.memref_squeeze %dma_start3A_108 : memref<1x128xi32, #tpu.memory_space<vmem>> -> memref<128xi32, #tpu.memory_space<vmem>>
      %dma_start3A_110 = arith.constant 0 : i32
      %dma_start3A_111 = arith.constant 0 : i32
      %dma_start3A_112 = tpu.memref_slice %arg13[%dma_start3A_110, %dma_start3A_111] : memref<10128x128xf32, #tpu.memory_space<vmem_shared>> -> memref<10128x128xf32, #tpu.memory_space<vmem_shared>>
      tpu.enqueue_indirect_dma source(%arg7 : memref<128x128xf32, #tpu.memory_space<vmem>>) target(%dma_start3A_112 : memref<10128x128xf32, #tpu.memory_space<vmem_shared>>) offsets(%dma_start3A_109 : memref<128xi32, #tpu.memory_space<vmem>>) semaphore(%arg11 : memref<!tpu.dma_semaphore, #tpu.memory_space<semaphore_mem>>) {add = true}
      %dma_wait3A_113 = arith.constant 2 : i32
      %dma_wait3A_114 = arith.constant 0 : i32
      %dma_wait3A_115 = tpu.memref_slice %arg6[%dma_wait3A_113, %dma_wait3A_114] : memref<16x128xi32, #tpu.memory_space<vmem>> -> memref<1x128xi32, #tpu.memory_space<vmem>>
      %dma_wait3A_116 = tpu.memref_squeeze %dma_wait3A_115 : memref<1x128xi32, #tpu.memory_space<vmem>> -> memref<128xi32, #tpu.memory_space<vmem>>
      %dma_wait3A_117 = arith.constant 0 : i32
      %dma_wait3A_118 = arith.constant 0 : i32
      %dma_wait3A_119 = tpu.memref_slice %arg13[%dma_wait3A_117, %dma_wait3A_118] : memref<10128x128xf32, #tpu.memory_space<vmem_shared>> -> memref<10128x128xf32, #tpu.memory_space<vmem_shared>>
      tpu.wait_indirect_dma semaphore(%arg11 : memref<!tpu.dma_semaphore, #tpu.memory_space<semaphore_mem>>) src(%arg7 : memref<128x128xf32, #tpu.memory_space<vmem>>) dst(%dma_wait3A_119 : memref<10128x128xf32, #tpu.memory_space<vmem_shared>>)
      %dma_start3A_120 = arith.constant 4 : i32
      %dma_start3A_121 = arith.constant 0 : i32
      %dma_start3A_122 = tpu.memref_slice %arg5[%dma_start3A_120, %dma_start3A_121] : memref<16x128xi32, #tpu.memory_space<vmem>> -> memref<1x128xi32, #tpu.memory_space<vmem>>
      %dma_start3A_123 = tpu.memref_squeeze %dma_start3A_122 : memref<1x128xi32, #tpu.memory_space<vmem>> -> memref<128xi32, #tpu.memory_space<vmem>>
      %dma_start3A_124 = arith.constant 0 : i32
      %dma_start3A_125 = arith.constant 0 : i32
      %dma_start3A_126 = tpu.memref_slice %arg2[%dma_start3A_124, %dma_start3A_125] : memref<10000x128xf32, #tpu.memory_space<hbm>> -> memref<10000x128xf32, #tpu.memory_space<hbm>>
      tpu.enqueue_indirect_dma source(%dma_start3A_126 : memref<10000x128xf32, #tpu.memory_space<hbm>>) target(%arg7 : memref<128x128xf32, #tpu.memory_space<vmem>>) offsets(%dma_start3A_123 : memref<128xi32, #tpu.memory_space<vmem>>) semaphore(%arg9 : memref<!tpu.dma_semaphore, #tpu.memory_space<semaphore_mem>>)
      %dma_wait3A_127 = arith.constant 3 : i32
      %dma_wait3A_128 = arith.constant 0 : i32
      %dma_wait3A_129 = tpu.memref_slice %arg5[%dma_wait3A_127, %dma_wait3A_128] : memref<16x128xi32, #tpu.memory_space<vmem>> -> memref<1x128xi32, #tpu.memory_space<vmem>>
      %dma_wait3A_130 = tpu.memref_squeeze %dma_wait3A_129 : memref<1x128xi32, #tpu.memory_space<vmem>> -> memref<128xi32, #tpu.memory_space<vmem>>
      %dma_wait3A_131 = arith.constant 0 : i32
      %dma_wait3A_132 = arith.constant 0 : i32
      %dma_wait3A_133 = tpu.memref_slice %arg2[%dma_wait3A_131, %dma_wait3A_132] : memref<10000x128xf32, #tpu.memory_space<hbm>> -> memref<10000x128xf32, #tpu.memory_space<hbm>>
      tpu.wait_indirect_dma semaphore(%arg10 : memref<!tpu.dma_semaphore, #tpu.memory_space<semaphore_mem>>) src(%dma_wait3A_133 : memref<10000x128xf32, #tpu.memory_space<hbm>>) dst(%arg8 : memref<128x128xf32, #tpu.memory_space<vmem>>)
      %dma_start3A_134 = arith.constant 3 : i32
      %dma_start3A_135 = arith.constant 0 : i32
      %dma_start3A_136 = tpu.memref_slice %arg6[%dma_start3A_134, %dma_start3A_135] : memref<16x128xi32, #tpu.memory_space<vmem>> -> memref<1x128xi32, #tpu.memory_space<vmem>>
      %dma_start3A_137 = tpu.memref_squeeze %dma_start3A_136 : memref<1x128xi32, #tpu.memory_space<vmem>> -> memref<128xi32, #tpu.memory_space<vmem>>
      %dma_start3A_138 = arith.constant 0 : i32
      %dma_start3A_139 = arith.constant 0 : i32
      %dma_start3A_140 = tpu.memref_slice %arg13[%dma_start3A_138, %dma_start3A_139] : memref<10128x128xf32, #tpu.memory_space<vmem_shared>> -> memref<10128x128xf32, #tpu.memory_space<vmem_shared>>
      tpu.enqueue_indirect_dma source(%arg8 : memref<128x128xf32, #tpu.memory_space<vmem>>) target(%dma_start3A_140 : memref<10128x128xf32, #tpu.memory_space<vmem_shared>>) offsets(%dma_start3A_137 : memref<128xi32, #tpu.memory_space<vmem>>) semaphore(%arg12 : memref<!tpu.dma_semaphore, #tpu.memory_space<semaphore_mem>>) {add = true}
      %dma_wait3A_141 = arith.constant 3 : i32
      %dma_wait3A_142 = arith.constant 0 : i32
      %dma_wait3A_143 = tpu.memref_slice %arg6[%dma_wait3A_141, %dma_wait3A_142] : memref<16x128xi32, #tpu.memory_space<vmem>> -> memref<1x128xi32, #tpu.memory_space<vmem>>
      %dma_wait3A_144 = tpu.memref_squeeze %dma_wait3A_143 : memref<1x128xi32, #tpu.memory_space<vmem>> -> memref<128xi32, #tpu.memory_space<vmem>>
      %dma_wait3A_145 = arith.constant 0 : i32
      %dma_wait3A_146 = arith.constant 0 : i32
      %dma_wait3A_147 = tpu.memref_slice %arg13[%dma_wait3A_145, %dma_wait3A_146] : memref<10128x128xf32, #tpu.memory_space<vmem_shared>> -> memref<10128x128xf32, #tpu.memory_space<vmem_shared>>
      tpu.wait_indirect_dma semaphore(%arg12 : memref<!tpu.dma_semaphore, #tpu.memory_space<semaphore_mem>>) src(%arg8 : memref<128x128xf32, #tpu.memory_space<vmem>>) dst(%dma_wait3A_147 : memref<10128x128xf32, #tpu.memory_space<vmem_shared>>)
      %dma_start3A_148 = arith.constant 5 : i32
      %dma_start3A_149 = arith.constant 0 : i32
      %dma_start3A_150 = tpu.memref_slice %arg5[%dma_start3A_148, %dma_start3A_149] : memref<16x128xi32, #tpu.memory_space<vmem>> -> memref<1x128xi32, #tpu.memory_space<vmem>>
      %dma_start3A_151 = tpu.memref_squeeze %dma_start3A_150 : memref<1x128xi32, #tpu.memory_space<vmem>> -> memref<128xi32, #tpu.memory_space<vmem>>
      %dma_start3A_152 = arith.constant 0 : i32
      %dma_start3A_153 = arith.constant 0 : i32
      %dma_start3A_154 = tpu.memref_slice %arg2[%dma_start3A_152, %dma_start3A_153] : memref<10000x128xf32, #tpu.memory_space<hbm>> -> memref<10000x128xf32, #tpu.memory_space<hbm>>
      tpu.enqueue_indirect_dma source(%dma_start3A_154 : memref<10000x128xf32, #tpu.memory_space<hbm>>) target(%arg8 : memref<128x128xf32, #tpu.memory_space<vmem>>) offsets(%dma_start3A_151 : memref<128xi32, #tpu.memory_space<vmem>>) semaphore(%arg10 : memref<!tpu.dma_semaphore, #tpu.memory_space<semaphore_mem>>)
      %dma_wait3A_155 = arith.constant 4 : i32
      %dma_wait3A_156 = arith.constant 0 : i32
      %dma_wait3A_157 = tpu.memref_slice %arg5[%dma_wait3A_155, %dma_wait3A_156] : memref<16x128xi32, #tpu.memory_space<vmem>> -> memref<1x128xi32, #tpu.memory_space<vmem>>
      %dma_wait3A_158 = tpu.memref_squeeze %dma_wait3A_157 : memref<1x128xi32, #tpu.memory_space<vmem>> -> memref<128xi32, #tpu.memory_space<vmem>>
      %dma_wait3A_159 = arith.constant 0 : i32
      %dma_wait3A_160 = arith.constant 0 : i32
      %dma_wait3A_161 = tpu.memref_slice %arg2[%dma_wait3A_159, %dma_wait3A_160] : memref<10000x128xf32, #tpu.memory_space<hbm>> -> memref<10000x128xf32, #tpu.memory_space<hbm>>
      tpu.wait_indirect_dma semaphore(%arg9 : memref<!tpu.dma_semaphore, #tpu.memory_space<semaphore_mem>>) src(%dma_wait3A_161 : memref<10000x128xf32, #tpu.memory_space<hbm>>) dst(%arg7 : memref<128x128xf32, #tpu.memory_space<vmem>>)
      %dma_start3A_162 = arith.constant 4 : i32
      %dma_start3A_163 = arith.constant 0 : i32
      %dma_start3A_164 = tpu.memref_slice %arg6[%dma_start3A_162, %dma_start3A_163] : memref<16x128xi32, #tpu.memory_space<vmem>> -> memref<1x128xi32, #tpu.memory_space<vmem>>
      %dma_start3A_165 = tpu.memref_squeeze %dma_start3A_164 : memref<1x128xi32, #tpu.memory_space<vmem>> -> memref<128xi32, #tpu.memory_space<vmem>>
      %dma_start3A_166 = arith.constant 0 : i32
      %dma_start3A_167 = arith.constant 0 : i32
      %dma_start3A_168 = tpu.memref_slice %arg13[%dma_start3A_166, %dma_start3A_167] : memref<10128x128xf32, #tpu.memory_space<vmem_shared>> -> memref<10128x128xf32, #tpu.memory_space<vmem_shared>>
      tpu.enqueue_indirect_dma source(%arg7 : memref<128x128xf32, #tpu.memory_space<vmem>>) target(%dma_start3A_168 : memref<10128x128xf32, #tpu.memory_space<vmem_shared>>) offsets(%dma_start3A_165 : memref<128xi32, #tpu.memory_space<vmem>>) semaphore(%arg11 : memref<!tpu.dma_semaphore, #tpu.memory_space<semaphore_mem>>) {add = true}
      %dma_wait3A_169 = arith.constant 4 : i32
      %dma_wait3A_170 = arith.constant 0 : i32
      %dma_wait3A_171 = tpu.memref_slice %arg6[%dma_wait3A_169, %dma_wait3A_170] : memref<16x128xi32, #tpu.memory_space<vmem>> -> memref<1x128xi32, #tpu.memory_space<vmem>>
      %dma_wait3A_172 = tpu.memref_squeeze %dma_wait3A_171 : memref<1x128xi32, #tpu.memory_space<vmem>> -> memref<128xi32, #tpu.memory_space<vmem>>
      %dma_wait3A_173 = arith.constant 0 : i32
      %dma_wait3A_174 = arith.constant 0 : i32
      %dma_wait3A_175 = tpu.memref_slice %arg13[%dma_wait3A_173, %dma_wait3A_174] : memref<10128x128xf32, #tpu.memory_space<vmem_shared>> -> memref<10128x128xf32, #tpu.memory_space<vmem_shared>>
      tpu.wait_indirect_dma semaphore(%arg11 : memref<!tpu.dma_semaphore, #tpu.memory_space<semaphore_mem>>) src(%arg7 : memref<128x128xf32, #tpu.memory_space<vmem>>) dst(%dma_wait3A_175 : memref<10128x128xf32, #tpu.memory_space<vmem_shared>>)
      %dma_start3A_176 = arith.constant 6 : i32
      %dma_start3A_177 = arith.constant 0 : i32
      %dma_start3A_178 = tpu.memref_slice %arg5[%dma_start3A_176, %dma_start3A_177] : memref<16x128xi32, #tpu.memory_space<vmem>> -> memref<1x128xi32, #tpu.memory_space<vmem>>
      %dma_start3A_179 = tpu.memref_squeeze %dma_start3A_178 : memref<1x128xi32, #tpu.memory_space<vmem>> -> memref<128xi32, #tpu.memory_space<vmem>>
      %dma_start3A_180 = arith.constant 0 : i32
      %dma_start3A_181 = arith.constant 0 : i32
      %dma_start3A_182 = tpu.memref_slice %arg2[%dma_start3A_180, %dma_start3A_181] : memref<10000x128xf32, #tpu.memory_space<hbm>> -> memref<10000x128xf32, #tpu.memory_space<hbm>>
      tpu.enqueue_indirect_dma source(%dma_start3A_182 : memref<10000x128xf32, #tpu.memory_space<hbm>>) target(%arg7 : memref<128x128xf32, #tpu.memory_space<vmem>>) offsets(%dma_start3A_179 : memref<128xi32, #tpu.memory_space<vmem>>) semaphore(%arg9 : memref<!tpu.dma_semaphore, #tpu.memory_space<semaphore_mem>>)
      %dma_wait3A_183 = arith.constant 5 : i32
      %dma_wait3A_184 = arith.constant 0 : i32
      %dma_wait3A_185 = tpu.memref_slice %arg5[%dma_wait3A_183, %dma_wait3A_184] : memref<16x128xi32, #tpu.memory_space<vmem>> -> memref<1x128xi32, #tpu.memory_space<vmem>>
      %dma_wait3A_186 = tpu.memref_squeeze %dma_wait3A_185 : memref<1x128xi32, #tpu.memory_space<vmem>> -> memref<128xi32, #tpu.memory_space<vmem>>
      %dma_wait3A_187 = arith.constant 0 : i32
      %dma_wait3A_188 = arith.constant 0 : i32
      %dma_wait3A_189 = tpu.memref_slice %arg2[%dma_wait3A_187, %dma_wait3A_188] : memref<10000x128xf32, #tpu.memory_space<hbm>> -> memref<10000x128xf32, #tpu.memory_space<hbm>>
      tpu.wait_indirect_dma semaphore(%arg10 : memref<!tpu.dma_semaphore, #tpu.memory_space<semaphore_mem>>) src(%dma_wait3A_189 : memref<10000x128xf32, #tpu.memory_space<hbm>>) dst(%arg8 : memref<128x128xf32, #tpu.memory_space<vmem>>)
      %dma_start3A_190 = arith.constant 5 : i32
      %dma_start3A_191 = arith.constant 0 : i32
      %dma_start3A_192 = tpu.memref_slice %arg6[%dma_start3A_190, %dma_start3A_191] : memref<16x128xi32, #tpu.memory_space<vmem>> -> memref<1x128xi32, #tpu.memory_space<vmem>>
      %dma_start3A_193 = tpu.memref_squeeze %dma_start3A_192 : memref<1x128xi32, #tpu.memory_space<vmem>> -> memref<128xi32, #tpu.memory_space<vmem>>
      %dma_start3A_194 = arith.constant 0 : i32
      %dma_start3A_195 = arith.constant 0 : i32
      %dma_start3A_196 = tpu.memref_slice %arg13[%dma_start3A_194, %dma_start3A_195] : memref<10128x128xf32, #tpu.memory_space<vmem_shared>> -> memref<10128x128xf32, #tpu.memory_space<vmem_shared>>
      tpu.enqueue_indirect_dma source(%arg8 : memref<128x128xf32, #tpu.memory_space<vmem>>) target(%dma_start3A_196 : memref<10128x128xf32, #tpu.memory_space<vmem_shared>>) offsets(%dma_start3A_193 : memref<128xi32, #tpu.memory_space<vmem>>) semaphore(%arg12 : memref<!tpu.dma_semaphore, #tpu.memory_space<semaphore_mem>>) {add = true}
      %dma_wait3A_197 = arith.constant 5 : i32
      %dma_wait3A_198 = arith.constant 0 : i32
      %dma_wait3A_199 = tpu.memref_slice %arg6[%dma_wait3A_197, %dma_wait3A_198] : memref<16x128xi32, #tpu.memory_space<vmem>> -> memref<1x128xi32, #tpu.memory_space<vmem>>
      %dma_wait3A_200 = tpu.memref_squeeze %dma_wait3A_199 : memref<1x128xi32, #tpu.memory_space<vmem>> -> memref<128xi32, #tpu.memory_space<vmem>>
      %dma_wait3A_201 = arith.constant 0 : i32
      %dma_wait3A_202 = arith.constant 0 : i32
      %dma_wait3A_203 = tpu.memref_slice %arg13[%dma_wait3A_201, %dma_wait3A_202] : memref<10128x128xf32, #tpu.memory_space<vmem_shared>> -> memref<10128x128xf32, #tpu.memory_space<vmem_shared>>
      tpu.wait_indirect_dma semaphore(%arg12 : memref<!tpu.dma_semaphore, #tpu.memory_space<semaphore_mem>>) src(%arg8 : memref<128x128xf32, #tpu.memory_space<vmem>>) dst(%dma_wait3A_203 : memref<10128x128xf32, #tpu.memory_space<vmem_shared>>)
      %dma_start3A_204 = arith.constant 7 : i32
      %dma_start3A_205 = arith.constant 0 : i32
      %dma_start3A_206 = tpu.memref_slice %arg5[%dma_start3A_204, %dma_start3A_205] : memref<16x128xi32, #tpu.memory_space<vmem>> -> memref<1x128xi32, #tpu.memory_space<vmem>>
      %dma_start3A_207 = tpu.memref_squeeze %dma_start3A_206 : memref<1x128xi32, #tpu.memory_space<vmem>> -> memref<128xi32, #tpu.memory_space<vmem>>
      %dma_start3A_208 = arith.constant 0 : i32
      %dma_start3A_209 = arith.constant 0 : i32
      %dma_start3A_210 = tpu.memref_slice %arg2[%dma_start3A_208, %dma_start3A_209] : memref<10000x128xf32, #tpu.memory_space<hbm>> -> memref<10000x128xf32, #tpu.memory_space<hbm>>
      tpu.enqueue_indirect_dma source(%dma_start3A_210 : memref<10000x128xf32, #tpu.memory_space<hbm>>) target(%arg8 : memref<128x128xf32, #tpu.memory_space<vmem>>) offsets(%dma_start3A_207 : memref<128xi32, #tpu.memory_space<vmem>>) semaphore(%arg10 : memref<!tpu.dma_semaphore, #tpu.memory_space<semaphore_mem>>)
      %dma_wait3A_211 = arith.constant 6 : i32
      %dma_wait3A_212 = arith.constant 0 : i32
      %dma_wait3A_213 = tpu.memref_slice %arg5[%dma_wait3A_211, %dma_wait3A_212] : memref<16x128xi32, #tpu.memory_space<vmem>> -> memref<1x128xi32, #tpu.memory_space<vmem>>
      %dma_wait3A_214 = tpu.memref_squeeze %dma_wait3A_213 : memref<1x128xi32, #tpu.memory_space<vmem>> -> memref<128xi32, #tpu.memory_space<vmem>>
      %dma_wait3A_215 = arith.constant 0 : i32
      %dma_wait3A_216 = arith.constant 0 : i32
      %dma_wait3A_217 = tpu.memref_slice %arg2[%dma_wait3A_215, %dma_wait3A_216] : memref<10000x128xf32, #tpu.memory_space<hbm>> -> memref<10000x128xf32, #tpu.memory_space<hbm>>
      tpu.wait_indirect_dma semaphore(%arg9 : memref<!tpu.dma_semaphore, #tpu.memory_space<semaphore_mem>>) src(%dma_wait3A_217 : memref<10000x128xf32, #tpu.memory_space<hbm>>) dst(%arg7 : memref<128x128xf32, #tpu.memory_space<vmem>>)
      %dma_start3A_218 = arith.constant 6 : i32
      %dma_start3A_219 = arith.constant 0 : i32
      %dma_start3A_220 = tpu.memref_slice %arg6[%dma_start3A_218, %dma_start3A_219] : memref<16x128xi32, #tpu.memory_space<vmem>> -> memref<1x128xi32, #tpu.memory_space<vmem>>
      %dma_start3A_221 = tpu.memref_squeeze %dma_start3A_220 : memref<1x128xi32, #tpu.memory_space<vmem>> -> memref<128xi32, #tpu.memory_space<vmem>>
      %dma_start3A_222 = arith.constant 0 : i32
      %dma_start3A_223 = arith.constant 0 : i32
      %dma_start3A_224 = tpu.memref_slice %arg13[%dma_start3A_222, %dma_start3A_223] : memref<10128x128xf32, #tpu.memory_space<vmem_shared>> -> memref<10128x128xf32, #tpu.memory_space<vmem_shared>>
      tpu.enqueue_indirect_dma source(%arg7 : memref<128x128xf32, #tpu.memory_space<vmem>>) target(%dma_start3A_224 : memref<10128x128xf32, #tpu.memory_space<vmem_shared>>) offsets(%dma_start3A_221 : memref<128xi32, #tpu.memory_space<vmem>>) semaphore(%arg11 : memref<!tpu.dma_semaphore, #tpu.memory_space<semaphore_mem>>) {add = true}
      %dma_wait3A_225 = arith.constant 6 : i32
      %dma_wait3A_226 = arith.constant 0 : i32
      %dma_wait3A_227 = tpu.memref_slice %arg6[%dma_wait3A_225, %dma_wait3A_226] : memref<16x128xi32, #tpu.memory_space<vmem>> -> memref<1x128xi32, #tpu.memory_space<vmem>>
      %dma_wait3A_228 = tpu.memref_squeeze %dma_wait3A_227 : memref<1x128xi32, #tpu.memory_space<vmem>> -> memref<128xi32, #tpu.memory_space<vmem>>
      %dma_wait3A_229 = arith.constant 0 : i32
      %dma_wait3A_230 = arith.constant 0 : i32
      %dma_wait3A_231 = tpu.memref_slice %arg13[%dma_wait3A_229, %dma_wait3A_230] : memref<10128x128xf32, #tpu.memory_space<vmem_shared>> -> memref<10128x128xf32, #tpu.memory_space<vmem_shared>>
      tpu.wait_indirect_dma semaphore(%arg11 : memref<!tpu.dma_semaphore, #tpu.memory_space<semaphore_mem>>) src(%arg7 : memref<128x128xf32, #tpu.memory_space<vmem>>) dst(%dma_wait3A_231 : memref<10128x128xf32, #tpu.memory_space<vmem_shared>>)
      %dma_start3A_232 = arith.constant 8 : i32
      %dma_start3A_233 = arith.constant 0 : i32
      %dma_start3A_234 = tpu.memref_slice %arg5[%dma_start3A_232, %dma_start3A_233] : memref<16x128xi32, #tpu.memory_space<vmem>> -> memref<1x128xi32, #tpu.memory_space<vmem>>
      %dma_start3A_235 = tpu.memref_squeeze %dma_start3A_234 : memref<1x128xi32, #tpu.memory_space<vmem>> -> memref<128xi32, #tpu.memory_space<vmem>>
      %dma_start3A_236 = arith.constant 0 : i32
      %dma_start3A_237 = arith.constant 0 : i32
      %dma_start3A_238 = tpu.memref_slice %arg2[%dma_start3A_236, %dma_start3A_237] : memref<10000x128xf32, #tpu.memory_space<hbm>> -> memref<10000x128xf32, #tpu.memory_space<hbm>>
      tpu.enqueue_indirect_dma source(%dma_start3A_238 : memref<10000x128xf32, #tpu.memory_space<hbm>>) target(%arg7 : memref<128x128xf32, #tpu.memory_space<vmem>>) offsets(%dma_start3A_235 : memref<128xi32, #tpu.memory_space<vmem>>) semaphore(%arg9 : memref<!tpu.dma_semaphore, #tpu.memory_space<semaphore_mem>>)
      %dma_wait3A_239 = arith.constant 7 : i32
      %dma_wait3A_240 = arith.constant 0 : i32
      %dma_wait3A_241 = tpu.memref_slice %arg5[%dma_wait3A_239, %dma_wait3A_240] : memref<16x128xi32, #tpu.memory_space<vmem>> -> memref<1x128xi32, #tpu.memory_space<vmem>>
      %dma_wait3A_242 = tpu.memref_squeeze %dma_wait3A_241 : memref<1x128xi32, #tpu.memory_space<vmem>> -> memref<128xi32, #tpu.memory_space<vmem>>
      %dma_wait3A_243 = arith.constant 0 : i32
      %dma_wait3A_244 = arith.constant 0 : i32
      %dma_wait3A_245 = tpu.memref_slice %arg2[%dma_wait3A_243, %dma_wait3A_244] : memref<10000x128xf32, #tpu.memory_space<hbm>> -> memref<10000x128xf32, #tpu.memory_space<hbm>>
      tpu.wait_indirect_dma semaphore(%arg10 : memref<!tpu.dma_semaphore, #tpu.memory_space<semaphore_mem>>) src(%dma_wait3A_245 : memref<10000x128xf32, #tpu.memory_space<hbm>>) dst(%arg8 : memref<128x128xf32, #tpu.memory_space<vmem>>)
      %dma_start3A_246 = arith.constant 7 : i32
      %dma_start3A_247 = arith.constant 0 : i32
      %dma_start3A_248 = tpu.memref_slice %arg6[%dma_start3A_246, %dma_start3A_247] : memref<16x128xi32, #tpu.memory_space<vmem>> -> memref<1x128xi32, #tpu.memory_space<vmem>>
      %dma_start3A_249 = tpu.memref_squeeze %dma_start3A_248 : memref<1x128xi32, #tpu.memory_space<vmem>> -> memref<128xi32, #tpu.memory_space<vmem>>
      %dma_start3A_250 = arith.constant 0 : i32
      %dma_start3A_251 = arith.constant 0 : i32
      %dma_start3A_252 = tpu.memref_slice %arg13[%dma_start3A_250, %dma_start3A_251] : memref<10128x128xf32, #tpu.memory_space<vmem_shared>> -> memref<10128x128xf32, #tpu.memory_space<vmem_shared>>
      tpu.enqueue_indirect_dma source(%arg8 : memref<128x128xf32, #tpu.memory_space<vmem>>) target(%dma_start3A_252 : memref<10128x128xf32, #tpu.memory_space<vmem_shared>>) offsets(%dma_start3A_249 : memref<128xi32, #tpu.memory_space<vmem>>) semaphore(%arg12 : memref<!tpu.dma_semaphore, #tpu.memory_space<semaphore_mem>>) {add = true}
      %dma_wait3A_253 = arith.constant 7 : i32
      %dma_wait3A_254 = arith.constant 0 : i32
      %dma_wait3A_255 = tpu.memref_slice %arg6[%dma_wait3A_253, %dma_wait3A_254] : memref<16x128xi32, #tpu.memory_space<vmem>> -> memref<1x128xi32, #tpu.memory_space<vmem>>
      %dma_wait3A_256 = tpu.memref_squeeze %dma_wait3A_255 : memref<1x128xi32, #tpu.memory_space<vmem>> -> memref<128xi32, #tpu.memory_space<vmem>>
      %dma_wait3A_257 = arith.constant 0 : i32
      %dma_wait3A_258 = arith.constant 0 : i32
      %dma_wait3A_259 = tpu.memref_slice %arg13[%dma_wait3A_257, %dma_wait3A_258] : memref<10128x128xf32, #tpu.memory_space<vmem_shared>> -> memref<10128x128xf32, #tpu.memory_space<vmem_shared>>
      tpu.wait_indirect_dma semaphore(%arg12 : memref<!tpu.dma_semaphore, #tpu.memory_space<semaphore_mem>>) src(%arg8 : memref<128x128xf32, #tpu.memory_space<vmem>>) dst(%dma_wait3A_259 : memref<10128x128xf32, #tpu.memory_space<vmem_shared>>)
      %dma_start3A_260 = arith.constant 9 : i32
      %dma_start3A_261 = arith.constant 0 : i32
      %dma_start3A_262 = tpu.memref_slice %arg5[%dma_start3A_260, %dma_start3A_261] : memref<16x128xi32, #tpu.memory_space<vmem>> -> memref<1x128xi32, #tpu.memory_space<vmem>>
      %dma_start3A_263 = tpu.memref_squeeze %dma_start3A_262 : memref<1x128xi32, #tpu.memory_space<vmem>> -> memref<128xi32, #tpu.memory_space<vmem>>
      %dma_start3A_264 = arith.constant 0 : i32
      %dma_start3A_265 = arith.constant 0 : i32
      %dma_start3A_266 = tpu.memref_slice %arg2[%dma_start3A_264, %dma_start3A_265] : memref<10000x128xf32, #tpu.memory_space<hbm>> -> memref<10000x128xf32, #tpu.memory_space<hbm>>
      tpu.enqueue_indirect_dma source(%dma_start3A_266 : memref<10000x128xf32, #tpu.memory_space<hbm>>) target(%arg8 : memref<128x128xf32, #tpu.memory_space<vmem>>) offsets(%dma_start3A_263 : memref<128xi32, #tpu.memory_space<vmem>>) semaphore(%arg10 : memref<!tpu.dma_semaphore, #tpu.memory_space<semaphore_mem>>)
      %dma_wait3A_267 = arith.constant 8 : i32
      %dma_wait3A_268 = arith.constant 0 : i32
      %dma_wait3A_269 = tpu.memref_slice %arg5[%dma_wait3A_267, %dma_wait3A_268] : memref<16x128xi32, #tpu.memory_space<vmem>> -> memref<1x128xi32, #tpu.memory_space<vmem>>
      %dma_wait3A_270 = tpu.memref_squeeze %dma_wait3A_269 : memref<1x128xi32, #tpu.memory_space<vmem>> -> memref<128xi32, #tpu.memory_space<vmem>>
      %dma_wait3A_271 = arith.constant 0 : i32
      %dma_wait3A_272 = arith.constant 0 : i32
      %dma_wait3A_273 = tpu.memref_slice %arg2[%dma_wait3A_271, %dma_wait3A_272] : memref<10000x128xf32, #tpu.memory_space<hbm>> -> memref<10000x128xf32, #tpu.memory_space<hbm>>
      tpu.wait_indirect_dma semaphore(%arg9 : memref<!tpu.dma_semaphore, #tpu.memory_space<semaphore_mem>>) src(%dma_wait3A_273 : memref<10000x128xf32, #tpu.memory_space<hbm>>) dst(%arg7 : memref<128x128xf32, #tpu.memory_space<vmem>>)
      %dma_start3A_274 = arith.constant 8 : i32
      %dma_start3A_275 = arith.constant 0 : i32
      %dma_start3A_276 = tpu.memref_slice %arg6[%dma_start3A_274, %dma_start3A_275] : memref<16x128xi32, #tpu.memory_space<vmem>> -> memref<1x128xi32, #tpu.memory_space<vmem>>
      %dma_start3A_277 = tpu.memref_squeeze %dma_start3A_276 : memref<1x128xi32, #tpu.memory_space<vmem>> -> memref<128xi32, #tpu.memory_space<vmem>>
      %dma_start3A_278 = arith.constant 0 : i32
      %dma_start3A_279 = arith.constant 0 : i32
      %dma_start3A_280 = tpu.memref_slice %arg13[%dma_start3A_278, %dma_start3A_279] : memref<10128x128xf32, #tpu.memory_space<vmem_shared>> -> memref<10128x128xf32, #tpu.memory_space<vmem_shared>>
      tpu.enqueue_indirect_dma source(%arg7 : memref<128x128xf32, #tpu.memory_space<vmem>>) target(%dma_start3A_280 : memref<10128x128xf32, #tpu.memory_space<vmem_shared>>) offsets(%dma_start3A_277 : memref<128xi32, #tpu.memory_space<vmem>>) semaphore(%arg11 : memref<!tpu.dma_semaphore, #tpu.memory_space<semaphore_mem>>) {add = true}
      %dma_wait3A_281 = arith.constant 8 : i32
      %dma_wait3A_282 = arith.constant 0 : i32
      %dma_wait3A_283 = tpu.memref_slice %arg6[%dma_wait3A_281, %dma_wait3A_282] : memref<16x128xi32, #tpu.memory_space<vmem>> -> memref<1x128xi32, #tpu.memory_space<vmem>>
      %dma_wait3A_284 = tpu.memref_squeeze %dma_wait3A_283 : memref<1x128xi32, #tpu.memory_space<vmem>> -> memref<128xi32, #tpu.memory_space<vmem>>
      %dma_wait3A_285 = arith.constant 0 : i32
      %dma_wait3A_286 = arith.constant 0 : i32
      %dma_wait3A_287 = tpu.memref_slice %arg13[%dma_wait3A_285, %dma_wait3A_286] : memref<10128x128xf32, #tpu.memory_space<vmem_shared>> -> memref<10128x128xf32, #tpu.memory_space<vmem_shared>>
      tpu.wait_indirect_dma semaphore(%arg11 : memref<!tpu.dma_semaphore, #tpu.memory_space<semaphore_mem>>) src(%arg7 : memref<128x128xf32, #tpu.memory_space<vmem>>) dst(%dma_wait3A_287 : memref<10128x128xf32, #tpu.memory_space<vmem_shared>>)
      %dma_start3A_288 = arith.constant 10 : i32
      %dma_start3A_289 = arith.constant 0 : i32
      %dma_start3A_290 = tpu.memref_slice %arg5[%dma_start3A_288, %dma_start3A_289] : memref<16x128xi32, #tpu.memory_space<vmem>> -> memref<1x128xi32, #tpu.memory_space<vmem>>
      %dma_start3A_291 = tpu.memref_squeeze %dma_start3A_290 : memref<1x128xi32, #tpu.memory_space<vmem>> -> memref<128xi32, #tpu.memory_space<vmem>>
      %dma_start3A_292 = arith.constant 0 : i32
      %dma_start3A_293 = arith.constant 0 : i32
      %dma_start3A_294 = tpu.memref_slice %arg2[%dma_start3A_292, %dma_start3A_293] : memref<10000x128xf32, #tpu.memory_space<hbm>> -> memref<10000x128xf32, #tpu.memory_space<hbm>>
      tpu.enqueue_indirect_dma source(%dma_start3A_294 : memref<10000x128xf32, #tpu.memory_space<hbm>>) target(%arg7 : memref<128x128xf32, #tpu.memory_space<vmem>>) offsets(%dma_start3A_291 : memref<128xi32, #tpu.memory_space<vmem>>) semaphore(%arg9 : memref<!tpu.dma_semaphore, #tpu.memory_space<semaphore_mem>>)
      %dma_wait3A_295 = arith.constant 9 : i32
      %dma_wait3A_296 = arith.constant 0 : i32
      %dma_wait3A_297 = tpu.memref_slice %arg5[%dma_wait3A_295, %dma_wait3A_296] : memref<16x128xi32, #tpu.memory_space<vmem>> -> memref<1x128xi32, #tpu.memory_space<vmem>>
      %dma_wait3A_298 = tpu.memref_squeeze %dma_wait3A_297 : memref<1x128xi32, #tpu.memory_space<vmem>> -> memref<128xi32, #tpu.memory_space<vmem>>
      %dma_wait3A_299 = arith.constant 0 : i32
      %dma_wait3A_300 = arith.constant 0 : i32
      %dma_wait3A_301 = tpu.memref_slice %arg2[%dma_wait3A_299, %dma_wait3A_300] : memref<10000x128xf32, #tpu.memory_space<hbm>> -> memref<10000x128xf32, #tpu.memory_space<hbm>>
      tpu.wait_indirect_dma semaphore(%arg10 : memref<!tpu.dma_semaphore, #tpu.memory_space<semaphore_mem>>) src(%dma_wait3A_301 : memref<10000x128xf32, #tpu.memory_space<hbm>>) dst(%arg8 : memref<128x128xf32, #tpu.memory_space<vmem>>)
      %dma_start3A_302 = arith.constant 9 : i32
      %dma_start3A_303 = arith.constant 0 : i32
      %dma_start3A_304 = tpu.memref_slice %arg6[%dma_start3A_302, %dma_start3A_303] : memref<16x128xi32, #tpu.memory_space<vmem>> -> memref<1x128xi32, #tpu.memory_space<vmem>>
      %dma_start3A_305 = tpu.memref_squeeze %dma_start3A_304 : memref<1x128xi32, #tpu.memory_space<vmem>> -> memref<128xi32, #tpu.memory_space<vmem>>
      %dma_start3A_306 = arith.constant 0 : i32
      %dma_start3A_307 = arith.constant 0 : i32
      %dma_start3A_308 = tpu.memref_slice %arg13[%dma_start3A_306, %dma_start3A_307] : memref<10128x128xf32, #tpu.memory_space<vmem_shared>> -> memref<10128x128xf32, #tpu.memory_space<vmem_shared>>
      tpu.enqueue_indirect_dma source(%arg8 : memref<128x128xf32, #tpu.memory_space<vmem>>) target(%dma_start3A_308 : memref<10128x128xf32, #tpu.memory_space<vmem_shared>>) offsets(%dma_start3A_305 : memref<128xi32, #tpu.memory_space<vmem>>) semaphore(%arg12 : memref<!tpu.dma_semaphore, #tpu.memory_space<semaphore_mem>>) {add = true}
      %dma_wait3A_309 = arith.constant 9 : i32
      %dma_wait3A_310 = arith.constant 0 : i32
      %dma_wait3A_311 = tpu.memref_slice %arg6[%dma_wait3A_309, %dma_wait3A_310] : memref<16x128xi32, #tpu.memory_space<vmem>> -> memref<1x128xi32, #tpu.memory_space<vmem>>
      %dma_wait3A_312 = tpu.memref_squeeze %dma_wait3A_311 : memref<1x128xi32, #tpu.memory_space<vmem>> -> memref<128xi32, #tpu.memory_space<vmem>>
      %dma_wait3A_313 = arith.constant 0 : i32
      %dma_wait3A_314 = arith.constant 0 : i32
      %dma_wait3A_315 = tpu.memref_slice %arg13[%dma_wait3A_313, %dma_wait3A_314] : memref<10128x128xf32, #tpu.memory_space<vmem_shared>> -> memref<10128x128xf32, #tpu.memory_space<vmem_shared>>
      tpu.wait_indirect_dma semaphore(%arg12 : memref<!tpu.dma_semaphore, #tpu.memory_space<semaphore_mem>>) src(%arg8 : memref<128x128xf32, #tpu.memory_space<vmem>>) dst(%dma_wait3A_315 : memref<10128x128xf32, #tpu.memory_space<vmem_shared>>)
      %dma_start3A_316 = arith.constant 11 : i32
      %dma_start3A_317 = arith.constant 0 : i32
      %dma_start3A_318 = tpu.memref_slice %arg5[%dma_start3A_316, %dma_start3A_317] : memref<16x128xi32, #tpu.memory_space<vmem>> -> memref<1x128xi32, #tpu.memory_space<vmem>>
      %dma_start3A_319 = tpu.memref_squeeze %dma_start3A_318 : memref<1x128xi32, #tpu.memory_space<vmem>> -> memref<128xi32, #tpu.memory_space<vmem>>
      %dma_start3A_320 = arith.constant 0 : i32
      %dma_start3A_321 = arith.constant 0 : i32
      %dma_start3A_322 = tpu.memref_slice %arg2[%dma_start3A_320, %dma_start3A_321] : memref<10000x128xf32, #tpu.memory_space<hbm>> -> memref<10000x128xf32, #tpu.memory_space<hbm>>
      tpu.enqueue_indirect_dma source(%dma_start3A_322 : memref<10000x128xf32, #tpu.memory_space<hbm>>) target(%arg8 : memref<128x128xf32, #tpu.memory_space<vmem>>) offsets(%dma_start3A_319 : memref<128xi32, #tpu.memory_space<vmem>>) semaphore(%arg10 : memref<!tpu.dma_semaphore, #tpu.memory_space<semaphore_mem>>)
      %dma_wait3A_323 = arith.constant 10 : i32
      %dma_wait3A_324 = arith.constant 0 : i32
      %dma_wait3A_325 = tpu.memref_slice %arg5[%dma_wait3A_323, %dma_wait3A_324] : memref<16x128xi32, #tpu.memory_space<vmem>> -> memref<1x128xi32, #tpu.memory_space<vmem>>
      %dma_wait3A_326 = tpu.memref_squeeze %dma_wait3A_325 : memref<1x128xi32, #tpu.memory_space<vmem>> -> memref<128xi32, #tpu.memory_space<vmem>>
      %dma_wait3A_327 = arith.constant 0 : i32
      %dma_wait3A_328 = arith.constant 0 : i32
      %dma_wait3A_329 = tpu.memref_slice %arg2[%dma_wait3A_327, %dma_wait3A_328] : memref<10000x128xf32, #tpu.memory_space<hbm>> -> memref<10000x128xf32, #tpu.memory_space<hbm>>
      tpu.wait_indirect_dma semaphore(%arg9 : memref<!tpu.dma_semaphore, #tpu.memory_space<semaphore_mem>>) src(%dma_wait3A_329 : memref<10000x128xf32, #tpu.memory_space<hbm>>) dst(%arg7 : memref<128x128xf32, #tpu.memory_space<vmem>>)
      %dma_start3A_330 = arith.constant 10 : i32
      %dma_start3A_331 = arith.constant 0 : i32
      %dma_start3A_332 = tpu.memref_slice %arg6[%dma_start3A_330, %dma_start3A_331] : memref<16x128xi32, #tpu.memory_space<vmem>> -> memref<1x128xi32, #tpu.memory_space<vmem>>
      %dma_start3A_333 = tpu.memref_squeeze %dma_start3A_332 : memref<1x128xi32, #tpu.memory_space<vmem>> -> memref<128xi32, #tpu.memory_space<vmem>>
      %dma_start3A_334 = arith.constant 0 : i32
      %dma_start3A_335 = arith.constant 0 : i32
      %dma_start3A_336 = tpu.memref_slice %arg13[%dma_start3A_334, %dma_start3A_335] : memref<10128x128xf32, #tpu.memory_space<vmem_shared>> -> memref<10128x128xf32, #tpu.memory_space<vmem_shared>>
      tpu.enqueue_indirect_dma source(%arg7 : memref<128x128xf32, #tpu.memory_space<vmem>>) target(%dma_start3A_336 : memref<10128x128xf32, #tpu.memory_space<vmem_shared>>) offsets(%dma_start3A_333 : memref<128xi32, #tpu.memory_space<vmem>>) semaphore(%arg11 : memref<!tpu.dma_semaphore, #tpu.memory_space<semaphore_mem>>) {add = true}
      %dma_wait3A_337 = arith.constant 10 : i32
      %dma_wait3A_338 = arith.constant 0 : i32
      %dma_wait3A_339 = tpu.memref_slice %arg6[%dma_wait3A_337, %dma_wait3A_338] : memref<16x128xi32, #tpu.memory_space<vmem>> -> memref<1x128xi32, #tpu.memory_space<vmem>>
      %dma_wait3A_340 = tpu.memref_squeeze %dma_wait3A_339 : memref<1x128xi32, #tpu.memory_space<vmem>> -> memref<128xi32, #tpu.memory_space<vmem>>
      %dma_wait3A_341 = arith.constant 0 : i32
      %dma_wait3A_342 = arith.constant 0 : i32
      %dma_wait3A_343 = tpu.memref_slice %arg13[%dma_wait3A_341, %dma_wait3A_342] : memref<10128x128xf32, #tpu.memory_space<vmem_shared>> -> memref<10128x128xf32, #tpu.memory_space<vmem_shared>>
      tpu.wait_indirect_dma semaphore(%arg11 : memref<!tpu.dma_semaphore, #tpu.memory_space<semaphore_mem>>) src(%arg7 : memref<128x128xf32, #tpu.memory_space<vmem>>) dst(%dma_wait3A_343 : memref<10128x128xf32, #tpu.memory_space<vmem_shared>>)
      %dma_start3A_344 = arith.constant 12 : i32
      %dma_start3A_345 = arith.constant 0 : i32
      %dma_start3A_346 = tpu.memref_slice %arg5[%dma_start3A_344, %dma_start3A_345] : memref<16x128xi32, #tpu.memory_space<vmem>> -> memref<1x128xi32, #tpu.memory_space<vmem>>
      %dma_start3A_347 = tpu.memref_squeeze %dma_start3A_346 : memref<1x128xi32, #tpu.memory_space<vmem>> -> memref<128xi32, #tpu.memory_space<vmem>>
      %dma_start3A_348 = arith.constant 0 : i32
      %dma_start3A_349 = arith.constant 0 : i32
      %dma_start3A_350 = tpu.memref_slice %arg2[%dma_start3A_348, %dma_start3A_349] : memref<10000x128xf32, #tpu.memory_space<hbm>> -> memref<10000x128xf32, #tpu.memory_space<hbm>>
      tpu.enqueue_indirect_dma source(%dma_start3A_350 : memref<10000x128xf32, #tpu.memory_space<hbm>>) target(%arg7 : memref<128x128xf32, #tpu.memory_space<vmem>>) offsets(%dma_start3A_347 : memref<128xi32, #tpu.memory_space<vmem>>) semaphore(%arg9 : memref<!tpu.dma_semaphore, #tpu.memory_space<semaphore_mem>>)
      %dma_wait3A_351 = arith.constant 11 : i32
      %dma_wait3A_352 = arith.constant 0 : i32
      %dma_wait3A_353 = tpu.memref_slice %arg5[%dma_wait3A_351, %dma_wait3A_352] : memref<16x128xi32, #tpu.memory_space<vmem>> -> memref<1x128xi32, #tpu.memory_space<vmem>>
      %dma_wait3A_354 = tpu.memref_squeeze %dma_wait3A_353 : memref<1x128xi32, #tpu.memory_space<vmem>> -> memref<128xi32, #tpu.memory_space<vmem>>
      %dma_wait3A_355 = arith.constant 0 : i32
      %dma_wait3A_356 = arith.constant 0 : i32
      %dma_wait3A_357 = tpu.memref_slice %arg2[%dma_wait3A_355, %dma_wait3A_356] : memref<10000x128xf32, #tpu.memory_space<hbm>> -> memref<10000x128xf32, #tpu.memory_space<hbm>>
      tpu.wait_indirect_dma semaphore(%arg10 : memref<!tpu.dma_semaphore, #tpu.memory_space<semaphore_mem>>) src(%dma_wait3A_357 : memref<10000x128xf32, #tpu.memory_space<hbm>>) dst(%arg8 : memref<128x128xf32, #tpu.memory_space<vmem>>)
      %dma_start3A_358 = arith.constant 11 : i32
      %dma_start3A_359 = arith.constant 0 : i32
      %dma_start3A_360 = tpu.memref_slice %arg6[%dma_start3A_358, %dma_start3A_359] : memref<16x128xi32, #tpu.memory_space<vmem>> -> memref<1x128xi32, #tpu.memory_space<vmem>>
      %dma_start3A_361 = tpu.memref_squeeze %dma_start3A_360 : memref<1x128xi32, #tpu.memory_space<vmem>> -> memref<128xi32, #tpu.memory_space<vmem>>
      %dma_start3A_362 = arith.constant 0 : i32
      %dma_start3A_363 = arith.constant 0 : i32
      %dma_start3A_364 = tpu.memref_slice %arg13[%dma_start3A_362, %dma_start3A_363] : memref<10128x128xf32, #tpu.memory_space<vmem_shared>> -> memref<10128x128xf32, #tpu.memory_space<vmem_shared>>
      tpu.enqueue_indirect_dma source(%arg8 : memref<128x128xf32, #tpu.memory_space<vmem>>) target(%dma_start3A_364 : memref<10128x128xf32, #tpu.memory_space<vmem_shared>>) offsets(%dma_start3A_361 : memref<128xi32, #tpu.memory_space<vmem>>) semaphore(%arg12 : memref<!tpu.dma_semaphore, #tpu.memory_space<semaphore_mem>>) {add = true}
      %dma_wait3A_365 = arith.constant 11 : i32
      %dma_wait3A_366 = arith.constant 0 : i32
      %dma_wait3A_367 = tpu.memref_slice %arg6[%dma_wait3A_365, %dma_wait3A_366] : memref<16x128xi32, #tpu.memory_space<vmem>> -> memref<1x128xi32, #tpu.memory_space<vmem>>
      %dma_wait3A_368 = tpu.memref_squeeze %dma_wait3A_367 : memref<1x128xi32, #tpu.memory_space<vmem>> -> memref<128xi32, #tpu.memory_space<vmem>>
      %dma_wait3A_369 = arith.constant 0 : i32
      %dma_wait3A_370 = arith.constant 0 : i32
      %dma_wait3A_371 = tpu.memref_slice %arg13[%dma_wait3A_369, %dma_wait3A_370] : memref<10128x128xf32, #tpu.memory_space<vmem_shared>> -> memref<10128x128xf32, #tpu.memory_space<vmem_shared>>
      tpu.wait_indirect_dma semaphore(%arg12 : memref<!tpu.dma_semaphore, #tpu.memory_space<semaphore_mem>>) src(%arg8 : memref<128x128xf32, #tpu.memory_space<vmem>>) dst(%dma_wait3A_371 : memref<10128x128xf32, #tpu.memory_space<vmem_shared>>)
      %dma_start3A_372 = arith.constant 13 : i32
      %dma_start3A_373 = arith.constant 0 : i32
      %dma_start3A_374 = tpu.memref_slice %arg5[%dma_start3A_372, %dma_start3A_373] : memref<16x128xi32, #tpu.memory_space<vmem>> -> memref<1x128xi32, #tpu.memory_space<vmem>>
      %dma_start3A_375 = tpu.memref_squeeze %dma_start3A_374 : memref<1x128xi32, #tpu.memory_space<vmem>> -> memref<128xi32, #tpu.memory_space<vmem>>
      %dma_start3A_376 = arith.constant 0 : i32
      %dma_start3A_377 = arith.constant 0 : i32
      %dma_start3A_378 = tpu.memref_slice %arg2[%dma_start3A_376, %dma_start3A_377] : memref<10000x128xf32, #tpu.memory_space<hbm>> -> memref<10000x128xf32, #tpu.memory_space<hbm>>
      tpu.enqueue_indirect_dma source(%dma_start3A_378 : memref<10000x128xf32, #tpu.memory_space<hbm>>) target(%arg8 : memref<128x128xf32, #tpu.memory_space<vmem>>) offsets(%dma_start3A_375 : memref<128xi32, #tpu.memory_space<vmem>>) semaphore(%arg10 : memref<!tpu.dma_semaphore, #tpu.memory_space<semaphore_mem>>)
      %dma_wait3A_379 = arith.constant 12 : i32
      %dma_wait3A_380 = arith.constant 0 : i32
      %dma_wait3A_381 = tpu.memref_slice %arg5[%dma_wait3A_379, %dma_wait3A_380] : memref<16x128xi32, #tpu.memory_space<vmem>> -> memref<1x128xi32, #tpu.memory_space<vmem>>
      %dma_wait3A_382 = tpu.memref_squeeze %dma_wait3A_381 : memref<1x128xi32, #tpu.memory_space<vmem>> -> memref<128xi32, #tpu.memory_space<vmem>>
      %dma_wait3A_383 = arith.constant 0 : i32
      %dma_wait3A_384 = arith.constant 0 : i32
      %dma_wait3A_385 = tpu.memref_slice %arg2[%dma_wait3A_383, %dma_wait3A_384] : memref<10000x128xf32, #tpu.memory_space<hbm>> -> memref<10000x128xf32, #tpu.memory_space<hbm>>
      tpu.wait_indirect_dma semaphore(%arg9 : memref<!tpu.dma_semaphore, #tpu.memory_space<semaphore_mem>>) src(%dma_wait3A_385 : memref<10000x128xf32, #tpu.memory_space<hbm>>) dst(%arg7 : memref<128x128xf32, #tpu.memory_space<vmem>>)
      %dma_start3A_386 = arith.constant 12 : i32
      %dma_start3A_387 = arith.constant 0 : i32
      %dma_start3A_388 = tpu.memref_slice %arg6[%dma_start3A_386, %dma_start3A_387] : memref<16x128xi32, #tpu.memory_space<vmem>> -> memref<1x128xi32, #tpu.memory_space<vmem>>
      %dma_start3A_389 = tpu.memref_squeeze %dma_start3A_388 : memref<1x128xi32, #tpu.memory_space<vmem>> -> memref<128xi32, #tpu.memory_space<vmem>>
      %dma_start3A_390 = arith.constant 0 : i32
      %dma_start3A_391 = arith.constant 0 : i32
      %dma_start3A_392 = tpu.memref_slice %arg13[%dma_start3A_390, %dma_start3A_391] : memref<10128x128xf32, #tpu.memory_space<vmem_shared>> -> memref<10128x128xf32, #tpu.memory_space<vmem_shared>>
      tpu.enqueue_indirect_dma source(%arg7 : memref<128x128xf32, #tpu.memory_space<vmem>>) target(%dma_start3A_392 : memref<10128x128xf32, #tpu.memory_space<vmem_shared>>) offsets(%dma_start3A_389 : memref<128xi32, #tpu.memory_space<vmem>>) semaphore(%arg11 : memref<!tpu.dma_semaphore, #tpu.memory_space<semaphore_mem>>) {add = true}
      %dma_wait3A_393 = arith.constant 12 : i32
      %dma_wait3A_394 = arith.constant 0 : i32
      %dma_wait3A_395 = tpu.memref_slice %arg6[%dma_wait3A_393, %dma_wait3A_394] : memref<16x128xi32, #tpu.memory_space<vmem>> -> memref<1x128xi32, #tpu.memory_space<vmem>>
      %dma_wait3A_396 = tpu.memref_squeeze %dma_wait3A_395 : memref<1x128xi32, #tpu.memory_space<vmem>> -> memref<128xi32, #tpu.memory_space<vmem>>
      %dma_wait3A_397 = arith.constant 0 : i32
      %dma_wait3A_398 = arith.constant 0 : i32
      %dma_wait3A_399 = tpu.memref_slice %arg13[%dma_wait3A_397, %dma_wait3A_398] : memref<10128x128xf32, #tpu.memory_space<vmem_shared>> -> memref<10128x128xf32, #tpu.memory_space<vmem_shared>>
      tpu.wait_indirect_dma semaphore(%arg11 : memref<!tpu.dma_semaphore, #tpu.memory_space<semaphore_mem>>) src(%arg7 : memref<128x128xf32, #tpu.memory_space<vmem>>) dst(%dma_wait3A_399 : memref<10128x128xf32, #tpu.memory_space<vmem_shared>>)
      %dma_start3A_400 = arith.constant 14 : i32
      %dma_start3A_401 = arith.constant 0 : i32
      %dma_start3A_402 = tpu.memref_slice %arg5[%dma_start3A_400, %dma_start3A_401] : memref<16x128xi32, #tpu.memory_space<vmem>> -> memref<1x128xi32, #tpu.memory_space<vmem>>
      %dma_start3A_403 = tpu.memref_squeeze %dma_start3A_402 : memref<1x128xi32, #tpu.memory_space<vmem>> -> memref<128xi32, #tpu.memory_space<vmem>>
      %dma_start3A_404 = arith.constant 0 : i32
      %dma_start3A_405 = arith.constant 0 : i32
      %dma_start3A_406 = tpu.memref_slice %arg2[%dma_start3A_404, %dma_start3A_405] : memref<10000x128xf32, #tpu.memory_space<hbm>> -> memref<10000x128xf32, #tpu.memory_space<hbm>>
      tpu.enqueue_indirect_dma source(%dma_start3A_406 : memref<10000x128xf32, #tpu.memory_space<hbm>>) target(%arg7 : memref<128x128xf32, #tpu.memory_space<vmem>>) offsets(%dma_start3A_403 : memref<128xi32, #tpu.memory_space<vmem>>) semaphore(%arg9 : memref<!tpu.dma_semaphore, #tpu.memory_space<semaphore_mem>>)
      %dma_wait3A_407 = arith.constant 13 : i32
      %dma_wait3A_408 = arith.constant 0 : i32
      %dma_wait3A_409 = tpu.memref_slice %arg5[%dma_wait3A_407, %dma_wait3A_408] : memref<16x128xi32, #tpu.memory_space<vmem>> -> memref<1x128xi32, #tpu.memory_space<vmem>>
      %dma_wait3A_410 = tpu.memref_squeeze %dma_wait3A_409 : memref<1x128xi32, #tpu.memory_space<vmem>> -> memref<128xi32, #tpu.memory_space<vmem>>
      %dma_wait3A_411 = arith.constant 0 : i32
      %dma_wait3A_412 = arith.constant 0 : i32
      %dma_wait3A_413 = tpu.memref_slice %arg2[%dma_wait3A_411, %dma_wait3A_412] : memref<10000x128xf32, #tpu.memory_space<hbm>> -> memref<10000x128xf32, #tpu.memory_space<hbm>>
      tpu.wait_indirect_dma semaphore(%arg10 : memref<!tpu.dma_semaphore, #tpu.memory_space<semaphore_mem>>) src(%dma_wait3A_413 : memref<10000x128xf32, #tpu.memory_space<hbm>>) dst(%arg8 : memref<128x128xf32, #tpu.memory_space<vmem>>)
      %dma_start3A_414 = arith.constant 13 : i32
      %dma_start3A_415 = arith.constant 0 : i32
      %dma_start3A_416 = tpu.memref_slice %arg6[%dma_start3A_414, %dma_start3A_415] : memref<16x128xi32, #tpu.memory_space<vmem>> -> memref<1x128xi32, #tpu.memory_space<vmem>>
      %dma_start3A_417 = tpu.memref_squeeze %dma_start3A_416 : memref<1x128xi32, #tpu.memory_space<vmem>> -> memref<128xi32, #tpu.memory_space<vmem>>
      %dma_start3A_418 = arith.constant 0 : i32
      %dma_start3A_419 = arith.constant 0 : i32
      %dma_start3A_420 = tpu.memref_slice %arg13[%dma_start3A_418, %dma_start3A_419] : memref<10128x128xf32, #tpu.memory_space<vmem_shared>> -> memref<10128x128xf32, #tpu.memory_space<vmem_shared>>
      tpu.enqueue_indirect_dma source(%arg8 : memref<128x128xf32, #tpu.memory_space<vmem>>) target(%dma_start3A_420 : memref<10128x128xf32, #tpu.memory_space<vmem_shared>>) offsets(%dma_start3A_417 : memref<128xi32, #tpu.memory_space<vmem>>) semaphore(%arg12 : memref<!tpu.dma_semaphore, #tpu.memory_space<semaphore_mem>>) {add = true}
      %dma_wait3A_421 = arith.constant 13 : i32
      %dma_wait3A_422 = arith.constant 0 : i32
      %dma_wait3A_423 = tpu.memref_slice %arg6[%dma_wait3A_421, %dma_wait3A_422] : memref<16x128xi32, #tpu.memory_space<vmem>> -> memref<1x128xi32, #tpu.memory_space<vmem>>
      %dma_wait3A_424 = tpu.memref_squeeze %dma_wait3A_423 : memref<1x128xi32, #tpu.memory_space<vmem>> -> memref<128xi32, #tpu.memory_space<vmem>>
      %dma_wait3A_425 = arith.constant 0 : i32
      %dma_wait3A_426 = arith.constant 0 : i32
      %dma_wait3A_427 = tpu.memref_slice %arg13[%dma_wait3A_425, %dma_wait3A_426] : memref<10128x128xf32, #tpu.memory_space<vmem_shared>> -> memref<10128x128xf32, #tpu.memory_space<vmem_shared>>
      tpu.wait_indirect_dma semaphore(%arg12 : memref<!tpu.dma_semaphore, #tpu.memory_space<semaphore_mem>>) src(%arg8 : memref<128x128xf32, #tpu.memory_space<vmem>>) dst(%dma_wait3A_427 : memref<10128x128xf32, #tpu.memory_space<vmem_shared>>)
      %dma_start3A_428 = arith.constant 15 : i32
      %dma_start3A_429 = arith.constant 0 : i32
      %dma_start3A_430 = tpu.memref_slice %arg5[%dma_start3A_428, %dma_start3A_429] : memref<16x128xi32, #tpu.memory_space<vmem>> -> memref<1x128xi32, #tpu.memory_space<vmem>>
      %dma_start3A_431 = tpu.memref_squeeze %dma_start3A_430 : memref<1x128xi32, #tpu.memory_space<vmem>> -> memref<128xi32, #tpu.memory_space<vmem>>
      %dma_start3A_432 = arith.constant 0 : i32
      %dma_start3A_433 = arith.constant 0 : i32
      %dma_start3A_434 = tpu.memref_slice %arg2[%dma_start3A_432, %dma_start3A_433] : memref<10000x128xf32, #tpu.memory_space<hbm>> -> memref<10000x128xf32, #tpu.memory_space<hbm>>
      tpu.enqueue_indirect_dma source(%dma_start3A_434 : memref<10000x128xf32, #tpu.memory_space<hbm>>) target(%arg8 : memref<128x128xf32, #tpu.memory_space<vmem>>) offsets(%dma_start3A_431 : memref<128xi32, #tpu.memory_space<vmem>>) semaphore(%arg10 : memref<!tpu.dma_semaphore, #tpu.memory_space<semaphore_mem>>)
      %dma_wait3A_435 = arith.constant 14 : i32
      %dma_wait3A_436 = arith.constant 0 : i32
      %dma_wait3A_437 = tpu.memref_slice %arg5[%dma_wait3A_435, %dma_wait3A_436] : memref<16x128xi32, #tpu.memory_space<vmem>> -> memref<1x128xi32, #tpu.memory_space<vmem>>
      %dma_wait3A_438 = tpu.memref_squeeze %dma_wait3A_437 : memref<1x128xi32, #tpu.memory_space<vmem>> -> memref<128xi32, #tpu.memory_space<vmem>>
      %dma_wait3A_439 = arith.constant 0 : i32
      %dma_wait3A_440 = arith.constant 0 : i32
      %dma_wait3A_441 = tpu.memref_slice %arg2[%dma_wait3A_439, %dma_wait3A_440] : memref<10000x128xf32, #tpu.memory_space<hbm>> -> memref<10000x128xf32, #tpu.memory_space<hbm>>
      tpu.wait_indirect_dma semaphore(%arg9 : memref<!tpu.dma_semaphore, #tpu.memory_space<semaphore_mem>>) src(%dma_wait3A_441 : memref<10000x128xf32, #tpu.memory_space<hbm>>) dst(%arg7 : memref<128x128xf32, #tpu.memory_space<vmem>>)
      %dma_start3A_442 = arith.constant 14 : i32
      %dma_start3A_443 = arith.constant 0 : i32
      %dma_start3A_444 = tpu.memref_slice %arg6[%dma_start3A_442, %dma_start3A_443] : memref<16x128xi32, #tpu.memory_space<vmem>> -> memref<1x128xi32, #tpu.memory_space<vmem>>
      %dma_start3A_445 = tpu.memref_squeeze %dma_start3A_444 : memref<1x128xi32, #tpu.memory_space<vmem>> -> memref<128xi32, #tpu.memory_space<vmem>>
      %dma_start3A_446 = arith.constant 0 : i32
      %dma_start3A_447 = arith.constant 0 : i32
      %dma_start3A_448 = tpu.memref_slice %arg13[%dma_start3A_446, %dma_start3A_447] : memref<10128x128xf32, #tpu.memory_space<vmem_shared>> -> memref<10128x128xf32, #tpu.memory_space<vmem_shared>>
      tpu.enqueue_indirect_dma source(%arg7 : memref<128x128xf32, #tpu.memory_space<vmem>>) target(%dma_start3A_448 : memref<10128x128xf32, #tpu.memory_space<vmem_shared>>) offsets(%dma_start3A_445 : memref<128xi32, #tpu.memory_space<vmem>>) semaphore(%arg11 : memref<!tpu.dma_semaphore, #tpu.memory_space<semaphore_mem>>) {add = true}
      %dma_wait3A_449 = arith.constant 14 : i32
      %dma_wait3A_450 = arith.constant 0 : i32
      %dma_wait3A_451 = tpu.memref_slice %arg6[%dma_wait3A_449, %dma_wait3A_450] : memref<16x128xi32, #tpu.memory_space<vmem>> -> memref<1x128xi32, #tpu.memory_space<vmem>>
      %dma_wait3A_452 = tpu.memref_squeeze %dma_wait3A_451 : memref<1x128xi32, #tpu.memory_space<vmem>> -> memref<128xi32, #tpu.memory_space<vmem>>
      %dma_wait3A_453 = arith.constant 0 : i32
      %dma_wait3A_454 = arith.constant 0 : i32
      %dma_wait3A_455 = tpu.memref_slice %arg13[%dma_wait3A_453, %dma_wait3A_454] : memref<10128x128xf32, #tpu.memory_space<vmem_shared>> -> memref<10128x128xf32, #tpu.memory_space<vmem_shared>>
      tpu.wait_indirect_dma semaphore(%arg11 : memref<!tpu.dma_semaphore, #tpu.memory_space<semaphore_mem>>) src(%arg7 : memref<128x128xf32, #tpu.memory_space<vmem>>) dst(%dma_wait3A_455 : memref<10128x128xf32, #tpu.memory_space<vmem_shared>>)
      %dma_wait3A_456 = arith.constant 15 : i32
      %dma_wait3A_457 = arith.constant 0 : i32
      %dma_wait3A_458 = tpu.memref_slice %arg5[%dma_wait3A_456, %dma_wait3A_457] : memref<16x128xi32, #tpu.memory_space<vmem>> -> memref<1x128xi32, #tpu.memory_space<vmem>>
      %dma_wait3A_459 = tpu.memref_squeeze %dma_wait3A_458 : memref<1x128xi32, #tpu.memory_space<vmem>> -> memref<128xi32, #tpu.memory_space<vmem>>
      %dma_wait3A_460 = arith.constant 0 : i32
      %dma_wait3A_461 = arith.constant 0 : i32
      %dma_wait3A_462 = tpu.memref_slice %arg2[%dma_wait3A_460, %dma_wait3A_461] : memref<10000x128xf32, #tpu.memory_space<hbm>> -> memref<10000x128xf32, #tpu.memory_space<hbm>>
      tpu.wait_indirect_dma semaphore(%arg10 : memref<!tpu.dma_semaphore, #tpu.memory_space<semaphore_mem>>) src(%dma_wait3A_462 : memref<10000x128xf32, #tpu.memory_space<hbm>>) dst(%arg8 : memref<128x128xf32, #tpu.memory_space<vmem>>)
      %dma_start3A_463 = arith.constant 15 : i32
      %dma_start3A_464 = arith.constant 0 : i32
      %dma_start3A_465 = tpu.memref_slice %arg6[%dma_start3A_463, %dma_start3A_464] : memref<16x128xi32, #tpu.memory_space<vmem>> -> memref<1x128xi32, #tpu.memory_space<vmem>>
      %dma_start3A_466 = tpu.memref_squeeze %dma_start3A_465 : memref<1x128xi32, #tpu.memory_space<vmem>> -> memref<128xi32, #tpu.memory_space<vmem>>
      %dma_start3A_467 = arith.constant 0 : i32
      %dma_start3A_468 = arith.constant 0 : i32
      %dma_start3A_469 = tpu.memref_slice %arg13[%dma_start3A_467, %dma_start3A_468] : memref<10128x128xf32, #tpu.memory_space<vmem_shared>> -> memref<10128x128xf32, #tpu.memory_space<vmem_shared>>
      tpu.enqueue_indirect_dma source(%arg8 : memref<128x128xf32, #tpu.memory_space<vmem>>) target(%dma_start3A_469 : memref<10128x128xf32, #tpu.memory_space<vmem_shared>>) offsets(%dma_start3A_466 : memref<128xi32, #tpu.memory_space<vmem>>) semaphore(%arg12 : memref<!tpu.dma_semaphore, #tpu.memory_space<semaphore_mem>>) {add = true}
      %dma_wait3A_470 = arith.constant 15 : i32
      %dma_wait3A_471 = arith.constant 0 : i32
      %dma_wait3A_472 = tpu.memref_slice %arg6[%dma_wait3A_470, %dma_wait3A_471] : memref<16x128xi32, #tpu.memory_space<vmem>> -> memref<1x128xi32, #tpu.memory_space<vmem>>
      %dma_wait3A_473 = tpu.memref_squeeze %dma_wait3A_472 : memref<1x128xi32, #tpu.memory_space<vmem>> -> memref<128xi32, #tpu.memory_space<vmem>>
      %dma_wait3A_474 = arith.constant 0 : i32
      %dma_wait3A_475 = arith.constant 0 : i32
      %dma_wait3A_476 = tpu.memref_slice %arg13[%dma_wait3A_474, %dma_wait3A_475] : memref<10128x128xf32, #tpu.memory_space<vmem_shared>> -> memref<10128x128xf32, #tpu.memory_space<vmem_shared>>
      tpu.wait_indirect_dma semaphore(%arg12 : memref<!tpu.dma_semaphore, #tpu.memory_space<semaphore_mem>>) src(%arg8 : memref<128x128xf32, #tpu.memory_space<vmem>>) dst(%dma_wait3A_476 : memref<10128x128xf32, #tpu.memory_space<vmem_shared>>)
    }
    %scan3A_13 = arith.constant 5 : i32
    %barrier3A_14 = arith.constant 0 : index
    tpu.barrier barrier_id(%barrier3A_14)
    %ne3A_15 = arith.constant 15 : i32
    %ne3A_16 = arith.cmpi ne, %arg1, %ne3A_15 : i32
    %convert_element_type3A_17 = arith.extui %ne3A_16 : i1 to i32
    %cond3A_18 = arith.constant 0 : i32
    %cond3A_19 = arith.cmpi ne, %convert_element_type3A_17, %cond3A_18 : i32
    scf.if %cond3A_19 {
      %mul3A_25 = arith.constant 624 : i32
      %mul3A_26 = arith.muli %arg1, %mul3A_25 : i32
      %multiple_of3A_27 = tpu.assume_multiple %mul3A_26, 8 : i32
      "tpu.region"() ({
        %run_scoped3A = tpu.sem_alloc : memref<!tpu.dma_semaphore, #tpu.memory_space<semaphore_mem>>
        %dma_start3A = arith.constant 0 : i32
        %dma_start3A_28 = tpu.memref_slice %arg4[%arg0, %multiple_of3A_27, %dma_start3A] : memref<2x10000x128xf32, #tpu.memory_space<hbm>> -> memref<1x624x128xf32, #tpu.memory_space<hbm>>
        %dma_start3A_29 = tpu.memref_squeeze %dma_start3A_28 : memref<1x624x128xf32, #tpu.memory_space<hbm>> -> memref<624x128xf32, #tpu.memory_space<hbm>>
        %dma_start3A_30 = arith.constant 0 : i32
        %dma_start3A_31 = tpu.memref_slice %arg13[%multiple_of3A_27, %dma_start3A_30] : memref<10128x128xf32, #tpu.memory_space<vmem_shared>> -> memref<624x128xf32, #tpu.memory_space<vmem_shared>>
        tpu.enqueue_dma source(%dma_start3A_31 : memref<624x128xf32, #tpu.memory_space<vmem_shared>>) target(%dma_start3A_29 : memref<624x128xf32, #tpu.memory_space<hbm>>) target_semaphore(%run_scoped3A : memref<!tpu.dma_semaphore, #tpu.memory_space<semaphore_mem>>)
        %dma_wait3A = arith.constant 0 : i32
        %dma_wait3A_32 = tpu.memref_slice %arg4[%arg0, %multiple_of3A_27, %dma_wait3A] : memref<2x10000x128xf32, #tpu.memory_space<hbm>> -> memref<1x624x128xf32, #tpu.memory_space<hbm>>
        %dma_wait3A_33 = tpu.memref_squeeze %dma_wait3A_32 : memref<1x624x128xf32, #tpu.memory_space<hbm>> -> memref<624x128xf32, #tpu.memory_space<hbm>>
        %dma_wait3A_34 = arith.constant 0 : i32
        %dma_wait3A_35 = tpu.memref_slice %arg13[%multiple_of3A_27, %dma_wait3A_34] : memref<10128x128xf32, #tpu.memory_space<vmem_shared>> -> memref<624x128xf32, #tpu.memory_space<vmem_shared>>
        tpu.wait_dma2 semaphore(%run_scoped3A : memref<!tpu.dma_semaphore, #tpu.memory_space<semaphore_mem>>) src(%dma_wait3A_35 : memref<624x128xf32, #tpu.memory_space<vmem_shared>>) dst(%dma_wait3A_33 : memref<624x128xf32, #tpu.memory_space<hbm>>)
        tpu.yield
      }) : () -> ()
    } else {
    }
    %eq3A_20 = arith.constant 15 : i32
    %eq3A_21 = arith.cmpi eq, %arg1, %eq3A_20 : i32
    %convert_element_type3A_22 = arith.extui %eq3A_21 : i1 to i32
    %cond3A_23 = arith.constant 0 : i32
    %cond3A_24 = arith.cmpi ne, %convert_element_type3A_22, %cond3A_23 : i32
    scf.if %cond3A_24 {
      "tpu.region"() ({
        %run_scoped3A = tpu.sem_alloc : memref<!tpu.dma_semaphore, #tpu.memory_space<semaphore_mem>>
        %dma_start3A = arith.constant 9360 : i32
        %dma_start3A_25 = arith.constant 0 : i32
        %dma_start3A_26 = tpu.memref_slice %arg4[%arg0, %dma_start3A, %dma_start3A_25] : memref<2x10000x128xf32, #tpu.memory_space<hbm>> -> memref<1x640x128xf32, #tpu.memory_space<hbm>>
        %dma_start3A_27 = tpu.memref_squeeze %dma_start3A_26 : memref<1x640x128xf32, #tpu.memory_space<hbm>> -> memref<640x128xf32, #tpu.memory_space<hbm>>
        %dma_start3A_28 = arith.constant 9360 : i32
        %dma_start3A_29 = arith.constant 0 : i32
        %dma_start3A_30 = tpu.memref_slice %arg13[%dma_start3A_28, %dma_start3A_29] : memref<10128x128xf32, #tpu.memory_space<vmem_shared>> -> memref<640x128xf32, #tpu.memory_space<vmem_shared>>
        tpu.enqueue_dma source(%dma_start3A_30 : memref<640x128xf32, #tpu.memory_space<vmem_shared>>) target(%dma_start3A_27 : memref<640x128xf32, #tpu.memory_space<hbm>>) target_semaphore(%run_scoped3A : memref<!tpu.dma_semaphore, #tpu.memory_space<semaphore_mem>>)
        %dma_wait3A = arith.constant 9360 : i32
        %dma_wait3A_31 = arith.constant 0 : i32
        %dma_wait3A_32 = tpu.memref_slice %arg4[%arg0, %dma_wait3A, %dma_wait3A_31] : memref<2x10000x128xf32, #tpu.memory_space<hbm>> -> memref<1x640x128xf32, #tpu.memory_space<hbm>>
        %dma_wait3A_33 = tpu.memref_squeeze %dma_wait3A_32 : memref<1x640x128xf32, #tpu.memory_space<hbm>> -> memref<640x128xf32, #tpu.memory_space<hbm>>
        %dma_wait3A_34 = arith.constant 9360 : i32
        %dma_wait3A_35 = arith.constant 0 : i32
        %dma_wait3A_36 = tpu.memref_slice %arg13[%dma_wait3A_34, %dma_wait3A_35] : memref<10128x128xf32, #tpu.memory_space<vmem_shared>> -> memref<640x128xf32, #tpu.memory_space<vmem_shared>>
        tpu.wait_dma2 semaphore(%run_scoped3A : memref<!tpu.dma_semaphore, #tpu.memory_space<semaphore_mem>>) src(%dma_wait3A_36 : memref<640x128xf32, #tpu.memory_space<vmem_shared>>) dst(%dma_wait3A_33 : memref<640x128xf32, #tpu.memory_space<hbm>>)
        tpu.yield
      }) : () -> ()
    } else {
    }
    return
  }
}

module attributes {stable_mosaic.version = 14 : i64} {
  func.func @_tc_body(%arg0: i32, %arg1: memref<2000x128xf32, #tpu.memory_space<vmem>>, %arg2: memref<2x2000x128xf32, #tpu.memory_space<vmem>>, %arg3: memref<2x2000x128xf32, #tpu.memory_space<vmem>>, %arg4: memref<128x128xf32, #tpu.memory_space<vmem>>, %arg5: memref<128x128xf32, #tpu.memory_space<vmem>>, %arg6: memref<1x128xf32, #tpu.memory_space<vmem>>, %arg7: memref<1x128xf32, #tpu.memory_space<vmem>>, %arg8: memref<1x128xf32, #tpu.memory_space<vmem>>, %arg9: memref<2000x128xf32, #tpu.memory_space<vmem>>) attributes {dimension_semantics = [#tpu.dimension_semantics<arbitrary>], iteration_bounds = array<i64: 5>, scalar_prefetch = 0 : i64, scratch_operands = 0 : i64, tpu.core_type = #tpu.core_type<tc>, window_params = [{transform_indices = @transform_0, window_bounds = array<i64: 2000, 128>}, {transform_indices = @transform_1, window_bounds = array<i64: 2, 2000, 128>}, {transform_indices = @transform_2, window_bounds = array<i64: 2, 2000, 128>}, {pipeline_mode = #tpu.pipeline_mode<synchronous>, transform_indices = @transform_3, window_bounds = array<i64: 128, 128>}, {pipeline_mode = #tpu.pipeline_mode<synchronous>, transform_indices = @transform_4, window_bounds = array<i64: 128, 128>}, {pipeline_mode = #tpu.pipeline_mode<synchronous>, transform_indices = @transform_5, window_bounds = array<i64: 1, 128>}, {pipeline_mode = #tpu.pipeline_mode<synchronous>, transform_indices = @transform_6, window_bounds = array<i64: 1, 128>}, {pipeline_mode = #tpu.pipeline_mode<synchronous>, transform_indices = @transform_7, window_bounds = array<i64: 1, 128>}, {transform_indices = @transform_8, window_bounds = array<i64: 2000, 128>}]} {
    %get3A = arith.constant 0 : index
    %get3A_0 = arith.constant 0 : index
    %get3A_1 = vector.load %arg1[%get3A, %get3A_0] : memref<2000x128xf32, #tpu.memory_space<vmem>>, vector<2000x128xf32>
    %get3A_2 = arith.constant 0 : index
    %get3A_3 = arith.constant 0 : index
    %get3A_4 = arith.constant 0 : index
    %get3A_5 = vector.load %arg2[%get3A_2, %get3A_3, %get3A_4] : memref<2x2000x128xf32, #tpu.memory_space<vmem>>, vector<1x2000x128xf32>
    %get3A_6 = vector.shape_cast %get3A_5 : vector<1x2000x128xf32> to vector<2000x128xf32>
    %get3A_7 = arith.constant 1 : index
    %get3A_8 = arith.constant 0 : index
    %get3A_9 = arith.constant 0 : index
    %get3A_10 = vector.load %arg2[%get3A_7, %get3A_8, %get3A_9] : memref<2x2000x128xf32, #tpu.memory_space<vmem>>, vector<1x2000x128xf32>
    %get3A_11 = vector.shape_cast %get3A_10 : vector<1x2000x128xf32> to vector<2000x128xf32>
    %add3A = arith.addf %get3A_6, %get3A_11 : vector<2000x128xf32>
    %sub3A = arith.subf %add3A, %get3A_1 : vector<2000x128xf32>
    %get3A_12 = arith.constant 0 : index
    %get3A_13 = arith.constant 0 : index
    %get3A_14 = arith.constant 0 : index
    %get3A_15 = vector.load %arg3[%get3A_12, %get3A_13, %get3A_14] : memref<2x2000x128xf32, #tpu.memory_space<vmem>>, vector<1x2000x128xf32>
    %get3A_16 = vector.shape_cast %get3A_15 : vector<1x2000x128xf32> to vector<2000x128xf32>
    %get3A_17 = arith.constant 1 : index
    %get3A_18 = arith.constant 0 : index
    %get3A_19 = arith.constant 0 : index
    %get3A_20 = vector.load %arg3[%get3A_17, %get3A_18, %get3A_19] : memref<2x2000x128xf32, #tpu.memory_space<vmem>>, vector<1x2000x128xf32>
    %get3A_21 = vector.shape_cast %get3A_20 : vector<1x2000x128xf32> to vector<2000x128xf32>
    %add3A_22 = arith.addf %get3A_16, %get3A_21 : vector<2000x128xf32>
    %add3A_23 = arith.constant 1.000000e+00 : f32
    %add3A_24 = vector.broadcast %add3A_23 : f32 to vector<2000x128xf32>
    %add3A_25 = arith.addf %add3A_22, %add3A_24 : vector<2000x128xf32>
    %div3A = arith.divf %sub3A, %add3A_25 : vector<2000x128xf32>
    %get3A_26 = arith.constant 0 : index
    %get3A_27 = arith.constant 0 : index
    %get3A_28 = vector.load %arg4[%get3A_26, %get3A_27] : memref<128x128xf32, #tpu.memory_space<vmem>>, vector<128x128xf32>
    %dot_general3A = arith.constant dense<0.000000e+00> : vector<2000x128xf32>
    %dot_general3A_29 = tpu.matmul %get3A_1, %get3A_28, %dot_general3A {dimension_numbers = #tpu.dot_dimension_numbers<[1], [0], [0], [1], [0, 0, 1, 1], [], []>, transpose_lhs_hint = false} : vector<2000x128xf32>, vector<128x128xf32>, vector<2000x128xf32> -> vector<2000x128xf32>
    %get3A_30 = arith.constant 0 : index
    %get3A_31 = arith.constant 0 : index
    %get3A_32 = vector.load %arg5[%get3A_30, %get3A_31] : memref<128x128xf32, #tpu.memory_space<vmem>>, vector<128x128xf32>
    %dot_general3A_33 = arith.constant dense<0.000000e+00> : vector<2000x128xf32>
    %dot_general3A_34 = tpu.matmul %div3A, %get3A_32, %dot_general3A_33 {dimension_numbers = #tpu.dot_dimension_numbers<[1], [0], [0], [1], [0, 0, 1, 1], [], []>, transpose_lhs_hint = false} : vector<2000x128xf32>, vector<128x128xf32>, vector<2000x128xf32> -> vector<2000x128xf32>
    %add3A_35 = arith.addf %dot_general3A_29, %dot_general3A_34 : vector<2000x128xf32>
    %get3A_36 = arith.constant 0 : index
    %get3A_37 = arith.constant 0 : index
    %get3A_38 = vector.load %arg6[%get3A_36, %get3A_37] : memref<1x128xf32, #tpu.memory_space<vmem>>, vector<1x128xf32>
    %add3A_39 = vector.broadcast %get3A_38 : vector<1x128xf32> to vector<2000x128xf32>
    %add3A_40 = arith.addf %add3A_35, %add3A_39 : vector<2000x128xf32>
    %reduce_sum3A = arith.constant dense<0.000000e+00> : vector<2000xf32>
    %reduce_sum3A_41 = vector.multi_reduction <add>, %add3A_40, %reduce_sum3A [1] : vector<2000x128xf32> to vector<2000xf32>
    %broadcast_in_dim3A = vector.shape_cast %reduce_sum3A_41 : vector<2000xf32> to vector<2000x1xf32>
    %div3A_42 = arith.constant 1.280000e+02 : f32
    %div3A_43 = vector.broadcast %div3A_42 : f32 to vector<2000x1xf32>
    %div3A_44 = arith.divf %broadcast_in_dim3A, %div3A_43 : vector<2000x1xf32>
    %sub3A_45 = vector.broadcast %div3A_44 : vector<2000x1xf32> to vector<2000x128xf32>
    %sub3A_46 = arith.subf %add3A_40, %sub3A_45 : vector<2000x128xf32>
    %mul3A = arith.mulf %sub3A_46, %sub3A_46 : vector<2000x128xf32>
    %reduce_sum3A_47 = arith.constant dense<0.000000e+00> : vector<2000xf32>
    %reduce_sum3A_48 = vector.multi_reduction <add>, %mul3A, %reduce_sum3A_47 [1] : vector<2000x128xf32> to vector<2000xf32>
    %broadcast_in_dim3A_49 = vector.shape_cast %reduce_sum3A_48 : vector<2000xf32> to vector<2000x1xf32>
    %div3A_50 = arith.constant 1.280000e+02 : f32
    %div3A_51 = vector.broadcast %div3A_50 : f32 to vector<2000x1xf32>
    %div3A_52 = arith.divf %broadcast_in_dim3A_49, %div3A_51 : vector<2000x1xf32>
    %add3A_53 = arith.constant 9.99999974E-6 : f32
    %add3A_54 = vector.broadcast %add3A_53 : f32 to vector<2000x1xf32>
    %add3A_55 = arith.addf %div3A_52, %add3A_54 : vector<2000x1xf32>
    %rsqrt3A = math.rsqrt %add3A_55 : vector<2000x1xf32>
    %mul3A_56 = vector.broadcast %rsqrt3A : vector<2000x1xf32> to vector<2000x128xf32>
    %mul3A_57 = arith.mulf %sub3A_46, %mul3A_56 : vector<2000x128xf32>
    %get3A_58 = arith.constant 0 : index
    %get3A_59 = arith.constant 0 : index
    %get3A_60 = vector.load %arg7[%get3A_58, %get3A_59] : memref<1x128xf32, #tpu.memory_space<vmem>>, vector<1x128xf32>
    %mul3A_61 = vector.broadcast %get3A_60 : vector<1x128xf32> to vector<2000x128xf32>
    %mul3A_62 = arith.mulf %mul3A_57, %mul3A_61 : vector<2000x128xf32>
    %get3A_63 = arith.constant 0 : index
    %get3A_64 = arith.constant 0 : index
    %get3A_65 = vector.load %arg8[%get3A_63, %get3A_64] : memref<1x128xf32, #tpu.memory_space<vmem>>, vector<1x128xf32>
    %add3A_66 = vector.broadcast %get3A_65 : vector<1x128xf32> to vector<2000x128xf32>
    %add3A_67 = arith.addf %mul3A_62, %add3A_66 : vector<2000x128xf32>
    %gt3A = arith.constant 0.000000e+00 : f32
    %gt3A_68 = vector.broadcast %gt3A : f32 to vector<2000x128xf32>
    %gt3A_69 = arith.cmpf ogt, %add3A_67, %gt3A_68 : vector<2000x128xf32>
    %exp3A = math.exp %add3A_67 : vector<2000x128xf32>
    %sub3A_70 = arith.constant 1.000000e+00 : f32
    %sub3A_71 = vector.broadcast %sub3A_70 : f32 to vector<2000x128xf32>
    %sub3A_72 = arith.subf %exp3A, %sub3A_71 : vector<2000x128xf32>
    %select_n3A = arith.select %gt3A_69, %add3A_67, %sub3A_72 : vector<2000x128xi1>, vector<2000x128xf32>
    %swap3A = arith.constant 0 : index
    %swap3A_73 = arith.constant 0 : index
    %swap3A_74 = vector.load %arg9[%swap3A, %swap3A_73] : memref<2000x128xf32, #tpu.memory_space<vmem>>, vector<2000x128xf32>
    tpu.vector_store %arg9[%swap3A, %swap3A_73], %select_n3A {strides = array<i32>} : memref<2000x128xf32, #tpu.memory_space<vmem>>, vector<2000x128xf32>,
    return
  }
  func.func @transform_0(%arg0: i32) -> (i32, i32) {
    %c0_i32 = arith.constant 0 : i32
    %c0_i32_0 = arith.constant 0 : i32
    return %arg0, %c0_i32 : i32, i32
  }
  func.func @transform_1(%arg0: i32) -> (i32, i32, i32) {
    %c0_i32 = arith.constant 0 : i32
    %c0_i32_0 = arith.constant 0 : i32
    %c0_i32_1 = arith.constant 0 : i32
    return %c0_i32, %arg0, %c0_i32_0 : i32, i32, i32
  }
  func.func @transform_2(%arg0: i32) -> (i32, i32, i32) {
    %c0_i32 = arith.constant 0 : i32
    %c0_i32_0 = arith.constant 0 : i32
    %c0_i32_1 = arith.constant 0 : i32
    return %c0_i32, %arg0, %c0_i32_0 : i32, i32, i32
  }
  func.func @transform_3(%arg0: i32) -> (i32, i32) {
    %c0_i32 = arith.constant 0 : i32
    %c0_i32_0 = arith.constant 0 : i32
    %c0_i32_1 = arith.constant 0 : i32
    return %c0_i32, %c0_i32_0 : i32, i32
  }
  func.func @transform_4(%arg0: i32) -> (i32, i32) {
    %c0_i32 = arith.constant 0 : i32
    %c0_i32_0 = arith.constant 0 : i32
    %c0_i32_1 = arith.constant 0 : i32
    return %c0_i32, %c0_i32_0 : i32, i32
  }
  func.func @transform_5(%arg0: i32) -> (i32, i32) {
    %c0_i32 = arith.constant 0 : i32
    %c0_i32_0 = arith.constant 0 : i32
    %c0_i32_1 = arith.constant 0 : i32
    return %c0_i32, %c0_i32_0 : i32, i32
  }
  func.func @transform_6(%arg0: i32) -> (i32, i32) {
    %c0_i32 = arith.constant 0 : i32
    %c0_i32_0 = arith.constant 0 : i32
    %c0_i32_1 = arith.constant 0 : i32
    return %c0_i32, %c0_i32_0 : i32, i32
  }
  func.func @transform_7(%arg0: i32) -> (i32, i32) {
    %c0_i32 = arith.constant 0 : i32
    %c0_i32_0 = arith.constant 0 : i32
    %c0_i32_1 = arith.constant 0 : i32
    return %c0_i32, %c0_i32_0 : i32, i32
  }
  func.func @transform_8(%arg0: i32) -> (i32, i32) {
    %c0_i32 = arith.constant 0 : i32
    %c0_i32_0 = arith.constant 0 : i32
    return %arg0, %c0_i32 : i32, i32
  }
}

module attributes {stable_mosaic.version = 14 : i64} {
  func.func @_tc_body(%arg0: i32, %arg1: memref<2000x128xf32, #tpu.memory_space<vmem>>, %arg2: memref<2x2000x128xf32, #tpu.memory_space<vmem>>, %arg3: memref<2x2000x128xf32, #tpu.memory_space<vmem>>, %arg4: memref<128x128xf32, #tpu.memory_space<vmem>>, %arg5: memref<128x128xf32, #tpu.memory_space<vmem>>, %arg6: memref<1x128xf32, #tpu.memory_space<vmem>>, %arg7: memref<1x128xf32, #tpu.memory_space<vmem>>, %arg8: memref<1x128xf32, #tpu.memory_space<vmem>>, %arg9: memref<2000x128xf32, #tpu.memory_space<vmem>>) attributes {dimension_semantics = [#tpu.dimension_semantics<arbitrary>], iteration_bounds = array<i64: 5>, scalar_prefetch = 0 : i64, scratch_operands = 0 : i64, tpu.core_type = #tpu.core_type<tc>, window_params = [{transform_indices = @transform_0, window_bounds = array<i64: 2000, 128>}, {transform_indices = @transform_1, window_bounds = array<i64: 2, 2000, 128>}, {transform_indices = @transform_2, window_bounds = array<i64: 2, 2000, 128>}, {pipeline_mode = #tpu.pipeline_mode<synchronous>, transform_indices = @transform_3, window_bounds = array<i64: 128, 128>}, {pipeline_mode = #tpu.pipeline_mode<synchronous>, transform_indices = @transform_4, window_bounds = array<i64: 128, 128>}, {pipeline_mode = #tpu.pipeline_mode<synchronous>, transform_indices = @transform_5, window_bounds = array<i64: 1, 128>}, {pipeline_mode = #tpu.pipeline_mode<synchronous>, transform_indices = @transform_6, window_bounds = array<i64: 1, 128>}, {pipeline_mode = #tpu.pipeline_mode<synchronous>, transform_indices = @transform_7, window_bounds = array<i64: 1, 128>}, {transform_indices = @transform_8, window_bounds = array<i64: 2000, 128>}]} {
    %get3A = arith.constant 0 : index
    %get3A_0 = arith.constant 0 : index
    %get3A_1 = vector.load %arg1[%get3A, %get3A_0] : memref<2000x128xf32, #tpu.memory_space<vmem>>, vector<2000x128xf32>
    %get3A_2 = arith.constant 0 : index
    %get3A_3 = arith.constant 0 : index
    %get3A_4 = arith.constant 0 : index
    %get3A_5 = vector.load %arg2[%get3A_2, %get3A_3, %get3A_4] : memref<2x2000x128xf32, #tpu.memory_space<vmem>>, vector<1x2000x128xf32>
    %get3A_6 = vector.shape_cast %get3A_5 : vector<1x2000x128xf32> to vector<2000x128xf32>
    %get3A_7 = arith.constant 1 : index
    %get3A_8 = arith.constant 0 : index
    %get3A_9 = arith.constant 0 : index
    %get3A_10 = vector.load %arg2[%get3A_7, %get3A_8, %get3A_9] : memref<2x2000x128xf32, #tpu.memory_space<vmem>>, vector<1x2000x128xf32>
    %get3A_11 = vector.shape_cast %get3A_10 : vector<1x2000x128xf32> to vector<2000x128xf32>
    %add3A = arith.addf %get3A_6, %get3A_11 : vector<2000x128xf32>
    %sub3A = arith.subf %add3A, %get3A_1 : vector<2000x128xf32>
    %get3A_12 = arith.constant 0 : index
    %get3A_13 = arith.constant 0 : index
    %get3A_14 = arith.constant 0 : index
    %get3A_15 = vector.load %arg3[%get3A_12, %get3A_13, %get3A_14] : memref<2x2000x128xf32, #tpu.memory_space<vmem>>, vector<1x2000x128xf32>
    %get3A_16 = vector.shape_cast %get3A_15 : vector<1x2000x128xf32> to vector<2000x128xf32>
    %get3A_17 = arith.constant 1 : index
    %get3A_18 = arith.constant 0 : index
    %get3A_19 = arith.constant 0 : index
    %get3A_20 = vector.load %arg3[%get3A_17, %get3A_18, %get3A_19] : memref<2x2000x128xf32, #tpu.memory_space<vmem>>, vector<1x2000x128xf32>
    %get3A_21 = vector.shape_cast %get3A_20 : vector<1x2000x128xf32> to vector<2000x128xf32>
    %add3A_22 = arith.addf %get3A_16, %get3A_21 : vector<2000x128xf32>
    %add3A_23 = arith.constant 1.000000e+00 : f32
    %add3A_24 = vector.broadcast %add3A_23 : f32 to vector<2000x128xf32>
    %add3A_25 = arith.addf %add3A_22, %add3A_24 : vector<2000x128xf32>
    %div3A = arith.divf %sub3A, %add3A_25 : vector<2000x128xf32>
    %get3A_26 = arith.constant 0 : index
    %get3A_27 = arith.constant 0 : index
    %get3A_28 = vector.load %arg4[%get3A_26, %get3A_27] : memref<128x128xf32, #tpu.memory_space<vmem>>, vector<128x128xf32>
    %dot_general3A = arith.constant dense<0.000000e+00> : vector<2000x128xf32>
    %dot_general3A_29 = tpu.matmul %get3A_1, %get3A_28, %dot_general3A {dimension_numbers = #tpu.dot_dimension_numbers<[1], [0], [0], [1], [0, 0, 1, 1], [], []>, transpose_lhs_hint = false} : vector<2000x128xf32>, vector<128x128xf32>, vector<2000x128xf32> -> vector<2000x128xf32>
    %get3A_30 = arith.constant 0 : index
    %get3A_31 = arith.constant 0 : index
    %get3A_32 = vector.load %arg5[%get3A_30, %get3A_31] : memref<128x128xf32, #tpu.memory_space<vmem>>, vector<128x128xf32>
    %dot_general3A_33 = arith.constant dense<0.000000e+00> : vector<2000x128xf32>
    %dot_general3A_34 = tpu.matmul %div3A, %get3A_32, %dot_general3A_33 {dimension_numbers = #tpu.dot_dimension_numbers<[1], [0], [0], [1], [0, 0, 1, 1], [], []>, transpose_lhs_hint = false} : vector<2000x128xf32>, vector<128x128xf32>, vector<2000x128xf32> -> vector<2000x128xf32>
    %add3A_35 = arith.addf %dot_general3A_29, %dot_general3A_34 : vector<2000x128xf32>
    %get3A_36 = arith.constant 0 : index
    %get3A_37 = arith.constant 0 : index
    %get3A_38 = vector.load %arg6[%get3A_36, %get3A_37] : memref<1x128xf32, #tpu.memory_space<vmem>>, vector<1x128xf32>
    %add3A_39 = vector.broadcast %get3A_38 : vector<1x128xf32> to vector<2000x128xf32>
    %add3A_40 = arith.addf %add3A_35, %add3A_39 : vector<2000x128xf32>
    %reduce_sum3A = arith.constant dense<0.000000e+00> : vector<2000xf32>
    %reduce_sum3A_41 = vector.multi_reduction <add>, %add3A_40, %reduce_sum3A [1] : vector<2000x128xf32> to vector<2000xf32>
    %broadcast_in_dim3A = vector.shape_cast %reduce_sum3A_41 : vector<2000xf32> to vector<2000x1xf32>
    %div3A_42 = arith.constant 1.280000e+02 : f32
    %div3A_43 = vector.broadcast %div3A_42 : f32 to vector<2000x1xf32>
    %div3A_44 = arith.divf %broadcast_in_dim3A, %div3A_43 : vector<2000x1xf32>
    %sub3A_45 = vector.broadcast %div3A_44 : vector<2000x1xf32> to vector<2000x128xf32>
    %sub3A_46 = arith.subf %add3A_40, %sub3A_45 : vector<2000x128xf32>
    %mul3A = arith.mulf %sub3A_46, %sub3A_46 : vector<2000x128xf32>
    %reduce_sum3A_47 = arith.constant dense<0.000000e+00> : vector<2000xf32>
    %reduce_sum3A_48 = vector.multi_reduction <add>, %mul3A, %reduce_sum3A_47 [1] : vector<2000x128xf32> to vector<2000xf32>
    %broadcast_in_dim3A_49 = vector.shape_cast %reduce_sum3A_48 : vector<2000xf32> to vector<2000x1xf32>
    %div3A_50 = arith.constant 1.280000e+02 : f32
    %div3A_51 = vector.broadcast %div3A_50 : f32 to vector<2000x1xf32>
    %div3A_52 = arith.divf %broadcast_in_dim3A_49, %div3A_51 : vector<2000x1xf32>
    %add3A_53 = arith.constant 9.99999974E-6 : f32
    %add3A_54 = vector.broadcast %add3A_53 : f32 to vector<2000x1xf32>
    %add3A_55 = arith.addf %div3A_52, %add3A_54 : vector<2000x1xf32>
    %rsqrt3A = math.rsqrt %add3A_55 : vector<2000x1xf32>
    %mul3A_56 = vector.broadcast %rsqrt3A : vector<2000x1xf32> to vector<2000x128xf32>
    %mul3A_57 = arith.mulf %sub3A_46, %mul3A_56 : vector<2000x128xf32>
    %get3A_58 = arith.constant 0 : index
    %get3A_59 = arith.constant 0 : index
    %get3A_60 = vector.load %arg7[%get3A_58, %get3A_59] : memref<1x128xf32, #tpu.memory_space<vmem>>, vector<1x128xf32>
    %mul3A_61 = vector.broadcast %get3A_60 : vector<1x128xf32> to vector<2000x128xf32>
    %mul3A_62 = arith.mulf %mul3A_57, %mul3A_61 : vector<2000x128xf32>
    %get3A_63 = arith.constant 0 : index
    %get3A_64 = arith.constant 0 : index
    %get3A_65 = vector.load %arg8[%get3A_63, %get3A_64] : memref<1x128xf32, #tpu.memory_space<vmem>>, vector<1x128xf32>
    %add3A_66 = vector.broadcast %get3A_65 : vector<1x128xf32> to vector<2000x128xf32>
    %add3A_67 = arith.addf %mul3A_62, %add3A_66 : vector<2000x128xf32>
    %gt3A = arith.constant 0.000000e+00 : f32
    %gt3A_68 = vector.broadcast %gt3A : f32 to vector<2000x128xf32>
    %gt3A_69 = arith.cmpf ogt, %add3A_67, %gt3A_68 : vector<2000x128xf32>
    %exp3A = math.exp %add3A_67 : vector<2000x128xf32>
    %sub3A_70 = arith.constant 1.000000e+00 : f32
    %sub3A_71 = vector.broadcast %sub3A_70 : f32 to vector<2000x128xf32>
    %sub3A_72 = arith.subf %exp3A, %sub3A_71 : vector<2000x128xf32>
    %select_n3A = arith.select %gt3A_69, %add3A_67, %sub3A_72 : vector<2000x128xi1>, vector<2000x128xf32>
    %swap3A = arith.constant 0 : index
    %swap3A_73 = arith.constant 0 : index
    %swap3A_74 = vector.load %arg9[%swap3A, %swap3A_73] : memref<2000x128xf32, #tpu.memory_space<vmem>>, vector<2000x128xf32>
    tpu.vector_store %arg9[%swap3A, %swap3A_73], %select_n3A {strides = array<i32>} : memref<2000x128xf32, #tpu.memory_space<vmem>>, vector<2000x128xf32>,
    return
  }
  func.func @transform_0(%arg0: i32) -> (i32, i32) {
    %c0_i32 = arith.constant 0 : i32
    %c0_i32_0 = arith.constant 0 : i32
    return %arg0, %c0_i32 : i32, i32
  }
  func.func @transform_1(%arg0: i32) -> (i32, i32, i32) {
    %c0_i32 = arith.constant 0 : i32
    %c0_i32_0 = arith.constant 0 : i32
    %c0_i32_1 = arith.constant 0 : i32
    return %c0_i32, %arg0, %c0_i32_0 : i32, i32, i32
  }
  func.func @transform_2(%arg0: i32) -> (i32, i32, i32) {
    %c0_i32 = arith.constant 0 : i32
    %c0_i32_0 = arith.constant 0 : i32
    %c0_i32_1 = arith.constant 0 : i32
    return %c0_i32, %arg0, %c0_i32_0 : i32, i32, i32
  }
  func.func @transform_3(%arg0: i32) -> (i32, i32) {
    %c0_i32 = arith.constant 0 : i32
    %c0_i32_0 = arith.constant 0 : i32
    %c0_i32_1 = arith.constant 0 : i32
    return %c0_i32, %c0_i32_0 : i32, i32
  }
  func.func @transform_4(%arg0: i32) -> (i32, i32) {
    %c0_i32 = arith.constant 0 : i32
    %c0_i32_0 = arith.constant 0 : i32
    %c0_i32_1 = arith.constant 0 : i32
    return %c0_i32, %c0_i32_0 : i32, i32
  }
  func.func @transform_5(%arg0: i32) -> (i32, i32) {
    %c0_i32 = arith.constant 0 : i32
    %c0_i32_0 = arith.constant 0 : i32
    %c0_i32_1 = arith.constant 0 : i32
    return %c0_i32, %c0_i32_0 : i32, i32
  }
  func.func @transform_6(%arg0: i32) -> (i32, i32) {
    %c0_i32 = arith.constant 0 : i32
    %c0_i32_0 = arith.constant 0 : i32
    %c0_i32_1 = arith.constant 0 : i32
    return %c0_i32, %c0_i32_0 : i32, i32
  }
  func.func @transform_7(%arg0: i32) -> (i32, i32) {
    %c0_i32 = arith.constant 0 : i32
    %c0_i32_0 = arith.constant 0 : i32
    %c0_i32_1 = arith.constant 0 : i32
    return %c0_i32, %c0_i32_0 : i32, i32
  }
  func.func @transform_8(%arg0: i32) -> (i32, i32) {
    %c0_i32 = arith.constant 0 : i32
    %c0_i32_0 = arith.constant 0 : i32
    return %arg0, %c0_i32 : i32, i32
  }
}

</mosaic_0001>

<sc_bundles>
// kernel: kernel.10.cloned.1.call-start
scs
__scs_entry_jumppad:
0x0: {  	(pc) =	sbr.rel $0x88, $3  }
0x1: {  	(tag) =	ssettag $0x0;
	lr =	simm.s32 $0x1  }
0x2: {  	[smem:$0x3F95] =	sst lr;
	_ =	strace $0xD0000000  }
0x3: {  	_ = 	snop  }
0x4: {  	_ = 	snop  }
0x5: {  	_ = 	snop  }
0x6: {  	_ = 	snop  }
0x7: {  	_ = 	snop  }
__scs_overlays_trampoline_lowered:
0x8: {  	[smem:$0x3FA4] =	sst s0  }
0x9: {  	[smem:$0x3FA5] =	sst s1  }
0xa: {  	[smem:$0x3FA6] =	sst s2  }
0xb: {  	[smem:$0x3FA7] =	sst s3  }
0xc: {  	[smem:$0x3FA8] =	sst s4  }
0xd: {  	[smem:$0x3FA9] =	sst s5  }
0xe: {  	[smem:$0x3FAA] =	sst s6  }
0xf: {  	[smem:$0x3FAB] =	sst s7  }
0x10: {  	[smem:$0x3FAC] =	sst s8  }
0x11: {  	[smem:$0x3FAD] =	sst s9;
	s0 =	simm.s32 @!p0 $0x0  }
0x12: {  	s1 =	sld [smem:$0x3F93];
	s0 =	simm.s32 @p0 $0x1  }
0x13: {  	[smem:$0x3FAE] =	sst s0;
	s0 =	simm.s32 @!p1 $0x0  }
0x14: {  	s2 =	sld [smem:$0x3F92];
	s0 =	simm.s32 @p1 $0x1  }
0x15: {  	[smem:$0x3FAF] =	sst s0;
	s0 =	simm.s32 @!p2 $0x0  }
0x16: {  	s3 =	sld [smem:$0x3FDB];
	s0 =	simm.s32 @p2 $0x1  }
0x17: {  	s4 =	simm.s32 $0x1BF5;
	[smem:$0x3FB1] =	sst s0  }
0x18: {  	s0 =	sld [smem:$0x3F94];
	_ =	swait.ge [sflag:s4], $0x0  }
0x19: {  	s7 =	sld [smem:$0x3F95]  }
0x1a: {  	s8 =	sadd.s32 $0xFFFFE003, lr  }
0x1b: {  	s9 =	sadd.s32 $0xFFFFFEF7, lr;
	s5 =	simm.s32 $0xFFFFFFFF;
	p2 =	slt.u32 s8, $0xFFFFF086  }
0x1c: {  	p1 =	slt.u32 s9, $0xF7A;
	s5 =	simm.s32 @!p2 $0x0  }
0x1d: {  	s5 =	simm.s32 @p1 $0x1;
	p0 =	seq.s32 s7, s2  }
0x1e: {  	s7 =	smul.u32 @!p0 $0xF7A, s2;
	p2 =	seq.s32 @!p0 s5, $0x0  }
0x1f: {  	s9 =	smul.u32 $0xF7A, s1;
	s8 =	simm.s32 @!p0 $0x1BF5;
	p2 =	por !p2, p0  }
0x20: {  	[sflag:s8] =	ssyncset.s32 @!p0 $0xFFFFF086;
	s6 =	sadd.s32 @!p0 s3, s7;
	s7 =	simm.s32 @!p0 $0x108  }
0x21: {  	s3 =	sadd.s32 s3, s9;
	s6 =	sadd.s32 @!p0 $0x88, s6;
	s7 =	simm.s32 @p2 $0x1082  }
0x22: {  	[simem:s7], [sflag:s8] =	dma.local @!p0 [hbm:s6], $0xF7A  }
0x23: {  	s9 =	sor.u32 $0xD0000000, s2;
	s6 =	simm.s32 $0x108;
	_ =	swait.ge @!p0 [sflag:s8], $0x0  }
0x24: {  	s3 =	sadd.s32 $0x88, s3;
	s6 =	simm.s32 @!p1 $0x1082;
	[sflag:s4] =	ssyncset.s32 $0xFFFFF086  }
0x25: {  	[simem:s6], [sflag:s4] =	dma.local [hbm:s3], $0xF7A  }
0x26: {  	[smem:$0x3F95] =	sst s1;
	(tag) =	ssettag s2;
	_ =	strace s9  }
0x27: {  	s1 =	sld [smem:$0x3FA5]  }
0x28: {  	s2 =	sld [smem:$0x3FA6]  }
0x29: {  	s4 =	sld [smem:$0x3FA8]  }
0x2a: {  	p0 =	seq.s32 s5, $0x0;
	s5 =	sld [smem:$0x3FA9]  }
0x2b: {  	s6 =	sld [smem:$0x3FAA]  }
0x2c: {  	s7 =	sld [smem:$0x3FAB]  }
0x2d: {  	s3 =	simm.s32 $0x108;
	s8 =	sld [smem:$0x3FAC]  }
0x2e: {  	s3 =	simm.s32 @!p0 $0x1082;
	s9 =	sld [smem:$0x3FAD]  }
0x2f: {  	lr =	sadd.s32 s0, s3;
	s0 =	sld [smem:$0x3FA4]  }
0x30: {  	s3 =	sld [smem:$0x3FA7]  }
0x31: {  	[smem:$0x3FB0] =	sst s10  }
0x32: {  	s10 =	sld [smem:$0x3FAE];
	_ =	sdelay $0x3  }
0x33: {  	p0 =	seq.s32 s10, $0x1;
	s10 =	sld [smem:$0x3FB0];
	_ =	sdelay $0x3  }
0x34: {  	[smem:$0x3FB0] =	sst s10  }
0x35: {  	s10 =	sld [smem:$0x3FAF];
	_ =	sdelay $0x3  }
0x36: {  	p1 =	seq.s32 s10, $0x1;
	s10 =	sld [smem:$0x3FB0];
	_ =	sdelay $0x3  }
0x37: {  	[smem:$0x3FB0] =	sst s10  }
0x38: {  	s10 =	sld [smem:$0x3FB1]  }
0x39: {  	_ = 	snop;
	(pc) =	sbr.ind lr, $3  }
0x3a: {  	_ = 	snop  }
0x3b: {  	_ = 	snop  }
0x3c: {  	p2 =	seq.s32 s10, $0x1;
	s10 =	sld [smem:$0x3FB0]  }
0x3d: {  	_ =	shalt  }
0x3e: {  	_ =	shalt  }
0x3f: {  	_ =	shalt  }
0x40: {  	_ =	shalt  }
0x41: {  	_ =	shalt  }
0x42: {  	_ =	shalt  }
0x43: {  	_ =	shalt  }
0x44: {  	_ =	shalt  }
0x45: {  	_ =	shalt  }
0x46: {  	_ =	shalt  }
0x47: {  	_ =	shalt  }
0x48: {  	_ =	shalt  }
0x49: {  	_ =	shalt  }
0x4a: {  	_ =	shalt  }
0x4b: {  	_ =	shalt  }
0x4c: {  	_ =	shalt  }
0x4d: {  	_ =	shalt  }
0x4e: {  	_ =	shalt  }
0x4f: {  	_ =	shalt  }
0x50: {  	_ =	shalt  }
0x51: {  	_ =	shalt  }
0x52: {  	_ =	shalt  }
0x53: {  	_ =	shalt  }
0x54: {  	_ =	shalt  }
0x55: {  	_ =	shalt  }
0x56: {  	_ =	shalt  }
0x57: {  	_ =	shalt  }
0x58: {  	_ =	shalt  }
0x59: {  	_ =	shalt  }
0x5a: {  	_ =	shalt  }
0x5b: {  	_ =	shalt  }
0x5c: {  	_ =	shalt  }
0x5d: {  	_ =	shalt  }
0x5e: {  	_ =	shalt  }
0x5f: {  	_ =	shalt  }
0x60: {  	_ =	shalt  }
0x61: {  	_ =	shalt  }
0x62: {  	_ =	shalt  }
0x63: {  	_ =	shalt  }
0x64: {  	_ =	shalt  }
0x65: {  	_ =	shalt  }
0x66: {  	_ =	shalt  }
0x67: {  	_ =	shalt  }
0x68: {  	_ =	shalt  }
0x69: {  	_ =	shalt  }
0x6a: {  	_ =	shalt  }
0x6b: {  	_ =	shalt  }
0x6c: {  	_ =	shalt  }
0x6d: {  	_ =	shalt  }
0x6e: {  	_ =	shalt  }
0x6f: {  	_ =	shalt  }
0x70: {  	_ =	shalt  }
0x71: {  	_ =	shalt  }
0x72: {  	_ =	shalt  }
0x73: {  	_ =	shalt  }
0x74: {  	_ =	shalt  }
0x75: {  	_ =	shalt  }
0x76: {  	_ =	shalt  }
0x77: {  	_ =	shalt  }
0x78: {  	_ =	shalt  }
0x79: {  	_ =	shalt  }
0x7a: {  	_ =	shalt  }
0x7b: {  	_ =	shalt  }
0x7c: {  	_ =	shalt  }
0x7d: {  	_ =	shalt  }
0x7e: {  	_ =	shalt  }
0x7f: {  	_ =	shalt  }
0x80: {  	_ =	shalt  }
0x81: {  	_ =	shalt  }
0x82: {  	_ =	shalt  }
0x83: {  	_ =	shalt  }
0x84: {  	_ =	shalt  }
0x85: {  	_ =	shalt  }
0x86: {  	_ =	shalt  }
0x87: {  	_ =	shalt  }
.Lfunc_end0:
.L_simem_size_0:
called_computation.1_lowered:
.L_overlay_start_0:
0x88: {  	s2 =	sld [smem:$0x3FD9]  }
0x89: {  	s3 =	sld [smem:$0x3FFE];
	_ =	sdelay $0x1  }
0x8a: {  	s1 =	srdreg.scid  }
0x8b: {  	s0 =	sand.u32 $0x1, s1  }
0x8c: {  	s17 =	sshll.u32 s0, $0xA;
	s2 =	sadd.s32 s3, s2  }
0x8d: {  	s2 =	sadd.s32 s2, s17  }
0x8e: {  	[smem:$0x3FBC] =	sst s2  }
0x8f: {  	_ = 	snop  }
0x90: {  	s18 =	sld [smem:$0x3FC9];
	(tm) =	ssettm $0x1  }
0x91: {  	s19 =	sld [smem:$0x3FFB];
	_ =	sdelay $0x3  }
0x92: {  	_ =	strace s19  }
0x93: {  	s2 =	sld [smem:$0x3FFC];
	_ =	sdelay $0x3  }
0x94: {  	_ =	strace s2  }
0x95: {  	s2 =	sld [smem:$0x3FFD];
	_ =	sdelay $0x3  }
0x96: {  	_ =	strace s2  }
0x97: {  	_ =	strace $0x8FFFFFFF  }
0x98: {  	s20 =	sld [smem:$0x3FDB];
	_ =	sdelay $0x1  }
0x99: {  	s4 =	simm.s32 $_scs_section_size  }
0x9a: {  	s5 =	simm.s32 $_size__tile_overlayer_lowered;
	s6 =	simm.s32 $_tile_overlayer_lowered  }
0x9b: {  	s7 =	simm.s32 $0x1BFF;
	s21 =	sshll.u32 s6, $0x1;
	s4 =	sadd.s32 s4, s20  }
0x9c: {  	s22 =	simm.s32 $0x0;
	s5 =	sshll.u32 s5, $0x1;
	s6 =	sadd.s32 s21, s4  }
0x9d: {  	[timem:s22], [sflag:s7] =	dma.local [hbm:s6], s5  }
0x9e: {  	_ =	swait.ge [sflag:s7], s5  }
0x9f: {  	s5 =	ssub.s32 $0x0, s5;
	[sflag:s7] =	ssyncset.done $0x0  }
0xa0: {  	[sflag:s7] =	ssyncadd.s32 s5;
	_ =	sdelay $0x1  }
0xa1: {  	s23 =	simm.s32 $0x1B8B  }
0xa2: {  	_ =	swait.ge [sflag:s23], $0x1  }
0xa3: {  	[sflag:s23] =	ssyncset.done $0x0  }
0xa4: {  	[sflag:s23] =	ssyncadd.s32 $0xFFFFFFFF  }
0xa5: {  	s5 =	sld [smem:$0x0]  }
0xa6: {  	s6 =	sand.u32 $0xFFFFFFFE, s1  }
0xa7: {  	p0 =	sne.s32 s1, s6  }
0xa8: {  	s6 =	sshll.u32 @p0 s6, $0xE  }
0xa9: {  	s6 =	sadd.s32 @p0 $0x11B8D, s6;
	s7 =	sshll.u32 @p0 s5, $0x11  }
0xaa: {  	s6 =	sor.u32 @p0 s7, s6  }
0xab: {  	[sflag:s6] =	ssyncadd.remote.s32 @p0 $0x1;
	_ =	sdelay $0x1  }
0xac: {  	s6 =	simm.s32 @p0 $0x1B8D  }
0xad: {  	_ =	swait.eq @p0 [sflag:s6], $0x1  }
0xae: {  	[sflag:s6] =	ssyncadd.s32 @p0 $0xFFFFFFFF  }
0xaf: {  	s7 =	sshll.u32 @!p0 s1, $0xE  }
0xb0: {  	s7 =	sor.u32 @!p0 $0x4000, s7;
	s6 =	simm.s32 @!p0 $0x1B8D  }
0xb1: {  	s5 =	sshll.u32 @!p0 s5, $0x11;
	s7 =	sadd.s32 @!p0 $0x11B8D, s7;
	_ =	swait.eq @!p0 [sflag:s6], $0x1  }
0xb2: {  	s5 =	sor.u32 @!p0 s5, s7;
	[sflag:s6] =	ssyncadd.s32 @!p0 $0xFFFFFFFF  }
0xb3: {  	s25 =	simm.s32 $0x1B8E;
	s24 =	sld [smem:$0x3FFE];
	[sflag:s5] =	ssyncadd.remote.s32 @!p0 $0x1  }
0xb4: {  	s26 =	simm.s32 $execute0_lowered;
	[smem:$0x3FD2] =	sst s25  }
0xb5: {  	s6 =	sshll.u32 s26, $0x1;
	_ =	strace $0x80000049;
	[dreg:$0x1] =	wrdreg $0xFFFFFFFF  }
0xb6: {  	s28 =	simm.s32 $_size_execute0_lowered;
	s4 =	sadd.s32 s4, s6;
	[dreg:$0x0] =	wrdreg $0x0  }
0xb7: {  	s6 =	sshll.u32 s28, $0x1;
	[dreg:$0x2] =	wrdreg s4  }
0xb8: {  	[dreg:$0x3] =	wrdreg s6  }
0xb9: {  	[dreg:$0x4] =	wrdreg $0xC0  }
0xba: {  	_ =	task [dreg:s22], $0x5FFFF  }
0xbb: {  	[dreg:$0x1] =	wrdreg $0xFFFFFFFF  }
0xbc: {  	[dreg:$0x0] =	wrdreg $0x60  }
0xbd: {  	[dreg:$0x2] =	wrdreg s18  }
0xbe: {  	[dreg:$0x3] =	wrdreg s24  }
0xbf: {  	[dreg:$0x4] =	wrdreg $0x90000  }
0xc0: {  	[dreg:$0x5] =	wrdreg $0xA  }
0xc1: {  	_ =	task.clear_ibuf [dreg:s22], $0x6FFFF;
	_ =	strace $0x90000049  }
0xc2: {  	s29 =	simm.s32 $0xA;
	_ =	strace $0x8000004B  }
0xc3: {  	_ =	swait.ge [sflag:s29], $0x1  }
0xc4: {  	[sflag:s29] =	ssyncadd.s32 $0xFFFFFFFF  }
0xc5: {  	_ =	strace $0x9000004B  }
0xc6: {  	_ =	sfence  }
0xc7: {  	s30 =	sld [smem:$0x0];
	_ =	sdelay $0x2  }
0xc8: {  	s31 =	sshll.u32 s1, $0xD;
	s1 =	sshrl.u32 s1, $0x2  }
0xc9: {  	s4 =	sand.u32 $0x4000, s31;
	s1 =	sadd.s32 s1, s30  }
0xca: {  	s0 =	sor.u32 s4, s0;
	s1 =	sshll.u32 s1, $0x11  }
0xcb: {  	s0 =	sor.u32 s1, s0  }
0xcc: {  	s0 =	sadd.s32 $0x8F2B, s0  }
0xcd: {  	[sflag:s0] =	ssyncadd.remote.s32 $0x1  }
0xce: {  	_ =	sfence.sel $0xFFFF  }
0xcf: {  	[dreg:$0x0] =	wrdreg $0xFFFFFFFF;
	(pc) =	sbr.abs _section_cstart, $3  }
0xd0: {  	[dreg:$0x1] =	wrdreg $0xFFFFFFFF  }
0xd1: {  	_ =	task.clear_ibuf [dreg:s22], $0x2FFFF;
	_ =	strace $0x9FFFFFFF  }
0xd2: {  	(tm) =	ssettm $0x7FFFFFFF  }
0xd3: {  	_ =	shalt  }
tec
execute0_lowered:
.L_overlay_start_1:
0x0: {  	(tag) =	ssettag $0x1  }
0x1: {  	s1 =	rddreg [dreg:$0x0]  }
0x2: {  	s0 =	rddreg [dreg:$0x1]  }
0x3: {  	s3 =	rddreg [dreg:$0x2];
	s4 =	simm.s32 $0x0;
	s12 =	stileid.u32  }
0x4: {  	s2 =	srdreg.scid;
	s19 =	simm.s32 $0x100;
	s20 =	simm.s32 $0x880  }
0x5: {  	s21 =	simm.s32 $0x180;
	s22 =	simm.s32 $0x900;
	s23 =	simm.s32 $0x200  }
0x6: {  	s24 =	simm.s32 $0x980;
	s25 =	simm.s32 $0x280;
	s26 =	simm.s32 $0xA00  }
0x7: {  	s28 =	simm.s32 $0xD00;
	s29 =	simm.s32 $0x600;
	[smem:$0x7FF] =	sst s4  }
0x8: {  	s30 =	simm.s32 $0xD80;
	_ =	strace $0x8000004A;
	[dreg:$0x6] =	wrdreg s19  }
0x9: {  	s31 =	simm.s32 $0x680;
	s5 =	smul.u32 $0x4E000, s12;
	[dreg:$0x7] =	wrdreg s20  }
0xa: {  	s2 =	sand.u32 $0x1, s2;
	s6 =	smul.u32 $0x2700, s12;
	[dreg:$0x8] =	wrdreg s21  }
0xb: {  	s7 =	sadd.s32 $0x3000, s0;
	s11 =	smul.u32 $0x13800, s12;
	[dreg:$0x9] =	wrdreg s22  }
0xc: {  	s0 =	sadd.s32 $0x65200, s0;
	s14 =	smul.u32 $0x2800, s12;
	[dreg:$0xa] =	wrdreg s23  }
0xd: {  	p0 =	seq.s32 s12, $0xF;
	s9 =	smul.u32 $0x138800, s2;
	[dreg:$0xb] =	wrdreg s24  }
0xe: {  	s8 =	ssub.s32 $0x2, s2;
	s2 =	smul.u32 $0x28000, s2;
	[dreg:$0xc] =	wrdreg s25  }
0xf: {  	[dreg:$0xd] =	wrdreg s26;
	s19 =	simm.s32 $0x3;
	s20 =	simm.s32 $0x2  }
0x10: {  	s21 =	simm.s32 $0x4;
	s22 =	simm.s32 $0x480;
	s23 =	simm.s32 $0xC00  }
0x11: {  	s24 =	simm.s32 $0x500;
	s25 =	simm.s32 $0xC80;
	s26 =	simm.s32 $0x580  }
0x12: {  	s10 =	sshrl.u32 s8, $0x1;
	s5 =	sshrl.u32 s5, $0x2;
	s6 =	sadd.s32 s1, s6  }
0x13: {  	s8 =	ssub.s32 s8, s10;
	s5 =	sadd.s32 s5, s3;
	s13 =	sadd.s32 s11, s9  }
0x14: {  	[dreg:$0x14] =	wrdreg s6;
	s6 =	sadd.s32 $0x124800, s3;
	s2 =	sadd.s32 s14, s2  }
0x15: {  	s9 =	sshrl.u32 s9, $0x3;
	s10 =	sshrl.u32 s13, $0x3;
	s13 =	sadd.s32 $0x24900, s1  }
0x16: {  	s14 =	simm.s32 $0x800;
	s18 =	smax.u32 s8, $0x1;
	[dreg:$0x15] =	wrdreg s13  }
0x17: {  	s11 =	sshrl.u32 @!p0 s5, $0x3;
	s5 =	simm.s32 $0xA80;
	[dreg:$0x18] =	wrdreg s18  }
0x18: {  	s15 =	sshrl.u32 s2, $0x3;
	s8 =	simm.s32 $0x400;
	[dreg:$0xf] =	wrdreg s5  }
0x19: {  	s2 =	sadd.s32 $0x50000, s2;
	s10 =	sadd.s32 s0, s10;
	[dreg:$0x12] =	wrdreg s8  }
0x1a: {  	s0 =	sadd.s32 s0, s9;
	s16 =	sadd.s32 s15, s7;
	[dreg:$0x1b] =	wrdreg s11  }
0x1b: {  	s2 =	sshrl.u32 s2, $0x3;
	s13 =	simm.s32 $0x5;
	[dreg:$0x16] =	wrdreg s10  }
0x1c: {  	s15 =	simm.s32 $0x80;
	s9 =	simm.s32 $0xB80;
	[dreg:$0x4] =	wrdreg s16  }
0x1d: {  	s18 =	simm.s32 $0x1;
	s0 =	sadd.s32 $0x24900, s0;
	[dreg:$0x13] =	wrdreg s9  }
0x1e: {  	s5 =	simm.s32 $0xE80;
	s17 =	sadd.s32 s2, s7;
	[dreg:$0x17] =	wrdreg s0  }
0x1f: {  	s8 =	simm.s32 $0xF80;
	s2 =	sshrl.u32 @p0 s6, $0x3;
	[dreg:$0x5] =	wrdreg s17  }
0x20: {  	s16 =	simm.s32 $0x1000;
	s6 =	simm.s32 $0x380;
	[dreg:$0x19] =	wrdreg s2  }
0x21: {  	s7 =	simm.s32 $0xB00;
	s10 =	simm.s32 $0x0;
	[dreg:$0x10] =	wrdreg s6  }
0x22: {  	s2 =	sshll.u32 @!p0 s12, $0x6;
	s17 =	simm.s32 $0x5000;
	[dreg:$0x11] =	wrdreg s7  }
0x23: {  	[dreg:$0x1c] =	wrdreg s10;
	s12 =	sor.u32 @!p0 $0x1C05, s2;
	s2 =	simm.s32 $0x300  }
0x24: {  	s0 =	simm.s32 $0xE00;
	s6 =	simm.s32 $0x780;
	[dreg:$0xe] =	wrdreg s2  }
0x25: {  	s7 =	simm.s32 $0xF00;
	s2 =	simm.s32 $0x700;
	[dreg:$0x1a] =	wrdreg s12  }
.LBB2_1:
0x26: {  	s9 =	rddreg [dreg:$0x15]  }
0x27: {  	s10 =	simm.s32 @p0 $0x1FC5;
	s12 =	rddreg [dreg:$0x19]  }
0x28: {  	[spmem:s12], [sflag:s10] =	dma.local @p0 [hbm:s9], $0x2800  }
0x29: {  	s10 =	simm.s32 @p0 $0x5  }
0x2a: {  	_ =	swait.ge @p0 [sflag:s10], $0x2800  }
0x2b: {  	[sflag:s10] =	ssyncset.done @p0 $0x0;
	s9 =	rddreg [dreg:$0x14]  }
0x2c: {  	[sflag:s10] =	ssyncadd.s32 @p0 $0xFFFFD800;
	s10 =	rddreg [dreg:$0x1a]  }
0x2d: {  	[spmem:s11], [sflag:s10] =	dma.local @!p0 [hbm:s9], $0x2700  }
0x2e: {  	s10 =	simm.s32 @!p0 $0x5  }
0x2f: {  	_ =	swait.ge @!p0 [sflag:s10], $0x2700  }
0x30: {  	[sflag:s10] =	ssyncset.done @!p0 $0x0  }
0x31: {  	[sflag:s10] =	ssyncadd.s32 @!p0 $0xFFFFD900  }
0x32: {  	[bflag:$0x0] =	sbarrier.arrive $0xFFFF  }
0x33: {  	s12 =	rddreg [dreg:$0x4]  }
0x34: {  	s10 =	sadd.s32 $0x0, s12  }
0x35: {  	[tilespmem:s4], [sflag:$0x5] =	stream.linear.gather [hbm4b:s10+s4], $0x800, $0x38;
	[tilespmem:$0x1CC80] =	vst v63  }
0x36: {  	_ =	swait.ge [sflag:s13], $0x800  }
0x37: {  	s9 =	rddreg [dreg:$0x5];
	[sflag:s13] =	ssyncset.done $0x0  }
0x38: {  	[sflag:s13] =	ssyncadd.s32 $0xFFFFF800;
	s10 =	sadd.s32 $0x0, s9  }
0x39: {  	[tilespmem:s14], [sflag:$0x5] =	stream.linear.gather [hbm4b:s10+s4], $0x800, $0x38;
	[tilespmem:$0x1CC80] =	vst v63  }
0x3a: {  	_ =	swait.ge [sflag:s13], $0x800  }
0x3b: {  	[sflag:s13] =	ssyncset.done $0x0  }
0x3c: {  	[sflag:s13] =	ssyncadd.s32 $0xFFFFF800  }
0x3d: {  	[tilespmem:s16], [sflag:$0x1] =	stream.indirect.gather [hbm4b:s1+s15], $0x80, s4, s15, $0xb8;
	[tilespmem:$0x1CC80] =	vst v63  }
0x3e: {  	_ = 	snop  }
0x3f: {  	[tilespmem:s17], [sflag:$0x2] =	stream.indirect.gather [hbm4b:s1+s15], $0x80, s15, s15, $0xb8;
	[tilespmem:$0x1CC80] =	vst v63  }
0x40: {  	_ =	swait.ge [sflag:s18], $0x4000  }
0x41: {  	[sflag:s18] =	ssyncset.done $0x0  }
0x42: {  	[sflag:s18] =	ssyncadd.s32 $0xFFFFC000  }
0x43: {  	[spmem:s3] =	stream.indirect.scatter.add.f32 [tilespmem:s16], [sflag:$0x3], $0x80, s14, s15, $0xb8;
	[tilespmem:$0x1CC80] =	vst v63  }
0x44: {  	_ =	swait.ge [sflag:s19], $0x4000  }
0x45: {  	[sflag:s19] =	ssyncset.done $0x0  }
0x46: {  	s11 =	rddreg [dreg:$0x6];
	[sflag:s19] =	ssyncadd.s32 $0xFFFFC000  }
0x47: {  	[tilespmem:s16], [sflag:$0x1] =	stream.indirect.gather [hbm4b:s1+s15], $0x80, s11, s15, $0xb8;
	[tilespmem:$0x1CC80] =	vst v63  }
0x48: {  	_ =	swait.ge [sflag:s20], $0x4000  }
0x49: {  	[sflag:s20] =	ssyncset.done $0x0  }
0x4a: {  	s12 =	rddreg [dreg:$0x7];
	[sflag:s20] =	ssyncadd.s32 $0xFFFFC000  }
0x4b: {  	[spmem:s3] =	stream.indirect.scatter.add.f32 [tilespmem:s17], [sflag:$0x4], $0x80, s12, s15, $0xb8;
	[tilespmem:$0x1CC80] =	vst v63  }
0x4c: {  	_ =	swait.ge [sflag:s21], $0x4000  }
0x4d: {  	[sflag:s21] =	ssyncset.done $0x0  }
0x4e: {  	s9 =	rddreg [dreg:$0x8];
	[sflag:s21] =	ssyncadd.s32 $0xFFFFC000  }
0x4f: {  	[tilespmem:s17], [sflag:$0x2] =	stream.indirect.gather [hbm4b:s1+s15], $0x80, s9, s15, $0xb8;
	[tilespmem:$0x1CC80] =	vst v63  }
0x50: {  	_ =	swait.ge [sflag:s18], $0x4000  }
0x51: {  	[sflag:s18] =	ssyncset.done $0x0  }
0x52: {  	s11 =	rddreg [dreg:$0x9];
	[sflag:s18] =	ssyncadd.s32 $0xFFFFC000  }
0x53: {  	[spmem:s3] =	stream.indirect.scatter.add.f32 [tilespmem:s16], [sflag:$0x3], $0x80, s11, s15, $0xb8;
	[tilespmem:$0x1CC80] =	vst v63  }
0x54: {  	_ =	swait.ge [sflag:s19], $0x4000  }
0x55: {  	[sflag:s19] =	ssyncset.done $0x0  }
0x56: {  	s12 =	rddreg [dreg:$0xa];
	[sflag:s19] =	ssyncadd.s32 $0xFFFFC000  }
0x57: {  	[tilespmem:s16], [sflag:$0x1] =	stream.indirect.gather [hbm4b:s1+s15], $0x80, s12, s15, $0xb8;
	[tilespmem:$0x1CC80] =	vst v63  }
0x58: {  	_ =	swait.ge [sflag:s20], $0x4000  }
0x59: {  	[sflag:s20] =	ssyncset.done $0x0  }
0x5a: {  	s9 =	rddreg [dreg:$0xb];
	[sflag:s20] =	ssyncadd.s32 $0xFFFFC000  }
0x5b: {  	[spmem:s3] =	stream.indirect.scatter.add.f32 [tilespmem:s17], [sflag:$0x4], $0x80, s9, s15, $0xb8;
	[tilespmem:$0x1CC80] =	vst v63  }
0x5c: {  	_ =	swait.ge [sflag:s21], $0x4000  }
0x5d: {  	[sflag:s21] =	ssyncset.done $0x0  }
0x5e: {  	s11 =	rddreg [dreg:$0xc];
	[sflag:s21] =	ssyncadd.s32 $0xFFFFC000  }
0x5f: {  	[tilespmem:s17], [sflag:$0x2] =	stream.indirect.gather [hbm4b:s1+s15], $0x80, s11, s15, $0xb8;
	[tilespmem:$0x1CC80] =	vst v63  }
0x60: {  	_ =	swait.ge [sflag:s18], $0x4000  }
0x61: {  	[sflag:s18] =	ssyncset.done $0x0  }
0x62: {  	s12 =	rddreg [dreg:$0xd];
	[sflag:s18] =	ssyncadd.s32 $0xFFFFC000  }
0x63: {  	[spmem:s3] =	stream.indirect.scatter.add.f32 [tilespmem:s16], [sflag:$0x3], $0x80, s12, s15, $0xb8;
	[tilespmem:$0x1CC80] =	vst v63  }
0x64: {  	_ =	swait.ge [sflag:s19], $0x4000  }
0x65: {  	[sflag:s19] =	ssyncset.done $0x0  }
0x66: {  	s9 =	rddreg [dreg:$0xe];
	[sflag:s19] =	ssyncadd.s32 $0xFFFFC000  }
0x67: {  	[tilespmem:s16], [sflag:$0x1] =	stream.indirect.gather [hbm4b:s1+s15], $0x80, s9, s15, $0xb8;
	[tilespmem:$0x1CC80] =	vst v63  }
0x68: {  	_ =	swait.ge [sflag:s20], $0x4000  }
0x69: {  	[sflag:s20] =	ssyncset.done $0x0  }
0x6a: {  	s11 =	rddreg [dreg:$0xf];
	[sflag:s20] =	ssyncadd.s32 $0xFFFFC000  }
0x6b: {  	[spmem:s3] =	stream.indirect.scatter.add.f32 [tilespmem:s17], [sflag:$0x4], $0x80, s11, s15, $0xb8;
	[tilespmem:$0x1CC80] =	vst v63  }
0x6c: {  	_ =	swait.ge [sflag:s21], $0x4000  }
0x6d: {  	[sflag:s21] =	ssyncset.done $0x0  }
0x6e: {  	s12 =	rddreg [dreg:$0x10];
	[sflag:s21] =	ssyncadd.s32 $0xFFFFC000  }
0x6f: {  	[tilespmem:s17], [sflag:$0x2] =	stream.indirect.gather [hbm4b:s1+s15], $0x80, s12, s15, $0xb8;
	[tilespmem:$0x1CC80] =	vst v63  }
0x70: {  	_ =	swait.ge [sflag:s18], $0x4000  }
0x71: {  	[sflag:s18] =	ssyncset.done $0x0  }
0x72: {  	s9 =	rddreg [dreg:$0x11];
	[sflag:s18] =	ssyncadd.s32 $0xFFFFC000  }
0x73: {  	[spmem:s3] =	stream.indirect.scatter.add.f32 [tilespmem:s16], [sflag:$0x3], $0x80, s9, s15, $0xb8;
	[tilespmem:$0x1CC80] =	vst v63  }
0x74: {  	_ =	swait.ge [sflag:s19], $0x4000  }
0x75: {  	[sflag:s19] =	ssyncset.done $0x0  }
0x76: {  	s11 =	rddreg [dreg:$0x12];
	[sflag:s19] =	ssyncadd.s32 $0xFFFFC000  }
0x77: {  	[tilespmem:s16], [sflag:$0x1] =	stream.indirect.gather [hbm4b:s1+s15], $0x80, s11, s15, $0xb8;
	[tilespmem:$0x1CC80] =	vst v63  }
0x78: {  	_ =	swait.ge [sflag:s20], $0x4000  }
0x79: {  	[sflag:s20] =	ssyncset.done $0x0  }
0x7a: {  	s12 =	rddreg [dreg:$0x13];
	[sflag:s20] =	ssyncadd.s32 $0xFFFFC000  }
0x7b: {  	[spmem:s3] =	stream.indirect.scatter.add.f32 [tilespmem:s17], [sflag:$0x4], $0x80, s12, s15, $0xb8;
	[tilespmem:$0x1CC80] =	vst v63  }
0x7c: {  	_ =	swait.ge [sflag:s21], $0x4000  }
0x7d: {  	[sflag:s21] =	ssyncset.done $0x0  }
0x7e: {  	[sflag:s21] =	ssyncadd.s32 $0xFFFFC000  }
0x7f: {  	[tilespmem:s17], [sflag:$0x2] =	stream.indirect.gather [hbm4b:s1+s15], $0x80, s22, s15, $0xb8;
	[tilespmem:$0x1CC80] =	vst v63  }
0x80: {  	_ =	swait.ge [sflag:s18], $0x4000  }
0x81: {  	[sflag:s18] =	ssyncset.done $0x0  }
0x82: {  	[sflag:s18] =	ssyncadd.s32 $0xFFFFC000  }
0x83: {  	[spmem:s3] =	stream.indirect.scatter.add.f32 [tilespmem:s16], [sflag:$0x3], $0x80, s23, s15, $0xb8;
	[tilespmem:$0x1CC80] =	vst v63  }
0x84: {  	_ =	swait.ge [sflag:s19], $0x4000  }
0x85: {  	[sflag:s19] =	ssyncset.done $0x0  }
0x86: {  	[sflag:s19] =	ssyncadd.s32 $0xFFFFC000  }
0x87: {  	[tilespmem:s16], [sflag:$0x1] =	stream.indirect.gather [hbm4b:s1+s15], $0x80, s24, s15, $0xb8;
	[tilespmem:$0x1CC80] =	vst v63  }
0x88: {  	_ =	swait.ge [sflag:s20], $0x4000  }
0x89: {  	[sflag:s20] =	ssyncset.done $0x0  }
0x8a: {  	[sflag:s20] =	ssyncadd.s32 $0xFFFFC000  }
0x8b: {  	[spmem:s3] =	stream.indirect.scatter.add.f32 [tilespmem:s17], [sflag:$0x4], $0x80, s25, s15, $0xb8;
	[tilespmem:$0x1CC80] =	vst v63  }
0x8c: {  	_ =	swait.ge [sflag:s21], $0x4000  }
0x8d: {  	[sflag:s21] =	ssyncset.done $0x0  }
0x8e: {  	[sflag:s21] =	ssyncadd.s32 $0xFFFFC000  }
0x8f: {  	[tilespmem:s17], [sflag:$0x2] =	stream.indirect.gather [hbm4b:s1+s15], $0x80, s26, s15, $0xb8;
	[tilespmem:$0x1CC80] =	vst v63  }
0x90: {  	_ =	swait.ge [sflag:s18], $0x4000  }
0x91: {  	[sflag:s18] =	ssyncset.done $0x0  }
0x92: {  	[sflag:s18] =	ssyncadd.s32 $0xFFFFC000  }
0x93: {  	[spmem:s3] =	stream.indirect.scatter.add.f32 [tilespmem:s16], [sflag:$0x3], $0x80, s28, s15, $0xb8;
	[tilespmem:$0x1CC80] =	vst v63  }
0x94: {  	_ =	swait.ge [sflag:s19], $0x4000  }
0x95: {  	[sflag:s19] =	ssyncset.done $0x0  }
0x96: {  	[sflag:s19] =	ssyncadd.s32 $0xFFFFC000  }
0x97: {  	[tilespmem:s16], [sflag:$0x1] =	stream.indirect.gather [hbm4b:s1+s15], $0x80, s29, s15, $0xb8;
	[tilespmem:$0x1CC80] =	vst v63  }
0x98: {  	_ =	swait.ge [sflag:s20], $0x4000  }
0x99: {  	[sflag:s20] =	ssyncset.done $0x0  }
0x9a: {  	[sflag:s20] =	ssyncadd.s32 $0xFFFFC000  }
0x9b: {  	[spmem:s3] =	stream.indirect.scatter.add.f32 [tilespmem:s17], [sflag:$0x4], $0x80, s30, s15, $0xb8;
	[tilespmem:$0x1CC80] =	vst v63  }
0x9c: {  	_ =	swait.ge [sflag:s21], $0x4000  }
0x9d: {  	[sflag:s21] =	ssyncset.done $0x0  }
0x9e: {  	[sflag:s21] =	ssyncadd.s32 $0xFFFFC000  }
0x9f: {  	[tilespmem:s17], [sflag:$0x2] =	stream.indirect.gather [hbm4b:s1+s15], $0x80, s31, s15, $0xb8;
	[tilespmem:$0x1CC80] =	vst v63  }
0xa0: {  	_ =	swait.ge [sflag:s18], $0x4000  }
0xa1: {  	[sflag:s18] =	ssyncset.done $0x0  }
0xa2: {  	[sflag:s18] =	ssyncadd.s32 $0xFFFFC000  }
0xa3: {  	[spmem:s3] =	stream.indirect.scatter.add.f32 [tilespmem:s16], [sflag:$0x3], $0x80, s0, s15, $0xb8;
	[tilespmem:$0x1CC80] =	vst v63  }
0xa4: {  	_ =	swait.ge [sflag:s19], $0x4000  }
0xa5: {  	[sflag:s19] =	ssyncset.done $0x0  }
0xa6: {  	[sflag:s19] =	ssyncadd.s32 $0xFFFFC000  }
0xa7: {  	[tilespmem:s16], [sflag:$0x1] =	stream.indirect.gather [hbm4b:s1+s15], $0x80, s2, s15, $0xb8;
	[tilespmem:$0x1CC80] =	vst v63  }
0xa8: {  	_ =	swait.ge [sflag:s20], $0x4000  }
0xa9: {  	[sflag:s20] =	ssyncset.done $0x0  }
0xaa: {  	[sflag:s20] =	ssyncadd.s32 $0xFFFFC000  }
0xab: {  	[spmem:s3] =	stream.indirect.scatter.add.f32 [tilespmem:s17], [sflag:$0x4], $0x80, s5, s15, $0xb8;
	[tilespmem:$0x1CC80] =	vst v63  }
0xac: {  	_ =	swait.ge [sflag:s21], $0x4000  }
0xad: {  	[sflag:s21] =	ssyncset.done $0x0  }
0xae: {  	[sflag:s21] =	ssyncadd.s32 $0xFFFFC000  }
0xaf: {  	[tilespmem:s17], [sflag:$0x2] =	stream.indirect.gather [hbm4b:s1+s15], $0x80, s6, s15, $0xb8;
	[tilespmem:$0x1CC80] =	vst v63  }
0xb0: {  	_ =	swait.ge [sflag:s18], $0x4000  }
0xb1: {  	[sflag:s18] =	ssyncset.done $0x0  }
0xb2: {  	[sflag:s18] =	ssyncadd.s32 $0xFFFFC000  }
0xb3: {  	[spmem:s3] =	stream.indirect.scatter.add.f32 [tilespmem:s16], [sflag:$0x3], $0x80, s7, s15, $0xb8;
	[tilespmem:$0x1CC80] =	vst v63  }
0xb4: {  	_ =	swait.ge [sflag:s19], $0x4000  }
0xb5: {  	[sflag:s19] =	ssyncset.done $0x0  }
0xb6: {  	[sflag:s19] =	ssyncadd.s32 $0xFFFFC000  }
0xb7: {  	_ =	swait.ge [sflag:s20], $0x4000  }
0xb8: {  	[sflag:s20] =	ssyncset.done $0x0  }
0xb9: {  	[sflag:s20] =	ssyncadd.s32 $0xFFFFC000  }
0xba: {  	[spmem:s3] =	stream.indirect.scatter.add.f32 [tilespmem:s17], [sflag:$0x4], $0x80, s8, s15, $0xb8;
	[tilespmem:$0x1CC80] =	vst v63  }
0xbb: {  	s10 =	simm.s32 $0x100;
	_ =	swait.ge [sflag:s21], $0x4000  }
0xbc: {  	s11 =	simm.s32 $0x200;
	s12 =	rddreg [dreg:$0x4];
	[sflag:s21] =	ssyncset.done $0x0  }
.LBB2_2:
0xbd: {  	[sflag:s21] =	ssyncadd.s32 $0xFFFFC000;
	s12 =	sadd.s32 s10, s12  }
0xbe: {  	[tilespmem:s4], [sflag:$0x5] =	stream.linear.gather [hbm4b:s12+s4], $0x800, $0x38;
	[tilespmem:$0x1CC80] =	vst v63  }
0xbf: {  	_ =	swait.ge [sflag:s13], $0x800  }
0xc0: {  	s12 =	rddreg [dreg:$0x5];
	[sflag:s13] =	ssyncset.done $0x0  }
0xc1: {  	[sflag:s13] =	ssyncadd.s32 $0xFFFFF800;
	s12 =	sadd.s32 s10, s12  }
0xc2: {  	[tilespmem:s14], [sflag:$0x5] =	stream.linear.gather [hbm4b:s12+s4], $0x800, $0x38;
	[tilespmem:$0x1CC80] =	vst v63  }
0xc3: {  	_ =	swait.ge [sflag:s13], $0x800  }
0xc4: {  	[sflag:s13] =	ssyncset.done $0x0  }
0xc5: {  	[sflag:s13] =	ssyncadd.s32 $0xFFFFF800  }
0xc6: {  	[tilespmem:s16], [sflag:$0x1] =	stream.indirect.gather [hbm4b:s1+s15], $0x80, s4, s15, $0xb8;
	[tilespmem:$0x1CC80] =	vst v63  }
0xc7: {  	_ = 	snop  }
0xc8: {  	[tilespmem:s17], [sflag:$0x2] =	stream.indirect.gather [hbm4b:s1+s15], $0x80, s15, s15, $0xb8;
	[tilespmem:$0x1CC80] =	vst v63  }
0xc9: {  	_ =	swait.ge [sflag:s18], $0x4000  }
0xca: {  	[sflag:s18] =	ssyncset.done $0x0  }
0xcb: {  	[sflag:s18] =	ssyncadd.s32 $0xFFFFC000  }
0xcc: {  	[spmem:s3] =	stream.indirect.scatter.add.f32 [tilespmem:s16], [sflag:$0x3], $0x80, s14, s15, $0xb8;
	[tilespmem:$0x1CC80] =	vst v63  }
0xcd: {  	_ =	swait.ge [sflag:s19], $0x4000  }
0xce: {  	[sflag:s19] =	ssyncset.done $0x0  }
0xcf: {  	s12 =	rddreg [dreg:$0x6];
	[sflag:s19] =	ssyncadd.s32 $0xFFFFC000  }
0xd0: {  	[tilespmem:s16], [sflag:$0x1] =	stream.indirect.gather [hbm4b:s1+s15], $0x80, s12, s15, $0xb8;
	[tilespmem:$0x1CC80] =	vst v63  }
0xd1: {  	_ =	swait.ge [sflag:s20], $0x4000  }
0xd2: {  	[sflag:s20] =	ssyncset.done $0x0  }
0xd3: {  	s12 =	rddreg [dreg:$0x7];
	[sflag:s20] =	ssyncadd.s32 $0xFFFFC000  }
0xd4: {  	[spmem:s3] =	stream.indirect.scatter.add.f32 [tilespmem:s17], [sflag:$0x4], $0x80, s12, s15, $0xb8;
	[tilespmem:$0x1CC80] =	vst v63  }
0xd5: {  	_ =	swait.ge [sflag:s21], $0x4000  }
0xd6: {  	[sflag:s21] =	ssyncset.done $0x0  }
0xd7: {  	s12 =	rddreg [dreg:$0x8];
	[sflag:s21] =	ssyncadd.s32 $0xFFFFC000  }
0xd8: {  	[tilespmem:s17], [sflag:$0x2] =	stream.indirect.gather [hbm4b:s1+s15], $0x80, s12, s15, $0xb8;
	[tilespmem:$0x1CC80] =	vst v63  }
0xd9: {  	_ =	swait.ge [sflag:s18], $0x4000  }
0xda: {  	[sflag:s18] =	ssyncset.done $0x0  }
0xdb: {  	s12 =	rddreg [dreg:$0x9];
	[sflag:s18] =	ssyncadd.s32 $0xFFFFC000  }
0xdc: {  	[spmem:s3] =	stream.indirect.scatter.add.f32 [tilespmem:s16], [sflag:$0x3], $0x80, s12, s15, $0xb8;
	[tilespmem:$0x1CC80] =	vst v63  }
0xdd: {  	_ =	swait.ge [sflag:s19], $0x4000  }
0xde: {  	[sflag:s19] =	ssyncset.done $0x0  }
0xdf: {  	s12 =	rddreg [dreg:$0xa];
	[sflag:s19] =	ssyncadd.s32 $0xFFFFC000  }
0xe0: {  	[tilespmem:s16], [sflag:$0x1] =	stream.indirect.gather [hbm4b:s1+s15], $0x80, s12, s15, $0xb8;
	[tilespmem:$0x1CC80] =	vst v63  }
0xe1: {  	_ =	swait.ge [sflag:s20], $0x4000  }
0xe2: {  	[sflag:s20] =	ssyncset.done $0x0  }
0xe3: {  	s12 =	rddreg [dreg:$0xb];
	[sflag:s20] =	ssyncadd.s32 $0xFFFFC000  }
0xe4: {  	[spmem:s3] =	stream.indirect.scatter.add.f32 [tilespmem:s17], [sflag:$0x4], $0x80, s12, s15, $0xb8;
	[tilespmem:$0x1CC80] =	vst v63  }
0xe5: {  	_ =	swait.ge [sflag:s21], $0x4000  }
0xe6: {  	[sflag:s21] =	ssyncset.done $0x0  }
0xe7: {  	s12 =	rddreg [dreg:$0xc];
	[sflag:s21] =	ssyncadd.s32 $0xFFFFC000  }
0xe8: {  	[tilespmem:s17], [sflag:$0x2] =	stream.indirect.gather [hbm4b:s1+s15], $0x80, s12, s15, $0xb8;
	[tilespmem:$0x1CC80] =	vst v63  }
0xe9: {  	_ =	swait.ge [sflag:s18], $0x4000  }
0xea: {  	[sflag:s18] =	ssyncset.done $0x0  }
0xeb: {  	s12 =	rddreg [dreg:$0xd];
	[sflag:s18] =	ssyncadd.s32 $0xFFFFC000  }
0xec: {  	[spmem:s3] =	stream.indirect.scatter.add.f32 [tilespmem:s16], [sflag:$0x3], $0x80, s12, s15, $0xb8;
	[tilespmem:$0x1CC80] =	vst v63  }
0xed: {  	_ =	swait.ge [sflag:s19], $0x4000  }
0xee: {  	[sflag:s19] =	ssyncset.done $0x0  }
0xef: {  	s12 =	rddreg [dreg:$0xe];
	[sflag:s19] =	ssyncadd.s32 $0xFFFFC000  }
0xf0: {  	[tilespmem:s16], [sflag:$0x1] =	stream.indirect.gather [hbm4b:s1+s15], $0x80, s12, s15, $0xb8;
	[tilespmem:$0x1CC80] =	vst v63  }
0xf1: {  	_ =	swait.ge [sflag:s20], $0x4000  }
0xf2: {  	[sflag:s20] =	ssyncset.done $0x0  }
0xf3: {  	s12 =	rddreg [dreg:$0xf];
	[sflag:s20] =	ssyncadd.s32 $0xFFFFC000  }
0xf4: {  	[spmem:s3] =	stream.indirect.scatter.add.f32 [tilespmem:s17], [sflag:$0x4], $0x80, s12, s15, $0xb8;
	[tilespmem:$0x1CC80] =	vst v63  }
0xf5: {  	_ =	swait.ge [sflag:s21], $0x4000  }
0xf6: {  	[sflag:s21] =	ssyncset.done $0x0  }
0xf7: {  	s12 =	rddreg [dreg:$0x10];
	[sflag:s21] =	ssyncadd.s32 $0xFFFFC000  }
0xf8: {  	[tilespmem:s17], [sflag:$0x2] =	stream.indirect.gather [hbm4b:s1+s15], $0x80, s12, s15, $0xb8;
	[tilespmem:$0x1CC80] =	vst v63  }
0xf9: {  	_ =	swait.ge [sflag:s18], $0x4000  }
0xfa: {  	[sflag:s18] =	ssyncset.done $0x0  }
0xfb: {  	s12 =	rddreg [dreg:$0x11];
	[sflag:s18] =	ssyncadd.s32 $0xFFFFC000  }
0xfc: {  	[spmem:s3] =	stream.indirect.scatter.add.f32 [tilespmem:s16], [sflag:$0x3], $0x80, s12, s15, $0xb8;
	[tilespmem:$0x1CC80] =	vst v63  }
0xfd: {  	_ =	swait.ge [sflag:s19], $0x4000  }
0xfe: {  	[sflag:s19] =	ssyncset.done $0x0  }
0xff: {  	s12 =	rddreg [dreg:$0x12];
	[sflag:s19] =	ssyncadd.s32 $0xFFFFC000  }
0x100: {  	[tilespmem:s16], [sflag:$0x1] =	stream.indirect.gather [hbm4b:s1+s15], $0x80, s12, s15, $0xb8;
	[tilespmem:$0x1CC80] =	vst v63  }
0x101: {  	_ =	swait.ge [sflag:s20], $0x4000  }
0x102: {  	[sflag:s20] =	ssyncset.done $0x0  }
0x103: {  	s12 =	rddreg [dreg:$0x13];
	[sflag:s20] =	ssyncadd.s32 $0xFFFFC000  }
0x104: {  	[spmem:s3] =	stream.indirect.scatter.add.f32 [tilespmem:s17], [sflag:$0x4], $0x80, s12, s15, $0xb8;
	[tilespmem:$0x1CC80] =	vst v63  }
0x105: {  	_ =	swait.ge [sflag:s21], $0x4000  }
0x106: {  	[sflag:s21] =	ssyncset.done $0x0  }
0x107: {  	[sflag:s21] =	ssyncadd.s32 $0xFFFFC000  }
0x108: {  	[tilespmem:s17], [sflag:$0x2] =	stream.indirect.gather [hbm4b:s1+s15], $0x80, s22, s15, $0xb8;
	[tilespmem:$0x1CC80] =	vst v63  }
0x109: {  	_ =	swait.ge [sflag:s18], $0x4000  }
0x10a: {  	[sflag:s18] =	ssyncset.done $0x0  }
0x10b: {  	[sflag:s18] =	ssyncadd.s32 $0xFFFFC000  }
0x10c: {  	[spmem:s3] =	stream.indirect.scatter.add.f32 [tilespmem:s16], [sflag:$0x3], $0x80, s23, s15, $0xb8;
	[tilespmem:$0x1CC80] =	vst v63  }
0x10d: {  	_ =	swait.ge [sflag:s19], $0x4000  }
0x10e: {  	[sflag:s19] =	ssyncset.done $0x0  }
0x10f: {  	[sflag:s19] =	ssyncadd.s32 $0xFFFFC000  }
0x110: {  	[tilespmem:s16], [sflag:$0x1] =	stream.indirect.gather [hbm4b:s1+s15], $0x80, s24, s15, $0xb8;
	[tilespmem:$0x1CC80] =	vst v63  }
0x111: {  	_ =	swait.ge [sflag:s20], $0x4000  }
0x112: {  	[sflag:s20] =	ssyncset.done $0x0  }
0x113: {  	[sflag:s20] =	ssyncadd.s32 $0xFFFFC000  }
0x114: {  	[spmem:s3] =	stream.indirect.scatter.add.f32 [tilespmem:s17], [sflag:$0x4], $0x80, s25, s15, $0xb8;
	[tilespmem:$0x1CC80] =	vst v63  }
0x115: {  	_ =	swait.ge [sflag:s21], $0x4000  }
0x116: {  	[sflag:s21] =	ssyncset.done $0x0  }
0x117: {  	[sflag:s21] =	ssyncadd.s32 $0xFFFFC000  }
0x118: {  	[tilespmem:s17], [sflag:$0x2] =	stream.indirect.gather [hbm4b:s1+s15], $0x80, s26, s15, $0xb8;
	[tilespmem:$0x1CC80] =	vst v63  }
0x119: {  	_ =	swait.ge [sflag:s18], $0x4000  }
0x11a: {  	[sflag:s18] =	ssyncset.done $0x0  }
0x11b: {  	[sflag:s18] =	ssyncadd.s32 $0xFFFFC000  }
0x11c: {  	[spmem:s3] =	stream.indirect.scatter.add.f32 [tilespmem:s16], [sflag:$0x3], $0x80, s28, s15, $0xb8;
	[tilespmem:$0x1CC80] =	vst v63  }
0x11d: {  	_ =	swait.ge [sflag:s19], $0x4000  }
0x11e: {  	[sflag:s19] =	ssyncset.done $0x0  }
0x11f: {  	[sflag:s19] =	ssyncadd.s32 $0xFFFFC000  }
0x120: {  	[tilespmem:s16], [sflag:$0x1] =	stream.indirect.gather [hbm4b:s1+s15], $0x80, s29, s15, $0xb8;
	[tilespmem:$0x1CC80] =	vst v63  }
0x121: {  	_ =	swait.ge [sflag:s20], $0x4000  }
0x122: {  	[sflag:s20] =	ssyncset.done $0x0  }
0x123: {  	[sflag:s20] =	ssyncadd.s32 $0xFFFFC000  }
0x124: {  	[spmem:s3] =	stream.indirect.scatter.add.f32 [tilespmem:s17], [sflag:$0x4], $0x80, s30, s15, $0xb8;
	[tilespmem:$0x1CC80] =	vst v63  }
0x125: {  	_ =	swait.ge [sflag:s21], $0x4000  }
0x126: {  	[sflag:s21] =	ssyncset.done $0x0  }
0x127: {  	[sflag:s21] =	ssyncadd.s32 $0xFFFFC000  }
0x128: {  	[tilespmem:s17], [sflag:$0x2] =	stream.indirect.gather [hbm4b:s1+s15], $0x80, s31, s15, $0xb8;
	[tilespmem:$0x1CC80] =	vst v63  }
0x129: {  	_ =	swait.ge [sflag:s18], $0x4000  }
0x12a: {  	[sflag:s18] =	ssyncset.done $0x0  }
0x12b: {  	[sflag:s18] =	ssyncadd.s32 $0xFFFFC000  }
0x12c: {  	[spmem:s3] =	stream.indirect.scatter.add.f32 [tilespmem:s16], [sflag:$0x3], $0x80, s0, s15, $0xb8;
	[tilespmem:$0x1CC80] =	vst v63  }
0x12d: {  	_ =	swait.ge [sflag:s19], $0x4000  }
0x12e: {  	[sflag:s19] =	ssyncset.done $0x0  }
0x12f: {  	[sflag:s19] =	ssyncadd.s32 $0xFFFFC000  }
0x130: {  	[tilespmem:s16], [sflag:$0x1] =	stream.indirect.gather [hbm4b:s1+s15], $0x80, s2, s15, $0xb8;
	[tilespmem:$0x1CC80] =	vst v63  }
0x131: {  	_ =	swait.ge [sflag:s20], $0x4000  }
0x132: {  	[sflag:s20] =	ssyncset.done $0x0  }
0x133: {  	[sflag:s20] =	ssyncadd.s32 $0xFFFFC000  }
0x134: {  	[spmem:s3] =	stream.indirect.scatter.add.f32 [tilespmem:s17], [sflag:$0x4], $0x80, s5, s15, $0xb8;
	[tilespmem:$0x1CC80] =	vst v63  }
0x135: {  	_ =	swait.ge [sflag:s21], $0x4000  }
0x136: {  	[sflag:s21] =	ssyncset.done $0x0  }
0x137: {  	[sflag:s21] =	ssyncadd.s32 $0xFFFFC000  }
0x138: {  	[tilespmem:s17], [sflag:$0x2] =	stream.indirect.gather [hbm4b:s1+s15], $0x80, s6, s15, $0xb8;
	[tilespmem:$0x1CC80] =	vst v63  }
0x139: {  	_ =	swait.ge [sflag:s18], $0x4000  }
0x13a: {  	[sflag:s18] =	ssyncset.done $0x0  }
0x13b: {  	[sflag:s18] =	ssyncadd.s32 $0xFFFFC000  }
0x13c: {  	[spmem:s3] =	stream.indirect.scatter.add.f32 [tilespmem:s16], [sflag:$0x3], $0x80, s7, s15, $0xb8;
	[tilespmem:$0x1CC80] =	vst v63  }
0x13d: {  	_ =	swait.ge [sflag:s19], $0x4000  }
0x13e: {  	[sflag:s19] =	ssyncset.done $0x0  }
0x13f: {  	[sflag:s19] =	ssyncadd.s32 $0xFFFFC000  }
0x140: {  	p1 =	sne.s32 s11, $0x400;
	_ =	swait.ge [sflag:s20], $0x4000  }
.Ltmp0:
0x141: {  	[sflag:s20] =	ssyncset.done $0x0;
	(pc) =	sbr.rel @p1 .LBB2_2-.Ltmp0, $4  }
0x142: {  	[sflag:s20] =	ssyncadd.s32 $0xFFFFC000  }
0x143: {  	[spmem:s3] =	stream.indirect.scatter.add.f32 [tilespmem:s17], [sflag:$0x4], $0x80, s8, s15, $0xb8;
	[tilespmem:$0x1CC80] =	vst v63  }
0x144: {  	s9 =	smov.u32 s11;
	s11 =	sadd.s32 $0x100, s11;
	_ =	swait.ge [sflag:s21], $0x4000  }
0x145: {  	s10 =	smov.u32 s9;
	s12 =	rddreg [dreg:$0x4];
	[sflag:s21] =	ssyncset.done $0x0  }
0x146: {  	[sflag:s21] =	ssyncadd.s32 $0xFFFFC000;
	s9 =	sadd.s32 s10, s12  }
0x147: {  	[tilespmem:s4], [sflag:$0x5] =	stream.linear.gather [hbm4b:s9+s4], $0x800, $0x38;
	[tilespmem:$0x1CC80] =	vst v63  }
0x148: {  	_ =	swait.ge [sflag:s13], $0x800  }
0x149: {  	s12 =	rddreg [dreg:$0x5];
	[sflag:s13] =	ssyncset.done $0x0  }
0x14a: {  	s9 =	sadd.s32 s10, s12;
	[sflag:s13] =	ssyncadd.s32 $0xFFFFF800  }
0x14b: {  	[tilespmem:s14], [sflag:$0x5] =	stream.linear.gather [hbm4b:s9+s4], $0x800, $0x38;
	[tilespmem:$0x1CC80] =	vst v63  }
0x14c: {  	_ =	swait.ge [sflag:s13], $0x800  }
0x14d: {  	[sflag:s13] =	ssyncset.done $0x0  }
0x14e: {  	[sflag:s13] =	ssyncadd.s32 $0xFFFFF800  }
0x14f: {  	[tilespmem:s16], [sflag:$0x1] =	stream.indirect.gather [hbm4b:s1+s15], $0x80, s4, s15, $0xb8;
	[tilespmem:$0x1CC80] =	vst v63  }
0x150: {  	_ = 	snop  }
0x151: {  	[tilespmem:s17], [sflag:$0x2] =	stream.indirect.gather [hbm4b:s1+s15], $0x80, s15, s15, $0xb8;
	[tilespmem:$0x1CC80] =	vst v63  }
0x152: {  	_ =	swait.ge [sflag:s18], $0x4000  }
0x153: {  	[sflag:s18] =	ssyncset.done $0x0  }
0x154: {  	[sflag:s18] =	ssyncadd.s32 $0xFFFFC000  }
0x155: {  	[spmem:s3] =	stream.indirect.scatter.add.f32 [tilespmem:s16], [sflag:$0x3], $0x80, s14, s15, $0xb8;
	[tilespmem:$0x1CC80] =	vst v63  }
0x156: {  	_ =	swait.ge [sflag:s19], $0x4000  }
0x157: {  	[sflag:s19] =	ssyncset.done $0x0  }
0x158: {  	s10 =	rddreg [dreg:$0x6];
	[sflag:s19] =	ssyncadd.s32 $0xFFFFC000  }
0x159: {  	[tilespmem:s16], [sflag:$0x1] =	stream.indirect.gather [hbm4b:s1+s15], $0x80, s10, s15, $0xb8;
	[tilespmem:$0x1CC80] =	vst v63  }
0x15a: {  	_ =	swait.ge [sflag:s20], $0x4000  }
0x15b: {  	[sflag:s20] =	ssyncset.done $0x0  }
0x15c: {  	s11 =	rddreg [dreg:$0x7];
	[sflag:s20] =	ssyncadd.s32 $0xFFFFC000  }
0x15d: {  	[spmem:s3] =	stream.indirect.scatter.add.f32 [tilespmem:s17], [sflag:$0x4], $0x80, s11, s15, $0xb8;
	[tilespmem:$0x1CC80] =	vst v63  }
0x15e: {  	_ =	swait.ge [sflag:s21], $0x4000  }
0x15f: {  	[sflag:s21] =	ssyncset.done $0x0  }
0x160: {  	s12 =	rddreg [dreg:$0x8];
	[sflag:s21] =	ssyncadd.s32 $0xFFFFC000  }
0x161: {  	[tilespmem:s17], [sflag:$0x2] =	stream.indirect.gather [hbm4b:s1+s15], $0x80, s12, s15, $0xb8;
	[tilespmem:$0x1CC80] =	vst v63  }
0x162: {  	_ =	swait.ge [sflag:s18], $0x4000  }
0x163: {  	[sflag:s18] =	ssyncset.done $0x0  }
0x164: {  	s10 =	rddreg [dreg:$0x9];
	[sflag:s18] =	ssyncadd.s32 $0xFFFFC000  }
0x165: {  	[spmem:s3] =	stream.indirect.scatter.add.f32 [tilespmem:s16], [sflag:$0x3], $0x80, s10, s15, $0xb8;
	[tilespmem:$0x1CC80] =	vst v63  }
0x166: {  	_ =	swait.ge [sflag:s19], $0x4000  }
0x167: {  	[sflag:s19] =	ssyncset.done $0x0  }
0x168: {  	s11 =	rddreg [dreg:$0xa];
	[sflag:s19] =	ssyncadd.s32 $0xFFFFC000  }
0x169: {  	[tilespmem:s16], [sflag:$0x1] =	stream.indirect.gather [hbm4b:s1+s15], $0x80, s11, s15, $0xb8;
	[tilespmem:$0x1CC80] =	vst v63  }
0x16a: {  	_ =	swait.ge [sflag:s20], $0x4000  }
0x16b: {  	[sflag:s20] =	ssyncset.done $0x0  }
0x16c: {  	s12 =	rddreg [dreg:$0xb];
	[sflag:s20] =	ssyncadd.s32 $0xFFFFC000  }
0x16d: {  	[spmem:s3] =	stream.indirect.scatter.add.f32 [tilespmem:s17], [sflag:$0x4], $0x80, s12, s15, $0xb8;
	[tilespmem:$0x1CC80] =	vst v63  }
0x16e: {  	_ =	swait.ge [sflag:s21], $0x4000  }
0x16f: {  	[sflag:s21] =	ssyncset.done $0x0  }
0x170: {  	s10 =	rddreg [dreg:$0xc];
	[sflag:s21] =	ssyncadd.s32 $0xFFFFC000  }
0x171: {  	[tilespmem:s17], [sflag:$0x2] =	stream.indirect.gather [hbm4b:s1+s15], $0x80, s10, s15, $0xb8;
	[tilespmem:$0x1CC80] =	vst v63  }
0x172: {  	_ =	swait.ge [sflag:s18], $0x4000  }
0x173: {  	[sflag:s18] =	ssyncset.done $0x0  }
0x174: {  	s11 =	rddreg [dreg:$0xd];
	[sflag:s18] =	ssyncadd.s32 $0xFFFFC000  }
0x175: {  	[spmem:s3] =	stream.indirect.scatter.add.f32 [tilespmem:s16], [sflag:$0x3], $0x80, s11, s15, $0xb8;
	[tilespmem:$0x1CC80] =	vst v63  }
0x176: {  	_ =	swait.ge [sflag:s19], $0x4000  }
0x177: {  	[sflag:s19] =	ssyncset.done $0x0  }
0x178: {  	s12 =	rddreg [dreg:$0xe];
	[sflag:s19] =	ssyncadd.s32 $0xFFFFC000  }
0x179: {  	[tilespmem:s16], [sflag:$0x1] =	stream.indirect.gather [hbm4b:s1+s15], $0x80, s12, s15, $0xb8;
	[tilespmem:$0x1CC80] =	vst v63  }
0x17a: {  	_ =	swait.ge [sflag:s20], $0x4000  }
0x17b: {  	[sflag:s20] =	ssyncset.done $0x0  }
0x17c: {  	s10 =	rddreg [dreg:$0xf];
	[sflag:s20] =	ssyncadd.s32 $0xFFFFC000  }
0x17d: {  	[spmem:s3] =	stream.indirect.scatter.add.f32 [tilespmem:s17], [sflag:$0x4], $0x80, s10, s15, $0xb8;
	[tilespmem:$0x1CC80] =	vst v63  }
0x17e: {  	_ =	swait.ge [sflag:s21], $0x4000  }
0x17f: {  	[sflag:s21] =	ssyncset.done $0x0  }
0x180: {  	s11 =	rddreg [dreg:$0x10];
	[sflag:s21] =	ssyncadd.s32 $0xFFFFC000  }
0x181: {  	[tilespmem:s17], [sflag:$0x2] =	stream.indirect.gather [hbm4b:s1+s15], $0x80, s11, s15, $0xb8;
	[tilespmem:$0x1CC80] =	vst v63  }
0x182: {  	_ =	swait.ge [sflag:s18], $0x4000  }
0x183: {  	[sflag:s18] =	ssyncset.done $0x0  }
0x184: {  	s12 =	rddreg [dreg:$0x11];
	[sflag:s18] =	ssyncadd.s32 $0xFFFFC000  }
0x185: {  	[spmem:s3] =	stream.indirect.scatter.add.f32 [tilespmem:s16], [sflag:$0x3], $0x80, s12, s15, $0xb8;
	[tilespmem:$0x1CC80] =	vst v63  }
0x186: {  	_ =	swait.ge [sflag:s19], $0x4000  }
0x187: {  	[sflag:s19] =	ssyncset.done $0x0  }
0x188: {  	s10 =	rddreg [dreg:$0x12];
	[sflag:s19] =	ssyncadd.s32 $0xFFFFC000  }
0x189: {  	[tilespmem:s16], [sflag:$0x1] =	stream.indirect.gather [hbm4b:s1+s15], $0x80, s10, s15, $0xb8;
	[tilespmem:$0x1CC80] =	vst v63  }
0x18a: {  	_ =	swait.ge [sflag:s20], $0x4000  }
0x18b: {  	[sflag:s20] =	ssyncset.done $0x0  }
0x18c: {  	s11 =	rddreg [dreg:$0x13];
	[sflag:s20] =	ssyncadd.s32 $0xFFFFC000  }
0x18d: {  	[spmem:s3] =	stream.indirect.scatter.add.f32 [tilespmem:s17], [sflag:$0x4], $0x80, s11, s15, $0xb8;
	[tilespmem:$0x1CC80] =	vst v63  }
0x18e: {  	_ =	swait.ge [sflag:s21], $0x4000  }
0x18f: {  	[sflag:s21] =	ssyncset.done $0x0  }
0x190: {  	[sflag:s21] =	ssyncadd.s32 $0xFFFFC000  }
0x191: {  	[tilespmem:s17], [sflag:$0x2] =	stream.indirect.gather [hbm4b:s1+s15], $0x80, s22, s15, $0xb8;
	[tilespmem:$0x1CC80] =	vst v63  }
0x192: {  	_ =	swait.ge [sflag:s18], $0x4000  }
0x193: {  	[sflag:s18] =	ssyncset.done $0x0  }
0x194: {  	[sflag:s18] =	ssyncadd.s32 $0xFFFFC000  }
0x195: {  	[spmem:s3] =	stream.indirect.scatter.add.f32 [tilespmem:s16], [sflag:$0x3], $0x80, s23, s15, $0xb8;
	[tilespmem:$0x1CC80] =	vst v63  }
0x196: {  	_ =	swait.ge [sflag:s19], $0x4000  }
0x197: {  	[sflag:s19] =	ssyncset.done $0x0  }
0x198: {  	[sflag:s19] =	ssyncadd.s32 $0xFFFFC000  }
0x199: {  	[tilespmem:s16], [sflag:$0x1] =	stream.indirect.gather [hbm4b:s1+s15], $0x80, s24, s15, $0xb8;
	[tilespmem:$0x1CC80] =	vst v63  }
0x19a: {  	_ =	swait.ge [sflag:s20], $0x4000  }
0x19b: {  	[sflag:s20] =	ssyncset.done $0x0  }
0x19c: {  	[sflag:s20] =	ssyncadd.s32 $0xFFFFC000  }
0x19d: {  	[spmem:s3] =	stream.indirect.scatter.add.f32 [tilespmem:s17], [sflag:$0x4], $0x80, s25, s15, $0xb8;
	[tilespmem:$0x1CC80] =	vst v63  }
0x19e: {  	_ =	swait.ge [sflag:s21], $0x4000  }
0x19f: {  	[sflag:s21] =	ssyncset.done $0x0  }
0x1a0: {  	[sflag:s21] =	ssyncadd.s32 $0xFFFFC000  }
0x1a1: {  	[tilespmem:s17], [sflag:$0x2] =	stream.indirect.gather [hbm4b:s1+s15], $0x80, s26, s15, $0xb8;
	[tilespmem:$0x1CC80] =	vst v63  }
0x1a2: {  	_ =	swait.ge [sflag:s18], $0x4000  }
0x1a3: {  	[sflag:s18] =	ssyncset.done $0x0  }
0x1a4: {  	[sflag:s18] =	ssyncadd.s32 $0xFFFFC000  }
0x1a5: {  	[spmem:s3] =	stream.indirect.scatter.add.f32 [tilespmem:s16], [sflag:$0x3], $0x80, s28, s15, $0xb8;
	[tilespmem:$0x1CC80] =	vst v63  }
0x1a6: {  	_ =	swait.ge [sflag:s19], $0x4000  }
0x1a7: {  	[sflag:s19] =	ssyncset.done $0x0  }
0x1a8: {  	[sflag:s19] =	ssyncadd.s32 $0xFFFFC000  }
0x1a9: {  	[tilespmem:s16], [sflag:$0x1] =	stream.indirect.gather [hbm4b:s1+s15], $0x80, s29, s15, $0xb8;
	[tilespmem:$0x1CC80] =	vst v63  }
0x1aa: {  	_ =	swait.ge [sflag:s20], $0x4000  }
0x1ab: {  	[sflag:s20] =	ssyncset.done $0x0  }
0x1ac: {  	[sflag:s20] =	ssyncadd.s32 $0xFFFFC000  }
0x1ad: {  	[spmem:s3] =	stream.indirect.scatter.add.f32 [tilespmem:s17], [sflag:$0x4], $0x80, s30, s15, $0xb8;
	[tilespmem:$0x1CC80] =	vst v63  }
0x1ae: {  	_ =	swait.ge [sflag:s21], $0x4000  }
0x1af: {  	[sflag:s21] =	ssyncset.done $0x0  }
0x1b0: {  	[sflag:s21] =	ssyncadd.s32 $0xFFFFC000  }
0x1b1: {  	[tilespmem:s17], [sflag:$0x2] =	stream.indirect.gather [hbm4b:s1+s15], $0x80, s31, s15, $0xb8;
	[tilespmem:$0x1CC80] =	vst v63  }
0x1b2: {  	_ =	swait.ge [sflag:s18], $0x4000  }
0x1b3: {  	[sflag:s18] =	ssyncset.done $0x0  }
0x1b4: {  	[sflag:s18] =	ssyncadd.s32 $0xFFFFC000  }
0x1b5: {  	[spmem:s3] =	stream.indirect.scatter.add.f32 [tilespmem:s16], [sflag:$0x3], $0x80, s0, s15, $0xb8;
	[tilespmem:$0x1CC80] =	vst v63  }
0x1b6: {  	_ =	swait.ge [sflag:s19], $0x4000  }
0x1b7: {  	[sflag:s19] =	ssyncset.done $0x0  }
0x1b8: {  	[sflag:s19] =	ssyncadd.s32 $0xFFFFC000  }
0x1b9: {  	[tilespmem:s16], [sflag:$0x1] =	stream.indirect.gather [hbm4b:s1+s15], $0x80, s2, s15, $0xb8;
	[tilespmem:$0x1CC80] =	vst v63  }
0x1ba: {  	_ =	swait.ge [sflag:s20], $0x4000  }
0x1bb: {  	[sflag:s20] =	ssyncset.done $0x0  }
0x1bc: {  	[sflag:s20] =	ssyncadd.s32 $0xFFFFC000  }
0x1bd: {  	[spmem:s3] =	stream.indirect.scatter.add.f32 [tilespmem:s17], [sflag:$0x4], $0x80, s5, s15, $0xb8;
	[tilespmem:$0x1CC80] =	vst v63  }
0x1be: {  	_ =	swait.ge [sflag:s21], $0x4000  }
0x1bf: {  	[sflag:s21] =	ssyncset.done $0x0  }
0x1c0: {  	[sflag:s21] =	ssyncadd.s32 $0xFFFFC000  }
0x1c1: {  	[tilespmem:s17], [sflag:$0x2] =	stream.indirect.gather [hbm4b:s1+s15], $0x80, s6, s15, $0xb8;
	[tilespmem:$0x1CC80] =	vst v63  }
0x1c2: {  	_ =	swait.ge [sflag:s18], $0x4000  }
0x1c3: {  	[sflag:s18] =	ssyncset.done $0x0  }
0x1c4: {  	[sflag:s18] =	ssyncadd.s32 $0xFFFFC000  }
0x1c5: {  	[spmem:s3] =	stream.indirect.scatter.add.f32 [tilespmem:s16], [sflag:$0x3], $0x80, s7, s15, $0xb8;
	[tilespmem:$0x1CC80] =	vst v63  }
0x1c6: {  	_ =	swait.ge [sflag:s19], $0x4000  }
0x1c7: {  	[sflag:s19] =	ssyncset.done $0x0  }
0x1c8: {  	[sflag:s19] =	ssyncadd.s32 $0xFFFFC000  }
0x1c9: {  	_ =	swait.ge [sflag:s20], $0x4000  }
0x1ca: {  	[sflag:s20] =	ssyncset.done $0x0  }
0x1cb: {  	[sflag:s20] =	ssyncadd.s32 $0xFFFFC000  }
0x1cc: {  	[spmem:s3] =	stream.indirect.scatter.add.f32 [tilespmem:s17], [sflag:$0x4], $0x80, s8, s15, $0xb8;
	[tilespmem:$0x1CC80] =	vst v63  }
0x1cd: {  	_ =	swait.ge [sflag:s21], $0x4000  }
0x1ce: {  	[sflag:s21] =	ssyncset.done $0x0  }
0x1cf: {  	[sflag:s21] =	ssyncadd.s32 $0xFFFFC000  }
0x1d0: {  	[bflag:$0x0] =	sbarrier.arrive $0xFFFF  }
0x1d1: {  	s10 =	rddreg [dreg:$0x17]  }
0x1d2: {  	s9 =	simm.s32 @p0 $0x1FC5;
	s11 =	rddreg [dreg:$0x19]  }
0x1d3: {  	[hbm:s10], [sflag:s9] =	dma.local @p0 [spmem:s11], $0x2800  }
0x1d4: {  	s9 =	simm.s32 @p0 $0x5  }
0x1d5: {  	_ =	swait.ge @p0 [sflag:s9], $0x2800  }
0x1d6: {  	s12 =	rddreg [dreg:$0x1a]  }
0x1d7: {  	[sflag:s9] =	ssyncset.done @p0 $0x0;
	s11 =	rddreg [dreg:$0x1b]  }
0x1d8: {  	s10 =	simm.s32 @!p0 $0x5;
	[sflag:s9] =	ssyncadd.s32 @p0 $0xFFFFD800;
	s9 =	rddreg [dreg:$0x16]  }
0x1d9: {  	[hbm:s9], [sflag:s12] =	dma.local @!p0 [spmem:s11], $0x2700  }
0x1da: {  	_ =	swait.ge @!p0 [sflag:s10], $0x2700  }
0x1db: {  	s12 =	rddreg [dreg:$0x1c]  }
0x1dc: {  	s9 =	sadd.s32 $0x1, s12;
	s12 =	rddreg [dreg:$0x18]  }
0x1dd: {  	p1 =	sne.s32 s9, s12  }
.Ltmp1:
0x1de: {  	_ = 	snop;
	(pc) =	sbr.rel @p1 .LBB2_1-.Ltmp1, $3  }
0x1df: {  	_ =	sdelay $0x1  }
0x1e0: {  	[sflag:s10] =	ssyncset.done @!p0 $0x0;
	[dreg:$0x1c] =	wrdreg s9;
	s9 =	simm.s32 @!p0 $0x5  }
0x1e1: {  	[sflag:s9] =	ssyncadd.s32 @!p0 $0xFFFFD900  }
0x1e2: {  	_ =	sfence.sel $0x180000  }
0x1e3: {  	[bflag:$0x0] =	sbarrier.arrive $0xFFFF  }
0x1e4: {  	_ =	strace $0x9000004A  }
0x1e5: {  	s0 =	stileid.u32;
	[bflag:$0x2] =	sbarrier.arrive $0xFFFF  }
0x1e6: {  	p0 =	sne.s32 s0, $0x0;
	s0 =	rddreg [dreg:$0x3]  }
0x1e7: {  	s0 =	sadd.s32 @!p0 $0x100000, s0  }
0x1e8: {  	[sflag:s0] =	ssyncadd.tile.s32 @!p0 $0x1;
	_ =	shalt  }
.Lfunc_end2:
_tile_overlayer_lowered:
.L_overlay_start_2:
0x1e9: {  	(tag) =	ssettag $0x2  }
0x1ea: {  	s0 =	rddreg [dreg:$0x0];
	s2 =	stileid.u32  }
0x1eb: {  	s1 =	rddreg [dreg:$0x1];
	p0 =	sne.s32 s2, $0x0  }
0x1ec: {  	s3 =	rddreg [dreg:$0x2];
	[bflag:$0x3] =	sbarrier.arrive $0xFFFF;
	s2 =	simm.s32 @!p0 $0x1C05  }
0x1ed: {  	[timem:s3], [sflag:s2] =	dma.local @!p0 [hbm:s0], s1  }
0x1ee: {  	s0 =	simm.s32 @!p0 $0x5  }
0x1ef: {  	_ =	swait.ge @!p0 [sflag:s0], s1  }
0x1f0: {  	s1 =	ssub.s32 @!p0 $0x0, s1;
	[sflag:s0] =	ssyncset.done @!p0 $0x0  }
0x1f1: {  	[sflag:s0] =	ssyncadd.s32 @!p0 s1  }
0x1f2: {  	[bflag:$0x3] =	sbarrier.arrive $0xFFFF  }
0x1f3: {  	_ =	shalt  }

// kernel: kernel.13.cloned.1.call-start
scs
__scs_entry_jumppad:
0x0: {  	(pc) =	sbr.rel $0x88, $3  }
0x1: {  	(tag) =	ssettag $0x0;
	lr =	simm.s32 $0x1  }
0x2: {  	[smem:$0x3F95] =	sst lr;
	_ =	strace $0xD0000000  }
0x3: {  	_ = 	snop  }
0x4: {  	_ = 	snop  }
0x5: {  	_ = 	snop  }
0x6: {  	_ = 	snop  }
0x7: {  	_ = 	snop  }
__scs_overlays_trampoline_lowered:
0x8: {  	[smem:$0x3FA4] =	sst s0  }
0x9: {  	[smem:$0x3FA5] =	sst s1  }
0xa: {  	[smem:$0x3FA6] =	sst s2  }
0xb: {  	[smem:$0x3FA7] =	sst s3  }
0xc: {  	[smem:$0x3FA8] =	sst s4  }
0xd: {  	[smem:$0x3FA9] =	sst s5  }
0xe: {  	[smem:$0x3FAA] =	sst s6  }
0xf: {  	[smem:$0x3FAB] =	sst s7  }
0x10: {  	[smem:$0x3FAC] =	sst s8  }
0x11: {  	[smem:$0x3FAD] =	sst s9;
	s0 =	simm.s32 @!p0 $0x0  }
0x12: {  	s1 =	sld [smem:$0x3F93];
	s0 =	simm.s32 @p0 $0x1  }
0x13: {  	[smem:$0x3FAE] =	sst s0;
	s0 =	simm.s32 @!p1 $0x0  }
0x14: {  	s2 =	sld [smem:$0x3F92];
	s0 =	simm.s32 @p1 $0x1  }
0x15: {  	[smem:$0x3FAF] =	sst s0;
	s0 =	simm.s32 @!p2 $0x0  }
0x16: {  	s3 =	sld [smem:$0x3FDB];
	s0 =	simm.s32 @p2 $0x1  }
0x17: {  	s4 =	simm.s32 $0x1BF5;
	[smem:$0x3FB1] =	sst s0  }
0x18: {  	s0 =	sld [smem:$0x3F94];
	_ =	swait.ge [sflag:s4], $0x0  }
0x19: {  	s7 =	sld [smem:$0x3F95]  }
0x1a: {  	s8 =	sadd.s32 $0xFFFFE003, lr  }
0x1b: {  	s9 =	sadd.s32 $0xFFFFFEF7, lr;
	s5 =	simm.s32 $0xFFFFFFFF;
	p2 =	slt.u32 s8, $0xFFFFF086  }
0x1c: {  	p1 =	slt.u32 s9, $0xF7A;
	s5 =	simm.s32 @!p2 $0x0  }
0x1d: {  	s5 =	simm.s32 @p1 $0x1;
	p0 =	seq.s32 s7, s2  }
0x1e: {  	s7 =	smul.u32 @!p0 $0xF7A, s2;
	p2 =	seq.s32 @!p0 s5, $0x0  }
0x1f: {  	s9 =	smul.u32 $0xF7A, s1;
	s8 =	simm.s32 @!p0 $0x1BF5;
	p2 =	por !p2, p0  }
0x20: {  	[sflag:s8] =	ssyncset.s32 @!p0 $0xFFFFF086;
	s6 =	sadd.s32 @!p0 s3, s7;
	s7 =	simm.s32 @!p0 $0x108  }
0x21: {  	s3 =	sadd.s32 s3, s9;
	s6 =	sadd.s32 @!p0 $0x88, s6;
	s7 =	simm.s32 @p2 $0x1082  }
0x22: {  	[simem:s7], [sflag:s8] =	dma.local @!p0 [hbm:s6], $0xF7A  }
0x23: {  	s9 =	sor.u32 $0xD0000000, s2;
	s6 =	simm.s32 $0x108;
	_ =	swait.ge @!p0 [sflag:s8], $0x0  }
0x24: {  	s3 =	sadd.s32 $0x88, s3;
	s6 =	simm.s32 @!p1 $0x1082;
	[sflag:s4] =	ssyncset.s32 $0xFFFFF086  }
0x25: {  	[simem:s6], [sflag:s4] =	dma.local [hbm:s3], $0xF7A  }
0x26: {  	[smem:$0x3F95] =	sst s1;
	(tag) =	ssettag s2;
	_ =	strace s9  }
0x27: {  	s1 =	sld [smem:$0x3FA5]  }
0x28: {  	s2 =	sld [smem:$0x3FA6]  }
0x29: {  	s4 =	sld [smem:$0x3FA8]  }
0x2a: {  	p0 =	seq.s32 s5, $0x0;
	s5 =	sld [smem:$0x3FA9]  }
0x2b: {  	s6 =	sld [smem:$0x3FAA]  }
0x2c: {  	s7 =	sld [smem:$0x3FAB]  }
0x2d: {  	s3 =	simm.s32 $0x108;
	s8 =	sld [smem:$0x3FAC]  }
0x2e: {  	s3 =	simm.s32 @!p0 $0x1082;
	s9 =	sld [smem:$0x3FAD]  }
0x2f: {  	lr =	sadd.s32 s0, s3;
	s0 =	sld [smem:$0x3FA4]  }
0x30: {  	s3 =	sld [smem:$0x3FA7]  }
0x31: {  	[smem:$0x3FB0] =	sst s10  }
0x32: {  	s10 =	sld [smem:$0x3FAE];
	_ =	sdelay $0x3  }
0x33: {  	p0 =	seq.s32 s10, $0x1;
	s10 =	sld [smem:$0x3FB0];
	_ =	sdelay $0x3  }
0x34: {  	[smem:$0x3FB0] =	sst s10  }
0x35: {  	s10 =	sld [smem:$0x3FAF];
	_ =	sdelay $0x3  }
0x36: {  	p1 =	seq.s32 s10, $0x1;
	s10 =	sld [smem:$0x3FB0];
	_ =	sdelay $0x3  }
0x37: {  	[smem:$0x3FB0] =	sst s10  }
0x38: {  	s10 =	sld [smem:$0x3FB1]  }
0x39: {  	_ = 	snop;
	(pc) =	sbr.ind lr, $3  }
0x3a: {  	_ = 	snop  }
0x3b: {  	_ = 	snop  }
0x3c: {  	p2 =	seq.s32 s10, $0x1;
	s10 =	sld [smem:$0x3FB0]  }
0x3d: {  	_ =	shalt  }
0x3e: {  	_ =	shalt  }
0x3f: {  	_ =	shalt  }
0x40: {  	_ =	shalt  }
0x41: {  	_ =	shalt  }
0x42: {  	_ =	shalt  }
0x43: {  	_ =	shalt  }
0x44: {  	_ =	shalt  }
0x45: {  	_ =	shalt  }
0x46: {  	_ =	shalt  }
0x47: {  	_ =	shalt  }
0x48: {  	_ =	shalt  }
0x49: {  	_ =	shalt  }
0x4a: {  	_ =	shalt  }
0x4b: {  	_ =	shalt  }
0x4c: {  	_ =	shalt  }
0x4d: {  	_ =	shalt  }
0x4e: {  	_ =	shalt  }
0x4f: {  	_ =	shalt  }
0x50: {  	_ =	shalt  }
0x51: {  	_ =	shalt  }
0x52: {  	_ =	shalt  }
0x53: {  	_ =	shalt  }
0x54: {  	_ =	shalt  }
0x55: {  	_ =	shalt  }
0x56: {  	_ =	shalt  }
0x57: {  	_ =	shalt  }
0x58: {  	_ =	shalt  }
0x59: {  	_ =	shalt  }
0x5a: {  	_ =	shalt  }
0x5b: {  	_ =	shalt  }
0x5c: {  	_ =	shalt  }
0x5d: {  	_ =	shalt  }
0x5e: {  	_ =	shalt  }
0x5f: {  	_ =	shalt  }
0x60: {  	_ =	shalt  }
0x61: {  	_ =	shalt  }
0x62: {  	_ =	shalt  }
0x63: {  	_ =	shalt  }
0x64: {  	_ =	shalt  }
0x65: {  	_ =	shalt  }
0x66: {  	_ =	shalt  }
0x67: {  	_ =	shalt  }
0x68: {  	_ =	shalt  }
0x69: {  	_ =	shalt  }
0x6a: {  	_ =	shalt  }
0x6b: {  	_ =	shalt  }
0x6c: {  	_ =	shalt  }
0x6d: {  	_ =	shalt  }
0x6e: {  	_ =	shalt  }
0x6f: {  	_ =	shalt  }
0x70: {  	_ =	shalt  }
0x71: {  	_ =	shalt  }
0x72: {  	_ =	shalt  }
0x73: {  	_ =	shalt  }
0x74: {  	_ =	shalt  }
0x75: {  	_ =	shalt  }
0x76: {  	_ =	shalt  }
0x77: {  	_ =	shalt  }
0x78: {  	_ =	shalt  }
0x79: {  	_ =	shalt  }
0x7a: {  	_ =	shalt  }
0x7b: {  	_ =	shalt  }
0x7c: {  	_ =	shalt  }
0x7d: {  	_ =	shalt  }
0x7e: {  	_ =	shalt  }
0x7f: {  	_ =	shalt  }
0x80: {  	_ =	shalt  }
0x81: {  	_ =	shalt  }
0x82: {  	_ =	shalt  }
0x83: {  	_ =	shalt  }
0x84: {  	_ =	shalt  }
0x85: {  	_ =	shalt  }
0x86: {  	_ =	shalt  }
0x87: {  	_ =	shalt  }
.Lfunc_end0:
.L_simem_size_0:
called_computation.2_lowered:
.L_overlay_start_0:
0x88: {  	s2 =	sld [smem:$0x3FD9]  }
0x89: {  	s3 =	sld [smem:$0x3FFE];
	_ =	sdelay $0x1  }
0x8a: {  	s1 =	srdreg.scid  }
0x8b: {  	s0 =	sand.u32 $0x1, s1  }
0x8c: {  	s17 =	sshll.u32 s0, $0xA;
	s2 =	sadd.s32 s3, s2  }
0x8d: {  	s2 =	sadd.s32 s2, s17  }
0x8e: {  	[smem:$0x3FBC] =	sst s2  }
0x8f: {  	_ = 	snop  }
0x90: {  	s2 =	sld [smem:$0x3FD0];
	(tm) =	ssettm $0x1  }
0x91: {  	s18 =	sld [smem:$0x3FFB];
	_ =	sdelay $0x3  }
0x92: {  	_ =	strace s18  }
0x93: {  	s3 =	sld [smem:$0x3FFC];
	_ =	sdelay $0x3  }
0x94: {  	_ =	strace s3  }
0x95: {  	s3 =	sld [smem:$0x3FFD];
	_ =	sdelay $0x3  }
0x96: {  	_ =	strace s3  }
0x97: {  	_ =	strace $0x8FFFFFFF  }
0x98: {  	s19 =	sld [smem:$0x3FDB];
	_ =	sdelay $0x1  }
0x99: {  	s4 =	simm.s32 $_scs_section_size  }
0x9a: {  	s5 =	simm.s32 $_size__tile_overlayer_lowered;
	s6 =	simm.s32 $_tile_overlayer_lowered  }
0x9b: {  	s22 =	simm.s32 $0x1BFF;
	s21 =	sshll.u32 s6, $0x1;
	s3 =	sadd.s32 s4, s19  }
0x9c: {  	s7 =	simm.s32 $0x0;
	s20 =	sshll.u32 s5, $0x1;
	s5 =	sadd.s32 s21, s3  }
0x9d: {  	[timem:s7], [sflag:s22] =	dma.local [hbm:s5], s20  }
0x9e: {  	_ =	swait.ge [sflag:s22], s20  }
0x9f: {  	s4 =	ssub.s32 $0x0, s20;
	[sflag:s22] =	ssyncset.done $0x0  }
0xa0: {  	[sflag:s22] =	ssyncadd.s32 s4;
	_ =	sdelay $0x1  }
0xa1: {  	s23 =	simm.s32 $0x1B8B  }
0xa2: {  	_ =	swait.ge [sflag:s23], $0x1  }
0xa3: {  	[sflag:s23] =	ssyncset.done $0x0  }
0xa4: {  	s25 =	simm.s32 $0x1B8E;
	s24 =	sld [smem:$0x3FFE];
	[sflag:s23] =	ssyncadd.s32 $0xFFFFFFFF  }
0xa5: {  	s26 =	simm.s32 $execute0_lowered;
	[smem:$0x3FD2] =	sst s25  }
0xa6: {  	s5 =	sshll.u32 s26, $0x1;
	_ =	strace $0x8000004C;
	[dreg:$0x1] =	wrdreg $0xFFFFFFFF  }
0xa7: {  	s28 =	simm.s32 $_size_execute0_lowered;
	s3 =	sadd.s32 s3, s5;
	[dreg:$0x0] =	wrdreg $0x0  }
0xa8: {  	s5 =	sshll.u32 s28, $0x1;
	[dreg:$0x2] =	wrdreg s3  }
0xa9: {  	[dreg:$0x3] =	wrdreg s5  }
0xaa: {  	[dreg:$0x4] =	wrdreg $0xC0  }
0xab: {  	_ =	task [dreg:s7], $0x5FFFF  }
0xac: {  	[dreg:$0x1] =	wrdreg $0xFFFFFFFF  }
0xad: {  	[dreg:$0x0] =	wrdreg $0x60  }
0xae: {  	[dreg:$0x2] =	wrdreg s2  }
0xaf: {  	[dreg:$0x3] =	wrdreg s24  }
0xb0: {  	[dreg:$0x4] =	wrdreg $0x90000  }
0xb1: {  	[dreg:$0x5] =	wrdreg $0x9  }
0xb2: {  	_ =	task.clear_ibuf [dreg:s7], $0x6FFFF;
	_ =	strace $0x9000004C  }
0xb3: {  	s29 =	simm.s32 $0x9;
	_ =	strace $0x8000004E  }
0xb4: {  	_ =	swait.ge [sflag:s29], $0x1  }
0xb5: {  	[sflag:s29] =	ssyncadd.s32 $0xFFFFFFFF  }
0xb6: {  	_ =	strace $0x9000004E  }
0xb7: {  	_ =	sfence  }
0xb8: {  	s30 =	sld [smem:$0x0];
	_ =	sdelay $0x2  }
0xb9: {  	s31 =	sshll.u32 s1, $0xD;
	s1 =	sshrl.u32 s1, $0x2  }
0xba: {  	s3 =	sand.u32 $0x4000, s31;
	s1 =	sadd.s32 s1, s30  }
0xbb: {  	s0 =	sor.u32 s3, s0;
	s1 =	sshll.u32 s1, $0x11  }
0xbc: {  	s0 =	sor.u32 s1, s0  }
0xbd: {  	s0 =	sadd.s32 $0x8F2B, s0  }
0xbe: {  	[sflag:s0] =	ssyncadd.remote.s32 $0x1  }
0xbf: {  	_ =	sfence.sel $0xFFFF  }
0xc0: {  	[dreg:$0x0] =	wrdreg $0xFFFFFFFF;
	(pc) =	sbr.abs _section_cstart, $3  }
0xc1: {  	[dreg:$0x1] =	wrdreg $0xFFFFFFFF  }
0xc2: {  	_ =	task.clear_ibuf [dreg:s7], $0x2FFFF;
	_ =	strace $0x9FFFFFFF  }
0xc3: {  	(tm) =	ssettm $0x7FFFFFFF  }
tec
execute0_lowered:
.L_overlay_start_1:
0x0: {  	(tag) =	ssettag $0x1  }
0x1: {  	s1 =	rddreg [dreg:$0x0]  }
0x2: {  	s0 =	rddreg [dreg:$0x1]  }
0x3: {  	s3 =	rddreg [dreg:$0x2];
	s4 =	simm.s32 $0x0;
	s12 =	stileid.u32  }
0x4: {  	s2 =	srdreg.scid;
	s19 =	simm.s32 $0x100;
	s20 =	simm.s32 $0x880  }
0x5: {  	s21 =	simm.s32 $0x180;
	s22 =	simm.s32 $0x900;
	s23 =	simm.s32 $0x200  }
0x6: {  	s24 =	simm.s32 $0x980;
	s25 =	simm.s32 $0x280;
	s26 =	simm.s32 $0xA00  }
0x7: {  	s28 =	simm.s32 $0xD00;
	s29 =	simm.s32 $0x600;
	[smem:$0x7FF] =	sst s4  }
0x8: {  	s30 =	simm.s32 $0xD80;
	_ =	strace $0x8000004D;
	[dreg:$0x6] =	wrdreg s19  }
0x9: {  	s31 =	simm.s32 $0x680;
	s5 =	smul.u32 $0x4E000, s12;
	[dreg:$0x7] =	wrdreg s20  }
0xa: {  	s2 =	sand.u32 $0x1, s2;
	s6 =	smul.u32 $0x2700, s12;
	[dreg:$0x8] =	wrdreg s21  }
0xb: {  	s7 =	sadd.s32 $0x3000, s0;
	s11 =	smul.u32 $0x13800, s12;
	[dreg:$0x9] =	wrdreg s22  }
0xc: {  	s0 =	sadd.s32 $0x65200, s0;
	s14 =	smul.u32 $0x2800, s12;
	[dreg:$0xa] =	wrdreg s23  }
0xd: {  	p0 =	seq.s32 s12, $0xF;
	s9 =	smul.u32 $0x138800, s2;
	[dreg:$0xb] =	wrdreg s24  }
0xe: {  	s8 =	ssub.s32 $0x2, s2;
	s2 =	smul.u32 $0x28000, s2;
	[dreg:$0xc] =	wrdreg s25  }
0xf: {  	[dreg:$0xd] =	wrdreg s26;
	s19 =	simm.s32 $0x3;
	s20 =	simm.s32 $0x2  }
0x10: {  	s21 =	simm.s32 $0x4;
	s22 =	simm.s32 $0x480;
	s23 =	simm.s32 $0xC00  }
0x11: {  	s24 =	simm.s32 $0x500;
	s25 =	simm.s32 $0xC80;
	s26 =	simm.s32 $0x580  }
0x12: {  	s10 =	sshrl.u32 s8, $0x1;
	s5 =	sshrl.u32 s5, $0x2;
	s6 =	sadd.s32 s1, s6  }
0x13: {  	s8 =	ssub.s32 s8, s10;
	s5 =	sadd.s32 s5, s3;
	s13 =	sadd.s32 s11, s9  }
0x14: {  	[dreg:$0x14] =	wrdreg s6;
	s6 =	sadd.s32 $0x124800, s3;
	s2 =	sadd.s32 s14, s2  }
0x15: {  	s9 =	sshrl.u32 s9, $0x3;
	s10 =	sshrl.u32 s13, $0x3;
	s13 =	sadd.s32 $0x24900, s1  }
0x16: {  	s14 =	simm.s32 $0x800;
	s18 =	smax.u32 s8, $0x1;
	[dreg:$0x15] =	wrdreg s13  }
0x17: {  	s11 =	sshrl.u32 @!p0 s5, $0x3;
	s5 =	simm.s32 $0xA80;
	[dreg:$0x18] =	wrdreg s18  }
0x18: {  	s15 =	sshrl.u32 s2, $0x3;
	s8 =	simm.s32 $0x400;
	[dreg:$0xf] =	wrdreg s5  }
0x19: {  	s2 =	sadd.s32 $0x50000, s2;
	s10 =	sadd.s32 s0, s10;
	[dreg:$0x12] =	wrdreg s8  }
0x1a: {  	s0 =	sadd.s32 s0, s9;
	s16 =	sadd.s32 s15, s7;
	[dreg:$0x1b] =	wrdreg s11  }
0x1b: {  	s2 =	sshrl.u32 s2, $0x3;
	s13 =	simm.s32 $0x5;
	[dreg:$0x16] =	wrdreg s10  }
0x1c: {  	s15 =	simm.s32 $0x80;
	s9 =	simm.s32 $0xB80;
	[dreg:$0x4] =	wrdreg s16  }
0x1d: {  	s18 =	simm.s32 $0x1;
	s0 =	sadd.s32 $0x24900, s0;
	[dreg:$0x13] =	wrdreg s9  }
0x1e: {  	s5 =	simm.s32 $0xE80;
	s17 =	sadd.s32 s2, s7;
	[dreg:$0x17] =	wrdreg s0  }
0x1f: {  	s8 =	simm.s32 $0xF80;
	s2 =	sshrl.u32 @p0 s6, $0x3;
	[dreg:$0x5] =	wrdreg s17  }
0x20: {  	s16 =	simm.s32 $0x1000;
	s6 =	simm.s32 $0x380;
	[dreg:$0x19] =	wrdreg s2  }
0x21: {  	s7 =	simm.s32 $0xB00;
	s10 =	simm.s32 $0x0;
	[dreg:$0x10] =	wrdreg s6  }
0x22: {  	s2 =	sshll.u32 @!p0 s12, $0x6;
	s17 =	simm.s32 $0x5000;
	[dreg:$0x11] =	wrdreg s7  }
0x23: {  	[dreg:$0x1c] =	wrdreg s10;
	s12 =	sor.u32 @!p0 $0x1C05, s2;
	s2 =	simm.s32 $0x300  }
0x24: {  	s0 =	simm.s32 $0xE00;
	s6 =	simm.s32 $0x780;
	[dreg:$0xe] =	wrdreg s2  }
0x25: {  	s7 =	simm.s32 $0xF00;
	s2 =	simm.s32 $0x700;
	[dreg:$0x1a] =	wrdreg s12  }
.LBB2_1:
0x26: {  	s9 =	rddreg [dreg:$0x15]  }
0x27: {  	s10 =	simm.s32 @p0 $0x1FC5;
	s12 =	rddreg [dreg:$0x19]  }
0x28: {  	[spmem:s12], [sflag:s10] =	dma.local @p0 [hbm:s9], $0x2800  }
0x29: {  	s10 =	simm.s32 @p0 $0x5  }
0x2a: {  	_ =	swait.ge @p0 [sflag:s10], $0x2800  }
0x2b: {  	[sflag:s10] =	ssyncset.done @p0 $0x0;
	s9 =	rddreg [dreg:$0x14]  }
0x2c: {  	[sflag:s10] =	ssyncadd.s32 @p0 $0xFFFFD800;
	s10 =	rddreg [dreg:$0x1a]  }
0x2d: {  	[spmem:s11], [sflag:s10] =	dma.local @!p0 [hbm:s9], $0x2700  }
0x2e: {  	s10 =	simm.s32 @!p0 $0x5  }
0x2f: {  	_ =	swait.ge @!p0 [sflag:s10], $0x2700  }
0x30: {  	[sflag:s10] =	ssyncset.done @!p0 $0x0  }
0x31: {  	[sflag:s10] =	ssyncadd.s32 @!p0 $0xFFFFD900  }
0x32: {  	[bflag:$0x0] =	sbarrier.arrive $0xFFFF  }
0x33: {  	s12 =	rddreg [dreg:$0x4]  }
0x34: {  	s10 =	sadd.s32 $0x0, s12  }
0x35: {  	[tilespmem:s4], [sflag:$0x5] =	stream.linear.gather [hbm4b:s10+s4], $0x800, $0x38;
	[tilespmem:$0x1CC80] =	vst v63  }
0x36: {  	_ =	swait.ge [sflag:s13], $0x800  }
0x37: {  	s9 =	rddreg [dreg:$0x5];
	[sflag:s13] =	ssyncset.done $0x0  }
0x38: {  	[sflag:s13] =	ssyncadd.s32 $0xFFFFF800;
	s10 =	sadd.s32 $0x0, s9  }
0x39: {  	[tilespmem:s14], [sflag:$0x5] =	stream.linear.gather [hbm4b:s10+s4], $0x800, $0x38;
	[tilespmem:$0x1CC80] =	vst v63  }
0x3a: {  	_ =	swait.ge [sflag:s13], $0x800  }
0x3b: {  	[sflag:s13] =	ssyncset.done $0x0  }
0x3c: {  	[sflag:s13] =	ssyncadd.s32 $0xFFFFF800  }
0x3d: {  	[tilespmem:s16], [sflag:$0x1] =	stream.indirect.gather [hbm4b:s1+s15], $0x80, s4, s15, $0xb8;
	[tilespmem:$0x1CC80] =	vst v63  }
0x3e: {  	_ = 	snop  }
0x3f: {  	[tilespmem:s17], [sflag:$0x2] =	stream.indirect.gather [hbm4b:s1+s15], $0x80, s15, s15, $0xb8;
	[tilespmem:$0x1CC80] =	vst v63  }
0x40: {  	_ =	swait.ge [sflag:s18], $0x4000  }
0x41: {  	[sflag:s18] =	ssyncset.done $0x0  }
0x42: {  	[sflag:s18] =	ssyncadd.s32 $0xFFFFC000  }
0x43: {  	[spmem:s3] =	stream.indirect.scatter.add.f32 [tilespmem:s16], [sflag:$0x3], $0x80, s14, s15, $0xb8;
	[tilespmem:$0x1CC80] =	vst v63  }
0x44: {  	_ =	swait.ge [sflag:s19], $0x4000  }
0x45: {  	[sflag:s19] =	ssyncset.done $0x0  }
0x46: {  	s11 =	rddreg [dreg:$0x6];
	[sflag:s19] =	ssyncadd.s32 $0xFFFFC000  }
0x47: {  	[tilespmem:s16], [sflag:$0x1] =	stream.indirect.gather [hbm4b:s1+s15], $0x80, s11, s15, $0xb8;
	[tilespmem:$0x1CC80] =	vst v63  }
0x48: {  	_ =	swait.ge [sflag:s20], $0x4000  }
0x49: {  	[sflag:s20] =	ssyncset.done $0x0  }
0x4a: {  	s12 =	rddreg [dreg:$0x7];
	[sflag:s20] =	ssyncadd.s32 $0xFFFFC000  }
0x4b: {  	[spmem:s3] =	stream.indirect.scatter.add.f32 [tilespmem:s17], [sflag:$0x4], $0x80, s12, s15, $0xb8;
	[tilespmem:$0x1CC80] =	vst v63  }
0x4c: {  	_ =	swait.ge [sflag:s21], $0x4000  }
0x4d: {  	[sflag:s21] =	ssyncset.done $0x0  }
0x4e: {  	s9 =	rddreg [dreg:$0x8];
	[sflag:s21] =	ssyncadd.s32 $0xFFFFC000  }
0x4f: {  	[tilespmem:s17], [sflag:$0x2] =	stream.indirect.gather [hbm4b:s1+s15], $0x80, s9, s15, $0xb8;
	[tilespmem:$0x1CC80] =	vst v63  }
0x50: {  	_ =	swait.ge [sflag:s18], $0x4000  }
0x51: {  	[sflag:s18] =	ssyncset.done $0x0  }
0x52: {  	s11 =	rddreg [dreg:$0x9];
	[sflag:s18] =	ssyncadd.s32 $0xFFFFC000  }
0x53: {  	[spmem:s3] =	stream.indirect.scatter.add.f32 [tilespmem:s16], [sflag:$0x3], $0x80, s11, s15, $0xb8;
	[tilespmem:$0x1CC80] =	vst v63  }
0x54: {  	_ =	swait.ge [sflag:s19], $0x4000  }
0x55: {  	[sflag:s19] =	ssyncset.done $0x0  }
0x56: {  	s12 =	rddreg [dreg:$0xa];
	[sflag:s19] =	ssyncadd.s32 $0xFFFFC000  }
0x57: {  	[tilespmem:s16], [sflag:$0x1] =	stream.indirect.gather [hbm4b:s1+s15], $0x80, s12, s15, $0xb8;
	[tilespmem:$0x1CC80] =	vst v63  }
0x58: {  	_ =	swait.ge [sflag:s20], $0x4000  }
0x59: {  	[sflag:s20] =	ssyncset.done $0x0  }
0x5a: {  	s9 =	rddreg [dreg:$0xb];
	[sflag:s20] =	ssyncadd.s32 $0xFFFFC000  }
0x5b: {  	[spmem:s3] =	stream.indirect.scatter.add.f32 [tilespmem:s17], [sflag:$0x4], $0x80, s9, s15, $0xb8;
	[tilespmem:$0x1CC80] =	vst v63  }
0x5c: {  	_ =	swait.ge [sflag:s21], $0x4000  }
0x5d: {  	[sflag:s21] =	ssyncset.done $0x0  }
0x5e: {  	s11 =	rddreg [dreg:$0xc];
	[sflag:s21] =	ssyncadd.s32 $0xFFFFC000  }
0x5f: {  	[tilespmem:s17], [sflag:$0x2] =	stream.indirect.gather [hbm4b:s1+s15], $0x80, s11, s15, $0xb8;
	[tilespmem:$0x1CC80] =	vst v63  }
0x60: {  	_ =	swait.ge [sflag:s18], $0x4000  }
0x61: {  	[sflag:s18] =	ssyncset.done $0x0  }
0x62: {  	s12 =	rddreg [dreg:$0xd];
	[sflag:s18] =	ssyncadd.s32 $0xFFFFC000  }
0x63: {  	[spmem:s3] =	stream.indirect.scatter.add.f32 [tilespmem:s16], [sflag:$0x3], $0x80, s12, s15, $0xb8;
	[tilespmem:$0x1CC80] =	vst v63  }
0x64: {  	_ =	swait.ge [sflag:s19], $0x4000  }
0x65: {  	[sflag:s19] =	ssyncset.done $0x0  }
0x66: {  	s9 =	rddreg [dreg:$0xe];
	[sflag:s19] =	ssyncadd.s32 $0xFFFFC000  }
0x67: {  	[tilespmem:s16], [sflag:$0x1] =	stream.indirect.gather [hbm4b:s1+s15], $0x80, s9, s15, $0xb8;
	[tilespmem:$0x1CC80] =	vst v63  }
0x68: {  	_ =	swait.ge [sflag:s20], $0x4000  }
0x69: {  	[sflag:s20] =	ssyncset.done $0x0  }
0x6a: {  	s11 =	rddreg [dreg:$0xf];
	[sflag:s20] =	ssyncadd.s32 $0xFFFFC000  }
0x6b: {  	[spmem:s3] =	stream.indirect.scatter.add.f32 [tilespmem:s17], [sflag:$0x4], $0x80, s11, s15, $0xb8;
	[tilespmem:$0x1CC80] =	vst v63  }
0x6c: {  	_ =	swait.ge [sflag:s21], $0x4000  }
0x6d: {  	[sflag:s21] =	ssyncset.done $0x0  }
0x6e: {  	s12 =	rddreg [dreg:$0x10];
	[sflag:s21] =	ssyncadd.s32 $0xFFFFC000  }
0x6f: {  	[tilespmem:s17], [sflag:$0x2] =	stream.indirect.gather [hbm4b:s1+s15], $0x80, s12, s15, $0xb8;
	[tilespmem:$0x1CC80] =	vst v63  }
0x70: {  	_ =	swait.ge [sflag:s18], $0x4000  }
0x71: {  	[sflag:s18] =	ssyncset.done $0x0  }
0x72: {  	s9 =	rddreg [dreg:$0x11];
	[sflag:s18] =	ssyncadd.s32 $0xFFFFC000  }
0x73: {  	[spmem:s3] =	stream.indirect.scatter.add.f32 [tilespmem:s16], [sflag:$0x3], $0x80, s9, s15, $0xb8;
	[tilespmem:$0x1CC80] =	vst v63  }
0x74: {  	_ =	swait.ge [sflag:s19], $0x4000  }
0x75: {  	[sflag:s19] =	ssyncset.done $0x0  }
0x76: {  	s11 =	rddreg [dreg:$0x12];
	[sflag:s19] =	ssyncadd.s32 $0xFFFFC000  }
0x77: {  	[tilespmem:s16], [sflag:$0x1] =	stream.indirect.gather [hbm4b:s1+s15], $0x80, s11, s15, $0xb8;
	[tilespmem:$0x1CC80] =	vst v63  }
0x78: {  	_ =	swait.ge [sflag:s20], $0x4000  }
0x79: {  	[sflag:s20] =	ssyncset.done $0x0  }
0x7a: {  	s12 =	rddreg [dreg:$0x13];
	[sflag:s20] =	ssyncadd.s32 $0xFFFFC000  }
0x7b: {  	[spmem:s3] =	stream.indirect.scatter.add.f32 [tilespmem:s17], [sflag:$0x4], $0x80, s12, s15, $0xb8;
	[tilespmem:$0x1CC80] =	vst v63  }
0x7c: {  	_ =	swait.ge [sflag:s21], $0x4000  }
0x7d: {  	[sflag:s21] =	ssyncset.done $0x0  }
0x7e: {  	[sflag:s21] =	ssyncadd.s32 $0xFFFFC000  }
0x7f: {  	[tilespmem:s17], [sflag:$0x2] =	stream.indirect.gather [hbm4b:s1+s15], $0x80, s22, s15, $0xb8;
	[tilespmem:$0x1CC80] =	vst v63  }
0x80: {  	_ =	swait.ge [sflag:s18], $0x4000  }
0x81: {  	[sflag:s18] =	ssyncset.done $0x0  }
0x82: {  	[sflag:s18] =	ssyncadd.s32 $0xFFFFC000  }
0x83: {  	[spmem:s3] =	stream.indirect.scatter.add.f32 [tilespmem:s16], [sflag:$0x3], $0x80, s23, s15, $0xb8;
	[tilespmem:$0x1CC80] =	vst v63  }
0x84: {  	_ =	swait.ge [sflag:s19], $0x4000  }
0x85: {  	[sflag:s19] =	ssyncset.done $0x0  }
0x86: {  	[sflag:s19] =	ssyncadd.s32 $0xFFFFC000  }
0x87: {  	[tilespmem:s16], [sflag:$0x1] =	stream.indirect.gather [hbm4b:s1+s15], $0x80, s24, s15, $0xb8;
	[tilespmem:$0x1CC80] =	vst v63  }
0x88: {  	_ =	swait.ge [sflag:s20], $0x4000  }
0x89: {  	[sflag:s20] =	ssyncset.done $0x0  }
0x8a: {  	[sflag:s20] =	ssyncadd.s32 $0xFFFFC000  }
0x8b: {  	[spmem:s3] =	stream.indirect.scatter.add.f32 [tilespmem:s17], [sflag:$0x4], $0x80, s25, s15, $0xb8;
	[tilespmem:$0x1CC80] =	vst v63  }
0x8c: {  	_ =	swait.ge [sflag:s21], $0x4000  }
0x8d: {  	[sflag:s21] =	ssyncset.done $0x0  }
0x8e: {  	[sflag:s21] =	ssyncadd.s32 $0xFFFFC000  }
0x8f: {  	[tilespmem:s17], [sflag:$0x2] =	stream.indirect.gather [hbm4b:s1+s15], $0x80, s26, s15, $0xb8;
	[tilespmem:$0x1CC80] =	vst v63  }
0x90: {  	_ =	swait.ge [sflag:s18], $0x4000  }
0x91: {  	[sflag:s18] =	ssyncset.done $0x0  }
0x92: {  	[sflag:s18] =	ssyncadd.s32 $0xFFFFC000  }
0x93: {  	[spmem:s3] =	stream.indirect.scatter.add.f32 [tilespmem:s16], [sflag:$0x3], $0x80, s28, s15, $0xb8;
	[tilespmem:$0x1CC80] =	vst v63  }
0x94: {  	_ =	swait.ge [sflag:s19], $0x4000  }
0x95: {  	[sflag:s19] =	ssyncset.done $0x0  }
0x96: {  	[sflag:s19] =	ssyncadd.s32 $0xFFFFC000  }
0x97: {  	[tilespmem:s16], [sflag:$0x1] =	stream.indirect.gather [hbm4b:s1+s15], $0x80, s29, s15, $0xb8;
	[tilespmem:$0x1CC80] =	vst v63  }
0x98: {  	_ =	swait.ge [sflag:s20], $0x4000  }
0x99: {  	[sflag:s20] =	ssyncset.done $0x0  }
0x9a: {  	[sflag:s20] =	ssyncadd.s32 $0xFFFFC000  }
0x9b: {  	[spmem:s3] =	stream.indirect.scatter.add.f32 [tilespmem:s17], [sflag:$0x4], $0x80, s30, s15, $0xb8;
	[tilespmem:$0x1CC80] =	vst v63  }
0x9c: {  	_ =	swait.ge [sflag:s21], $0x4000  }
0x9d: {  	[sflag:s21] =	ssyncset.done $0x0  }
0x9e: {  	[sflag:s21] =	ssyncadd.s32 $0xFFFFC000  }
0x9f: {  	[tilespmem:s17], [sflag:$0x2] =	stream.indirect.gather [hbm4b:s1+s15], $0x80, s31, s15, $0xb8;
	[tilespmem:$0x1CC80] =	vst v63  }
0xa0: {  	_ =	swait.ge [sflag:s18], $0x4000  }
0xa1: {  	[sflag:s18] =	ssyncset.done $0x0  }
0xa2: {  	[sflag:s18] =	ssyncadd.s32 $0xFFFFC000  }
0xa3: {  	[spmem:s3] =	stream.indirect.scatter.add.f32 [tilespmem:s16], [sflag:$0x3], $0x80, s0, s15, $0xb8;
	[tilespmem:$0x1CC80] =	vst v63  }
0xa4: {  	_ =	swait.ge [sflag:s19], $0x4000  }
0xa5: {  	[sflag:s19] =	ssyncset.done $0x0  }
0xa6: {  	[sflag:s19] =	ssyncadd.s32 $0xFFFFC000  }
0xa7: {  	[tilespmem:s16], [sflag:$0x1] =	stream.indirect.gather [hbm4b:s1+s15], $0x80, s2, s15, $0xb8;
	[tilespmem:$0x1CC80] =	vst v63  }
0xa8: {  	_ =	swait.ge [sflag:s20], $0x4000  }
0xa9: {  	[sflag:s20] =	ssyncset.done $0x0  }
0xaa: {  	[sflag:s20] =	ssyncadd.s32 $0xFFFFC000  }
0xab: {  	[spmem:s3] =	stream.indirect.scatter.add.f32 [tilespmem:s17], [sflag:$0x4], $0x80, s5, s15, $0xb8;
	[tilespmem:$0x1CC80] =	vst v63  }
0xac: {  	_ =	swait.ge [sflag:s21], $0x4000  }
0xad: {  	[sflag:s21] =	ssyncset.done $0x0  }
0xae: {  	[sflag:s21] =	ssyncadd.s32 $0xFFFFC000  }
0xaf: {  	[tilespmem:s17], [sflag:$0x2] =	stream.indirect.gather [hbm4b:s1+s15], $0x80, s6, s15, $0xb8;
	[tilespmem:$0x1CC80] =	vst v63  }
0xb0: {  	_ =	swait.ge [sflag:s18], $0x4000  }
0xb1: {  	[sflag:s18] =	ssyncset.done $0x0  }
0xb2: {  	[sflag:s18] =	ssyncadd.s32 $0xFFFFC000  }
0xb3: {  	[spmem:s3] =	stream.indirect.scatter.add.f32 [tilespmem:s16], [sflag:$0x3], $0x80, s7, s15, $0xb8;
	[tilespmem:$0x1CC80] =	vst v63  }
0xb4: {  	_ =	swait.ge [sflag:s19], $0x4000  }
0xb5: {  	[sflag:s19] =	ssyncset.done $0x0  }
0xb6: {  	[sflag:s19] =	ssyncadd.s32 $0xFFFFC000  }
0xb7: {  	_ =	swait.ge [sflag:s20], $0x4000  }
0xb8: {  	[sflag:s20] =	ssyncset.done $0x0  }
0xb9: {  	[sflag:s20] =	ssyncadd.s32 $0xFFFFC000  }
0xba: {  	[spmem:s3] =	stream.indirect.scatter.add.f32 [tilespmem:s17], [sflag:$0x4], $0x80, s8, s15, $0xb8;
	[tilespmem:$0x1CC80] =	vst v63  }
0xbb: {  	s10 =	simm.s32 $0x100;
	_ =	swait.ge [sflag:s21], $0x4000  }
0xbc: {  	s11 =	simm.s32 $0x200;
	s12 =	rddreg [dreg:$0x4];
	[sflag:s21] =	ssyncset.done $0x0  }
.LBB2_2:
0xbd: {  	[sflag:s21] =	ssyncadd.s32 $0xFFFFC000;
	s12 =	sadd.s32 s10, s12  }
0xbe: {  	[tilespmem:s4], [sflag:$0x5] =	stream.linear.gather [hbm4b:s12+s4], $0x800, $0x38;
	[tilespmem:$0x1CC80] =	vst v63  }
0xbf: {  	_ =	swait.ge [sflag:s13], $0x800  }
0xc0: {  	s12 =	rddreg [dreg:$0x5];
	[sflag:s13] =	ssyncset.done $0x0  }
0xc1: {  	[sflag:s13] =	ssyncadd.s32 $0xFFFFF800;
	s12 =	sadd.s32 s10, s12  }
0xc2: {  	[tilespmem:s14], [sflag:$0x5] =	stream.linear.gather [hbm4b:s12+s4], $0x800, $0x38;
	[tilespmem:$0x1CC80] =	vst v63  }
0xc3: {  	_ =	swait.ge [sflag:s13], $0x800  }
0xc4: {  	[sflag:s13] =	ssyncset.done $0x0  }
0xc5: {  	[sflag:s13] =	ssyncadd.s32 $0xFFFFF800  }
0xc6: {  	[tilespmem:s16], [sflag:$0x1] =	stream.indirect.gather [hbm4b:s1+s15], $0x80, s4, s15, $0xb8;
	[tilespmem:$0x1CC80] =	vst v63  }
0xc7: {  	_ = 	snop  }
0xc8: {  	[tilespmem:s17], [sflag:$0x2] =	stream.indirect.gather [hbm4b:s1+s15], $0x80, s15, s15, $0xb8;
	[tilespmem:$0x1CC80] =	vst v63  }
0xc9: {  	_ =	swait.ge [sflag:s18], $0x4000  }
0xca: {  	[sflag:s18] =	ssyncset.done $0x0  }
0xcb: {  	[sflag:s18] =	ssyncadd.s32 $0xFFFFC000  }
0xcc: {  	[spmem:s3] =	stream.indirect.scatter.add.f32 [tilespmem:s16], [sflag:$0x3], $0x80, s14, s15, $0xb8;
	[tilespmem:$0x1CC80] =	vst v63  }
0xcd: {  	_ =	swait.ge [sflag:s19], $0x4000  }
0xce: {  	[sflag:s19] =	ssyncset.done $0x0  }
0xcf: {  	s12 =	rddreg [dreg:$0x6];
	[sflag:s19] =	ssyncadd.s32 $0xFFFFC000  }
0xd0: {  	[tilespmem:s16], [sflag:$0x1] =	stream.indirect.gather [hbm4b:s1+s15], $0x80, s12, s15, $0xb8;
	[tilespmem:$0x1CC80] =	vst v63  }
0xd1: {  	_ =	swait.ge [sflag:s20], $0x4000  }
0xd2: {  	[sflag:s20] =	ssyncset.done $0x0  }
0xd3: {  	s12 =	rddreg [dreg:$0x7];
	[sflag:s20] =	ssyncadd.s32 $0xFFFFC000  }
0xd4: {  	[spmem:s3] =	stream.indirect.scatter.add.f32 [tilespmem:s17], [sflag:$0x4], $0x80, s12, s15, $0xb8;
	[tilespmem:$0x1CC80] =	vst v63  }
0xd5: {  	_ =	swait.ge [sflag:s21], $0x4000  }
0xd6: {  	[sflag:s21] =	ssyncset.done $0x0  }
0xd7: {  	s12 =	rddreg [dreg:$0x8];
	[sflag:s21] =	ssyncadd.s32 $0xFFFFC000  }
0xd8: {  	[tilespmem:s17], [sflag:$0x2] =	stream.indirect.gather [hbm4b:s1+s15], $0x80, s12, s15, $0xb8;
	[tilespmem:$0x1CC80] =	vst v63  }
0xd9: {  	_ =	swait.ge [sflag:s18], $0x4000  }
0xda: {  	[sflag:s18] =	ssyncset.done $0x0  }
0xdb: {  	s12 =	rddreg [dreg:$0x9];
	[sflag:s18] =	ssyncadd.s32 $0xFFFFC000  }
0xdc: {  	[spmem:s3] =	stream.indirect.scatter.add.f32 [tilespmem:s16], [sflag:$0x3], $0x80, s12, s15, $0xb8;
	[tilespmem:$0x1CC80] =	vst v63  }
0xdd: {  	_ =	swait.ge [sflag:s19], $0x4000  }
0xde: {  	[sflag:s19] =	ssyncset.done $0x0  }
0xdf: {  	s12 =	rddreg [dreg:$0xa];
	[sflag:s19] =	ssyncadd.s32 $0xFFFFC000  }
0xe0: {  	[tilespmem:s16], [sflag:$0x1] =	stream.indirect.gather [hbm4b:s1+s15], $0x80, s12, s15, $0xb8;
	[tilespmem:$0x1CC80] =	vst v63  }
0xe1: {  	_ =	swait.ge [sflag:s20], $0x4000  }
0xe2: {  	[sflag:s20] =	ssyncset.done $0x0  }
0xe3: {  	s12 =	rddreg [dreg:$0xb];
	[sflag:s20] =	ssyncadd.s32 $0xFFFFC000  }
0xe4: {  	[spmem:s3] =	stream.indirect.scatter.add.f32 [tilespmem:s17], [sflag:$0x4], $0x80, s12, s15, $0xb8;
	[tilespmem:$0x1CC80] =	vst v63  }
0xe5: {  	_ =	swait.ge [sflag:s21], $0x4000  }
0xe6: {  	[sflag:s21] =	ssyncset.done $0x0  }
0xe7: {  	s12 =	rddreg [dreg:$0xc];
	[sflag:s21] =	ssyncadd.s32 $0xFFFFC000  }
0xe8: {  	[tilespmem:s17], [sflag:$0x2] =	stream.indirect.gather [hbm4b:s1+s15], $0x80, s12, s15, $0xb8;
	[tilespmem:$0x1CC80] =	vst v63  }
0xe9: {  	_ =	swait.ge [sflag:s18], $0x4000  }
0xea: {  	[sflag:s18] =	ssyncset.done $0x0  }
0xeb: {  	s12 =	rddreg [dreg:$0xd];
	[sflag:s18] =	ssyncadd.s32 $0xFFFFC000  }
0xec: {  	[spmem:s3] =	stream.indirect.scatter.add.f32 [tilespmem:s16], [sflag:$0x3], $0x80, s12, s15, $0xb8;
	[tilespmem:$0x1CC80] =	vst v63  }
0xed: {  	_ =	swait.ge [sflag:s19], $0x4000  }
0xee: {  	[sflag:s19] =	ssyncset.done $0x0  }
0xef: {  	s12 =	rddreg [dreg:$0xe];
	[sflag:s19] =	ssyncadd.s32 $0xFFFFC000  }
0xf0: {  	[tilespmem:s16], [sflag:$0x1] =	stream.indirect.gather [hbm4b:s1+s15], $0x80, s12, s15, $0xb8;
	[tilespmem:$0x1CC80] =	vst v63  }
0xf1: {  	_ =	swait.ge [sflag:s20], $0x4000  }
0xf2: {  	[sflag:s20] =	ssyncset.done $0x0  }
0xf3: {  	s12 =	rddreg [dreg:$0xf];
	[sflag:s20] =	ssyncadd.s32 $0xFFFFC000  }
0xf4: {  	[spmem:s3] =	stream.indirect.scatter.add.f32 [tilespmem:s17], [sflag:$0x4], $0x80, s12, s15, $0xb8;
	[tilespmem:$0x1CC80] =	vst v63  }
0xf5: {  	_ =	swait.ge [sflag:s21], $0x4000  }
0xf6: {  	[sflag:s21] =	ssyncset.done $0x0  }
0xf7: {  	s12 =	rddreg [dreg:$0x10];
	[sflag:s21] =	ssyncadd.s32 $0xFFFFC000  }
0xf8: {  	[tilespmem:s17], [sflag:$0x2] =	stream.indirect.gather [hbm4b:s1+s15], $0x80, s12, s15, $0xb8;
	[tilespmem:$0x1CC80] =	vst v63  }
0xf9: {  	_ =	swait.ge [sflag:s18], $0x4000  }
0xfa: {  	[sflag:s18] =	ssyncset.done $0x0  }
0xfb: {  	s12 =	rddreg [dreg:$0x11];
	[sflag:s18] =	ssyncadd.s32 $0xFFFFC000  }
0xfc: {  	[spmem:s3] =	stream.indirect.scatter.add.f32 [tilespmem:s16], [sflag:$0x3], $0x80, s12, s15, $0xb8;
	[tilespmem:$0x1CC80] =	vst v63  }
0xfd: {  	_ =	swait.ge [sflag:s19], $0x4000  }
0xfe: {  	[sflag:s19] =	ssyncset.done $0x0  }
0xff: {  	s12 =	rddreg [dreg:$0x12];
	[sflag:s19] =	ssyncadd.s32 $0xFFFFC000  }
0x100: {  	[tilespmem:s16], [sflag:$0x1] =	stream.indirect.gather [hbm4b:s1+s15], $0x80, s12, s15, $0xb8;
	[tilespmem:$0x1CC80] =	vst v63  }
0x101: {  	_ =	swait.ge [sflag:s20], $0x4000  }
0x102: {  	[sflag:s20] =	ssyncset.done $0x0  }
0x103: {  	s12 =	rddreg [dreg:$0x13];
	[sflag:s20] =	ssyncadd.s32 $0xFFFFC000  }
0x104: {  	[spmem:s3] =	stream.indirect.scatter.add.f32 [tilespmem:s17], [sflag:$0x4], $0x80, s12, s15, $0xb8;
	[tilespmem:$0x1CC80] =	vst v63  }
0x105: {  	_ =	swait.ge [sflag:s21], $0x4000  }
0x106: {  	[sflag:s21] =	ssyncset.done $0x0  }
0x107: {  	[sflag:s21] =	ssyncadd.s32 $0xFFFFC000  }
0x108: {  	[tilespmem:s17], [sflag:$0x2] =	stream.indirect.gather [hbm4b:s1+s15], $0x80, s22, s15, $0xb8;
	[tilespmem:$0x1CC80] =	vst v63  }
0x109: {  	_ =	swait.ge [sflag:s18], $0x4000  }
0x10a: {  	[sflag:s18] =	ssyncset.done $0x0  }
0x10b: {  	[sflag:s18] =	ssyncadd.s32 $0xFFFFC000  }
0x10c: {  	[spmem:s3] =	stream.indirect.scatter.add.f32 [tilespmem:s16], [sflag:$0x3], $0x80, s23, s15, $0xb8;
	[tilespmem:$0x1CC80] =	vst v63  }
0x10d: {  	_ =	swait.ge [sflag:s19], $0x4000  }
0x10e: {  	[sflag:s19] =	ssyncset.done $0x0  }
0x10f: {  	[sflag:s19] =	ssyncadd.s32 $0xFFFFC000  }
0x110: {  	[tilespmem:s16], [sflag:$0x1] =	stream.indirect.gather [hbm4b:s1+s15], $0x80, s24, s15, $0xb8;
	[tilespmem:$0x1CC80] =	vst v63  }
0x111: {  	_ =	swait.ge [sflag:s20], $0x4000  }
0x112: {  	[sflag:s20] =	ssyncset.done $0x0  }
0x113: {  	[sflag:s20] =	ssyncadd.s32 $0xFFFFC000  }
0x114: {  	[spmem:s3] =	stream.indirect.scatter.add.f32 [tilespmem:s17], [sflag:$0x4], $0x80, s25, s15, $0xb8;
	[tilespmem:$0x1CC80] =	vst v63  }
0x115: {  	_ =	swait.ge [sflag:s21], $0x4000  }
0x116: {  	[sflag:s21] =	ssyncset.done $0x0  }
0x117: {  	[sflag:s21] =	ssyncadd.s32 $0xFFFFC000  }
0x118: {  	[tilespmem:s17], [sflag:$0x2] =	stream.indirect.gather [hbm4b:s1+s15], $0x80, s26, s15, $0xb8;
	[tilespmem:$0x1CC80] =	vst v63  }
0x119: {  	_ =	swait.ge [sflag:s18], $0x4000  }
0x11a: {  	[sflag:s18] =	ssyncset.done $0x0  }
0x11b: {  	[sflag:s18] =	ssyncadd.s32 $0xFFFFC000  }
0x11c: {  	[spmem:s3] =	stream.indirect.scatter.add.f32 [tilespmem:s16], [sflag:$0x3], $0x80, s28, s15, $0xb8;
	[tilespmem:$0x1CC80] =	vst v63  }
0x11d: {  	_ =	swait.ge [sflag:s19], $0x4000  }
0x11e: {  	[sflag:s19] =	ssyncset.done $0x0  }
0x11f: {  	[sflag:s19] =	ssyncadd.s32 $0xFFFFC000  }
0x120: {  	[tilespmem:s16], [sflag:$0x1] =	stream.indirect.gather [hbm4b:s1+s15], $0x80, s29, s15, $0xb8;
	[tilespmem:$0x1CC80] =	vst v63  }
0x121: {  	_ =	swait.ge [sflag:s20], $0x4000  }
0x122: {  	[sflag:s20] =	ssyncset.done $0x0  }
0x123: {  	[sflag:s20] =	ssyncadd.s32 $0xFFFFC000  }
0x124: {  	[spmem:s3] =	stream.indirect.scatter.add.f32 [tilespmem:s17], [sflag:$0x4], $0x80, s30, s15, $0xb8;
	[tilespmem:$0x1CC80] =	vst v63  }
0x125: {  	_ =	swait.ge [sflag:s21], $0x4000  }
0x126: {  	[sflag:s21] =	ssyncset.done $0x0  }
0x127: {  	[sflag:s21] =	ssyncadd.s32 $0xFFFFC000  }
0x128: {  	[tilespmem:s17], [sflag:$0x2] =	stream.indirect.gather [hbm4b:s1+s15], $0x80, s31, s15, $0xb8;
	[tilespmem:$0x1CC80] =	vst v63  }
0x129: {  	_ =	swait.ge [sflag:s18], $0x4000  }
0x12a: {  	[sflag:s18] =	ssyncset.done $0x0  }
0x12b: {  	[sflag:s18] =	ssyncadd.s32 $0xFFFFC000  }
0x12c: {  	[spmem:s3] =	stream.indirect.scatter.add.f32 [tilespmem:s16], [sflag:$0x3], $0x80, s0, s15, $0xb8;
	[tilespmem:$0x1CC80] =	vst v63  }
0x12d: {  	_ =	swait.ge [sflag:s19], $0x4000  }
0x12e: {  	[sflag:s19] =	ssyncset.done $0x0  }
0x12f: {  	[sflag:s19] =	ssyncadd.s32 $0xFFFFC000  }
0x130: {  	[tilespmem:s16], [sflag:$0x1] =	stream.indirect.gather [hbm4b:s1+s15], $0x80, s2, s15, $0xb8;
	[tilespmem:$0x1CC80] =	vst v63  }
0x131: {  	_ =	swait.ge [sflag:s20], $0x4000  }
0x132: {  	[sflag:s20] =	ssyncset.done $0x0  }
0x133: {  	[sflag:s20] =	ssyncadd.s32 $0xFFFFC000  }
0x134: {  	[spmem:s3] =	stream.indirect.scatter.add.f32 [tilespmem:s17], [sflag:$0x4], $0x80, s5, s15, $0xb8;
	[tilespmem:$0x1CC80] =	vst v63  }
0x135: {  	_ =	swait.ge [sflag:s21], $0x4000  }
0x136: {  	[sflag:s21] =	ssyncset.done $0x0  }
0x137: {  	[sflag:s21] =	ssyncadd.s32 $0xFFFFC000  }
0x138: {  	[tilespmem:s17], [sflag:$0x2] =	stream.indirect.gather [hbm4b:s1+s15], $0x80, s6, s15, $0xb8;
	[tilespmem:$0x1CC80] =	vst v63  }
0x139: {  	_ =	swait.ge [sflag:s18], $0x4000  }
0x13a: {  	[sflag:s18] =	ssyncset.done $0x0  }
0x13b: {  	[sflag:s18] =	ssyncadd.s32 $0xFFFFC000  }
0x13c: {  	[spmem:s3] =	stream.indirect.scatter.add.f32 [tilespmem:s16], [sflag:$0x3], $0x80, s7, s15, $0xb8;
	[tilespmem:$0x1CC80] =	vst v63  }
0x13d: {  	_ =	swait.ge [sflag:s19], $0x4000  }
0x13e: {  	[sflag:s19] =	ssyncset.done $0x0  }
0x13f: {  	[sflag:s19] =	ssyncadd.s32 $0xFFFFC000  }
0x140: {  	p1 =	sne.s32 s11, $0x400;
	_ =	swait.ge [sflag:s20], $0x4000  }
.Ltmp0:
0x141: {  	[sflag:s20] =	ssyncset.done $0x0;
	(pc) =	sbr.rel @p1 .LBB2_2-.Ltmp0, $4  }
0x142: {  	[sflag:s20] =	ssyncadd.s32 $0xFFFFC000  }
0x143: {  	[spmem:s3] =	stream.indirect.scatter.add.f32 [tilespmem:s17], [sflag:$0x4], $0x80, s8, s15, $0xb8;
	[tilespmem:$0x1CC80] =	vst v63  }
0x144: {  	s9 =	smov.u32 s11;
	s11 =	sadd.s32 $0x100, s11;
	_ =	swait.ge [sflag:s21], $0x4000  }
0x145: {  	s10 =	smov.u32 s9;
	s12 =	rddreg [dreg:$0x4];
	[sflag:s21] =	ssyncset.done $0x0  }
0x146: {  	[sflag:s21] =	ssyncadd.s32 $0xFFFFC000;
	s9 =	sadd.s32 s10, s12  }
0x147: {  	[tilespmem:s4], [sflag:$0x5] =	stream.linear.gather [hbm4b:s9+s4], $0x800, $0x38;
	[tilespmem:$0x1CC80] =	vst v63  }
0x148: {  	_ =	swait.ge [sflag:s13], $0x800  }
0x149: {  	s12 =	rddreg [dreg:$0x5];
	[sflag:s13] =	ssyncset.done $0x0  }
0x14a: {  	s9 =	sadd.s32 s10, s12;
	[sflag:s13] =	ssyncadd.s32 $0xFFFFF800  }
0x14b: {  	[tilespmem:s14], [sflag:$0x5] =	stream.linear.gather [hbm4b:s9+s4], $0x800, $0x38;
	[tilespmem:$0x1CC80] =	vst v63  }
0x14c: {  	_ =	swait.ge [sflag:s13], $0x800  }
0x14d: {  	[sflag:s13] =	ssyncset.done $0x0  }
0x14e: {  	[sflag:s13] =	ssyncadd.s32 $0xFFFFF800  }
0x14f: {  	[tilespmem:s16], [sflag:$0x1] =	stream.indirect.gather [hbm4b:s1+s15], $0x80, s4, s15, $0xb8;
	[tilespmem:$0x1CC80] =	vst v63  }
0x150: {  	_ = 	snop  }
0x151: {  	[tilespmem:s17], [sflag:$0x2] =	stream.indirect.gather [hbm4b:s1+s15], $0x80, s15, s15, $0xb8;
	[tilespmem:$0x1CC80] =	vst v63  }
0x152: {  	_ =	swait.ge [sflag:s18], $0x4000  }
0x153: {  	[sflag:s18] =	ssyncset.done $0x0  }
0x154: {  	[sflag:s18] =	ssyncadd.s32 $0xFFFFC000  }
0x155: {  	[spmem:s3] =	stream.indirect.scatter.add.f32 [tilespmem:s16], [sflag:$0x3], $0x80, s14, s15, $0xb8;
	[tilespmem:$0x1CC80] =	vst v63  }
0x156: {  	_ =	swait.ge [sflag:s19], $0x4000  }
0x157: {  	[sflag:s19] =	ssyncset.done $0x0  }
0x158: {  	s10 =	rddreg [dreg:$0x6];
	[sflag:s19] =	ssyncadd.s32 $0xFFFFC000  }
0x159: {  	[tilespmem:s16], [sflag:$0x1] =	stream.indirect.gather [hbm4b:s1+s15], $0x80, s10, s15, $0xb8;
	[tilespmem:$0x1CC80] =	vst v63  }
0x15a: {  	_ =	swait.ge [sflag:s20], $0x4000  }
0x15b: {  	[sflag:s20] =	ssyncset.done $0x0  }
0x15c: {  	s11 =	rddreg [dreg:$0x7];
	[sflag:s20] =	ssyncadd.s32 $0xFFFFC000  }
0x15d: {  	[spmem:s3] =	stream.indirect.scatter.add.f32 [tilespmem:s17], [sflag:$0x4], $0x80, s11, s15, $0xb8;
	[tilespmem:$0x1CC80] =	vst v63  }
0x15e: {  	_ =	swait.ge [sflag:s21], $0x4000  }
0x15f: {  	[sflag:s21] =	ssyncset.done $0x0  }
0x160: {  	s12 =	rddreg [dreg:$0x8];
	[sflag:s21] =	ssyncadd.s32 $0xFFFFC000  }
0x161: {  	[tilespmem:s17], [sflag:$0x2] =	stream.indirect.gather [hbm4b:s1+s15], $0x80, s12, s15, $0xb8;
	[tilespmem:$0x1CC80] =	vst v63  }
0x162: {  	_ =	swait.ge [sflag:s18], $0x4000  }
0x163: {  	[sflag:s18] =	ssyncset.done $0x0  }
0x164: {  	s10 =	rddreg [dreg:$0x9];
	[sflag:s18] =	ssyncadd.s32 $0xFFFFC000  }
0x165: {  	[spmem:s3] =	stream.indirect.scatter.add.f32 [tilespmem:s16], [sflag:$0x3], $0x80, s10, s15, $0xb8;
	[tilespmem:$0x1CC80] =	vst v63  }
0x166: {  	_ =	swait.ge [sflag:s19], $0x4000  }
0x167: {  	[sflag:s19] =	ssyncset.done $0x0  }
0x168: {  	s11 =	rddreg [dreg:$0xa];
	[sflag:s19] =	ssyncadd.s32 $0xFFFFC000  }
0x169: {  	[tilespmem:s16], [sflag:$0x1] =	stream.indirect.gather [hbm4b:s1+s15], $0x80, s11, s15, $0xb8;
	[tilespmem:$0x1CC80] =	vst v63  }
0x16a: {  	_ =	swait.ge [sflag:s20], $0x4000  }
0x16b: {  	[sflag:s20] =	ssyncset.done $0x0  }
0x16c: {  	s12 =	rddreg [dreg:$0xb];
	[sflag:s20] =	ssyncadd.s32 $0xFFFFC000  }
0x16d: {  	[spmem:s3] =	stream.indirect.scatter.add.f32 [tilespmem:s17], [sflag:$0x4], $0x80, s12, s15, $0xb8;
	[tilespmem:$0x1CC80] =	vst v63  }
0x16e: {  	_ =	swait.ge [sflag:s21], $0x4000  }
0x16f: {  	[sflag:s21] =	ssyncset.done $0x0  }
0x170: {  	s10 =	rddreg [dreg:$0xc];
	[sflag:s21] =	ssyncadd.s32 $0xFFFFC000  }
0x171: {  	[tilespmem:s17], [sflag:$0x2] =	stream.indirect.gather [hbm4b:s1+s15], $0x80, s10, s15, $0xb8;
	[tilespmem:$0x1CC80] =	vst v63  }
0x172: {  	_ =	swait.ge [sflag:s18], $0x4000  }
0x173: {  	[sflag:s18] =	ssyncset.done $0x0  }
0x174: {  	s11 =	rddreg [dreg:$0xd];
	[sflag:s18] =	ssyncadd.s32 $0xFFFFC000  }
0x175: {  	[spmem:s3] =	stream.indirect.scatter.add.f32 [tilespmem:s16], [sflag:$0x3], $0x80, s11, s15, $0xb8;
	[tilespmem:$0x1CC80] =	vst v63  }
0x176: {  	_ =	swait.ge [sflag:s19], $0x4000  }
0x177: {  	[sflag:s19] =	ssyncset.done $0x0  }
0x178: {  	s12 =	rddreg [dreg:$0xe];
	[sflag:s19] =	ssyncadd.s32 $0xFFFFC000  }
0x179: {  	[tilespmem:s16], [sflag:$0x1] =	stream.indirect.gather [hbm4b:s1+s15], $0x80, s12, s15, $0xb8;
	[tilespmem:$0x1CC80] =	vst v63  }
0x17a: {  	_ =	swait.ge [sflag:s20], $0x4000  }
0x17b: {  	[sflag:s20] =	ssyncset.done $0x0  }
0x17c: {  	s10 =	rddreg [dreg:$0xf];
	[sflag:s20] =	ssyncadd.s32 $0xFFFFC000  }
0x17d: {  	[spmem:s3] =	stream.indirect.scatter.add.f32 [tilespmem:s17], [sflag:$0x4], $0x80, s10, s15, $0xb8;
	[tilespmem:$0x1CC80] =	vst v63  }
0x17e: {  	_ =	swait.ge [sflag:s21], $0x4000  }
0x17f: {  	[sflag:s21] =	ssyncset.done $0x0  }
0x180: {  	s11 =	rddreg [dreg:$0x10];
	[sflag:s21] =	ssyncadd.s32 $0xFFFFC000  }
0x181: {  	[tilespmem:s17], [sflag:$0x2] =	stream.indirect.gather [hbm4b:s1+s15], $0x80, s11, s15, $0xb8;
	[tilespmem:$0x1CC80] =	vst v63  }
0x182: {  	_ =	swait.ge [sflag:s18], $0x4000  }
0x183: {  	[sflag:s18] =	ssyncset.done $0x0  }
0x184: {  	s12 =	rddreg [dreg:$0x11];
	[sflag:s18] =	ssyncadd.s32 $0xFFFFC000  }
0x185: {  	[spmem:s3] =	stream.indirect.scatter.add.f32 [tilespmem:s16], [sflag:$0x3], $0x80, s12, s15, $0xb8;
	[tilespmem:$0x1CC80] =	vst v63  }
0x186: {  	_ =	swait.ge [sflag:s19], $0x4000  }
0x187: {  	[sflag:s19] =	ssyncset.done $0x0  }
0x188: {  	s10 =	rddreg [dreg:$0x12];
	[sflag:s19] =	ssyncadd.s32 $0xFFFFC000  }
0x189: {  	[tilespmem:s16], [sflag:$0x1] =	stream.indirect.gather [hbm4b:s1+s15], $0x80, s10, s15, $0xb8;
	[tilespmem:$0x1CC80] =	vst v63  }
0x18a: {  	_ =	swait.ge [sflag:s20], $0x4000  }
0x18b: {  	[sflag:s20] =	ssyncset.done $0x0  }
0x18c: {  	s11 =	rddreg [dreg:$0x13];
	[sflag:s20] =	ssyncadd.s32 $0xFFFFC000  }
0x18d: {  	[spmem:s3] =	stream.indirect.scatter.add.f32 [tilespmem:s17], [sflag:$0x4], $0x80, s11, s15, $0xb8;
	[tilespmem:$0x1CC80] =	vst v63  }
0x18e: {  	_ =	swait.ge [sflag:s21], $0x4000  }
0x18f: {  	[sflag:s21] =	ssyncset.done $0x0  }
0x190: {  	[sflag:s21] =	ssyncadd.s32 $0xFFFFC000  }
0x191: {  	[tilespmem:s17], [sflag:$0x2] =	stream.indirect.gather [hbm4b:s1+s15], $0x80, s22, s15, $0xb8;
	[tilespmem:$0x1CC80] =	vst v63  }
0x192: {  	_ =	swait.ge [sflag:s18], $0x4000  }
0x193: {  	[sflag:s18] =	ssyncset.done $0x0  }
0x194: {  	[sflag:s18] =	ssyncadd.s32 $0xFFFFC000  }
0x195: {  	[spmem:s3] =	stream.indirect.scatter.add.f32 [tilespmem:s16], [sflag:$0x3], $0x80, s23, s15, $0xb8;
	[tilespmem:$0x1CC80] =	vst v63  }
0x196: {  	_ =	swait.ge [sflag:s19], $0x4000  }
0x197: {  	[sflag:s19] =	ssyncset.done $0x0  }
0x198: {  	[sflag:s19] =	ssyncadd.s32 $0xFFFFC000  }
0x199: {  	[tilespmem:s16], [sflag:$0x1] =	stream.indirect.gather [hbm4b:s1+s15], $0x80, s24, s15, $0xb8;
	[tilespmem:$0x1CC80] =	vst v63  }
0x19a: {  	_ =	swait.ge [sflag:s20], $0x4000  }
0x19b: {  	[sflag:s20] =	ssyncset.done $0x0  }
0x19c: {  	[sflag:s20] =	ssyncadd.s32 $0xFFFFC000  }
0x19d: {  	[spmem:s3] =	stream.indirect.scatter.add.f32 [tilespmem:s17], [sflag:$0x4], $0x80, s25, s15, $0xb8;
	[tilespmem:$0x1CC80] =	vst v63  }
0x19e: {  	_ =	swait.ge [sflag:s21], $0x4000  }
0x19f: {  	[sflag:s21] =	ssyncset.done $0x0  }
0x1a0: {  	[sflag:s21] =	ssyncadd.s32 $0xFFFFC000  }
0x1a1: {  	[tilespmem:s17], [sflag:$0x2] =	stream.indirect.gather [hbm4b:s1+s15], $0x80, s26, s15, $0xb8;
	[tilespmem:$0x1CC80] =	vst v63  }
0x1a2: {  	_ =	swait.ge [sflag:s18], $0x4000  }
0x1a3: {  	[sflag:s18] =	ssyncset.done $0x0  }
0x1a4: {  	[sflag:s18] =	ssyncadd.s32 $0xFFFFC000  }
0x1a5: {  	[spmem:s3] =	stream.indirect.scatter.add.f32 [tilespmem:s16], [sflag:$0x3], $0x80, s28, s15, $0xb8;
	[tilespmem:$0x1CC80] =	vst v63  }
0x1a6: {  	_ =	swait.ge [sflag:s19], $0x4000  }
0x1a7: {  	[sflag:s19] =	ssyncset.done $0x0  }
0x1a8: {  	[sflag:s19] =	ssyncadd.s32 $0xFFFFC000  }
0x1a9: {  	[tilespmem:s16], [sflag:$0x1] =	stream.indirect.gather [hbm4b:s1+s15], $0x80, s29, s15, $0xb8;
	[tilespmem:$0x1CC80] =	vst v63  }
0x1aa: {  	_ =	swait.ge [sflag:s20], $0x4000  }
0x1ab: {  	[sflag:s20] =	ssyncset.done $0x0  }
0x1ac: {  	[sflag:s20] =	ssyncadd.s32 $0xFFFFC000  }
0x1ad: {  	[spmem:s3] =	stream.indirect.scatter.add.f32 [tilespmem:s17], [sflag:$0x4], $0x80, s30, s15, $0xb8;
	[tilespmem:$0x1CC80] =	vst v63  }
0x1ae: {  	_ =	swait.ge [sflag:s21], $0x4000  }
0x1af: {  	[sflag:s21] =	ssyncset.done $0x0  }
0x1b0: {  	[sflag:s21] =	ssyncadd.s32 $0xFFFFC000  }
0x1b1: {  	[tilespmem:s17], [sflag:$0x2] =	stream.indirect.gather [hbm4b:s1+s15], $0x80, s31, s15, $0xb8;
	[tilespmem:$0x1CC80] =	vst v63  }
0x1b2: {  	_ =	swait.ge [sflag:s18], $0x4000  }
0x1b3: {  	[sflag:s18] =	ssyncset.done $0x0  }
0x1b4: {  	[sflag:s18] =	ssyncadd.s32 $0xFFFFC000  }
0x1b5: {  	[spmem:s3] =	stream.indirect.scatter.add.f32 [tilespmem:s16], [sflag:$0x3], $0x80, s0, s15, $0xb8;
	[tilespmem:$0x1CC80] =	vst v63  }
0x1b6: {  	_ =	swait.ge [sflag:s19], $0x4000  }
0x1b7: {  	[sflag:s19] =	ssyncset.done $0x0  }
0x1b8: {  	[sflag:s19] =	ssyncadd.s32 $0xFFFFC000  }
0x1b9: {  	[tilespmem:s16], [sflag:$0x1] =	stream.indirect.gather [hbm4b:s1+s15], $0x80, s2, s15, $0xb8;
	[tilespmem:$0x1CC80] =	vst v63  }
0x1ba: {  	_ =	swait.ge [sflag:s20], $0x4000  }
0x1bb: {  	[sflag:s20] =	ssyncset.done $0x0  }
0x1bc: {  	[sflag:s20] =	ssyncadd.s32 $0xFFFFC000  }
0x1bd: {  	[spmem:s3] =	stream.indirect.scatter.add.f32 [tilespmem:s17], [sflag:$0x4], $0x80, s5, s15, $0xb8;
	[tilespmem:$0x1CC80] =	vst v63  }
0x1be: {  	_ =	swait.ge [sflag:s21], $0x4000  }
0x1bf: {  	[sflag:s21] =	ssyncset.done $0x0  }
0x1c0: {  	[sflag:s21] =	ssyncadd.s32 $0xFFFFC000  }
0x1c1: {  	[tilespmem:s17], [sflag:$0x2] =	stream.indirect.gather [hbm4b:s1+s15], $0x80, s6, s15, $0xb8;
	[tilespmem:$0x1CC80] =	vst v63  }
0x1c2: {  	_ =	swait.ge [sflag:s18], $0x4000  }
0x1c3: {  	[sflag:s18] =	ssyncset.done $0x0  }
0x1c4: {  	[sflag:s18] =	ssyncadd.s32 $0xFFFFC000  }
0x1c5: {  	[spmem:s3] =	stream.indirect.scatter.add.f32 [tilespmem:s16], [sflag:$0x3], $0x80, s7, s15, $0xb8;
	[tilespmem:$0x1CC80] =	vst v63  }
0x1c6: {  	_ =	swait.ge [sflag:s19], $0x4000  }
0x1c7: {  	[sflag:s19] =	ssyncset.done $0x0  }
0x1c8: {  	[sflag:s19] =	ssyncadd.s32 $0xFFFFC000  }
0x1c9: {  	_ =	swait.ge [sflag:s20], $0x4000  }
0x1ca: {  	[sflag:s20] =	ssyncset.done $0x0  }
0x1cb: {  	[sflag:s20] =	ssyncadd.s32 $0xFFFFC000  }
0x1cc: {  	[spmem:s3] =	stream.indirect.scatter.add.f32 [tilespmem:s17], [sflag:$0x4], $0x80, s8, s15, $0xb8;
	[tilespmem:$0x1CC80] =	vst v63  }
0x1cd: {  	_ =	swait.ge [sflag:s21], $0x4000  }
0x1ce: {  	[sflag:s21] =	ssyncset.done $0x0  }
0x1cf: {  	[sflag:s21] =	ssyncadd.s32 $0xFFFFC000  }
0x1d0: {  	[bflag:$0x0] =	sbarrier.arrive $0xFFFF  }
0x1d1: {  	s10 =	rddreg [dreg:$0x17]  }
0x1d2: {  	s9 =	simm.s32 @p0 $0x1FC5;
	s11 =	rddreg [dreg:$0x19]  }
0x1d3: {  	[hbm:s10], [sflag:s9] =	dma.local @p0 [spmem:s11], $0x2800  }
0x1d4: {  	s9 =	simm.s32 @p0 $0x5  }
0x1d5: {  	_ =	swait.ge @p0 [sflag:s9], $0x2800  }
0x1d6: {  	s12 =	rddreg [dreg:$0x1a]  }
0x1d7: {  	[sflag:s9] =	ssyncset.done @p0 $0x0;
	s11 =	rddreg [dreg:$0x1b]  }
0x1d8: {  	s10 =	simm.s32 @!p0 $0x5;
	[sflag:s9] =	ssyncadd.s32 @p0 $0xFFFFD800;
	s9 =	rddreg [dreg:$0x16]  }
0x1d9: {  	[hbm:s9], [sflag:s12] =	dma.local @!p0 [spmem:s11], $0x2700  }
0x1da: {  	_ =	swait.ge @!p0 [sflag:s10], $0x2700  }
0x1db: {  	s12 =	rddreg [dreg:$0x1c]  }
0x1dc: {  	s9 =	sadd.s32 $0x1, s12;
	s12 =	rddreg [dreg:$0x18]  }
0x1dd: {  	p1 =	sne.s32 s9, s12  }
.Ltmp1:
0x1de: {  	_ = 	snop;
	(pc) =	sbr.rel @p1 .LBB2_1-.Ltmp1, $3  }
0x1df: {  	_ =	sdelay $0x1  }
0x1e0: {  	[sflag:s10] =	ssyncset.done @!p0 $0x0;
	[dreg:$0x1c] =	wrdreg s9;
	s9 =	simm.s32 @!p0 $0x5  }
0x1e1: {  	[sflag:s9] =	ssyncadd.s32 @!p0 $0xFFFFD900  }
0x1e2: {  	_ =	sfence.sel $0x180000  }
0x1e3: {  	[bflag:$0x0] =	sbarrier.arrive $0xFFFF  }
0x1e4: {  	_ =	strace $0x9000004D  }
0x1e5: {  	s0 =	stileid.u32;
	[bflag:$0x2] =	sbarrier.arrive $0xFFFF  }
0x1e6: {  	p0 =	sne.s32 s0, $0x0;
	s0 =	rddreg [dreg:$0x3]  }
0x1e7: {  	s0 =	sadd.s32 @!p0 $0x100000, s0  }
0x1e8: {  	[sflag:s0] =	ssyncadd.tile.s32 @!p0 $0x1;
	_ =	shalt  }
.Lfunc_end2:
_tile_overlayer_lowered:
.L_overlay_start_2:
0x1e9: {  	(tag) =	ssettag $0x2  }
0x1ea: {  	s0 =	rddreg [dreg:$0x0];
	s2 =	stileid.u32  }
0x1eb: {  	s1 =	rddreg [dreg:$0x1];
	p0 =	sne.s32 s2, $0x0  }
0x1ec: {  	s3 =	rddreg [dreg:$0x2];
	[bflag:$0x3] =	sbarrier.arrive $0xFFFF;
	s2 =	simm.s32 @!p0 $0x1C05  }
0x1ed: {  	[timem:s3], [sflag:s2] =	dma.local @!p0 [hbm:s0], s1  }
0x1ee: {  	s0 =	simm.s32 @!p0 $0x5  }
0x1ef: {  	_ =	swait.ge @!p0 [sflag:s0], s1  }
0x1f0: {  	s1 =	ssub.s32 @!p0 $0x0, s1;
	[sflag:s0] =	ssyncset.done @!p0 $0x0  }
0x1f1: {  	[sflag:s0] =	ssyncadd.s32 @!p0 s1  }
0x1f2: {  	[bflag:$0x3] =	sbarrier.arrive $0xFFFF  }
0x1f3: {  	_ =	shalt  }

// kernel: kernel.7.cloned.1.call-start
scs
__scs_entry_jumppad:
0x0: {  	(pc) =	sbr.rel $0x88, $3  }
0x1: {  	(tag) =	ssettag $0x0;
	lr =	simm.s32 $0x1  }
0x2: {  	[smem:$0x3F95] =	sst lr;
	_ =	strace $0xD0000000  }
0x3: {  	_ = 	snop  }
0x4: {  	_ = 	snop  }
0x5: {  	_ = 	snop  }
0x6: {  	_ = 	snop  }
0x7: {  	_ = 	snop  }
__scs_overlays_trampoline_lowered:
0x8: {  	[smem:$0x3FA4] =	sst s0  }
0x9: {  	[smem:$0x3FA5] =	sst s1  }
0xa: {  	[smem:$0x3FA6] =	sst s2  }
0xb: {  	[smem:$0x3FA7] =	sst s3  }
0xc: {  	[smem:$0x3FA8] =	sst s4  }
0xd: {  	[smem:$0x3FA9] =	sst s5  }
0xe: {  	[smem:$0x3FAA] =	sst s6  }
0xf: {  	[smem:$0x3FAB] =	sst s7  }
0x10: {  	[smem:$0x3FAC] =	sst s8  }
0x11: {  	[smem:$0x3FAD] =	sst s9;
	s0 =	simm.s32 @!p0 $0x0  }
0x12: {  	s1 =	sld [smem:$0x3F93];
	s0 =	simm.s32 @p0 $0x1  }
0x13: {  	[smem:$0x3FAE] =	sst s0;
	s0 =	simm.s32 @!p1 $0x0  }
0x14: {  	s2 =	sld [smem:$0x3F92];
	s0 =	simm.s32 @p1 $0x1  }
0x15: {  	[smem:$0x3FAF] =	sst s0;
	s0 =	simm.s32 @!p2 $0x0  }
0x16: {  	s3 =	sld [smem:$0x3FDB];
	s0 =	simm.s32 @p2 $0x1  }
0x17: {  	s4 =	simm.s32 $0x1BF5;
	[smem:$0x3FB1] =	sst s0  }
0x18: {  	s0 =	sld [smem:$0x3F94];
	_ =	swait.ge [sflag:s4], $0x0  }
0x19: {  	s7 =	sld [smem:$0x3F95]  }
0x1a: {  	s8 =	sadd.s32 $0xFFFFE003, lr  }
0x1b: {  	s9 =	sadd.s32 $0xFFFFFEF7, lr;
	s5 =	simm.s32 $0xFFFFFFFF;
	p2 =	slt.u32 s8, $0xFFFFF086  }
0x1c: {  	p1 =	slt.u32 s9, $0xF7A;
	s5 =	simm.s32 @!p2 $0x0  }
0x1d: {  	s5 =	simm.s32 @p1 $0x1;
	p0 =	seq.s32 s7, s2  }
0x1e: {  	s7 =	smul.u32 @!p0 $0xF7A, s2;
	p2 =	seq.s32 @!p0 s5, $0x0  }
0x1f: {  	s9 =	smul.u32 $0xF7A, s1;
	s8 =	simm.s32 @!p0 $0x1BF5;
	p2 =	por !p2, p0  }
0x20: {  	[sflag:s8] =	ssyncset.s32 @!p0 $0xFFFFF086;
	s6 =	sadd.s32 @!p0 s3, s7;
	s7 =	simm.s32 @!p0 $0x108  }
0x21: {  	s3 =	sadd.s32 s3, s9;
	s6 =	sadd.s32 @!p0 $0x88, s6;
	s7 =	simm.s32 @p2 $0x1082  }
0x22: {  	[simem:s7], [sflag:s8] =	dma.local @!p0 [hbm:s6], $0xF7A  }
0x23: {  	s9 =	sor.u32 $0xD0000000, s2;
	s6 =	simm.s32 $0x108;
	_ =	swait.ge @!p0 [sflag:s8], $0x0  }
0x24: {  	s3 =	sadd.s32 $0x88, s3;
	s6 =	simm.s32 @!p1 $0x1082;
	[sflag:s4] =	ssyncset.s32 $0xFFFFF086  }
0x25: {  	[simem:s6], [sflag:s4] =	dma.local [hbm:s3], $0xF7A  }
0x26: {  	[smem:$0x3F95] =	sst s1;
	(tag) =	ssettag s2;
	_ =	strace s9  }
0x27: {  	s1 =	sld [smem:$0x3FA5]  }
0x28: {  	s2 =	sld [smem:$0x3FA6]  }
0x29: {  	s4 =	sld [smem:$0x3FA8]  }
0x2a: {  	p0 =	seq.s32 s5, $0x0;
	s5 =	sld [smem:$0x3FA9]  }
0x2b: {  	s6 =	sld [smem:$0x3FAA]  }
0x2c: {  	s7 =	sld [smem:$0x3FAB]  }
0x2d: {  	s3 =	simm.s32 $0x108;
	s8 =	sld [smem:$0x3FAC]  }
0x2e: {  	s3 =	simm.s32 @!p0 $0x1082;
	s9 =	sld [smem:$0x3FAD]  }
0x2f: {  	lr =	sadd.s32 s0, s3;
	s0 =	sld [smem:$0x3FA4]  }
0x30: {  	s3 =	sld [smem:$0x3FA7]  }
0x31: {  	[smem:$0x3FB0] =	sst s10  }
0x32: {  	s10 =	sld [smem:$0x3FAE];
	_ =	sdelay $0x3  }
0x33: {  	p0 =	seq.s32 s10, $0x1;
	s10 =	sld [smem:$0x3FB0];
	_ =	sdelay $0x3  }
0x34: {  	[smem:$0x3FB0] =	sst s10  }
0x35: {  	s10 =	sld [smem:$0x3FAF];
	_ =	sdelay $0x3  }
0x36: {  	p1 =	seq.s32 s10, $0x1;
	s10 =	sld [smem:$0x3FB0];
	_ =	sdelay $0x3  }
0x37: {  	[smem:$0x3FB0] =	sst s10  }
0x38: {  	s10 =	sld [smem:$0x3FB1]  }
0x39: {  	_ = 	snop;
	(pc) =	sbr.ind lr, $3  }
0x3a: {  	_ = 	snop  }
0x3b: {  	_ = 	snop  }
0x3c: {  	p2 =	seq.s32 s10, $0x1;
	s10 =	sld [smem:$0x3FB0]  }
0x3d: {  	_ =	shalt  }
0x3e: {  	_ =	shalt  }
0x3f: {  	_ =	shalt  }
0x40: {  	_ =	shalt  }
0x41: {  	_ =	shalt  }
0x42: {  	_ =	shalt  }
0x43: {  	_ =	shalt  }
0x44: {  	_ =	shalt  }
0x45: {  	_ =	shalt  }
0x46: {  	_ =	shalt  }
0x47: {  	_ =	shalt  }
0x48: {  	_ =	shalt  }
0x49: {  	_ =	shalt  }
0x4a: {  	_ =	shalt  }
0x4b: {  	_ =	shalt  }
0x4c: {  	_ =	shalt  }
0x4d: {  	_ =	shalt  }
0x4e: {  	_ =	shalt  }
0x4f: {  	_ =	shalt  }
0x50: {  	_ =	shalt  }
0x51: {  	_ =	shalt  }
0x52: {  	_ =	shalt  }
0x53: {  	_ =	shalt  }
0x54: {  	_ =	shalt  }
0x55: {  	_ =	shalt  }
0x56: {  	_ =	shalt  }
0x57: {  	_ =	shalt  }
0x58: {  	_ =	shalt  }
0x59: {  	_ =	shalt  }
0x5a: {  	_ =	shalt  }
0x5b: {  	_ =	shalt  }
0x5c: {  	_ =	shalt  }
0x5d: {  	_ =	shalt  }
0x5e: {  	_ =	shalt  }
0x5f: {  	_ =	shalt  }
0x60: {  	_ =	shalt  }
0x61: {  	_ =	shalt  }
0x62: {  	_ =	shalt  }
0x63: {  	_ =	shalt  }
0x64: {  	_ =	shalt  }
0x65: {  	_ =	shalt  }
0x66: {  	_ =	shalt  }
0x67: {  	_ =	shalt  }
0x68: {  	_ =	shalt  }
0x69: {  	_ =	shalt  }
0x6a: {  	_ =	shalt  }
0x6b: {  	_ =	shalt  }
0x6c: {  	_ =	shalt  }
0x6d: {  	_ =	shalt  }
0x6e: {  	_ =	shalt  }
0x6f: {  	_ =	shalt  }
0x70: {  	_ =	shalt  }
0x71: {  	_ =	shalt  }
0x72: {  	_ =	shalt  }
0x73: {  	_ =	shalt  }
0x74: {  	_ =	shalt  }
0x75: {  	_ =	shalt  }
0x76: {  	_ =	shalt  }
0x77: {  	_ =	shalt  }
0x78: {  	_ =	shalt  }
0x79: {  	_ =	shalt  }
0x7a: {  	_ =	shalt  }
0x7b: {  	_ =	shalt  }
0x7c: {  	_ =	shalt  }
0x7d: {  	_ =	shalt  }
0x7e: {  	_ =	shalt  }
0x7f: {  	_ =	shalt  }
0x80: {  	_ =	shalt  }
0x81: {  	_ =	shalt  }
0x82: {  	_ =	shalt  }
0x83: {  	_ =	shalt  }
0x84: {  	_ =	shalt  }
0x85: {  	_ =	shalt  }
0x86: {  	_ =	shalt  }
0x87: {  	_ =	shalt  }
.Lfunc_end0:
.L_simem_size_0:
called_computation_lowered:
.L_overlay_start_0:
0x88: {  	s2 =	sld [smem:$0x3FD9]  }
0x89: {  	s3 =	sld [smem:$0x3FFE];
	_ =	sdelay $0x1  }
0x8a: {  	s1 =	srdreg.scid  }
0x8b: {  	s0 =	sand.u32 $0x1, s1  }
0x8c: {  	s16 =	sshll.u32 s0, $0xA;
	s2 =	sadd.s32 s3, s2  }
0x8d: {  	s2 =	sadd.s32 s2, s16  }
0x8e: {  	[smem:$0x3FBC] =	sst s2  }
0x8f: {  	_ = 	snop  }
0x90: {  	(tm) =	ssettm $0x1  }
0x91: {  	s17 =	sld [smem:$0x3FFB];
	_ =	sdelay $0x3  }
0x92: {  	_ =	strace s17  }
0x93: {  	s2 =	sld [smem:$0x3FFC];
	_ =	sdelay $0x3  }
0x94: {  	_ =	strace s2  }
0x95: {  	s2 =	sld [smem:$0x3FFD];
	_ =	sdelay $0x3  }
0x96: {  	_ =	strace s2  }
0x97: {  	_ =	strace $0x8FFFFFFF  }
0x98: {  	s18 =	sld [smem:$0x3FDB];
	_ =	sdelay $0x1  }
0x99: {  	s19 =	simm.s32 $_scs_section_size  }
0x9a: {  	s4 =	simm.s32 $_size__tile_overlayer_lowered;
	s5 =	simm.s32 $_tile_overlayer_lowered  }
0x9b: {  	s22 =	simm.s32 $0x1BFF;
	s21 =	sshll.u32 s5, $0x1;
	s2 =	sadd.s32 s19, s18  }
0x9c: {  	s6 =	simm.s32 $0x0;
	s20 =	sshll.u32 s4, $0x1;
	s4 =	sadd.s32 s21, s2  }
0x9d: {  	[timem:s6], [sflag:s22] =	dma.local [hbm:s4], s20  }
0x9e: {  	_ =	swait.ge [sflag:s22], s20  }
0x9f: {  	s3 =	ssub.s32 $0x0, s20;
	[sflag:s22] =	ssyncset.done $0x0  }
0xa0: {  	[sflag:s22] =	ssyncadd.s32 s3;
	_ =	sdelay $0x1  }
0xa1: {  	s23 =	simm.s32 $0x1B8B  }
0xa2: {  	_ =	swait.ge [sflag:s23], $0x1  }
0xa3: {  	[sflag:s23] =	ssyncset.done $0x0  }
0xa4: {  	s25 =	simm.s32 $0x1B8E;
	s24 =	sld [smem:$0x3FFE];
	[sflag:s23] =	ssyncadd.s32 $0xFFFFFFFF  }
0xa5: {  	s26 =	simm.s32 $execute0_lowered;
	[smem:$0x3FD2] =	sst s25  }
0xa6: {  	s4 =	sshll.u32 s26, $0x1;
	_ =	strace $0x80000046;
	[dreg:$0x1] =	wrdreg $0xFFFFFFFF  }
0xa7: {  	s28 =	simm.s32 $_size_execute0_lowered;
	s2 =	sadd.s32 s2, s4;
	[dreg:$0x0] =	wrdreg $0x0  }
0xa8: {  	s4 =	sshll.u32 s28, $0x1;
	[dreg:$0x2] =	wrdreg s2  }
0xa9: {  	[dreg:$0x3] =	wrdreg s4  }
0xaa: {  	[dreg:$0x4] =	wrdreg $0xC0  }
0xab: {  	_ =	task [dreg:s6], $0x5FFFF  }
0xac: {  	[dreg:$0x1] =	wrdreg $0xFFFFFFFF  }
0xad: {  	[dreg:$0x0] =	wrdreg $0x60  }
0xae: {  	[dreg:$0x2] =	wrdreg s24  }
0xaf: {  	[dreg:$0x3] =	wrdreg $0x88000  }
0xb0: {  	[dreg:$0x4] =	wrdreg $0x9  }
0xb1: {  	_ =	task.clear_ibuf [dreg:s6], $0x5FFFF;
	_ =	strace $0x90000046  }
0xb2: {  	s29 =	simm.s32 $0x9;
	_ =	strace $0x80000048  }
0xb3: {  	_ =	swait.ge [sflag:s29], $0x1  }
0xb4: {  	[sflag:s29] =	ssyncadd.s32 $0xFFFFFFFF  }
0xb5: {  	_ =	strace $0x90000048  }
0xb6: {  	_ =	sfence  }
0xb7: {  	s30 =	sld [smem:$0x0];
	_ =	sdelay $0x2  }
0xb8: {  	s31 =	sshll.u32 s1, $0xD;
	s1 =	sshrl.u32 s1, $0x2  }
0xb9: {  	s3 =	sand.u32 $0x4000, s31;
	s1 =	sadd.s32 s1, s30  }
0xba: {  	s0 =	sor.u32 s3, s0;
	s1 =	sshll.u32 s1, $0x11  }
0xbb: {  	s0 =	sor.u32 s1, s0  }
0xbc: {  	s0 =	sadd.s32 $0x8F2B, s0  }
0xbd: {  	[sflag:s0] =	ssyncadd.remote.s32 $0x1  }
0xbe: {  	_ =	sfence.sel $0xFFFF  }
0xbf: {  	[dreg:$0x0] =	wrdreg $0xFFFFFFFF;
	(pc) =	sbr.abs _section_cstart, $3  }
0xc0: {  	[dreg:$0x1] =	wrdreg $0xFFFFFFFF  }
0xc1: {  	_ =	task.clear_ibuf [dreg:s6], $0x2FFFF;
	_ =	strace $0x9FFFFFFF  }
0xc2: {  	(tm) =	ssettm $0x7FFFFFFF  }
0xc3: {  	_ =	shalt  }
tec
execute0_lowered:
.L_overlay_start_1:
0x0: {  	(tag) =	ssettag $0x1  }
0x1: {  	s0 =	srdreg.scid  }
0x2: {  	s10 =	stileid.u32;
	s4 =	rddreg [dreg:$0x0]  }
0x3: {  	s2 =	rddreg [dreg:$0x1];
	s3 =	simm.s32 $0x0;
	s28 =	simm.s32 $0x400  }
0x4: {  	s29 =	simm.s32 $0x480;
	s30 =	simm.s32 $0x500;
	s5 =	smul.u32 $0x2800, s10  }
0x5: {  	s31 =	simm.s32 $0x580;
	[smem:$0x7FF] =	sst s3;
	s19 =	smul.u32 $0x4E000, s10  }
0x6: {  	s7 =	sadd.s32 $0x17000, s4;
	s23 =	smul.u32 $0x13800, s10;
	s9 =	sadd.s32 $0x124800, s2  }
0x7: {  	s18 =	simm.s32 $0x1;
	s24 =	sadd.s32 $0x128800, s2;
	s25 =	sadd.s32 $0x12C800, s2  }
0x8: {  	s0 =	sand.u32 $0x1, s0;
	s26 =	sadd.s32 $0x130800, s2;
	s13 =	sadd.s32 $0x134800, s2  }
0x9: {  	s1 =	smul.u32 $0x28000, s0;
	_ =	strace $0x80000047;
	[dreg:$0x7] =	wrdreg s24  }
0xa: {  	p0 =	seq.s32 s10, $0xF;
	s6 =	ssub.s32 $0x2, s0;
	[dreg:$0x8] =	wrdreg s25  }
0xb: {  	s0 =	smul.u32 $0x138800, s0;
	[dreg:$0x9] =	wrdreg s26;
	s1 =	sadd.s32 s5, s1  }
0xc: {  	s24 =	simm.s32 $0x280;
	s25 =	simm.s32 $0x300;
	s1 =	sadd.s32 $0x50000, s1  }
0xd: {  	s26 =	simm.s32 $0x380;
	s5 =	sshrl.u32 s19, $0x2;
	s1 =	sshrl.u32 s1, $0x3  }
0xe: {  	s8 =	sshrl.u32 s6, $0x1;
	s1 =	sadd.s32 s1, s4;
	s4 =	sadd.s32 s5, s2  }
0xf: {  	s6 =	ssub.s32 s6, s8;
	s19 =	simm.s32 $0x80;
	s5 =	sadd.s32 $0x4000, s4  }
0x10: {  	s16 =	smax.u32 s6, $0x1;
	s20 =	sadd.s32 $0x8000, s4;
	[dreg:$0x3] =	wrdreg s5  }
0x11: {  	s6 =	simm.s32 $0x780;
	s21 =	sadd.s32 $0xC000, s4;
	[dreg:$0x4] =	wrdreg s20  }
0x12: {  	s22 =	sadd.s32 $0x10000, s4;
	s17 =	sadd.s32 $0x3000, s1;
	[dreg:$0x5] =	wrdreg s21  }
0x13: {  	s1 =	simm.s32 $0x600;
	[dreg:$0x6] =	wrdreg s22;
	s5 =	sadd.s32 s23, s0  }
0x14: {  	s0 =	sshrl.u32 s0, $0x3;
	s20 =	simm.s32 $0x800;
	s21 =	simm.s32 $0x100  }
0x15: {  	s22 =	simm.s32 $0x180;
	s5 =	sshrl.u32 s5, $0x3;
	s0 =	sadd.s32 s7, s0  }
0x16: {  	s23 =	simm.s32 $0x200;
	s14 =	sadd.s32 s7, s5;
	s15 =	sadd.s32 $0x24900, s0  }
0x17: {  	v0 =	vimm.f32 $1.000000000e+00;
	v1 =	vimm.f32 $0.0e+00;
	s0 =	simm.s32 $0x680;
	s5 =	simm.s32 $0x700;
	s7 =	simm.s32 $0x0  }
.LBB2_1:
0x18: {  	s8 =	simm.s32 $0x0;
	s10 =	simm.s32 $0x200  }
.LBB2_2:
0x19: {  	p1 =	sne.s32 s10, $0xFE00;
	[tilespmem:s8+$0x4870] =	vst v1  }
0x1a: {  	[tilespmem:s8+$0x800] =	vst v0  }
0x1b: {  	[tilespmem:s8+$0x4800] =	vst v1  }
0x1c: {  	[tilespmem:s8+$0x810] =	vst v0  }
0x1d: {  	[tilespmem:s8+$0x4810] =	vst v1  }
0x1e: {  	[tilespmem:s8+$0x820] =	vst v0  }
0x1f: {  	[tilespmem:s8+$0x4820] =	vst v1  }
0x20: {  	[tilespmem:s8+$0x830] =	vst v0  }
0x21: {  	[tilespmem:s8+$0x4830] =	vst v1  }
0x22: {  	[tilespmem:s8+$0x840] =	vst v0  }
0x23: {  	[tilespmem:s8+$0x4840] =	vst v1  }
.Ltmp0:
0x24: {  	[tilespmem:s8+$0x850] =	vst v0;
	(pc) =	sbr.rel @p1 .LBB2_2-.Ltmp0, $4  }
0x25: {  	[tilespmem:s8+$0x4850] =	vst v1  }
0x26: {  	[tilespmem:s8+$0x860] =	vst v0  }
0x27: {  	[tilespmem:s8+$0x4860] =	vst v1  }
0x28: {  	[tilespmem:s8+$0x870] =	vst v0;
	s8 =	sshra.s32 s10, $0x2;
	s10 =	sadd.s32 $0x200, s10  }
0x29: {  	[tilespmem:s8+$0x4870] =	vst v1  }
0x2a: {  	[tilespmem:s8+$0x800] =	vst v0  }
0x2b: {  	[tilespmem:s8+$0x4800] =	vst v1  }
0x2c: {  	[tilespmem:s8+$0x810] =	vst v0  }
0x2d: {  	[tilespmem:s8+$0x4810] =	vst v1  }
0x2e: {  	[tilespmem:s8+$0x820] =	vst v0  }
0x2f: {  	[tilespmem:s8+$0x4820] =	vst v1  }
0x30: {  	[tilespmem:s8+$0x830] =	vst v0  }
0x31: {  	[tilespmem:s8+$0x4830] =	vst v1  }
0x32: {  	[tilespmem:s8+$0x840] =	vst v0  }
0x33: {  	[tilespmem:s8+$0x4840] =	vst v1  }
0x34: {  	[tilespmem:s8+$0x850] =	vst v0  }
0x35: {  	[tilespmem:s8+$0x4850] =	vst v1  }
0x36: {  	[tilespmem:s8+$0x860] =	vst v0  }
0x37: {  	[tilespmem:s8+$0x4860] =	vst v1  }
0x38: {  	[tilespmem:s8+$0x870] =	vst v0;
	s8 =	simm.s32 @p0 $0x4800;
	s10 =	simm.s32 @p0 $0x1  }
0x39: {  	[spmem:s9] =	stream.linear.scatter @p0 [tilespmem:s8], [sflag:$0x1], $0x4000, $0x38;
	[tilespmem:$0x1C480] =	vst v63  }
0x3a: {  	_ =	swait.ge @p0 [sflag:s10], $0x4000  }
0x3b: {  	[sflag:s10] =	ssyncset.done @p0 $0x0  }
0x3c: {  	s11 =	rddreg [dreg:$0x7];
	[sflag:s10] =	ssyncadd.s32 @p0 $0xFFFFC000  }
0x3d: {  	[spmem:s11] =	stream.linear.scatter @p0 [tilespmem:s8], [sflag:$0x1], $0x4000, $0x38;
	[tilespmem:$0x1C480] =	vst v63  }
0x3e: {  	_ =	swait.ge @p0 [sflag:s10], $0x4000  }
0x3f: {  	[sflag:s10] =	ssyncset.done @p0 $0x0  }
0x40: {  	s11 =	rddreg [dreg:$0x8];
	[sflag:s10] =	ssyncadd.s32 @p0 $0xFFFFC000  }
0x41: {  	[spmem:s11] =	stream.linear.scatter @p0 [tilespmem:s8], [sflag:$0x1], $0x4000, $0x38;
	[tilespmem:$0x1C480] =	vst v63  }
0x42: {  	_ =	swait.ge @p0 [sflag:s10], $0x4000  }
0x43: {  	[sflag:s10] =	ssyncset.done @p0 $0x0  }
0x44: {  	s11 =	rddreg [dreg:$0x9];
	[sflag:s10] =	ssyncadd.s32 @p0 $0xFFFFC000  }
0x45: {  	[spmem:s11] =	stream.linear.scatter @p0 [tilespmem:s8], [sflag:$0x1], $0x4000, $0x38;
	[tilespmem:$0x1C480] =	vst v63  }
0x46: {  	_ =	swait.ge @p0 [sflag:s10], $0x4000  }
0x47: {  	[sflag:s10] =	ssyncset.done @p0 $0x0  }
0x48: {  	[sflag:s10] =	ssyncadd.s32 @p0 $0xFFFFC000  }
0x49: {  	[spmem:s13] =	stream.linear.scatter @p0 [tilespmem:s8], [sflag:$0x1], $0x4000, $0x38;
	[tilespmem:$0x1C480] =	vst v63  }
0x4a: {  	_ =	swait.ge @p0 [sflag:s10], $0x4000  }
0x4b: {  	[sflag:s10] =	ssyncset.done @p0 $0x0  }
0x4c: {  	s8 =	simm.s32 @!p0 $0x4800;
	[sflag:s10] =	ssyncadd.s32 @p0 $0xFFFFC000;
	s10 =	simm.s32 @!p0 $0x1  }
0x4d: {  	[spmem:s4] =	stream.linear.scatter @!p0 [tilespmem:s8], [sflag:$0x1], $0x4000, $0x38;
	[tilespmem:$0x1C480] =	vst v63  }
0x4e: {  	_ =	swait.ge @!p0 [sflag:s10], $0x4000  }
0x4f: {  	[sflag:s10] =	ssyncset.done @!p0 $0x0  }
0x50: {  	s11 =	rddreg [dreg:$0x3];
	[sflag:s10] =	ssyncadd.s32 @!p0 $0xFFFFC000  }
0x51: {  	[spmem:s11] =	stream.linear.scatter @!p0 [tilespmem:s8], [sflag:$0x1], $0x4000, $0x38;
	[tilespmem:$0x1C480] =	vst v63  }
0x52: {  	_ =	swait.ge @!p0 [sflag:s10], $0x4000  }
0x53: {  	[sflag:s10] =	ssyncset.done @!p0 $0x0  }
0x54: {  	s11 =	rddreg [dreg:$0x4];
	[sflag:s10] =	ssyncadd.s32 @!p0 $0xFFFFC000  }
0x55: {  	[spmem:s11] =	stream.linear.scatter @!p0 [tilespmem:s8], [sflag:$0x1], $0x4000, $0x38;
	[tilespmem:$0x1C480] =	vst v63  }
0x56: {  	_ =	swait.ge @!p0 [sflag:s10], $0x4000  }
0x57: {  	[sflag:s10] =	ssyncset.done @!p0 $0x0  }
0x58: {  	s11 =	rddreg [dreg:$0x5];
	[sflag:s10] =	ssyncadd.s32 @!p0 $0xFFFFC000  }
0x59: {  	[spmem:s11] =	stream.linear.scatter @!p0 [tilespmem:s8], [sflag:$0x1], $0x4000, $0x38;
	[tilespmem:$0x1C480] =	vst v63  }
0x5a: {  	_ =	swait.ge @!p0 [sflag:s10], $0x4000  }
0x5b: {  	[sflag:s10] =	ssyncset.done @!p0 $0x0  }
0x5c: {  	s11 =	rddreg [dreg:$0x6];
	[sflag:s10] =	ssyncadd.s32 @!p0 $0xFFFFC000  }
0x5d: {  	[spmem:s11] =	stream.linear.scatter @!p0 [tilespmem:s8], [sflag:$0x1], $0x3800, $0x38;
	[tilespmem:$0x1C480] =	vst v63  }
0x5e: {  	_ =	swait.ge @!p0 [sflag:s10], $0x3800  }
0x5f: {  	[sflag:s10] =	ssyncset.done @!p0 $0x0  }
0x60: {  	[sflag:s10] =	ssyncadd.s32 @!p0 $0xFFFFC800  }
0x61: {  	s12 =	sadd.s32 $0x0, s17;
	[bflag:$0x0] =	sbarrier.arrive $0xFFFF  }
0x62: {  	[tilespmem:s3], [sflag:$0x1] =	stream.linear.gather [hbm4b:s12+s3], $0x800, $0x38;
	[tilespmem:$0x1C480] =	vst v63  }
0x63: {  	_ =	swait.ge [sflag:s18], $0x800  }
0x64: {  	[sflag:s18] =	ssyncset.done $0x0  }
0x65: {  	[sflag:s18] =	ssyncadd.s32 $0xFFFFF800  }
0x66: {  	[spmem:s2] =	stream.indirect.scatter.add.f32 [tilespmem:s20], [sflag:$0x1], $0x80, s3, s19, $0xb8;
	[tilespmem:$0x1C480] =	vst v63  }
0x67: {  	_ =	swait.ge [sflag:s18], $0x4000  }
0x68: {  	[sflag:s18] =	ssyncset.done $0x0  }
0x69: {  	[sflag:s18] =	ssyncadd.s32 $0xFFFFC000  }
0x6a: {  	[spmem:s2] =	stream.indirect.scatter.add.f32 [tilespmem:s20], [sflag:$0x1], $0x80, s19, s19, $0xb8;
	[tilespmem:$0x1C480] =	vst v63  }
0x6b: {  	_ =	swait.ge [sflag:s18], $0x4000  }
0x6c: {  	[sflag:s18] =	ssyncset.done $0x0  }
0x6d: {  	[sflag:s18] =	ssyncadd.s32 $0xFFFFC000  }
0x6e: {  	[spmem:s2] =	stream.indirect.scatter.add.f32 [tilespmem:s20], [sflag:$0x1], $0x80, s21, s19, $0xb8;
	[tilespmem:$0x1C480] =	vst v63  }
0x6f: {  	_ =	swait.ge [sflag:s18], $0x4000  }
0x70: {  	[sflag:s18] =	ssyncset.done $0x0  }
0x71: {  	[sflag:s18] =	ssyncadd.s32 $0xFFFFC000  }
0x72: {  	[spmem:s2] =	stream.indirect.scatter.add.f32 [tilespmem:s20], [sflag:$0x1], $0x80, s22, s19, $0xb8;
	[tilespmem:$0x1C480] =	vst v63  }
0x73: {  	_ =	swait.ge [sflag:s18], $0x4000  }
0x74: {  	[sflag:s18] =	ssyncset.done $0x0  }
0x75: {  	[sflag:s18] =	ssyncadd.s32 $0xFFFFC000  }
0x76: {  	[spmem:s2] =	stream.indirect.scatter.add.f32 [tilespmem:s20], [sflag:$0x1], $0x80, s23, s19, $0xb8;
	[tilespmem:$0x1C480] =	vst v63  }
0x77: {  	_ =	swait.ge [sflag:s18], $0x4000  }
0x78: {  	[sflag:s18] =	ssyncset.done $0x0  }
0x79: {  	[sflag:s18] =	ssyncadd.s32 $0xFFFFC000  }
0x7a: {  	[spmem:s2] =	stream.indirect.scatter.add.f32 [tilespmem:s20], [sflag:$0x1], $0x80, s24, s19, $0xb8;
	[tilespmem:$0x1C480] =	vst v63  }
0x7b: {  	_ =	swait.ge [sflag:s18], $0x4000  }
0x7c: {  	[sflag:s18] =	ssyncset.done $0x0  }
0x7d: {  	[sflag:s18] =	ssyncadd.s32 $0xFFFFC000  }
0x7e: {  	[spmem:s2] =	stream.indirect.scatter.add.f32 [tilespmem:s20], [sflag:$0x1], $0x80, s25, s19, $0xb8;
	[tilespmem:$0x1C480] =	vst v63  }
0x7f: {  	_ =	swait.ge [sflag:s18], $0x4000  }
0x80: {  	[sflag:s18] =	ssyncset.done $0x0  }
0x81: {  	[sflag:s18] =	ssyncadd.s32 $0xFFFFC000  }
0x82: {  	[spmem:s2] =	stream.indirect.scatter.add.f32 [tilespmem:s20], [sflag:$0x1], $0x80, s26, s19, $0xb8;
	[tilespmem:$0x1C480] =	vst v63  }
0x83: {  	_ =	swait.ge [sflag:s18], $0x4000  }
0x84: {  	[sflag:s18] =	ssyncset.done $0x0  }
0x85: {  	[sflag:s18] =	ssyncadd.s32 $0xFFFFC000  }
0x86: {  	[spmem:s2] =	stream.indirect.scatter.add.f32 [tilespmem:s20], [sflag:$0x1], $0x80, s28, s19, $0xb8;
	[tilespmem:$0x1C480] =	vst v63  }
0x87: {  	_ =	swait.ge [sflag:s18], $0x4000  }
0x88: {  	[sflag:s18] =	ssyncset.done $0x0  }
0x89: {  	[sflag:s18] =	ssyncadd.s32 $0xFFFFC000  }
0x8a: {  	[spmem:s2] =	stream.indirect.scatter.add.f32 [tilespmem:s20], [sflag:$0x1], $0x80, s29, s19, $0xb8;
	[tilespmem:$0x1C480] =	vst v63  }
0x8b: {  	_ =	swait.ge [sflag:s18], $0x4000  }
0x8c: {  	[sflag:s18] =	ssyncset.done $0x0  }
0x8d: {  	[sflag:s18] =	ssyncadd.s32 $0xFFFFC000  }
0x8e: {  	[spmem:s2] =	stream.indirect.scatter.add.f32 [tilespmem:s20], [sflag:$0x1], $0x80, s30, s19, $0xb8;
	[tilespmem:$0x1C480] =	vst v63  }
0x8f: {  	_ =	swait.ge [sflag:s18], $0x4000  }
0x90: {  	[sflag:s18] =	ssyncset.done $0x0  }
0x91: {  	[sflag:s18] =	ssyncadd.s32 $0xFFFFC000  }
0x92: {  	[spmem:s2] =	stream.indirect.scatter.add.f32 [tilespmem:s20], [sflag:$0x1], $0x80, s31, s19, $0xb8;
	[tilespmem:$0x1C480] =	vst v63  }
0x93: {  	_ =	swait.ge [sflag:s18], $0x4000  }
0x94: {  	[sflag:s18] =	ssyncset.done $0x0  }
0x95: {  	[sflag:s18] =	ssyncadd.s32 $0xFFFFC000  }
0x96: {  	[spmem:s2] =	stream.indirect.scatter.add.f32 [tilespmem:s20], [sflag:$0x1], $0x80, s1, s19, $0xb8;
	[tilespmem:$0x1C480] =	vst v63  }
0x97: {  	_ =	swait.ge [sflag:s18], $0x4000  }
0x98: {  	[sflag:s18] =	ssyncset.done $0x0  }
0x99: {  	[sflag:s18] =	ssyncadd.s32 $0xFFFFC000  }
0x9a: {  	[spmem:s2] =	stream.indirect.scatter.add.f32 [tilespmem:s20], [sflag:$0x1], $0x80, s0, s19, $0xb8;
	[tilespmem:$0x1C480] =	vst v63  }
0x9b: {  	_ =	swait.ge [sflag:s18], $0x4000  }
0x9c: {  	[sflag:s18] =	ssyncset.done $0x0  }
0x9d: {  	[sflag:s18] =	ssyncadd.s32 $0xFFFFC000  }
0x9e: {  	[spmem:s2] =	stream.indirect.scatter.add.f32 [tilespmem:s20], [sflag:$0x1], $0x80, s5, s19, $0xb8;
	[tilespmem:$0x1C480] =	vst v63  }
0x9f: {  	_ =	swait.ge [sflag:s18], $0x4000  }
0xa0: {  	[sflag:s18] =	ssyncset.done $0x0  }
0xa1: {  	[sflag:s18] =	ssyncadd.s32 $0xFFFFC000  }
0xa2: {  	[spmem:s2] =	stream.indirect.scatter.add.f32 [tilespmem:s20], [sflag:$0x1], $0x80, s6, s19, $0xb8;
	[tilespmem:$0x1C480] =	vst v63  }
0xa3: {  	_ =	swait.ge [sflag:s18], $0x4000  }
0xa4: {  	s8 =	simm.s32 $0x100;
	s10 =	simm.s32 $0x200;
	[sflag:s18] =	ssyncset.done $0x0  }
.LBB2_4:
0xa5: {  	s12 =	sadd.s32 s8, s17  }
0xa6: {  	[sflag:s18] =	ssyncadd.s32 $0xFFFFC000;
	s8 =	smov.u32 s10;
	s11 =	sadd.s32 $0x100, s10  }
0xa7: {  	[tilespmem:s3], [sflag:$0x1] =	stream.linear.gather [hbm4b:s12+s3], $0x800, $0x38;
	[tilespmem:$0x1C480] =	vst v63  }
0xa8: {  	p1 =	sne.s32 s10, $0x400;
	_ =	swait.ge [sflag:s18], $0x800  }
0xa9: {  	[sflag:s18] =	ssyncset.done $0x0  }
0xaa: {  	[sflag:s18] =	ssyncadd.s32 $0xFFFFF800  }
0xab: {  	[spmem:s2] =	stream.indirect.scatter.add.f32 [tilespmem:s20], [sflag:$0x1], $0x80, s3, s19, $0xb8;
	[tilespmem:$0x1C480] =	vst v63  }
0xac: {  	_ =	swait.ge [sflag:s18], $0x4000  }
0xad: {  	[sflag:s18] =	ssyncset.done $0x0  }
0xae: {  	[sflag:s18] =	ssyncadd.s32 $0xFFFFC000  }
0xaf: {  	[spmem:s2] =	stream.indirect.scatter.add.f32 [tilespmem:s20], [sflag:$0x1], $0x80, s19, s19, $0xb8;
	[tilespmem:$0x1C480] =	vst v63  }
0xb0: {  	_ =	swait.ge [sflag:s18], $0x4000  }
0xb1: {  	[sflag:s18] =	ssyncset.done $0x0  }
0xb2: {  	[sflag:s18] =	ssyncadd.s32 $0xFFFFC000  }
0xb3: {  	[spmem:s2] =	stream.indirect.scatter.add.f32 [tilespmem:s20], [sflag:$0x1], $0x80, s21, s19, $0xb8;
	[tilespmem:$0x1C480] =	vst v63  }
0xb4: {  	_ =	swait.ge [sflag:s18], $0x4000  }
0xb5: {  	[sflag:s18] =	ssyncset.done $0x0  }
0xb6: {  	[sflag:s18] =	ssyncadd.s32 $0xFFFFC000  }
0xb7: {  	[spmem:s2] =	stream.indirect.scatter.add.f32 [tilespmem:s20], [sflag:$0x1], $0x80, s22, s19, $0xb8;
	[tilespmem:$0x1C480] =	vst v63  }
0xb8: {  	_ =	swait.ge [sflag:s18], $0x4000  }
0xb9: {  	[sflag:s18] =	ssyncset.done $0x0  }
0xba: {  	[sflag:s18] =	ssyncadd.s32 $0xFFFFC000  }
0xbb: {  	[spmem:s2] =	stream.indirect.scatter.add.f32 [tilespmem:s20], [sflag:$0x1], $0x80, s23, s19, $0xb8;
	[tilespmem:$0x1C480] =	vst v63  }
0xbc: {  	_ =	swait.ge [sflag:s18], $0x4000  }
0xbd: {  	[sflag:s18] =	ssyncset.done $0x0  }
0xbe: {  	[sflag:s18] =	ssyncadd.s32 $0xFFFFC000  }
0xbf: {  	[spmem:s2] =	stream.indirect.scatter.add.f32 [tilespmem:s20], [sflag:$0x1], $0x80, s24, s19, $0xb8;
	[tilespmem:$0x1C480] =	vst v63  }
0xc0: {  	_ =	swait.ge [sflag:s18], $0x4000  }
0xc1: {  	[sflag:s18] =	ssyncset.done $0x0  }
0xc2: {  	[sflag:s18] =	ssyncadd.s32 $0xFFFFC000  }
0xc3: {  	[spmem:s2] =	stream.indirect.scatter.add.f32 [tilespmem:s20], [sflag:$0x1], $0x80, s25, s19, $0xb8;
	[tilespmem:$0x1C480] =	vst v63  }
0xc4: {  	_ =	swait.ge [sflag:s18], $0x4000  }
0xc5: {  	[sflag:s18] =	ssyncset.done $0x0  }
0xc6: {  	[sflag:s18] =	ssyncadd.s32 $0xFFFFC000  }
0xc7: {  	[spmem:s2] =	stream.indirect.scatter.add.f32 [tilespmem:s20], [sflag:$0x1], $0x80, s26, s19, $0xb8;
	[tilespmem:$0x1C480] =	vst v63  }
0xc8: {  	_ =	swait.ge [sflag:s18], $0x4000  }
0xc9: {  	[sflag:s18] =	ssyncset.done $0x0  }
0xca: {  	[sflag:s18] =	ssyncadd.s32 $0xFFFFC000  }
0xcb: {  	[spmem:s2] =	stream.indirect.scatter.add.f32 [tilespmem:s20], [sflag:$0x1], $0x80, s28, s19, $0xb8;
	[tilespmem:$0x1C480] =	vst v63  }
0xcc: {  	_ =	swait.ge [sflag:s18], $0x4000  }
0xcd: {  	[sflag:s18] =	ssyncset.done $0x0  }
0xce: {  	[sflag:s18] =	ssyncadd.s32 $0xFFFFC000  }
0xcf: {  	[spmem:s2] =	stream.indirect.scatter.add.f32 [tilespmem:s20], [sflag:$0x1], $0x80, s29, s19, $0xb8;
	[tilespmem:$0x1C480] =	vst v63  }
0xd0: {  	_ =	swait.ge [sflag:s18], $0x4000  }
0xd1: {  	[sflag:s18] =	ssyncset.done $0x0  }
0xd2: {  	[sflag:s18] =	ssyncadd.s32 $0xFFFFC000  }
0xd3: {  	[spmem:s2] =	stream.indirect.scatter.add.f32 [tilespmem:s20], [sflag:$0x1], $0x80, s30, s19, $0xb8;
	[tilespmem:$0x1C480] =	vst v63  }
0xd4: {  	_ =	swait.ge [sflag:s18], $0x4000  }
0xd5: {  	[sflag:s18] =	ssyncset.done $0x0  }
0xd6: {  	[sflag:s18] =	ssyncadd.s32 $0xFFFFC000  }
0xd7: {  	[spmem:s2] =	stream.indirect.scatter.add.f32 [tilespmem:s20], [sflag:$0x1], $0x80, s31, s19, $0xb8;
	[tilespmem:$0x1C480] =	vst v63  }
0xd8: {  	_ =	swait.ge [sflag:s18], $0x4000  }
0xd9: {  	[sflag:s18] =	ssyncset.done $0x0  }
0xda: {  	[sflag:s18] =	ssyncadd.s32 $0xFFFFC000  }
0xdb: {  	[spmem:s2] =	stream.indirect.scatter.add.f32 [tilespmem:s20], [sflag:$0x1], $0x80, s1, s19, $0xb8;
	[tilespmem:$0x1C480] =	vst v63  }
0xdc: {  	_ =	swait.ge [sflag:s18], $0x4000  }
0xdd: {  	[sflag:s18] =	ssyncset.done $0x0  }
0xde: {  	[sflag:s18] =	ssyncadd.s32 $0xFFFFC000  }
0xdf: {  	[spmem:s2] =	stream.indirect.scatter.add.f32 [tilespmem:s20], [sflag:$0x1], $0x80, s0, s19, $0xb8;
	[tilespmem:$0x1C480] =	vst v63  }
0xe0: {  	_ =	swait.ge [sflag:s18], $0x4000  }
0xe1: {  	[sflag:s18] =	ssyncset.done $0x0  }
0xe2: {  	[sflag:s18] =	ssyncadd.s32 $0xFFFFC000  }
0xe3: {  	[spmem:s2] =	stream.indirect.scatter.add.f32 [tilespmem:s20], [sflag:$0x1], $0x80, s5, s19, $0xb8;
	[tilespmem:$0x1C480] =	vst v63  }
0xe4: {  	_ =	swait.ge [sflag:s18], $0x4000  }
.Ltmp1:
0xe5: {  	[sflag:s18] =	ssyncset.done $0x0;
	(pc) =	sbr.rel @p1 .LBB2_4-.Ltmp1, $4  }
0xe6: {  	[sflag:s18] =	ssyncadd.s32 $0xFFFFC000  }
0xe7: {  	[spmem:s2] =	stream.indirect.scatter.add.f32 [tilespmem:s20], [sflag:$0x1], $0x80, s6, s19, $0xb8;
	[tilespmem:$0x1C480] =	vst v63  }
0xe8: {  	_ =	swait.ge [sflag:s18], $0x4000  }
0xe9: {  	s10 =	smov.u32 s11;
	[sflag:s18] =	ssyncset.done $0x0  }
0xea: {  	s8 =	sadd.s32 s8, s17;
	[sflag:s18] =	ssyncadd.s32 $0xFFFFC000  }
0xeb: {  	[tilespmem:s3], [sflag:$0x1] =	stream.linear.gather [hbm4b:s8+s3], $0x800, $0x38;
	[tilespmem:$0x1C480] =	vst v63  }
0xec: {  	_ =	swait.ge [sflag:s18], $0x800  }
0xed: {  	[sflag:s18] =	ssyncset.done $0x0  }
0xee: {  	[sflag:s18] =	ssyncadd.s32 $0xFFFFF800  }
0xef: {  	[spmem:s2] =	stream.indirect.scatter.add.f32 [tilespmem:s20], [sflag:$0x1], $0x80, s3, s19, $0xb8;
	[tilespmem:$0x1C480] =	vst v63  }
0xf0: {  	_ =	swait.ge [sflag:s18], $0x4000  }
0xf1: {  	[sflag:s18] =	ssyncset.done $0x0  }
0xf2: {  	[sflag:s18] =	ssyncadd.s32 $0xFFFFC000  }
0xf3: {  	[spmem:s2] =	stream.indirect.scatter.add.f32 [tilespmem:s20], [sflag:$0x1], $0x80, s19, s19, $0xb8;
	[tilespmem:$0x1C480] =	vst v63  }
0xf4: {  	_ =	swait.ge [sflag:s18], $0x4000  }
0xf5: {  	[sflag:s18] =	ssyncset.done $0x0  }
0xf6: {  	[sflag:s18] =	ssyncadd.s32 $0xFFFFC000  }
0xf7: {  	[spmem:s2] =	stream.indirect.scatter.add.f32 [tilespmem:s20], [sflag:$0x1], $0x80, s21, s19, $0xb8;
	[tilespmem:$0x1C480] =	vst v63  }
0xf8: {  	_ =	swait.ge [sflag:s18], $0x4000  }
0xf9: {  	[sflag:s18] =	ssyncset.done $0x0  }
0xfa: {  	[sflag:s18] =	ssyncadd.s32 $0xFFFFC000  }
0xfb: {  	[spmem:s2] =	stream.indirect.scatter.add.f32 [tilespmem:s20], [sflag:$0x1], $0x80, s22, s19, $0xb8;
	[tilespmem:$0x1C480] =	vst v63  }
0xfc: {  	_ =	swait.ge [sflag:s18], $0x4000  }
0xfd: {  	[sflag:s18] =	ssyncset.done $0x0  }
0xfe: {  	[sflag:s18] =	ssyncadd.s32 $0xFFFFC000  }
0xff: {  	[spmem:s2] =	stream.indirect.scatter.add.f32 [tilespmem:s20], [sflag:$0x1], $0x80, s23, s19, $0xb8;
	[tilespmem:$0x1C480] =	vst v63  }
0x100: {  	_ =	swait.ge [sflag:s18], $0x4000  }
0x101: {  	[sflag:s18] =	ssyncset.done $0x0  }
0x102: {  	[sflag:s18] =	ssyncadd.s32 $0xFFFFC000  }
0x103: {  	[spmem:s2] =	stream.indirect.scatter.add.f32 [tilespmem:s20], [sflag:$0x1], $0x80, s24, s19, $0xb8;
	[tilespmem:$0x1C480] =	vst v63  }
0x104: {  	_ =	swait.ge [sflag:s18], $0x4000  }
0x105: {  	[sflag:s18] =	ssyncset.done $0x0  }
0x106: {  	[sflag:s18] =	ssyncadd.s32 $0xFFFFC000  }
0x107: {  	[spmem:s2] =	stream.indirect.scatter.add.f32 [tilespmem:s20], [sflag:$0x1], $0x80, s25, s19, $0xb8;
	[tilespmem:$0x1C480] =	vst v63  }
0x108: {  	_ =	swait.ge [sflag:s18], $0x4000  }
0x109: {  	[sflag:s18] =	ssyncset.done $0x0  }
0x10a: {  	[sflag:s18] =	ssyncadd.s32 $0xFFFFC000  }
0x10b: {  	[spmem:s2] =	stream.indirect.scatter.add.f32 [tilespmem:s20], [sflag:$0x1], $0x80, s26, s19, $0xb8;
	[tilespmem:$0x1C480] =	vst v63  }
0x10c: {  	_ =	swait.ge [sflag:s18], $0x4000  }
0x10d: {  	[sflag:s18] =	ssyncset.done $0x0  }
0x10e: {  	[sflag:s18] =	ssyncadd.s32 $0xFFFFC000  }
0x10f: {  	[spmem:s2] =	stream.indirect.scatter.add.f32 [tilespmem:s20], [sflag:$0x1], $0x80, s28, s19, $0xb8;
	[tilespmem:$0x1C480] =	vst v63  }
0x110: {  	_ =	swait.ge [sflag:s18], $0x4000  }
0x111: {  	[sflag:s18] =	ssyncset.done $0x0  }
0x112: {  	[sflag:s18] =	ssyncadd.s32 $0xFFFFC000  }
0x113: {  	[spmem:s2] =	stream.indirect.scatter.add.f32 [tilespmem:s20], [sflag:$0x1], $0x80, s29, s19, $0xb8;
	[tilespmem:$0x1C480] =	vst v63  }
0x114: {  	_ =	swait.ge [sflag:s18], $0x4000  }
0x115: {  	[sflag:s18] =	ssyncset.done $0x0  }
0x116: {  	[sflag:s18] =	ssyncadd.s32 $0xFFFFC000  }
0x117: {  	[spmem:s2] =	stream.indirect.scatter.add.f32 [tilespmem:s20], [sflag:$0x1], $0x80, s30, s19, $0xb8;
	[tilespmem:$0x1C480] =	vst v63  }
0x118: {  	_ =	swait.ge [sflag:s18], $0x4000  }
0x119: {  	[sflag:s18] =	ssyncset.done $0x0  }
0x11a: {  	[sflag:s18] =	ssyncadd.s32 $0xFFFFC000  }
0x11b: {  	[spmem:s2] =	stream.indirect.scatter.add.f32 [tilespmem:s20], [sflag:$0x1], $0x80, s31, s19, $0xb8;
	[tilespmem:$0x1C480] =	vst v63  }
0x11c: {  	_ =	swait.ge [sflag:s18], $0x4000  }
0x11d: {  	[sflag:s18] =	ssyncset.done $0x0  }
0x11e: {  	[sflag:s18] =	ssyncadd.s32 $0xFFFFC000  }
0x11f: {  	[spmem:s2] =	stream.indirect.scatter.add.f32 [tilespmem:s20], [sflag:$0x1], $0x80, s1, s19, $0xb8;
	[tilespmem:$0x1C480] =	vst v63  }
0x120: {  	_ =	swait.ge [sflag:s18], $0x4000  }
0x121: {  	[sflag:s18] =	ssyncset.done $0x0  }
0x122: {  	[sflag:s18] =	ssyncadd.s32 $0xFFFFC000  }
0x123: {  	[spmem:s2] =	stream.indirect.scatter.add.f32 [tilespmem:s20], [sflag:$0x1], $0x80, s0, s19, $0xb8;
	[tilespmem:$0x1C480] =	vst v63  }
0x124: {  	_ =	swait.ge [sflag:s18], $0x4000  }
0x125: {  	[sflag:s18] =	ssyncset.done $0x0  }
0x126: {  	[sflag:s18] =	ssyncadd.s32 $0xFFFFC000  }
0x127: {  	[spmem:s2] =	stream.indirect.scatter.add.f32 [tilespmem:s20], [sflag:$0x1], $0x80, s5, s19, $0xb8;
	[tilespmem:$0x1C480] =	vst v63  }
0x128: {  	_ =	swait.ge [sflag:s18], $0x4000  }
0x129: {  	[sflag:s18] =	ssyncset.done $0x0  }
0x12a: {  	[sflag:s18] =	ssyncadd.s32 $0xFFFFC000  }
0x12b: {  	[spmem:s2] =	stream.indirect.scatter.add.f32 [tilespmem:s20], [sflag:$0x1], $0x80, s6, s19, $0xb8;
	[tilespmem:$0x1C480] =	vst v63  }
0x12c: {  	_ =	swait.ge [sflag:s18], $0x4000  }
0x12d: {  	[sflag:s18] =	ssyncset.done $0x0  }
0x12e: {  	[sflag:s18] =	ssyncadd.s32 $0xFFFFC000  }
0x12f: {  	s10 =	simm.s32 @p0 $0x1FC1;
	s8 =	sshrl.u32 @p0 s9, $0x3;
	[bflag:$0x0] =	sbarrier.arrive $0xFFFF  }
0x130: {  	[hbm:s15], [sflag:s10] =	dma.local @p0 [spmem:s8], $0x2800  }
0x131: {  	s8 =	simm.s32 @p0 $0x1  }
0x132: {  	s7 =	sadd.s32 $0x1, s7;
	s10 =	stileid.u32;
	_ =	swait.ge @p0 [sflag:s8], $0x2800  }
0x133: {  	p1 =	sne.s32 s7, s16;
	s10 =	sshll.u32 @!p0 s10, $0x6;
	[sflag:s8] =	ssyncset.done @p0 $0x0  }
0x134: {  	[sflag:s8] =	ssyncadd.s32 @p0 $0xFFFFD800;
	s8 =	sor.u32 @!p0 $0x1C01, s10;
	s10 =	sshrl.u32 @!p0 s4, $0x3  }
0x135: {  	[hbm:s14], [sflag:s8] =	dma.local @!p0 [spmem:s10], $0x2700  }
.Ltmp2:
0x136: {  	_ = 	snop;
	(pc) =	sbr.rel @p1 .LBB2_1-.Ltmp2, $4  }
0x137: {  	s8 =	simm.s32 @!p0 $0x1  }
0x138: {  	_ =	swait.ge @!p0 [sflag:s8], $0x2700  }
0x139: {  	[sflag:s8] =	ssyncset.done @!p0 $0x0  }
0x13a: {  	[sflag:s8] =	ssyncadd.s32 @!p0 $0xFFFFD900  }
0x13b: {  	_ =	sfence.sel $0x180000  }
0x13c: {  	[bflag:$0x0] =	sbarrier.arrive $0xFFFF  }
0x13d: {  	_ =	strace $0x90000047  }
0x13e: {  	s0 =	stileid.u32;
	[bflag:$0x2] =	sbarrier.arrive $0xFFFF  }
0x13f: {  	p0 =	sne.s32 s0, $0x0;
	s0 =	rddreg [dreg:$0x2]  }
0x140: {  	s0 =	sadd.s32 @!p0 $0x100000, s0  }
0x141: {  	[sflag:s0] =	ssyncadd.tile.s32 @!p0 $0x1;
	_ =	shalt  }
.Lfunc_end2:
_tile_overlayer_lowered:
.L_overlay_start_2:
0x142: {  	(tag) =	ssettag $0x2  }
0x143: {  	s0 =	rddreg [dreg:$0x0];
	s2 =	stileid.u32  }
0x144: {  	s1 =	rddreg [dreg:$0x1];
	p0 =	sne.s32 s2, $0x0  }
0x145: {  	s3 =	rddreg [dreg:$0x2];
	[bflag:$0x3] =	sbarrier.arrive $0xFFFF;
	s2 =	simm.s32 @!p0 $0x1C01  }
0x146: {  	[timem:s3], [sflag:s2] =	dma.local @!p0 [hbm:s0], s1  }
0x147: {  	s0 =	simm.s32 @!p0 $0x1  }
0x148: {  	_ =	swait.ge @!p0 [sflag:s0], s1  }
0x149: {  	s1 =	ssub.s32 @!p0 $0x0, s1;
	[sflag:s0] =	ssyncset.done @!p0 $0x0  }
0x14a: {  	[sflag:s0] =	ssyncadd.s32 @!p0 s1  }
0x14b: {  	[bflag:$0x3] =	sbarrier.arrive $0xFFFF  }
0x14c: {  	_ =	shalt  }

</sc_bundles>
